<compile_context>
chip_gen: v7x
topology: tpu7x:2x2x1
jax: 0.10.2.dev20260603
libtpu: 0.0.44.dev20260713+nightly
codegen_flags: <defaults>
</compile_context>

<pallas_src>
import functools

import jax
import jax.numpy as jnp
from jax import lax
from jax.experimental import pallas as pl
from jax.experimental.pallas import tpu as pltpu
from jax.experimental.pallas import tpu_sc as plsc


def _make_emb(B, S, D, NC, NS):
    N = B * S
    NW = NC * NS
    n_per_w = N // NW
    w_per_row = S // n_per_w
    CH = 8
    n_ch = n_per_w // CH
    mesh = plsc.VectorSubcoreMesh(core_axis_name="c", subcore_axis_name="s")

    K = 6

    @functools.partial(
        pl.kernel,
        mesh=mesh,
        out_type=jax.ShapeDtypeStruct((N, D), jnp.float32),
        scratch_types=[
            pltpu.VMEM((n_per_w,), jnp.int32),
            pltpu.VMEM((K, CH, D), jnp.float32),
            pltpu.SemaphoreType.DMA((K,)),
            pltpu.SemaphoreType.DMA((K,)),
        ],
    )
    def emb(idx_hbm, table_hbm, out_hbm, idx_v, rows_v, gsem, ssem):
        wid = lax.axis_index("s") * NC + lax.axis_index("c")
        base = wid * n_per_w
        pltpu.sync_copy(
            idx_hbm.at[wid // w_per_row,
                       pl.ds((wid % w_per_row) * n_per_w, n_per_w)],
            idx_v)

        def gstart(c):
            b = c % K
            return pltpu.async_copy(
                table_hbm.at[idx_v.at[pl.ds(c * CH, CH)]],
                rows_v.at[b], gsem.at[b])

        def sstart(c):
            b = c % K
            return pltpu.async_copy(
                rows_v.at[b], out_hbm.at[pl.ds(base + c * CH, CH)],
                ssem.at[b])

        g = {}
        s = {}
        for c in range(min(K - 1, n_ch)):
            g[c] = gstart(c)
        for c in range(n_ch):
            g[c].wait()
            s[c] = sstart(c)
            m = c + K - 1
            if m < n_ch:
                if c >= 1:
                    s[c - 1].wait()
                g[m] = gstart(m)
        for c in range(max(0, n_ch - K), n_ch):
            s[c].wait()

    return emb


def kernel(x, weights):
    B, S = x.shape
    V, D = weights.shape
    info = plsc.get_sparse_core_info()
    emb = _make_emb(B, S, D, info.num_cores, info.num_subcores)
    out = emb(x, weights)
    return out.reshape(B, 1, S, D)

# --- scband reference (transcript-rebuilt; emitter-appended) ---
"""Pipeline reference for scband-tt-llama-embedding-4475355922902 (READ-ONLY COPY).

The authoritative reference and input builder live on the scoring server;
editing this copy changes nothing except your own understanding.
"""

import jax, jax.numpy as jnp
import numpy as np

VOCAB = 32000
D_MODEL = 2048
BATCH = 4
SEQ = 2048

def setup_inputs(seed: int = 0) -> dict:
    key = jax.random.key(seed)
    k_idx, k_w = jax.random.split(key)
    x = jax.random.randint(k_idx, (BATCH, SEQ), 0, VOCAB, dtype=jnp.int32)
    weights = jax.random.normal(k_w, (VOCAB, D_MODEL), dtype=jnp.float32) * 0.02
    return {"x": x, "weights": weights}

def reference(x, weights):
    # ttnn.embedding: gather rows of the table by token id
    emb = jnp.take(weights, x, axis=0)  # [B, S, D]
    # ttnn.reshape to [B, 1, S, D]
    out = jnp.reshape(emb, (emb.shape[0], 1, emb.shape[1], emb.shape[2]))
    return out

if __name__ == "__main__":
    import jax
    _d = setup_inputs()
    print(jax.jit(kernel)(*tuple(_d.values())))

</pallas_src>

<mosaic_0001>
#map = affine_map<(d0, d1) -> (0, 0)>
module attributes {stable_mosaic.version = 14 : i64} {
  func.func @emb(%arg0: i32, %arg1: i32, %arg2: memref<4x2048xi32, #tpu.memory_space<hbm>>, %arg3: memref<32000x2048xf32, #tpu.memory_space<hbm>>, %arg4: memref<8192x2048xf32, #tpu.memory_space<hbm>>, %arg5: memref<256xi32, #tpu.memory_space<vmem>>, %arg6: memref<6x8x2048xf32, #tpu.memory_space<vmem>>, %arg7: memref<6x!tpu.dma_semaphore, #tpu.memory_space<semaphore_mem>>, %arg8: memref<6x!tpu.dma_semaphore, #tpu.memory_space<semaphore_mem>>) attributes {dimension_semantics = [#tpu.dimension_semantics<core_parallel>, #tpu.dimension_semantics<subcore_parallel>], iteration_bounds = array<i64: 2, 16>, scalar_prefetch = 0 : i64, scratch_operands = 4 : i64, tpu.core_type = #tpu.core_type<sc_vector_subcore>, window_params = [{transform_indices = #map}, {transform_indices = #map}, {transform_indices = #map}]} {
    %mul3A = arith.constant 2 : i32
    %mul3A_0 = arith.muli %arg1, %mul3A : i32
    %add3A = arith.addi %mul3A_0, %arg0 : i32
    %mul3A_1 = arith.constant 256 : i32
    %mul3A_2 = arith.muli %add3A, %mul3A_1 : i32
    %jit3A = arith.constant 8 : i32
    %div3A = arith.divsi %add3A, %jit3A : i32
    %sign3A = arith.constant 0 : i32
    %sign3A_3 = arith.cmpi sgt, %add3A, %sign3A : i32
    %sign3A_4 = arith.extui %sign3A_3 : i1 to i32
    %sign3A_5 = arith.constant 0 : i32
    %sign3A_6 = arith.cmpi slt, %add3A, %sign3A_5 : i32
    %sign3A_7 = arith.extui %sign3A_6 : i1 to i32
    %sign3A_8 = arith.subi %sign3A_4, %sign3A_7 : i32
    %sign3A_9 = arith.constant 0 : i32
    %sign3A_10 = arith.cmpi sgt, %jit3A, %sign3A_9 : i32
    %sign3A_11 = arith.extui %sign3A_10 : i1 to i32
    %sign3A_12 = arith.constant 0 : i32
    %sign3A_13 = arith.cmpi slt, %jit3A, %sign3A_12 : i32
    %sign3A_14 = arith.extui %sign3A_13 : i1 to i32
    %sign3A_15 = arith.subi %sign3A_11, %sign3A_14 : i32
    %ne3A = arith.cmpi ne, %sign3A_8, %sign3A_15 : i32
    %rem3A = arith.remsi %add3A, %jit3A : i32
    %ne3A_16 = arith.constant 0 : i32
    %ne3A_17 = arith.cmpi ne, %rem3A, %ne3A_16 : i32
    %and3A = arith.andi %ne3A, %ne3A_17 : i1
    %sub3A = arith.constant 1 : i32
    %sub3A_18 = arith.subi %div3A, %sub3A : i32
    %select_n3A = arith.select %and3A, %sub3A_18, %div3A : i32
    %jit3A_19 = arith.constant 8 : i32
    %eq3A = arith.constant 0 : i32
    %eq3A_20 = arith.cmpi eq, %jit3A_19, %eq3A : i32
    %jit3A_21 = arith.constant 1 : i32
    %select_n3A_22 = arith.select %eq3A_20, %jit3A_21, %jit3A_19 : i32
    %rem3A_23 = arith.remsi %add3A, %select_n3A_22 : i32
    %ne3A_24 = arith.constant 0 : i32
    %ne3A_25 = arith.cmpi ne, %rem3A_23, %ne3A_24 : i32
    %lt3A = arith.constant 0 : i32
    %lt3A_26 = arith.cmpi slt, %rem3A_23, %lt3A : i32
    %lt3A_27 = arith.constant 0 : i32
    %lt3A_28 = arith.cmpi slt, %select_n3A_22, %lt3A_27 : i32
    %ne3A_29 = arith.xori %lt3A_26, %lt3A_28 : i1
    %and3A_30 = arith.andi %ne3A_29, %ne3A_25 : i1
    %add3A_31 = arith.addi %rem3A_23, %select_n3A_22 : i32
    %select_n3A_32 = arith.select %and3A_30, %add3A_31, %rem3A_23 : i32
    %mul3A_33 = arith.constant 256 : i32
    %mul3A_34 = arith.muli %select_n3A_32, %mul3A_33 : i32
    "tpu.region"() ({
      %run_scoped3A = tpu.sem_alloc : memref<!tpu.dma_semaphore, #tpu.memory_space<semaphore_mem>>
      %dma_start3A_1953 = tpu.memref_slice %arg2[%select_n3A, %mul3A_34] : memref<4x2048xi32, #tpu.memory_space<hbm>> -> memref<1x256xi32, #tpu.memory_space<hbm>>
      %dma_start3A_1954 = tpu.memref_squeeze %dma_start3A_1953 : memref<1x256xi32, #tpu.memory_space<hbm>> -> memref<256xi32, #tpu.memory_space<hbm>>
      %dma_start3A_1955 = tpu.memref_slice %arg2[%select_n3A, %mul3A_34] : memref<4x2048xi32, #tpu.memory_space<hbm>> -> memref<1x256xi32, #tpu.memory_space<hbm>>
      %dma_start3A_1956 = tpu.memref_squeeze %dma_start3A_1955 : memref<1x256xi32, #tpu.memory_space<hbm>> -> memref<256xi32, #tpu.memory_space<hbm>>
      tpu.enqueue_dma source(%dma_start3A_1956 : memref<256xi32, #tpu.memory_space<hbm>>) target(%arg5 : memref<256xi32, #tpu.memory_space<vmem>>) target_semaphore(%run_scoped3A : memref<!tpu.dma_semaphore, #tpu.memory_space<semaphore_mem>>)
      %dma_wait3A_1957 = tpu.memref_slice %arg2[%select_n3A, %mul3A_34] : memref<4x2048xi32, #tpu.memory_space<hbm>> -> memref<1x256xi32, #tpu.memory_space<hbm>>
      %dma_wait3A_1958 = tpu.memref_squeeze %dma_wait3A_1957 : memref<1x256xi32, #tpu.memory_space<hbm>> -> memref<256xi32, #tpu.memory_space<hbm>>
      %dma_wait3A_1959 = tpu.memref_slice %arg2[%select_n3A, %mul3A_34] : memref<4x2048xi32, #tpu.memory_space<hbm>> -> memref<1x256xi32, #tpu.memory_space<hbm>>
      %dma_wait3A_1960 = tpu.memref_squeeze %dma_wait3A_1959 : memref<1x256xi32, #tpu.memory_space<hbm>> -> memref<256xi32, #tpu.memory_space<hbm>>
      tpu.wait_dma2 semaphore(%run_scoped3A : memref<!tpu.dma_semaphore, #tpu.memory_space<semaphore_mem>>) src(%dma_wait3A_1960 : memref<256xi32, #tpu.memory_space<hbm>>) dst(%arg5 : memref<256xi32, #tpu.memory_space<vmem>>)
      tpu.yield
    }) : () -> ()
    %dma_start3A = arith.constant 0 : i32
    %dma_start3A_35 = arith.constant 0 : i32
    %dma_start3A_36 = arith.constant 0 : i32
    %dma_start3A_37 = arith.constant 0 : i32
    %dma_start3A_38 = tpu.memref_slice %arg6[%dma_start3A, %dma_start3A_36, %dma_start3A_37] : memref<6x8x2048xf32, #tpu.memory_space<vmem>> -> memref<1x8x2048xf32, #tpu.memory_space<vmem>>
    %dma_start3A_39 = tpu.memref_squeeze %dma_start3A_38 : memref<1x8x2048xf32, #tpu.memory_space<vmem>> -> memref<8x2048xf32, #tpu.memory_space<vmem>>
    %dma_start3A_40 = arith.constant 0 : i32
    %dma_start3A_41 = tpu.memref_slice %arg5[%dma_start3A_40] : memref<256xi32, #tpu.memory_space<vmem>> -> memref<8xi32, #tpu.memory_space<vmem>>
    %dma_start3A_42 = arith.constant 0 : i32
    %dma_start3A_43 = arith.constant 0 : i32
    %dma_start3A_44 = tpu.memref_slice %arg3[%dma_start3A_42, %dma_start3A_43] : memref<32000x2048xf32, #tpu.memory_space<hbm>> -> memref<32000x2048xf32, #tpu.memory_space<hbm>>
    %dma_start3A_45 = tpu.memref_slice %arg7[%dma_start3A_35] : memref<6x!tpu.dma_semaphore, #tpu.memory_space<semaphore_mem>> -> memref<1x!tpu.dma_semaphore, #tpu.memory_space<semaphore_mem>>
    %dma_start3A_46 = tpu.memref_squeeze %dma_start3A_45 : memref<1x!tpu.dma_semaphore, #tpu.memory_space<semaphore_mem>> -> memref<!tpu.dma_semaphore, #tpu.memory_space<semaphore_mem>>
    tpu.enqueue_indirect_dma source(%dma_start3A_44 : memref<32000x2048xf32, #tpu.memory_space<hbm>>) target(%dma_start3A_39 : memref<8x2048xf32, #tpu.memory_space<vmem>>) offsets(%dma_start3A_41 : memref<8xi32, #tpu.memory_space<vmem>>) semaphore(%dma_start3A_46 : memref<!tpu.dma_semaphore, #tpu.memory_space<semaphore_mem>>)
    %dma_start3A_47 = arith.constant 1 : i32
    %dma_start3A_48 = arith.constant 1 : i32
    %dma_start3A_49 = arith.constant 0 : i32
    %dma_start3A_50 = arith.constant 0 : i32
    %dma_start3A_51 = tpu.memref_slice %arg6[%dma_start3A_47, %dma_start3A_49, %dma_start3A_50] : memref<6x8x2048xf32, #tpu.memory_space<vmem>> -> memref<1x8x2048xf32, #tpu.memory_space<vmem>>
    %dma_start3A_52 = tpu.memref_squeeze %dma_start3A_51 : memref<1x8x2048xf32, #tpu.memory_space<vmem>> -> memref<8x2048xf32, #tpu.memory_space<vmem>>
    %dma_start3A_53 = arith.constant 8 : i32
    %dma_start3A_54 = tpu.memref_slice %arg5[%dma_start3A_53] : memref<256xi32, #tpu.memory_space<vmem>> -> memref<8xi32, #tpu.memory_space<vmem>>
    %dma_start3A_55 = arith.constant 0 : i32
    %dma_start3A_56 = arith.constant 0 : i32
    %dma_start3A_57 = tpu.memref_slice %arg3[%dma_start3A_55, %dma_start3A_56] : memref<32000x2048xf32, #tpu.memory_space<hbm>> -> memref<32000x2048xf32, #tpu.memory_space<hbm>>
    %dma_start3A_58 = tpu.memref_slice %arg7[%dma_start3A_48] : memref<6x!tpu.dma_semaphore, #tpu.memory_space<semaphore_mem>> -> memref<1x!tpu.dma_semaphore, #tpu.memory_space<semaphore_mem>>
    %dma_start3A_59 = tpu.memref_squeeze %dma_start3A_58 : memref<1x!tpu.dma_semaphore, #tpu.memory_space<semaphore_mem>> -> memref<!tpu.dma_semaphore, #tpu.memory_space<semaphore_mem>>
    tpu.enqueue_indirect_dma source(%dma_start3A_57 : memref<32000x2048xf32, #tpu.memory_space<hbm>>) target(%dma_start3A_52 : memref<8x2048xf32, #tpu.memory_space<vmem>>) offsets(%dma_start3A_54 : memref<8xi32, #tpu.memory_space<vmem>>) semaphore(%dma_start3A_59 : memref<!tpu.dma_semaphore, #tpu.memory_space<semaphore_mem>>)
    %dma_start3A_60 = arith.constant 2 : i32
    %dma_start3A_61 = arith.constant 2 : i32
    %dma_start3A_62 = arith.constant 0 : i32
    %dma_start3A_63 = arith.constant 0 : i32
    %dma_start3A_64 = tpu.memref_slice %arg6[%dma_start3A_60, %dma_start3A_62, %dma_start3A_63] : memref<6x8x2048xf32, #tpu.memory_space<vmem>> -> memref<1x8x2048xf32, #tpu.memory_space<vmem>>
    %dma_start3A_65 = tpu.memref_squeeze %dma_start3A_64 : memref<1x8x2048xf32, #tpu.memory_space<vmem>> -> memref<8x2048xf32, #tpu.memory_space<vmem>>
    %dma_start3A_66 = arith.constant 16 : i32
    %dma_start3A_67 = tpu.memref_slice %arg5[%dma_start3A_66] : memref<256xi32, #tpu.memory_space<vmem>> -> memref<8xi32, #tpu.memory_space<vmem>>
    %dma_start3A_68 = arith.constant 0 : i32
    %dma_start3A_69 = arith.constant 0 : i32
    %dma_start3A_70 = tpu.memref_slice %arg3[%dma_start3A_68, %dma_start3A_69] : memref<32000x2048xf32, #tpu.memory_space<hbm>> -> memref<32000x2048xf32, #tpu.memory_space<hbm>>
    %dma_start3A_71 = tpu.memref_slice %arg7[%dma_start3A_61] : memref<6x!tpu.dma_semaphore, #tpu.memory_space<semaphore_mem>> -> memref<1x!tpu.dma_semaphore, #tpu.memory_space<semaphore_mem>>
    %dma_start3A_72 = tpu.memref_squeeze %dma_start3A_71 : memref<1x!tpu.dma_semaphore, #tpu.memory_space<semaphore_mem>> -> memref<!tpu.dma_semaphore, #tpu.memory_space<semaphore_mem>>
    tpu.enqueue_indirect_dma source(%dma_start3A_70 : memref<32000x2048xf32, #tpu.memory_space<hbm>>) target(%dma_start3A_65 : memref<8x2048xf32, #tpu.memory_space<vmem>>) offsets(%dma_start3A_67 : memref<8xi32, #tpu.memory_space<vmem>>) semaphore(%dma_start3A_72 : memref<!tpu.dma_semaphore, #tpu.memory_space<semaphore_mem>>)
    %dma_start3A_73 = arith.constant 3 : i32
    %dma_start3A_74 = arith.constant 3 : i32
    %dma_start3A_75 = arith.constant 0 : i32
    %dma_start3A_76 = arith.constant 0 : i32
    %dma_start3A_77 = tpu.memref_slice %arg6[%dma_start3A_73, %dma_start3A_75, %dma_start3A_76] : memref<6x8x2048xf32, #tpu.memory_space<vmem>> -> memref<1x8x2048xf32, #tpu.memory_space<vmem>>
    %dma_start3A_78 = tpu.memref_squeeze %dma_start3A_77 : memref<1x8x2048xf32, #tpu.memory_space<vmem>> -> memref<8x2048xf32, #tpu.memory_space<vmem>>
    %dma_start3A_79 = arith.constant 24 : i32
    %dma_start3A_80 = tpu.memref_slice %arg5[%dma_start3A_79] : memref<256xi32, #tpu.memory_space<vmem>> -> memref<8xi32, #tpu.memory_space<vmem>>
    %dma_start3A_81 = arith.constant 0 : i32
    %dma_start3A_82 = arith.constant 0 : i32
    %dma_start3A_83 = tpu.memref_slice %arg3[%dma_start3A_81, %dma_start3A_82] : memref<32000x2048xf32, #tpu.memory_space<hbm>> -> memref<32000x2048xf32, #tpu.memory_space<hbm>>
    %dma_start3A_84 = tpu.memref_slice %arg7[%dma_start3A_74] : memref<6x!tpu.dma_semaphore, #tpu.memory_space<semaphore_mem>> -> memref<1x!tpu.dma_semaphore, #tpu.memory_space<semaphore_mem>>
    %dma_start3A_85 = tpu.memref_squeeze %dma_start3A_84 : memref<1x!tpu.dma_semaphore, #tpu.memory_space<semaphore_mem>> -> memref<!tpu.dma_semaphore, #tpu.memory_space<semaphore_mem>>
    tpu.enqueue_indirect_dma source(%dma_start3A_83 : memref<32000x2048xf32, #tpu.memory_space<hbm>>) target(%dma_start3A_78 : memref<8x2048xf32, #tpu.memory_space<vmem>>) offsets(%dma_start3A_80 : memref<8xi32, #tpu.memory_space<vmem>>) semaphore(%dma_start3A_85 : memref<!tpu.dma_semaphore, #tpu.memory_space<semaphore_mem>>)
    %dma_start3A_86 = arith.constant 4 : i32
    %dma_start3A_87 = arith.constant 4 : i32
    %dma_start3A_88 = arith.constant 0 : i32
    %dma_start3A_89 = arith.constant 0 : i32
    %dma_start3A_90 = tpu.memref_slice %arg6[%dma_start3A_86, %dma_start3A_88, %dma_start3A_89] : memref<6x8x2048xf32, #tpu.memory_space<vmem>> -> memref<1x8x2048xf32, #tpu.memory_space<vmem>>
    %dma_start3A_91 = tpu.memref_squeeze %dma_start3A_90 : memref<1x8x2048xf32, #tpu.memory_space<vmem>> -> memref<8x2048xf32, #tpu.memory_space<vmem>>
    %dma_start3A_92 = arith.constant 32 : i32
    %dma_start3A_93 = tpu.memref_slice %arg5[%dma_start3A_92] : memref<256xi32, #tpu.memory_space<vmem>> -> memref<8xi32, #tpu.memory_space<vmem>>
    %dma_start3A_94 = arith.constant 0 : i32
    %dma_start3A_95 = arith.constant 0 : i32
    %dma_start3A_96 = tpu.memref_slice %arg3[%dma_start3A_94, %dma_start3A_95] : memref<32000x2048xf32, #tpu.memory_space<hbm>> -> memref<32000x2048xf32, #tpu.memory_space<hbm>>
    %dma_start3A_97 = tpu.memref_slice %arg7[%dma_start3A_87] : memref<6x!tpu.dma_semaphore, #tpu.memory_space<semaphore_mem>> -> memref<1x!tpu.dma_semaphore, #tpu.memory_space<semaphore_mem>>
    %dma_start3A_98 = tpu.memref_squeeze %dma_start3A_97 : memref<1x!tpu.dma_semaphore, #tpu.memory_space<semaphore_mem>> -> memref<!tpu.dma_semaphore, #tpu.memory_space<semaphore_mem>>
    tpu.enqueue_indirect_dma source(%dma_start3A_96 : memref<32000x2048xf32, #tpu.memory_space<hbm>>) target(%dma_start3A_91 : memref<8x2048xf32, #tpu.memory_space<vmem>>) offsets(%dma_start3A_93 : memref<8xi32, #tpu.memory_space<vmem>>) semaphore(%dma_start3A_98 : memref<!tpu.dma_semaphore, #tpu.memory_space<semaphore_mem>>)
    %dma_wait3A = arith.constant 0 : i32
    %dma_wait3A_99 = arith.constant 0 : i32
    %dma_wait3A_100 = arith.constant 0 : i32
    %dma_wait3A_101 = arith.constant 0 : i32
    %dma_wait3A_102 = tpu.memref_slice %arg6[%dma_wait3A, %dma_wait3A_100, %dma_wait3A_101] : memref<6x8x2048xf32, #tpu.memory_space<vmem>> -> memref<1x8x2048xf32, #tpu.memory_space<vmem>>
    %dma_wait3A_103 = tpu.memref_squeeze %dma_wait3A_102 : memref<1x8x2048xf32, #tpu.memory_space<vmem>> -> memref<8x2048xf32, #tpu.memory_space<vmem>>
    %dma_wait3A_104 = arith.constant 0 : i32
    %dma_wait3A_105 = tpu.memref_slice %arg5[%dma_wait3A_104] : memref<256xi32, #tpu.memory_space<vmem>> -> memref<8xi32, #tpu.memory_space<vmem>>
    %dma_wait3A_106 = arith.constant 0 : i32
    %dma_wait3A_107 = arith.constant 0 : i32
    %dma_wait3A_108 = tpu.memref_slice %arg3[%dma_wait3A_106, %dma_wait3A_107] : memref<32000x2048xf32, #tpu.memory_space<hbm>> -> memref<32000x2048xf32, #tpu.memory_space<hbm>>
    %dma_wait3A_109 = tpu.memref_slice %arg7[%dma_wait3A_99] : memref<6x!tpu.dma_semaphore, #tpu.memory_space<semaphore_mem>> -> memref<1x!tpu.dma_semaphore, #tpu.memory_space<semaphore_mem>>
    %dma_wait3A_110 = tpu.memref_squeeze %dma_wait3A_109 : memref<1x!tpu.dma_semaphore, #tpu.memory_space<semaphore_mem>> -> memref<!tpu.dma_semaphore, #tpu.memory_space<semaphore_mem>>
    tpu.wait_indirect_dma semaphore(%dma_wait3A_110 : memref<!tpu.dma_semaphore, #tpu.memory_space<semaphore_mem>>) src(%dma_wait3A_108 : memref<32000x2048xf32, #tpu.memory_space<hbm>>) dst(%dma_wait3A_103 : memref<8x2048xf32, #tpu.memory_space<vmem>>)
    %add3A_111 = arith.constant 0 : i32
    %add3A_112 = arith.addi %mul3A_2, %add3A_111 : i32
    %dma_start3A_113 = arith.constant 0 : i32
    %dma_start3A_114 = arith.constant 0 : i32
    %dma_start3A_115 = arith.constant 0 : i32
    %dma_start3A_116 = arith.constant 0 : i32
    %dma_start3A_117 = tpu.memref_slice %arg6[%dma_start3A_113, %dma_start3A_115, %dma_start3A_116] : memref<6x8x2048xf32, #tpu.memory_space<vmem>> -> memref<1x8x2048xf32, #tpu.memory_space<vmem>>
    %dma_start3A_118 = tpu.memref_squeeze %dma_start3A_117 : memref<1x8x2048xf32, #tpu.memory_space<vmem>> -> memref<8x2048xf32, #tpu.memory_space<vmem>>
    %dma_start3A_119 = arith.constant 0 : i32
    %dma_start3A_120 = tpu.memref_slice %arg4[%add3A_112, %dma_start3A_119] : memref<8192x2048xf32, #tpu.memory_space<hbm>> -> memref<8x2048xf32, #tpu.memory_space<hbm>>
    %dma_start3A_121 = tpu.memref_slice %arg8[%dma_start3A_114] : memref<6x!tpu.dma_semaphore, #tpu.memory_space<semaphore_mem>> -> memref<1x!tpu.dma_semaphore, #tpu.memory_space<semaphore_mem>>
    %dma_start3A_122 = tpu.memref_squeeze %dma_start3A_121 : memref<1x!tpu.dma_semaphore, #tpu.memory_space<semaphore_mem>> -> memref<!tpu.dma_semaphore, #tpu.memory_space<semaphore_mem>>
    %dma_start3A_123 = arith.constant 0 : i32
    %dma_start3A_124 = tpu.memref_slice %arg4[%add3A_112, %dma_start3A_123] : memref<8192x2048xf32, #tpu.memory_space<hbm>> -> memref<8x2048xf32, #tpu.memory_space<hbm>>
    %dma_start3A_125 = arith.constant 0 : i32
    %dma_start3A_126 = arith.constant 0 : i32
    %dma_start3A_127 = tpu.memref_slice %arg6[%dma_start3A_113, %dma_start3A_125, %dma_start3A_126] : memref<6x8x2048xf32, #tpu.memory_space<vmem>> -> memref<1x8x2048xf32, #tpu.memory_space<vmem>>
    %dma_start3A_128 = tpu.memref_squeeze %dma_start3A_127 : memref<1x8x2048xf32, #tpu.memory_space<vmem>> -> memref<8x2048xf32, #tpu.memory_space<vmem>>
    tpu.enqueue_dma source(%dma_start3A_128 : memref<8x2048xf32, #tpu.memory_space<vmem>>) target(%dma_start3A_124 : memref<8x2048xf32, #tpu.memory_space<hbm>>) target_semaphore(%dma_start3A_122 : memref<!tpu.dma_semaphore, #tpu.memory_space<semaphore_mem>>)
    %dma_start3A_129 = arith.constant 5 : i32
    %dma_start3A_130 = arith.constant 5 : i32
    %dma_start3A_131 = arith.constant 0 : i32
    %dma_start3A_132 = arith.constant 0 : i32
    %dma_start3A_133 = tpu.memref_slice %arg6[%dma_start3A_129, %dma_start3A_131, %dma_start3A_132] : memref<6x8x2048xf32, #tpu.memory_space<vmem>> -> memref<1x8x2048xf32, #tpu.memory_space<vmem>>
    %dma_start3A_134 = tpu.memref_squeeze %dma_start3A_133 : memref<1x8x2048xf32, #tpu.memory_space<vmem>> -> memref<8x2048xf32, #tpu.memory_space<vmem>>
    %dma_start3A_135 = arith.constant 40 : i32
    %dma_start3A_136 = tpu.memref_slice %arg5[%dma_start3A_135] : memref<256xi32, #tpu.memory_space<vmem>> -> memref<8xi32, #tpu.memory_space<vmem>>
    %dma_start3A_137 = arith.constant 0 : i32
    %dma_start3A_138 = arith.constant 0 : i32
    %dma_start3A_139 = tpu.memref_slice %arg3[%dma_start3A_137, %dma_start3A_138] : memref<32000x2048xf32, #tpu.memory_space<hbm>> -> memref<32000x2048xf32, #tpu.memory_space<hbm>>
    %dma_start3A_140 = tpu.memref_slice %arg7[%dma_start3A_130] : memref<6x!tpu.dma_semaphore, #tpu.memory_space<semaphore_mem>> -> memref<1x!tpu.dma_semaphore, #tpu.memory_space<semaphore_mem>>
    %dma_start3A_141 = tpu.memref_squeeze %dma_start3A_140 : memref<1x!tpu.dma_semaphore, #tpu.memory_space<semaphore_mem>> -> memref<!tpu.dma_semaphore, #tpu.memory_space<semaphore_mem>>
    tpu.enqueue_indirect_dma source(%dma_start3A_139 : memref<32000x2048xf32, #tpu.memory_space<hbm>>) target(%dma_start3A_134 : memref<8x2048xf32, #tpu.memory_space<vmem>>) offsets(%dma_start3A_136 : memref<8xi32, #tpu.memory_space<vmem>>) semaphore(%dma_start3A_141 : memref<!tpu.dma_semaphore, #tpu.memory_space<semaphore_mem>>)
    %dma_wait3A_142 = arith.constant 1 : i32
    %dma_wait3A_143 = arith.constant 1 : i32
    %dma_wait3A_144 = arith.constant 0 : i32
    %dma_wait3A_145 = arith.constant 0 : i32
    %dma_wait3A_146 = tpu.memref_slice %arg6[%dma_wait3A_142, %dma_wait3A_144, %dma_wait3A_145] : memref<6x8x2048xf32, #tpu.memory_space<vmem>> -> memref<1x8x2048xf32, #tpu.memory_space<vmem>>
    %dma_wait3A_147 = tpu.memref_squeeze %dma_wait3A_146 : memref<1x8x2048xf32, #tpu.memory_space<vmem>> -> memref<8x2048xf32, #tpu.memory_space<vmem>>
    %dma_wait3A_148 = arith.constant 8 : i32
    %dma_wait3A_149 = tpu.memref_slice %arg5[%dma_wait3A_148] : memref<256xi32, #tpu.memory_space<vmem>> -> memref<8xi32, #tpu.memory_space<vmem>>
    %dma_wait3A_150 = arith.constant 0 : i32
    %dma_wait3A_151 = arith.constant 0 : i32
    %dma_wait3A_152 = tpu.memref_slice %arg3[%dma_wait3A_150, %dma_wait3A_151] : memref<32000x2048xf32, #tpu.memory_space<hbm>> -> memref<32000x2048xf32, #tpu.memory_space<hbm>>
    %dma_wait3A_153 = tpu.memref_slice %arg7[%dma_wait3A_143] : memref<6x!tpu.dma_semaphore, #tpu.memory_space<semaphore_mem>> -> memref<1x!tpu.dma_semaphore, #tpu.memory_space<semaphore_mem>>
    %dma_wait3A_154 = tpu.memref_squeeze %dma_wait3A_153 : memref<1x!tpu.dma_semaphore, #tpu.memory_space<semaphore_mem>> -> memref<!tpu.dma_semaphore, #tpu.memory_space<semaphore_mem>>
    tpu.wait_indirect_dma semaphore(%dma_wait3A_154 : memref<!tpu.dma_semaphore, #tpu.memory_space<semaphore_mem>>) src(%dma_wait3A_152 : memref<32000x2048xf32, #tpu.memory_space<hbm>>) dst(%dma_wait3A_147 : memref<8x2048xf32, #tpu.memory_space<vmem>>)
    %add3A_155 = arith.constant 8 : i32
    %add3A_156 = arith.addi %mul3A_2, %add3A_155 : i32
    %dma_start3A_157 = arith.constant 1 : i32
    %dma_start3A_158 = arith.constant 1 : i32
    %dma_start3A_159 = arith.constant 0 : i32
    %dma_start3A_160 = arith.constant 0 : i32
    %dma_start3A_161 = tpu.memref_slice %arg6[%dma_start3A_157, %dma_start3A_159, %dma_start3A_160] : memref<6x8x2048xf32, #tpu.memory_space<vmem>> -> memref<1x8x2048xf32, #tpu.memory_space<vmem>>
    %dma_start3A_162 = tpu.memref_squeeze %dma_start3A_161 : memref<1x8x2048xf32, #tpu.memory_space<vmem>> -> memref<8x2048xf32, #tpu.memory_space<vmem>>
    %dma_start3A_163 = arith.constant 0 : i32
    %dma_start3A_164 = tpu.memref_slice %arg4[%add3A_156, %dma_start3A_163] : memref<8192x2048xf32, #tpu.memory_space<hbm>> -> memref<8x2048xf32, #tpu.memory_space<hbm>>
    %dma_start3A_165 = tpu.memref_slice %arg8[%dma_start3A_158] : memref<6x!tpu.dma_semaphore, #tpu.memory_space<semaphore_mem>> -> memref<1x!tpu.dma_semaphore, #tpu.memory_space<semaphore_mem>>
    %dma_start3A_166 = tpu.memref_squeeze %dma_start3A_165 : memref<1x!tpu.dma_semaphore, #tpu.memory_space<semaphore_mem>> -> memref<!tpu.dma_semaphore, #tpu.memory_space<semaphore_mem>>
    %dma_start3A_167 = arith.constant 0 : i32
    %dma_start3A_168 = tpu.memref_slice %arg4[%add3A_156, %dma_start3A_167] : memref<8192x2048xf32, #tpu.memory_space<hbm>> -> memref<8x2048xf32, #tpu.memory_space<hbm>>
    %dma_start3A_169 = arith.constant 0 : i32
    %dma_start3A_170 = arith.constant 0 : i32
    %dma_start3A_171 = tpu.memref_slice %arg6[%dma_start3A_157, %dma_start3A_169, %dma_start3A_170] : memref<6x8x2048xf32, #tpu.memory_space<vmem>> -> memref<1x8x2048xf32, #tpu.memory_space<vmem>>
    %dma_start3A_172 = tpu.memref_squeeze %dma_start3A_171 : memref<1x8x2048xf32, #tpu.memory_space<vmem>> -> memref<8x2048xf32, #tpu.memory_space<vmem>>
    tpu.enqueue_dma source(%dma_start3A_172 : memref<8x2048xf32, #tpu.memory_space<vmem>>) target(%dma_start3A_168 : memref<8x2048xf32, #tpu.memory_space<hbm>>) target_semaphore(%dma_start3A_166 : memref<!tpu.dma_semaphore, #tpu.memory_space<semaphore_mem>>)
    %dma_wait3A_173 = arith.constant 0 : i32
    %dma_wait3A_174 = arith.constant 0 : i32
    %dma_wait3A_175 = arith.constant 0 : i32
    %dma_wait3A_176 = arith.constant 0 : i32
    %dma_wait3A_177 = tpu.memref_slice %arg6[%dma_wait3A_173, %dma_wait3A_175, %dma_wait3A_176] : memref<6x8x2048xf32, #tpu.memory_space<vmem>> -> memref<1x8x2048xf32, #tpu.memory_space<vmem>>
    %dma_wait3A_178 = tpu.memref_squeeze %dma_wait3A_177 : memref<1x8x2048xf32, #tpu.memory_space<vmem>> -> memref<8x2048xf32, #tpu.memory_space<vmem>>
    %dma_wait3A_179 = arith.constant 0 : i32
    %dma_wait3A_180 = tpu.memref_slice %arg4[%add3A_112, %dma_wait3A_179] : memref<8192x2048xf32, #tpu.memory_space<hbm>> -> memref<8x2048xf32, #tpu.memory_space<hbm>>
    %dma_wait3A_181 = tpu.memref_slice %arg8[%dma_wait3A_174] : memref<6x!tpu.dma_semaphore, #tpu.memory_space<semaphore_mem>> -> memref<1x!tpu.dma_semaphore, #tpu.memory_space<semaphore_mem>>
    %dma_wait3A_182 = tpu.memref_squeeze %dma_wait3A_181 : memref<1x!tpu.dma_semaphore, #tpu.memory_space<semaphore_mem>> -> memref<!tpu.dma_semaphore, #tpu.memory_space<semaphore_mem>>
    %dma_wait3A_183 = arith.constant 0 : i32
    %dma_wait3A_184 = tpu.memref_slice %arg4[%add3A_112, %dma_wait3A_183] : memref<8192x2048xf32, #tpu.memory_space<hbm>> -> memref<8x2048xf32, #tpu.memory_space<hbm>>
    %dma_wait3A_185 = arith.constant 0 : i32
    %dma_wait3A_186 = arith.constant 0 : i32
    %dma_wait3A_187 = tpu.memref_slice %arg6[%dma_wait3A_173, %dma_wait3A_185, %dma_wait3A_186] : memref<6x8x2048xf32, #tpu.memory_space<vmem>> -> memref<1x8x2048xf32, #tpu.memory_space<vmem>>
    %dma_wait3A_188 = tpu.memref_squeeze %dma_wait3A_187 : memref<1x8x2048xf32, #tpu.memory_space<vmem>> -> memref<8x2048xf32, #tpu.memory_space<vmem>>
    tpu.wait_dma2 semaphore(%dma_wait3A_182 : memref<!tpu.dma_semaphore, #tpu.memory_space<semaphore_mem>>) src(%dma_wait3A_188 : memref<8x2048xf32, #tpu.memory_space<vmem>>) dst(%dma_wait3A_184 : memref<8x2048xf32, #tpu.memory_space<hbm>>)
    %dma_start3A_189 = arith.constant 0 : i32
    %dma_start3A_190 = arith.constant 0 : i32
    %dma_start3A_191 = arith.constant 0 : i32
    %dma_start3A_192 = arith.constant 0 : i32
    %dma_start3A_193 = tpu.memref_slice %arg6[%dma_start3A_189, %dma_start3A_191, %dma_start3A_192] : memref<6x8x2048xf32, #tpu.memory_space<vmem>> -> memref<1x8x2048xf32, #tpu.memory_space<vmem>>
    %dma_start3A_194 = tpu.memref_squeeze %dma_start3A_193 : memref<1x8x2048xf32, #tpu.memory_space<vmem>> -> memref<8x2048xf32, #tpu.memory_space<vmem>>
    %dma_start3A_195 = arith.constant 48 : i32
    %dma_start3A_196 = tpu.memref_slice %arg5[%dma_start3A_195] : memref<256xi32, #tpu.memory_space<vmem>> -> memref<8xi32, #tpu.memory_space<vmem>>
    %dma_start3A_197 = arith.constant 0 : i32
    %dma_start3A_198 = arith.constant 0 : i32
    %dma_start3A_199 = tpu.memref_slice %arg3[%dma_start3A_197, %dma_start3A_198] : memref<32000x2048xf32, #tpu.memory_space<hbm>> -> memref<32000x2048xf32, #tpu.memory_space<hbm>>
    %dma_start3A_200 = tpu.memref_slice %arg7[%dma_start3A_190] : memref<6x!tpu.dma_semaphore, #tpu.memory_space<semaphore_mem>> -> memref<1x!tpu.dma_semaphore, #tpu.memory_space<semaphore_mem>>
    %dma_start3A_201 = tpu.memref_squeeze %dma_start3A_200 : memref<1x!tpu.dma_semaphore, #tpu.memory_space<semaphore_mem>> -> memref<!tpu.dma_semaphore, #tpu.memory_space<semaphore_mem>>
    tpu.enqueue_indirect_dma source(%dma_start3A_199 : memref<32000x2048xf32, #tpu.memory_space<hbm>>) target(%dma_start3A_194 : memref<8x2048xf32, #tpu.memory_space<vmem>>) offsets(%dma_start3A_196 : memref<8xi32, #tpu.memory_space<vmem>>) semaphore(%dma_start3A_201 : memref<!tpu.dma_semaphore, #tpu.memory_space<semaphore_mem>>)
    %dma_wait3A_202 = arith.constant 2 : i32
    %dma_wait3A_203 = arith.constant 2 : i32
    %dma_wait3A_204 = arith.constant 0 : i32
    %dma_wait3A_205 = arith.constant 0 : i32
    %dma_wait3A_206 = tpu.memref_slice %arg6[%dma_wait3A_202, %dma_wait3A_204, %dma_wait3A_205] : memref<6x8x2048xf32, #tpu.memory_space<vmem>> -> memref<1x8x2048xf32, #tpu.memory_space<vmem>>
    %dma_wait3A_207 = tpu.memref_squeeze %dma_wait3A_206 : memref<1x8x2048xf32, #tpu.memory_space<vmem>> -> memref<8x2048xf32, #tpu.memory_space<vmem>>
    %dma_wait3A_208 = arith.constant 16 : i32
    %dma_wait3A_209 = tpu.memref_slice %arg5[%dma_wait3A_208] : memref<256xi32, #tpu.memory_space<vmem>> -> memref<8xi32, #tpu.memory_space<vmem>>
    %dma_wait3A_210 = arith.constant 0 : i32
    %dma_wait3A_211 = arith.constant 0 : i32
    %dma_wait3A_212 = tpu.memref_slice %arg3[%dma_wait3A_210, %dma_wait3A_211] : memref<32000x2048xf32, #tpu.memory_space<hbm>> -> memref<32000x2048xf32, #tpu.memory_space<hbm>>
    %dma_wait3A_213 = tpu.memref_slice %arg7[%dma_wait3A_203] : memref<6x!tpu.dma_semaphore, #tpu.memory_space<semaphore_mem>> -> memref<1x!tpu.dma_semaphore, #tpu.memory_space<semaphore_mem>>
    %dma_wait3A_214 = tpu.memref_squeeze %dma_wait3A_213 : memref<1x!tpu.dma_semaphore, #tpu.memory_space<semaphore_mem>> -> memref<!tpu.dma_semaphore, #tpu.memory_space<semaphore_mem>>
    tpu.wait_indirect_dma semaphore(%dma_wait3A_214 : memref<!tpu.dma_semaphore, #tpu.memory_space<semaphore_mem>>) src(%dma_wait3A_212 : memref<32000x2048xf32, #tpu.memory_space<hbm>>) dst(%dma_wait3A_207 : memref<8x2048xf32, #tpu.memory_space<vmem>>)
    %add3A_215 = arith.constant 16 : i32
    %add3A_216 = arith.addi %mul3A_2, %add3A_215 : i32
    %dma_start3A_217 = arith.constant 2 : i32
    %dma_start3A_218 = arith.constant 2 : i32
    %dma_start3A_219 = arith.constant 0 : i32
    %dma_start3A_220 = arith.constant 0 : i32
    %dma_start3A_221 = tpu.memref_slice %arg6[%dma_start3A_217, %dma_start3A_219, %dma_start3A_220] : memref<6x8x2048xf32, #tpu.memory_space<vmem>> -> memref<1x8x2048xf32, #tpu.memory_space<vmem>>
    %dma_start3A_222 = tpu.memref_squeeze %dma_start3A_221 : memref<1x8x2048xf32, #tpu.memory_space<vmem>> -> memref<8x2048xf32, #tpu.memory_space<vmem>>
    %dma_start3A_223 = arith.constant 0 : i32
    %dma_start3A_224 = tpu.memref_slice %arg4[%add3A_216, %dma_start3A_223] : memref<8192x2048xf32, #tpu.memory_space<hbm>> -> memref<8x2048xf32, #tpu.memory_space<hbm>>
    %dma_start3A_225 = tpu.memref_slice %arg8[%dma_start3A_218] : memref<6x!tpu.dma_semaphore, #tpu.memory_space<semaphore_mem>> -> memref<1x!tpu.dma_semaphore, #tpu.memory_space<semaphore_mem>>
    %dma_start3A_226 = tpu.memref_squeeze %dma_start3A_225 : memref<1x!tpu.dma_semaphore, #tpu.memory_space<semaphore_mem>> -> memref<!tpu.dma_semaphore, #tpu.memory_space<semaphore_mem>>
    %dma_start3A_227 = arith.constant 0 : i32
    %dma_start3A_228 = tpu.memref_slice %arg4[%add3A_216, %dma_start3A_227] : memref<8192x2048xf32, #tpu.memory_space<hbm>> -> memref<8x2048xf32, #tpu.memory_space<hbm>>
    %dma_start3A_229 = arith.constant 0 : i32
    %dma_start3A_230 = arith.constant 0 : i32
    %dma_start3A_231 = tpu.memref_slice %arg6[%dma_start3A_217, %dma_start3A_229, %dma_start3A_230] : memref<6x8x2048xf32, #tpu.memory_space<vmem>> -> memref<1x8x2048xf32, #tpu.memory_space<vmem>>
    %dma_start3A_232 = tpu.memref_squeeze %dma_start3A_231 : memref<1x8x2048xf32, #tpu.memory_space<vmem>> -> memref<8x2048xf32, #tpu.memory_space<vmem>>
    tpu.enqueue_dma source(%dma_start3A_232 : memref<8x2048xf32, #tpu.memory_space<vmem>>) target(%dma_start3A_228 : memref<8x2048xf32, #tpu.memory_space<hbm>>) target_semaphore(%dma_start3A_226 : memref<!tpu.dma_semaphore, #tpu.memory_space<semaphore_mem>>)
    %dma_wait3A_233 = arith.constant 1 : i32
    %dma_wait3A_234 = arith.constant 1 : i32
    %dma_wait3A_235 = arith.constant 0 : i32
    %dma_wait3A_236 = arith.constant 0 : i32
    %dma_wait3A_237 = tpu.memref_slice %arg6[%dma_wait3A_233, %dma_wait3A_235, %dma_wait3A_236] : memref<6x8x2048xf32, #tpu.memory_space<vmem>> -> memref<1x8x2048xf32, #tpu.memory_space<vmem>>
    %dma_wait3A_238 = tpu.memref_squeeze %dma_wait3A_237 : memref<1x8x2048xf32, #tpu.memory_space<vmem>> -> memref<8x2048xf32, #tpu.memory_space<vmem>>
    %dma_wait3A_239 = arith.constant 0 : i32
    %dma_wait3A_240 = tpu.memref_slice %arg4[%add3A_156, %dma_wait3A_239] : memref<8192x2048xf32, #tpu.memory_space<hbm>> -> memref<8x2048xf32, #tpu.memory_space<hbm>>
    %dma_wait3A_241 = tpu.memref_slice %arg8[%dma_wait3A_234] : memref<6x!tpu.dma_semaphore, #tpu.memory_space<semaphore_mem>> -> memref<1x!tpu.dma_semaphore, #tpu.memory_space<semaphore_mem>>
    %dma_wait3A_242 = tpu.memref_squeeze %dma_wait3A_241 : memref<1x!tpu.dma_semaphore, #tpu.memory_space<semaphore_mem>> -> memref<!tpu.dma_semaphore, #tpu.memory_space<semaphore_mem>>
    %dma_wait3A_243 = arith.constant 0 : i32
    %dma_wait3A_244 = tpu.memref_slice %arg4[%add3A_156, %dma_wait3A_243] : memref<8192x2048xf32, #tpu.memory_space<hbm>> -> memref<8x2048xf32, #tpu.memory_space<hbm>>
    %dma_wait3A_245 = arith.constant 0 : i32
    %dma_wait3A_246 = arith.constant 0 : i32
    %dma_wait3A_247 = tpu.memref_slice %arg6[%dma_wait3A_233, %dma_wait3A_245, %dma_wait3A_246] : memref<6x8x2048xf32, #tpu.memory_space<vmem>> -> memref<1x8x2048xf32, #tpu.memory_space<vmem>>
    %dma_wait3A_248 = tpu.memref_squeeze %dma_wait3A_247 : memref<1x8x2048xf32, #tpu.memory_space<vmem>> -> memref<8x2048xf32, #tpu.memory_space<vmem>>
    tpu.wait_dma2 semaphore(%dma_wait3A_242 : memref<!tpu.dma_semaphore, #tpu.memory_space<semaphore_mem>>) src(%dma_wait3A_248 : memref<8x2048xf32, #tpu.memory_space<vmem>>) dst(%dma_wait3A_244 : memref<8x2048xf32, #tpu.memory_space<hbm>>)
    %dma_start3A_249 = arith.constant 1 : i32
    %dma_start3A_250 = arith.constant 1 : i32
    %dma_start3A_251 = arith.constant 0 : i32
    %dma_start3A_252 = arith.constant 0 : i32
    %dma_start3A_253 = tpu.memref_slice %arg6[%dma_start3A_249, %dma_start3A_251, %dma_start3A_252] : memref<6x8x2048xf32, #tpu.memory_space<vmem>> -> memref<1x8x2048xf32, #tpu.memory_space<vmem>>
    %dma_start3A_254 = tpu.memref_squeeze %dma_start3A_253 : memref<1x8x2048xf32, #tpu.memory_space<vmem>> -> memref<8x2048xf32, #tpu.memory_space<vmem>>
    %dma_start3A_255 = arith.constant 56 : i32
    %dma_start3A_256 = tpu.memref_slice %arg5[%dma_start3A_255] : memref<256xi32, #tpu.memory_space<vmem>> -> memref<8xi32, #tpu.memory_space<vmem>>
    %dma_start3A_257 = arith.constant 0 : i32
    %dma_start3A_258 = arith.constant 0 : i32
    %dma_start3A_259 = tpu.memref_slice %arg3[%dma_start3A_257, %dma_start3A_258] : memref<32000x2048xf32, #tpu.memory_space<hbm>> -> memref<32000x2048xf32, #tpu.memory_space<hbm>>
    %dma_start3A_260 = tpu.memref_slice %arg7[%dma_start3A_250] : memref<6x!tpu.dma_semaphore, #tpu.memory_space<semaphore_mem>> -> memref<1x!tpu.dma_semaphore, #tpu.memory_space<semaphore_mem>>
    %dma_start3A_261 = tpu.memref_squeeze %dma_start3A_260 : memref<1x!tpu.dma_semaphore, #tpu.memory_space<semaphore_mem>> -> memref<!tpu.dma_semaphore, #tpu.memory_space<semaphore_mem>>
    tpu.enqueue_indirect_dma source(%dma_start3A_259 : memref<32000x2048xf32, #tpu.memory_space<hbm>>) target(%dma_start3A_254 : memref<8x2048xf32, #tpu.memory_space<vmem>>) offsets(%dma_start3A_256 : memref<8xi32, #tpu.memory_space<vmem>>) semaphore(%dma_start3A_261 : memref<!tpu.dma_semaphore, #tpu.memory_space<semaphore_mem>>)
    %dma_wait3A_262 = arith.constant 3 : i32
    %dma_wait3A_263 = arith.constant 3 : i32
    %dma_wait3A_264 = arith.constant 0 : i32
    %dma_wait3A_265 = arith.constant 0 : i32
    %dma_wait3A_266 = tpu.memref_slice %arg6[%dma_wait3A_262, %dma_wait3A_264, %dma_wait3A_265] : memref<6x8x2048xf32, #tpu.memory_space<vmem>> -> memref<1x8x2048xf32, #tpu.memory_space<vmem>>
    %dma_wait3A_267 = tpu.memref_squeeze %dma_wait3A_266 : memref<1x8x2048xf32, #tpu.memory_space<vmem>> -> memref<8x2048xf32, #tpu.memory_space<vmem>>
    %dma_wait3A_268 = arith.constant 24 : i32
    %dma_wait3A_269 = tpu.memref_slice %arg5[%dma_wait3A_268] : memref<256xi32, #tpu.memory_space<vmem>> -> memref<8xi32, #tpu.memory_space<vmem>>
    %dma_wait3A_270 = arith.constant 0 : i32
    %dma_wait3A_271 = arith.constant 0 : i32
    %dma_wait3A_272 = tpu.memref_slice %arg3[%dma_wait3A_270, %dma_wait3A_271] : memref<32000x2048xf32, #tpu.memory_space<hbm>> -> memref<32000x2048xf32, #tpu.memory_space<hbm>>
    %dma_wait3A_273 = tpu.memref_slice %arg7[%dma_wait3A_263] : memref<6x!tpu.dma_semaphore, #tpu.memory_space<semaphore_mem>> -> memref<1x!tpu.dma_semaphore, #tpu.memory_space<semaphore_mem>>
    %dma_wait3A_274 = tpu.memref_squeeze %dma_wait3A_273 : memref<1x!tpu.dma_semaphore, #tpu.memory_space<semaphore_mem>> -> memref<!tpu.dma_semaphore, #tpu.memory_space<semaphore_mem>>
    tpu.wait_indirect_dma semaphore(%dma_wait3A_274 : memref<!tpu.dma_semaphore, #tpu.memory_space<semaphore_mem>>) src(%dma_wait3A_272 : memref<32000x2048xf32, #tpu.memory_space<hbm>>) dst(%dma_wait3A_267 : memref<8x2048xf32, #tpu.memory_space<vmem>>)
    %add3A_275 = arith.constant 24 : i32
    %add3A_276 = arith.addi %mul3A_2, %add3A_275 : i32
    %dma_start3A_277 = arith.constant 3 : i32
    %dma_start3A_278 = arith.constant 3 : i32
    %dma_start3A_279 = arith.constant 0 : i32
    %dma_start3A_280 = arith.constant 0 : i32
    %dma_start3A_281 = tpu.memref_slice %arg6[%dma_start3A_277, %dma_start3A_279, %dma_start3A_280] : memref<6x8x2048xf32, #tpu.memory_space<vmem>> -> memref<1x8x2048xf32, #tpu.memory_space<vmem>>
    %dma_start3A_282 = tpu.memref_squeeze %dma_start3A_281 : memref<1x8x2048xf32, #tpu.memory_space<vmem>> -> memref<8x2048xf32, #tpu.memory_space<vmem>>
    %dma_start3A_283 = arith.constant 0 : i32
    %dma_start3A_284 = tpu.memref_slice %arg4[%add3A_276, %dma_start3A_283] : memref<8192x2048xf32, #tpu.memory_space<hbm>> -> memref<8x2048xf32, #tpu.memory_space<hbm>>
    %dma_start3A_285 = tpu.memref_slice %arg8[%dma_start3A_278] : memref<6x!tpu.dma_semaphore, #tpu.memory_space<semaphore_mem>> -> memref<1x!tpu.dma_semaphore, #tpu.memory_space<semaphore_mem>>
    %dma_start3A_286 = tpu.memref_squeeze %dma_start3A_285 : memref<1x!tpu.dma_semaphore, #tpu.memory_space<semaphore_mem>> -> memref<!tpu.dma_semaphore, #tpu.memory_space<semaphore_mem>>
    %dma_start3A_287 = arith.constant 0 : i32
    %dma_start3A_288 = tpu.memref_slice %arg4[%add3A_276, %dma_start3A_287] : memref<8192x2048xf32, #tpu.memory_space<hbm>> -> memref<8x2048xf32, #tpu.memory_space<hbm>>
    %dma_start3A_289 = arith.constant 0 : i32
    %dma_start3A_290 = arith.constant 0 : i32
    %dma_start3A_291 = tpu.memref_slice %arg6[%dma_start3A_277, %dma_start3A_289, %dma_start3A_290] : memref<6x8x2048xf32, #tpu.memory_space<vmem>> -> memref<1x8x2048xf32, #tpu.memory_space<vmem>>
    %dma_start3A_292 = tpu.memref_squeeze %dma_start3A_291 : memref<1x8x2048xf32, #tpu.memory_space<vmem>> -> memref<8x2048xf32, #tpu.memory_space<vmem>>
    tpu.enqueue_dma source(%dma_start3A_292 : memref<8x2048xf32, #tpu.memory_space<vmem>>) target(%dma_start3A_288 : memref<8x2048xf32, #tpu.memory_space<hbm>>) target_semaphore(%dma_start3A_286 : memref<!tpu.dma_semaphore, #tpu.memory_space<semaphore_mem>>)
    %dma_wait3A_293 = arith.constant 2 : i32
    %dma_wait3A_294 = arith.constant 2 : i32
    %dma_wait3A_295 = arith.constant 0 : i32
    %dma_wait3A_296 = arith.constant 0 : i32
    %dma_wait3A_297 = tpu.memref_slice %arg6[%dma_wait3A_293, %dma_wait3A_295, %dma_wait3A_296] : memref<6x8x2048xf32, #tpu.memory_space<vmem>> -> memref<1x8x2048xf32, #tpu.memory_space<vmem>>
    %dma_wait3A_298 = tpu.memref_squeeze %dma_wait3A_297 : memref<1x8x2048xf32, #tpu.memory_space<vmem>> -> memref<8x2048xf32, #tpu.memory_space<vmem>>
    %dma_wait3A_299 = arith.constant 0 : i32
    %dma_wait3A_300 = tpu.memref_slice %arg4[%add3A_216, %dma_wait3A_299] : memref<8192x2048xf32, #tpu.memory_space<hbm>> -> memref<8x2048xf32, #tpu.memory_space<hbm>>
    %dma_wait3A_301 = tpu.memref_slice %arg8[%dma_wait3A_294] : memref<6x!tpu.dma_semaphore, #tpu.memory_space<semaphore_mem>> -> memref<1x!tpu.dma_semaphore, #tpu.memory_space<semaphore_mem>>
    %dma_wait3A_302 = tpu.memref_squeeze %dma_wait3A_301 : memref<1x!tpu.dma_semaphore, #tpu.memory_space<semaphore_mem>> -> memref<!tpu.dma_semaphore, #tpu.memory_space<semaphore_mem>>
    %dma_wait3A_303 = arith.constant 0 : i32
    %dma_wait3A_304 = tpu.memref_slice %arg4[%add3A_216, %dma_wait3A_303] : memref<8192x2048xf32, #tpu.memory_space<hbm>> -> memref<8x2048xf32, #tpu.memory_space<hbm>>
    %dma_wait3A_305 = arith.constant 0 : i32
    %dma_wait3A_306 = arith.constant 0 : i32
    %dma_wait3A_307 = tpu.memref_slice %arg6[%dma_wait3A_293, %dma_wait3A_305, %dma_wait3A_306] : memref<6x8x2048xf32, #tpu.memory_space<vmem>> -> memref<1x8x2048xf32, #tpu.memory_space<vmem>>
    %dma_wait3A_308 = tpu.memref_squeeze %dma_wait3A_307 : memref<1x8x2048xf32, #tpu.memory_space<vmem>> -> memref<8x2048xf32, #tpu.memory_space<vmem>>
    tpu.wait_dma2 semaphore(%dma_wait3A_302 : memref<!tpu.dma_semaphore, #tpu.memory_space<semaphore_mem>>) src(%dma_wait3A_308 : memref<8x2048xf32, #tpu.memory_space<vmem>>) dst(%dma_wait3A_304 : memref<8x2048xf32, #tpu.memory_space<hbm>>)
    %dma_start3A_309 = arith.constant 2 : i32
    %dma_start3A_310 = arith.constant 2 : i32
    %dma_start3A_311 = arith.constant 0 : i32
    %dma_start3A_312 = arith.constant 0 : i32
    %dma_start3A_313 = tpu.memref_slice %arg6[%dma_start3A_309, %dma_start3A_311, %dma_start3A_312] : memref<6x8x2048xf32, #tpu.memory_space<vmem>> -> memref<1x8x2048xf32, #tpu.memory_space<vmem>>
    %dma_start3A_314 = tpu.memref_squeeze %dma_start3A_313 : memref<1x8x2048xf32, #tpu.memory_space<vmem>> -> memref<8x2048xf32, #tpu.memory_space<vmem>>
    %dma_start3A_315 = arith.constant 64 : i32
    %dma_start3A_316 = tpu.memref_slice %arg5[%dma_start3A_315] : memref<256xi32, #tpu.memory_space<vmem>> -> memref<8xi32, #tpu.memory_space<vmem>>
    %dma_start3A_317 = arith.constant 0 : i32
    %dma_start3A_318 = arith.constant 0 : i32
    %dma_start3A_319 = tpu.memref_slice %arg3[%dma_start3A_317, %dma_start3A_318] : memref<32000x2048xf32, #tpu.memory_space<hbm>> -> memref<32000x2048xf32, #tpu.memory_space<hbm>>
    %dma_start3A_320 = tpu.memref_slice %arg7[%dma_start3A_310] : memref<6x!tpu.dma_semaphore, #tpu.memory_space<semaphore_mem>> -> memref<1x!tpu.dma_semaphore, #tpu.memory_space<semaphore_mem>>
    %dma_start3A_321 = tpu.memref_squeeze %dma_start3A_320 : memref<1x!tpu.dma_semaphore, #tpu.memory_space<semaphore_mem>> -> memref<!tpu.dma_semaphore, #tpu.memory_space<semaphore_mem>>
    tpu.enqueue_indirect_dma source(%dma_start3A_319 : memref<32000x2048xf32, #tpu.memory_space<hbm>>) target(%dma_start3A_314 : memref<8x2048xf32, #tpu.memory_space<vmem>>) offsets(%dma_start3A_316 : memref<8xi32, #tpu.memory_space<vmem>>) semaphore(%dma_start3A_321 : memref<!tpu.dma_semaphore, #tpu.memory_space<semaphore_mem>>)
    %dma_wait3A_322 = arith.constant 4 : i32
    %dma_wait3A_323 = arith.constant 4 : i32
    %dma_wait3A_324 = arith.constant 0 : i32
    %dma_wait3A_325 = arith.constant 0 : i32
    %dma_wait3A_326 = tpu.memref_slice %arg6[%dma_wait3A_322, %dma_wait3A_324, %dma_wait3A_325] : memref<6x8x2048xf32, #tpu.memory_space<vmem>> -> memref<1x8x2048xf32, #tpu.memory_space<vmem>>
    %dma_wait3A_327 = tpu.memref_squeeze %dma_wait3A_326 : memref<1x8x2048xf32, #tpu.memory_space<vmem>> -> memref<8x2048xf32, #tpu.memory_space<vmem>>
    %dma_wait3A_328 = arith.constant 32 : i32
    %dma_wait3A_329 = tpu.memref_slice %arg5[%dma_wait3A_328] : memref<256xi32, #tpu.memory_space<vmem>> -> memref<8xi32, #tpu.memory_space<vmem>>
    %dma_wait3A_330 = arith.constant 0 : i32
    %dma_wait3A_331 = arith.constant 0 : i32
    %dma_wait3A_332 = tpu.memref_slice %arg3[%dma_wait3A_330, %dma_wait3A_331] : memref<32000x2048xf32, #tpu.memory_space<hbm>> -> memref<32000x2048xf32, #tpu.memory_space<hbm>>
    %dma_wait3A_333 = tpu.memref_slice %arg7[%dma_wait3A_323] : memref<6x!tpu.dma_semaphore, #tpu.memory_space<semaphore_mem>> -> memref<1x!tpu.dma_semaphore, #tpu.memory_space<semaphore_mem>>
    %dma_wait3A_334 = tpu.memref_squeeze %dma_wait3A_333 : memref<1x!tpu.dma_semaphore, #tpu.memory_space<semaphore_mem>> -> memref<!tpu.dma_semaphore, #tpu.memory_space<semaphore_mem>>
    tpu.wait_indirect_dma semaphore(%dma_wait3A_334 : memref<!tpu.dma_semaphore, #tpu.memory_space<semaphore_mem>>) src(%dma_wait3A_332 : memref<32000x2048xf32, #tpu.memory_space<hbm>>) dst(%dma_wait3A_327 : memref<8x2048xf32, #tpu.memory_space<vmem>>)
    %add3A_335 = arith.constant 32 : i32
    %add3A_336 = arith.addi %mul3A_2, %add3A_335 : i32
    %dma_start3A_337 = arith.constant 4 : i32
    %dma_start3A_338 = arith.constant 4 : i32
    %dma_start3A_339 = arith.constant 0 : i32
    %dma_start3A_340 = arith.constant 0 : i32
    %dma_start3A_341 = tpu.memref_slice %arg6[%dma_start3A_337, %dma_start3A_339, %dma_start3A_340] : memref<6x8x2048xf32, #tpu.memory_space<vmem>> -> memref<1x8x2048xf32, #tpu.memory_space<vmem>>
    %dma_start3A_342 = tpu.memref_squeeze %dma_start3A_341 : memref<1x8x2048xf32, #tpu.memory_space<vmem>> -> memref<8x2048xf32, #tpu.memory_space<vmem>>
    %dma_start3A_343 = arith.constant 0 : i32
    %dma_start3A_344 = tpu.memref_slice %arg4[%add3A_336, %dma_start3A_343] : memref<8192x2048xf32, #tpu.memory_space<hbm>> -> memref<8x2048xf32, #tpu.memory_space<hbm>>
    %dma_start3A_345 = tpu.memref_slice %arg8[%dma_start3A_338] : memref<6x!tpu.dma_semaphore, #tpu.memory_space<semaphore_mem>> -> memref<1x!tpu.dma_semaphore, #tpu.memory_space<semaphore_mem>>
    %dma_start3A_346 = tpu.memref_squeeze %dma_start3A_345 : memref<1x!tpu.dma_semaphore, #tpu.memory_space<semaphore_mem>> -> memref<!tpu.dma_semaphore, #tpu.memory_space<semaphore_mem>>
    %dma_start3A_347 = arith.constant 0 : i32
    %dma_start3A_348 = tpu.memref_slice %arg4[%add3A_336, %dma_start3A_347] : memref<8192x2048xf32, #tpu.memory_space<hbm>> -> memref<8x2048xf32, #tpu.memory_space<hbm>>
    %dma_start3A_349 = arith.constant 0 : i32
    %dma_start3A_350 = arith.constant 0 : i32
    %dma_start3A_351 = tpu.memref_slice %arg6[%dma_start3A_337, %dma_start3A_349, %dma_start3A_350] : memref<6x8x2048xf32, #tpu.memory_space<vmem>> -> memref<1x8x2048xf32, #tpu.memory_space<vmem>>
    %dma_start3A_352 = tpu.memref_squeeze %dma_start3A_351 : memref<1x8x2048xf32, #tpu.memory_space<vmem>> -> memref<8x2048xf32, #tpu.memory_space<vmem>>
    tpu.enqueue_dma source(%dma_start3A_352 : memref<8x2048xf32, #tpu.memory_space<vmem>>) target(%dma_start3A_348 : memref<8x2048xf32, #tpu.memory_space<hbm>>) target_semaphore(%dma_start3A_346 : memref<!tpu.dma_semaphore, #tpu.memory_space<semaphore_mem>>)
    %dma_wait3A_353 = arith.constant 3 : i32
    %dma_wait3A_354 = arith.constant 3 : i32
    %dma_wait3A_355 = arith.constant 0 : i32
    %dma_wait3A_356 = arith.constant 0 : i32
    %dma_wait3A_357 = tpu.memref_slice %arg6[%dma_wait3A_353, %dma_wait3A_355, %dma_wait3A_356] : memref<6x8x2048xf32, #tpu.memory_space<vmem>> -> memref<1x8x2048xf32, #tpu.memory_space<vmem>>
    %dma_wait3A_358 = tpu.memref_squeeze %dma_wait3A_357 : memref<1x8x2048xf32, #tpu.memory_space<vmem>> -> memref<8x2048xf32, #tpu.memory_space<vmem>>
    %dma_wait3A_359 = arith.constant 0 : i32
    %dma_wait3A_360 = tpu.memref_slice %arg4[%add3A_276, %dma_wait3A_359] : memref<8192x2048xf32, #tpu.memory_space<hbm>> -> memref<8x2048xf32, #tpu.memory_space<hbm>>
    %dma_wait3A_361 = tpu.memref_slice %arg8[%dma_wait3A_354] : memref<6x!tpu.dma_semaphore, #tpu.memory_space<semaphore_mem>> -> memref<1x!tpu.dma_semaphore, #tpu.memory_space<semaphore_mem>>
    %dma_wait3A_362 = tpu.memref_squeeze %dma_wait3A_361 : memref<1x!tpu.dma_semaphore, #tpu.memory_space<semaphore_mem>> -> memref<!tpu.dma_semaphore, #tpu.memory_space<semaphore_mem>>
    %dma_wait3A_363 = arith.constant 0 : i32
    %dma_wait3A_364 = tpu.memref_slice %arg4[%add3A_276, %dma_wait3A_363] : memref<8192x2048xf32, #tpu.memory_space<hbm>> -> memref<8x2048xf32, #tpu.memory_space<hbm>>
    %dma_wait3A_365 = arith.constant 0 : i32
    %dma_wait3A_366 = arith.constant 0 : i32
    %dma_wait3A_367 = tpu.memref_slice %arg6[%dma_wait3A_353, %dma_wait3A_365, %dma_wait3A_366] : memref<6x8x2048xf32, #tpu.memory_space<vmem>> -> memref<1x8x2048xf32, #tpu.memory_space<vmem>>
    %dma_wait3A_368 = tpu.memref_squeeze %dma_wait3A_367 : memref<1x8x2048xf32, #tpu.memory_space<vmem>> -> memref<8x2048xf32, #tpu.memory_space<vmem>>
    tpu.wait_dma2 semaphore(%dma_wait3A_362 : memref<!tpu.dma_semaphore, #tpu.memory_space<semaphore_mem>>) src(%dma_wait3A_368 : memref<8x2048xf32, #tpu.memory_space<vmem>>) dst(%dma_wait3A_364 : memref<8x2048xf32, #tpu.memory_space<hbm>>)
    %dma_start3A_369 = arith.constant 3 : i32
    %dma_start3A_370 = arith.constant 3 : i32
    %dma_start3A_371 = arith.constant 0 : i32
    %dma_start3A_372 = arith.constant 0 : i32
    %dma_start3A_373 = tpu.memref_slice %arg6[%dma_start3A_369, %dma_start3A_371, %dma_start3A_372] : memref<6x8x2048xf32, #tpu.memory_space<vmem>> -> memref<1x8x2048xf32, #tpu.memory_space<vmem>>
    %dma_start3A_374 = tpu.memref_squeeze %dma_start3A_373 : memref<1x8x2048xf32, #tpu.memory_space<vmem>> -> memref<8x2048xf32, #tpu.memory_space<vmem>>
    %dma_start3A_375 = arith.constant 72 : i32
    %dma_start3A_376 = tpu.memref_slice %arg5[%dma_start3A_375] : memref<256xi32, #tpu.memory_space<vmem>> -> memref<8xi32, #tpu.memory_space<vmem>>
    %dma_start3A_377 = arith.constant 0 : i32
    %dma_start3A_378 = arith.constant 0 : i32
    %dma_start3A_379 = tpu.memref_slice %arg3[%dma_start3A_377, %dma_start3A_378] : memref<32000x2048xf32, #tpu.memory_space<hbm>> -> memref<32000x2048xf32, #tpu.memory_space<hbm>>
    %dma_start3A_380 = tpu.memref_slice %arg7[%dma_start3A_370] : memref<6x!tpu.dma_semaphore, #tpu.memory_space<semaphore_mem>> -> memref<1x!tpu.dma_semaphore, #tpu.memory_space<semaphore_mem>>
    %dma_start3A_381 = tpu.memref_squeeze %dma_start3A_380 : memref<1x!tpu.dma_semaphore, #tpu.memory_space<semaphore_mem>> -> memref<!tpu.dma_semaphore, #tpu.memory_space<semaphore_mem>>
    tpu.enqueue_indirect_dma source(%dma_start3A_379 : memref<32000x2048xf32, #tpu.memory_space<hbm>>) target(%dma_start3A_374 : memref<8x2048xf32, #tpu.memory_space<vmem>>) offsets(%dma_start3A_376 : memref<8xi32, #tpu.memory_space<vmem>>) semaphore(%dma_start3A_381 : memref<!tpu.dma_semaphore, #tpu.memory_space<semaphore_mem>>)
    %dma_wait3A_382 = arith.constant 5 : i32
    %dma_wait3A_383 = arith.constant 5 : i32
    %dma_wait3A_384 = arith.constant 0 : i32
    %dma_wait3A_385 = arith.constant 0 : i32
    %dma_wait3A_386 = tpu.memref_slice %arg6[%dma_wait3A_382, %dma_wait3A_384, %dma_wait3A_385] : memref<6x8x2048xf32, #tpu.memory_space<vmem>> -> memref<1x8x2048xf32, #tpu.memory_space<vmem>>
    %dma_wait3A_387 = tpu.memref_squeeze %dma_wait3A_386 : memref<1x8x2048xf32, #tpu.memory_space<vmem>> -> memref<8x2048xf32, #tpu.memory_space<vmem>>
    %dma_wait3A_388 = arith.constant 40 : i32
    %dma_wait3A_389 = tpu.memref_slice %arg5[%dma_wait3A_388] : memref<256xi32, #tpu.memory_space<vmem>> -> memref<8xi32, #tpu.memory_space<vmem>>
    %dma_wait3A_390 = arith.constant 0 : i32
    %dma_wait3A_391 = arith.constant 0 : i32
    %dma_wait3A_392 = tpu.memref_slice %arg3[%dma_wait3A_390, %dma_wait3A_391] : memref<32000x2048xf32, #tpu.memory_space<hbm>> -> memref<32000x2048xf32, #tpu.memory_space<hbm>>
    %dma_wait3A_393 = tpu.memref_slice %arg7[%dma_wait3A_383] : memref<6x!tpu.dma_semaphore, #tpu.memory_space<semaphore_mem>> -> memref<1x!tpu.dma_semaphore, #tpu.memory_space<semaphore_mem>>
    %dma_wait3A_394 = tpu.memref_squeeze %dma_wait3A_393 : memref<1x!tpu.dma_semaphore, #tpu.memory_space<semaphore_mem>> -> memref<!tpu.dma_semaphore, #tpu.memory_space<semaphore_mem>>
    tpu.wait_indirect_dma semaphore(%dma_wait3A_394 : memref<!tpu.dma_semaphore, #tpu.memory_space<semaphore_mem>>) src(%dma_wait3A_392 : memref<32000x2048xf32, #tpu.memory_space<hbm>>) dst(%dma_wait3A_387 : memref<8x2048xf32, #tpu.memory_space<vmem>>)
    %add3A_395 = arith.constant 40 : i32
    %add3A_396 = arith.addi %mul3A_2, %add3A_395 : i32
    %dma_start3A_397 = arith.constant 5 : i32
    %dma_start3A_398 = arith.constant 5 : i32
    %dma_start3A_399 = arith.constant 0 : i32
    %dma_start3A_400 = arith.constant 0 : i32
    %dma_start3A_401 = tpu.memref_slice %arg6[%dma_start3A_397, %dma_start3A_399, %dma_start3A_400] : memref<6x8x2048xf32, #tpu.memory_space<vmem>> -> memref<1x8x2048xf32, #tpu.memory_space<vmem>>
    %dma_start3A_402 = tpu.memref_squeeze %dma_start3A_401 : memref<1x8x2048xf32, #tpu.memory_space<vmem>> -> memref<8x2048xf32, #tpu.memory_space<vmem>>
    %dma_start3A_403 = arith.constant 0 : i32
    %dma_start3A_404 = tpu.memref_slice %arg4[%add3A_396, %dma_start3A_403] : memref<8192x2048xf32, #tpu.memory_space<hbm>> -> memref<8x2048xf32, #tpu.memory_space<hbm>>
    %dma_start3A_405 = tpu.memref_slice %arg8[%dma_start3A_398] : memref<6x!tpu.dma_semaphore, #tpu.memory_space<semaphore_mem>> -> memref<1x!tpu.dma_semaphore, #tpu.memory_space<semaphore_mem>>
    %dma_start3A_406 = tpu.memref_squeeze %dma_start3A_405 : memref<1x!tpu.dma_semaphore, #tpu.memory_space<semaphore_mem>> -> memref<!tpu.dma_semaphore, #tpu.memory_space<semaphore_mem>>
    %dma_start3A_407 = arith.constant 0 : i32
    %dma_start3A_408 = tpu.memref_slice %arg4[%add3A_396, %dma_start3A_407] : memref<8192x2048xf32, #tpu.memory_space<hbm>> -> memref<8x2048xf32, #tpu.memory_space<hbm>>
    %dma_start3A_409 = arith.constant 0 : i32
    %dma_start3A_410 = arith.constant 0 : i32
    %dma_start3A_411 = tpu.memref_slice %arg6[%dma_start3A_397, %dma_start3A_409, %dma_start3A_410] : memref<6x8x2048xf32, #tpu.memory_space<vmem>> -> memref<1x8x2048xf32, #tpu.memory_space<vmem>>
    %dma_start3A_412 = tpu.memref_squeeze %dma_start3A_411 : memref<1x8x2048xf32, #tpu.memory_space<vmem>> -> memref<8x2048xf32, #tpu.memory_space<vmem>>
    tpu.enqueue_dma source(%dma_start3A_412 : memref<8x2048xf32, #tpu.memory_space<vmem>>) target(%dma_start3A_408 : memref<8x2048xf32, #tpu.memory_space<hbm>>) target_semaphore(%dma_start3A_406 : memref<!tpu.dma_semaphore, #tpu.memory_space<semaphore_mem>>)
    %dma_wait3A_413 = arith.constant 4 : i32
    %dma_wait3A_414 = arith.constant 4 : i32
    %dma_wait3A_415 = arith.constant 0 : i32
    %dma_wait3A_416 = arith.constant 0 : i32
    %dma_wait3A_417 = tpu.memref_slice %arg6[%dma_wait3A_413, %dma_wait3A_415, %dma_wait3A_416] : memref<6x8x2048xf32, #tpu.memory_space<vmem>> -> memref<1x8x2048xf32, #tpu.memory_space<vmem>>
    %dma_wait3A_418 = tpu.memref_squeeze %dma_wait3A_417 : memref<1x8x2048xf32, #tpu.memory_space<vmem>> -> memref<8x2048xf32, #tpu.memory_space<vmem>>
    %dma_wait3A_419 = arith.constant 0 : i32
    %dma_wait3A_420 = tpu.memref_slice %arg4[%add3A_336, %dma_wait3A_419] : memref<8192x2048xf32, #tpu.memory_space<hbm>> -> memref<8x2048xf32, #tpu.memory_space<hbm>>
    %dma_wait3A_421 = tpu.memref_slice %arg8[%dma_wait3A_414] : memref<6x!tpu.dma_semaphore, #tpu.memory_space<semaphore_mem>> -> memref<1x!tpu.dma_semaphore, #tpu.memory_space<semaphore_mem>>
    %dma_wait3A_422 = tpu.memref_squeeze %dma_wait3A_421 : memref<1x!tpu.dma_semaphore, #tpu.memory_space<semaphore_mem>> -> memref<!tpu.dma_semaphore, #tpu.memory_space<semaphore_mem>>
    %dma_wait3A_423 = arith.constant 0 : i32
    %dma_wait3A_424 = tpu.memref_slice %arg4[%add3A_336, %dma_wait3A_423] : memref<8192x2048xf32, #tpu.memory_space<hbm>> -> memref<8x2048xf32, #tpu.memory_space<hbm>>
    %dma_wait3A_425 = arith.constant 0 : i32
    %dma_wait3A_426 = arith.constant 0 : i32
    %dma_wait3A_427 = tpu.memref_slice %arg6[%dma_wait3A_413, %dma_wait3A_425, %dma_wait3A_426] : memref<6x8x2048xf32, #tpu.memory_space<vmem>> -> memref<1x8x2048xf32, #tpu.memory_space<vmem>>
    %dma_wait3A_428 = tpu.memref_squeeze %dma_wait3A_427 : memref<1x8x2048xf32, #tpu.memory_space<vmem>> -> memref<8x2048xf32, #tpu.memory_space<vmem>>
    tpu.wait_dma2 semaphore(%dma_wait3A_422 : memref<!tpu.dma_semaphore, #tpu.memory_space<semaphore_mem>>) src(%dma_wait3A_428 : memref<8x2048xf32, #tpu.memory_space<vmem>>) dst(%dma_wait3A_424 : memref<8x2048xf32, #tpu.memory_space<hbm>>)
    %dma_start3A_429 = arith.constant 4 : i32
    %dma_start3A_430 = arith.constant 4 : i32
    %dma_start3A_431 = arith.constant 0 : i32
    %dma_start3A_432 = arith.constant 0 : i32
    %dma_start3A_433 = tpu.memref_slice %arg6[%dma_start3A_429, %dma_start3A_431, %dma_start3A_432] : memref<6x8x2048xf32, #tpu.memory_space<vmem>> -> memref<1x8x2048xf32, #tpu.memory_space<vmem>>
    %dma_start3A_434 = tpu.memref_squeeze %dma_start3A_433 : memref<1x8x2048xf32, #tpu.memory_space<vmem>> -> memref<8x2048xf32, #tpu.memory_space<vmem>>
    %dma_start3A_435 = arith.constant 80 : i32
    %dma_start3A_436 = tpu.memref_slice %arg5[%dma_start3A_435] : memref<256xi32, #tpu.memory_space<vmem>> -> memref<8xi32, #tpu.memory_space<vmem>>
    %dma_start3A_437 = arith.constant 0 : i32
    %dma_start3A_438 = arith.constant 0 : i32
    %dma_start3A_439 = tpu.memref_slice %arg3[%dma_start3A_437, %dma_start3A_438] : memref<32000x2048xf32, #tpu.memory_space<hbm>> -> memref<32000x2048xf32, #tpu.memory_space<hbm>>
    %dma_start3A_440 = tpu.memref_slice %arg7[%dma_start3A_430] : memref<6x!tpu.dma_semaphore, #tpu.memory_space<semaphore_mem>> -> memref<1x!tpu.dma_semaphore, #tpu.memory_space<semaphore_mem>>
    %dma_start3A_441 = tpu.memref_squeeze %dma_start3A_440 : memref<1x!tpu.dma_semaphore, #tpu.memory_space<semaphore_mem>> -> memref<!tpu.dma_semaphore, #tpu.memory_space<semaphore_mem>>
    tpu.enqueue_indirect_dma source(%dma_start3A_439 : memref<32000x2048xf32, #tpu.memory_space<hbm>>) target(%dma_start3A_434 : memref<8x2048xf32, #tpu.memory_space<vmem>>) offsets(%dma_start3A_436 : memref<8xi32, #tpu.memory_space<vmem>>) semaphore(%dma_start3A_441 : memref<!tpu.dma_semaphore, #tpu.memory_space<semaphore_mem>>)
    %dma_wait3A_442 = arith.constant 0 : i32
    %dma_wait3A_443 = arith.constant 0 : i32
    %dma_wait3A_444 = arith.constant 0 : i32
    %dma_wait3A_445 = arith.constant 0 : i32
    %dma_wait3A_446 = tpu.memref_slice %arg6[%dma_wait3A_442, %dma_wait3A_444, %dma_wait3A_445] : memref<6x8x2048xf32, #tpu.memory_space<vmem>> -> memref<1x8x2048xf32, #tpu.memory_space<vmem>>
    %dma_wait3A_447 = tpu.memref_squeeze %dma_wait3A_446 : memref<1x8x2048xf32, #tpu.memory_space<vmem>> -> memref<8x2048xf32, #tpu.memory_space<vmem>>
    %dma_wait3A_448 = arith.constant 48 : i32
    %dma_wait3A_449 = tpu.memref_slice %arg5[%dma_wait3A_448] : memref<256xi32, #tpu.memory_space<vmem>> -> memref<8xi32, #tpu.memory_space<vmem>>
    %dma_wait3A_450 = arith.constant 0 : i32
    %dma_wait3A_451 = arith.constant 0 : i32
    %dma_wait3A_452 = tpu.memref_slice %arg3[%dma_wait3A_450, %dma_wait3A_451] : memref<32000x2048xf32, #tpu.memory_space<hbm>> -> memref<32000x2048xf32, #tpu.memory_space<hbm>>
    %dma_wait3A_453 = tpu.memref_slice %arg7[%dma_wait3A_443] : memref<6x!tpu.dma_semaphore, #tpu.memory_space<semaphore_mem>> -> memref<1x!tpu.dma_semaphore, #tpu.memory_space<semaphore_mem>>
    %dma_wait3A_454 = tpu.memref_squeeze %dma_wait3A_453 : memref<1x!tpu.dma_semaphore, #tpu.memory_space<semaphore_mem>> -> memref<!tpu.dma_semaphore, #tpu.memory_space<semaphore_mem>>
    tpu.wait_indirect_dma semaphore(%dma_wait3A_454 : memref<!tpu.dma_semaphore, #tpu.memory_space<semaphore_mem>>) src(%dma_wait3A_452 : memref<32000x2048xf32, #tpu.memory_space<hbm>>) dst(%dma_wait3A_447 : memref<8x2048xf32, #tpu.memory_space<vmem>>)
    %add3A_455 = arith.constant 48 : i32
    %add3A_456 = arith.addi %mul3A_2, %add3A_455 : i32
    %dma_start3A_457 = arith.constant 0 : i32
    %dma_start3A_458 = arith.constant 0 : i32
    %dma_start3A_459 = arith.constant 0 : i32
    %dma_start3A_460 = arith.constant 0 : i32
    %dma_start3A_461 = tpu.memref_slice %arg6[%dma_start3A_457, %dma_start3A_459, %dma_start3A_460] : memref<6x8x2048xf32, #tpu.memory_space<vmem>> -> memref<1x8x2048xf32, #tpu.memory_space<vmem>>
    %dma_start3A_462 = tpu.memref_squeeze %dma_start3A_461 : memref<1x8x2048xf32, #tpu.memory_space<vmem>> -> memref<8x2048xf32, #tpu.memory_space<vmem>>
    %dma_start3A_463 = arith.constant 0 : i32
    %dma_start3A_464 = tpu.memref_slice %arg4[%add3A_456, %dma_start3A_463] : memref<8192x2048xf32, #tpu.memory_space<hbm>> -> memref<8x2048xf32, #tpu.memory_space<hbm>>
    %dma_start3A_465 = tpu.memref_slice %arg8[%dma_start3A_458] : memref<6x!tpu.dma_semaphore, #tpu.memory_space<semaphore_mem>> -> memref<1x!tpu.dma_semaphore, #tpu.memory_space<semaphore_mem>>
    %dma_start3A_466 = tpu.memref_squeeze %dma_start3A_465 : memref<1x!tpu.dma_semaphore, #tpu.memory_space<semaphore_mem>> -> memref<!tpu.dma_semaphore, #tpu.memory_space<semaphore_mem>>
    %dma_start3A_467 = arith.constant 0 : i32
    %dma_start3A_468 = tpu.memref_slice %arg4[%add3A_456, %dma_start3A_467] : memref<8192x2048xf32, #tpu.memory_space<hbm>> -> memref<8x2048xf32, #tpu.memory_space<hbm>>
    %dma_start3A_469 = arith.constant 0 : i32
    %dma_start3A_470 = arith.constant 0 : i32
    %dma_start3A_471 = tpu.memref_slice %arg6[%dma_start3A_457, %dma_start3A_469, %dma_start3A_470] : memref<6x8x2048xf32, #tpu.memory_space<vmem>> -> memref<1x8x2048xf32, #tpu.memory_space<vmem>>
    %dma_start3A_472 = tpu.memref_squeeze %dma_start3A_471 : memref<1x8x2048xf32, #tpu.memory_space<vmem>> -> memref<8x2048xf32, #tpu.memory_space<vmem>>
    tpu.enqueue_dma source(%dma_start3A_472 : memref<8x2048xf32, #tpu.memory_space<vmem>>) target(%dma_start3A_468 : memref<8x2048xf32, #tpu.memory_space<hbm>>) target_semaphore(%dma_start3A_466 : memref<!tpu.dma_semaphore, #tpu.memory_space<semaphore_mem>>)
    %dma_wait3A_473 = arith.constant 5 : i32
    %dma_wait3A_474 = arith.constant 5 : i32
    %dma_wait3A_475 = arith.constant 0 : i32
    %dma_wait3A_476 = arith.constant 0 : i32
    %dma_wait3A_477 = tpu.memref_slice %arg6[%dma_wait3A_473, %dma_wait3A_475, %dma_wait3A_476] : memref<6x8x2048xf32, #tpu.memory_space<vmem>> -> memref<1x8x2048xf32, #tpu.memory_space<vmem>>
    %dma_wait3A_478 = tpu.memref_squeeze %dma_wait3A_477 : memref<1x8x2048xf32, #tpu.memory_space<vmem>> -> memref<8x2048xf32, #tpu.memory_space<vmem>>
    %dma_wait3A_479 = arith.constant 0 : i32
    %dma_wait3A_480 = tpu.memref_slice %arg4[%add3A_396, %dma_wait3A_479] : memref<8192x2048xf32, #tpu.memory_space<hbm>> -> memref<8x2048xf32, #tpu.memory_space<hbm>>
    %dma_wait3A_481 = tpu.memref_slice %arg8[%dma_wait3A_474] : memref<6x!tpu.dma_semaphore, #tpu.memory_space<semaphore_mem>> -> memref<1x!tpu.dma_semaphore, #tpu.memory_space<semaphore_mem>>
    %dma_wait3A_482 = tpu.memref_squeeze %dma_wait3A_481 : memref<1x!tpu.dma_semaphore, #tpu.memory_space<semaphore_mem>> -> memref<!tpu.dma_semaphore, #tpu.memory_space<semaphore_mem>>
    %dma_wait3A_483 = arith.constant 0 : i32
    %dma_wait3A_484 = tpu.memref_slice %arg4[%add3A_396, %dma_wait3A_483] : memref<8192x2048xf32, #tpu.memory_space<hbm>> -> memref<8x2048xf32, #tpu.memory_space<hbm>>
    %dma_wait3A_485 = arith.constant 0 : i32
    %dma_wait3A_486 = arith.constant 0 : i32
    %dma_wait3A_487 = tpu.memref_slice %arg6[%dma_wait3A_473, %dma_wait3A_485, %dma_wait3A_486] : memref<6x8x2048xf32, #tpu.memory_space<vmem>> -> memref<1x8x2048xf32, #tpu.memory_space<vmem>>
    %dma_wait3A_488 = tpu.memref_squeeze %dma_wait3A_487 : memref<1x8x2048xf32, #tpu.memory_space<vmem>> -> memref<8x2048xf32, #tpu.memory_space<vmem>>
    tpu.wait_dma2 semaphore(%dma_wait3A_482 : memref<!tpu.dma_semaphore, #tpu.memory_space<semaphore_mem>>) src(%dma_wait3A_488 : memref<8x2048xf32, #tpu.memory_space<vmem>>) dst(%dma_wait3A_484 : memref<8x2048xf32, #tpu.memory_space<hbm>>)
    %dma_start3A_489 = arith.constant 5 : i32
    %dma_start3A_490 = arith.constant 5 : i32
    %dma_start3A_491 = arith.constant 0 : i32
    %dma_start3A_492 = arith.constant 0 : i32
    %dma_start3A_493 = tpu.memref_slice %arg6[%dma_start3A_489, %dma_start3A_491, %dma_start3A_492] : memref<6x8x2048xf32, #tpu.memory_space<vmem>> -> memref<1x8x2048xf32, #tpu.memory_space<vmem>>
    %dma_start3A_494 = tpu.memref_squeeze %dma_start3A_493 : memref<1x8x2048xf32, #tpu.memory_space<vmem>> -> memref<8x2048xf32, #tpu.memory_space<vmem>>
    %dma_start3A_495 = arith.constant 88 : i32
    %dma_start3A_496 = tpu.memref_slice %arg5[%dma_start3A_495] : memref<256xi32, #tpu.memory_space<vmem>> -> memref<8xi32, #tpu.memory_space<vmem>>
    %dma_start3A_497 = arith.constant 0 : i32
    %dma_start3A_498 = arith.constant 0 : i32
    %dma_start3A_499 = tpu.memref_slice %arg3[%dma_start3A_497, %dma_start3A_498] : memref<32000x2048xf32, #tpu.memory_space<hbm>> -> memref<32000x2048xf32, #tpu.memory_space<hbm>>
    %dma_start3A_500 = tpu.memref_slice %arg7[%dma_start3A_490] : memref<6x!tpu.dma_semaphore, #tpu.memory_space<semaphore_mem>> -> memref<1x!tpu.dma_semaphore, #tpu.memory_space<semaphore_mem>>
    %dma_start3A_501 = tpu.memref_squeeze %dma_start3A_500 : memref<1x!tpu.dma_semaphore, #tpu.memory_space<semaphore_mem>> -> memref<!tpu.dma_semaphore, #tpu.memory_space<semaphore_mem>>
    tpu.enqueue_indirect_dma source(%dma_start3A_499 : memref<32000x2048xf32, #tpu.memory_space<hbm>>) target(%dma_start3A_494 : memref<8x2048xf32, #tpu.memory_space<vmem>>) offsets(%dma_start3A_496 : memref<8xi32, #tpu.memory_space<vmem>>) semaphore(%dma_start3A_501 : memref<!tpu.dma_semaphore, #tpu.memory_space<semaphore_mem>>)
    %dma_wait3A_502 = arith.constant 1 : i32
    %dma_wait3A_503 = arith.constant 1 : i32
    %dma_wait3A_504 = arith.constant 0 : i32
    %dma_wait3A_505 = arith.constant 0 : i32
    %dma_wait3A_506 = tpu.memref_slice %arg6[%dma_wait3A_502, %dma_wait3A_504, %dma_wait3A_505] : memref<6x8x2048xf32, #tpu.memory_space<vmem>> -> memref<1x8x2048xf32, #tpu.memory_space<vmem>>
    %dma_wait3A_507 = tpu.memref_squeeze %dma_wait3A_506 : memref<1x8x2048xf32, #tpu.memory_space<vmem>> -> memref<8x2048xf32, #tpu.memory_space<vmem>>
    %dma_wait3A_508 = arith.constant 56 : i32
    %dma_wait3A_509 = tpu.memref_slice %arg5[%dma_wait3A_508] : memref<256xi32, #tpu.memory_space<vmem>> -> memref<8xi32, #tpu.memory_space<vmem>>
    %dma_wait3A_510 = arith.constant 0 : i32
    %dma_wait3A_511 = arith.constant 0 : i32
    %dma_wait3A_512 = tpu.memref_slice %arg3[%dma_wait3A_510, %dma_wait3A_511] : memref<32000x2048xf32, #tpu.memory_space<hbm>> -> memref<32000x2048xf32, #tpu.memory_space<hbm>>
    %dma_wait3A_513 = tpu.memref_slice %arg7[%dma_wait3A_503] : memref<6x!tpu.dma_semaphore, #tpu.memory_space<semaphore_mem>> -> memref<1x!tpu.dma_semaphore, #tpu.memory_space<semaphore_mem>>
    %dma_wait3A_514 = tpu.memref_squeeze %dma_wait3A_513 : memref<1x!tpu.dma_semaphore, #tpu.memory_space<semaphore_mem>> -> memref<!tpu.dma_semaphore, #tpu.memory_space<semaphore_mem>>
    tpu.wait_indirect_dma semaphore(%dma_wait3A_514 : memref<!tpu.dma_semaphore, #tpu.memory_space<semaphore_mem>>) src(%dma_wait3A_512 : memref<32000x2048xf32, #tpu.memory_space<hbm>>) dst(%dma_wait3A_507 : memref<8x2048xf32, #tpu.memory_space<vmem>>)
    %add3A_515 = arith.constant 56 : i32
    %add3A_516 = arith.addi %mul3A_2, %add3A_515 : i32
    %dma_start3A_517 = arith.constant 1 : i32
    %dma_start3A_518 = arith.constant 1 : i32
    %dma_start3A_519 = arith.constant 0 : i32
    %dma_start3A_520 = arith.constant 0 : i32
    %dma_start3A_521 = tpu.memref_slice %arg6[%dma_start3A_517, %dma_start3A_519, %dma_start3A_520] : memref<6x8x2048xf32, #tpu.memory_space<vmem>> -> memref<1x8x2048xf32, #tpu.memory_space<vmem>>
    %dma_start3A_522 = tpu.memref_squeeze %dma_start3A_521 : memref<1x8x2048xf32, #tpu.memory_space<vmem>> -> memref<8x2048xf32, #tpu.memory_space<vmem>>
    %dma_start3A_523 = arith.constant 0 : i32
    %dma_start3A_524 = tpu.memref_slice %arg4[%add3A_516, %dma_start3A_523] : memref<8192x2048xf32, #tpu.memory_space<hbm>> -> memref<8x2048xf32, #tpu.memory_space<hbm>>
    %dma_start3A_525 = tpu.memref_slice %arg8[%dma_start3A_518] : memref<6x!tpu.dma_semaphore, #tpu.memory_space<semaphore_mem>> -> memref<1x!tpu.dma_semaphore, #tpu.memory_space<semaphore_mem>>
    %dma_start3A_526 = tpu.memref_squeeze %dma_start3A_525 : memref<1x!tpu.dma_semaphore, #tpu.memory_space<semaphore_mem>> -> memref<!tpu.dma_semaphore, #tpu.memory_space<semaphore_mem>>
    %dma_start3A_527 = arith.constant 0 : i32
    %dma_start3A_528 = tpu.memref_slice %arg4[%add3A_516, %dma_start3A_527] : memref<8192x2048xf32, #tpu.memory_space<hbm>> -> memref<8x2048xf32, #tpu.memory_space<hbm>>
    %dma_start3A_529 = arith.constant 0 : i32
    %dma_start3A_530 = arith.constant 0 : i32
    %dma_start3A_531 = tpu.memref_slice %arg6[%dma_start3A_517, %dma_start3A_529, %dma_start3A_530] : memref<6x8x2048xf32, #tpu.memory_space<vmem>> -> memref<1x8x2048xf32, #tpu.memory_space<vmem>>
    %dma_start3A_532 = tpu.memref_squeeze %dma_start3A_531 : memref<1x8x2048xf32, #tpu.memory_space<vmem>> -> memref<8x2048xf32, #tpu.memory_space<vmem>>
    tpu.enqueue_dma source(%dma_start3A_532 : memref<8x2048xf32, #tpu.memory_space<vmem>>) target(%dma_start3A_528 : memref<8x2048xf32, #tpu.memory_space<hbm>>) target_semaphore(%dma_start3A_526 : memref<!tpu.dma_semaphore, #tpu.memory_space<semaphore_mem>>)
    %dma_wait3A_533 = arith.constant 0 : i32
    %dma_wait3A_534 = arith.constant 0 : i32
    %dma_wait3A_535 = arith.constant 0 : i32
    %dma_wait3A_536 = arith.constant 0 : i32
    %dma_wait3A_537 = tpu.memref_slice %arg6[%dma_wait3A_533, %dma_wait3A_535, %dma_wait3A_536] : memref<6x8x2048xf32, #tpu.memory_space<vmem>> -> memref<1x8x2048xf32, #tpu.memory_space<vmem>>
    %dma_wait3A_538 = tpu.memref_squeeze %dma_wait3A_537 : memref<1x8x2048xf32, #tpu.memory_space<vmem>> -> memref<8x2048xf32, #tpu.memory_space<vmem>>
    %dma_wait3A_539 = arith.constant 0 : i32
    %dma_wait3A_540 = tpu.memref_slice %arg4[%add3A_456, %dma_wait3A_539] : memref<8192x2048xf32, #tpu.memory_space<hbm>> -> memref<8x2048xf32, #tpu.memory_space<hbm>>
    %dma_wait3A_541 = tpu.memref_slice %arg8[%dma_wait3A_534] : memref<6x!tpu.dma_semaphore, #tpu.memory_space<semaphore_mem>> -> memref<1x!tpu.dma_semaphore, #tpu.memory_space<semaphore_mem>>
    %dma_wait3A_542 = tpu.memref_squeeze %dma_wait3A_541 : memref<1x!tpu.dma_semaphore, #tpu.memory_space<semaphore_mem>> -> memref<!tpu.dma_semaphore, #tpu.memory_space<semaphore_mem>>
    %dma_wait3A_543 = arith.constant 0 : i32
    %dma_wait3A_544 = tpu.memref_slice %arg4[%add3A_456, %dma_wait3A_543] : memref<8192x2048xf32, #tpu.memory_space<hbm>> -> memref<8x2048xf32, #tpu.memory_space<hbm>>
    %dma_wait3A_545 = arith.constant 0 : i32
    %dma_wait3A_546 = arith.constant 0 : i32
    %dma_wait3A_547 = tpu.memref_slice %arg6[%dma_wait3A_533, %dma_wait3A_545, %dma_wait3A_546] : memref<6x8x2048xf32, #tpu.memory_space<vmem>> -> memref<1x8x2048xf32, #tpu.memory_space<vmem>>
    %dma_wait3A_548 = tpu.memref_squeeze %dma_wait3A_547 : memref<1x8x2048xf32, #tpu.memory_space<vmem>> -> memref<8x2048xf32, #tpu.memory_space<vmem>>
    tpu.wait_dma2 semaphore(%dma_wait3A_542 : memref<!tpu.dma_semaphore, #tpu.memory_space<semaphore_mem>>) src(%dma_wait3A_548 : memref<8x2048xf32, #tpu.memory_space<vmem>>) dst(%dma_wait3A_544 : memref<8x2048xf32, #tpu.memory_space<hbm>>)
    %dma_start3A_549 = arith.constant 0 : i32
    %dma_start3A_550 = arith.constant 0 : i32
    %dma_start3A_551 = arith.constant 0 : i32
    %dma_start3A_552 = arith.constant 0 : i32
    %dma_start3A_553 = tpu.memref_slice %arg6[%dma_start3A_549, %dma_start3A_551, %dma_start3A_552] : memref<6x8x2048xf32, #tpu.memory_space<vmem>> -> memref<1x8x2048xf32, #tpu.memory_space<vmem>>
    %dma_start3A_554 = tpu.memref_squeeze %dma_start3A_553 : memref<1x8x2048xf32, #tpu.memory_space<vmem>> -> memref<8x2048xf32, #tpu.memory_space<vmem>>
    %dma_start3A_555 = arith.constant 96 : i32
    %dma_start3A_556 = tpu.memref_slice %arg5[%dma_start3A_555] : memref<256xi32, #tpu.memory_space<vmem>> -> memref<8xi32, #tpu.memory_space<vmem>>
    %dma_start3A_557 = arith.constant 0 : i32
    %dma_start3A_558 = arith.constant 0 : i32
    %dma_start3A_559 = tpu.memref_slice %arg3[%dma_start3A_557, %dma_start3A_558] : memref<32000x2048xf32, #tpu.memory_space<hbm>> -> memref<32000x2048xf32, #tpu.memory_space<hbm>>
    %dma_start3A_560 = tpu.memref_slice %arg7[%dma_start3A_550] : memref<6x!tpu.dma_semaphore, #tpu.memory_space<semaphore_mem>> -> memref<1x!tpu.dma_semaphore, #tpu.memory_space<semaphore_mem>>
    %dma_start3A_561 = tpu.memref_squeeze %dma_start3A_560 : memref<1x!tpu.dma_semaphore, #tpu.memory_space<semaphore_mem>> -> memref<!tpu.dma_semaphore, #tpu.memory_space<semaphore_mem>>
    tpu.enqueue_indirect_dma source(%dma_start3A_559 : memref<32000x2048xf32, #tpu.memory_space<hbm>>) target(%dma_start3A_554 : memref<8x2048xf32, #tpu.memory_space<vmem>>) offsets(%dma_start3A_556 : memref<8xi32, #tpu.memory_space<vmem>>) semaphore(%dma_start3A_561 : memref<!tpu.dma_semaphore, #tpu.memory_space<semaphore_mem>>)
    %dma_wait3A_562 = arith.constant 2 : i32
    %dma_wait3A_563 = arith.constant 2 : i32
    %dma_wait3A_564 = arith.constant 0 : i32
    %dma_wait3A_565 = arith.constant 0 : i32
    %dma_wait3A_566 = tpu.memref_slice %arg6[%dma_wait3A_562, %dma_wait3A_564, %dma_wait3A_565] : memref<6x8x2048xf32, #tpu.memory_space<vmem>> -> memref<1x8x2048xf32, #tpu.memory_space<vmem>>
    %dma_wait3A_567 = tpu.memref_squeeze %dma_wait3A_566 : memref<1x8x2048xf32, #tpu.memory_space<vmem>> -> memref<8x2048xf32, #tpu.memory_space<vmem>>
    %dma_wait3A_568 = arith.constant 64 : i32
    %dma_wait3A_569 = tpu.memref_slice %arg5[%dma_wait3A_568] : memref<256xi32, #tpu.memory_space<vmem>> -> memref<8xi32, #tpu.memory_space<vmem>>
    %dma_wait3A_570 = arith.constant 0 : i32
    %dma_wait3A_571 = arith.constant 0 : i32
    %dma_wait3A_572 = tpu.memref_slice %arg3[%dma_wait3A_570, %dma_wait3A_571] : memref<32000x2048xf32, #tpu.memory_space<hbm>> -> memref<32000x2048xf32, #tpu.memory_space<hbm>>
    %dma_wait3A_573 = tpu.memref_slice %arg7[%dma_wait3A_563] : memref<6x!tpu.dma_semaphore, #tpu.memory_space<semaphore_mem>> -> memref<1x!tpu.dma_semaphore, #tpu.memory_space<semaphore_mem>>
    %dma_wait3A_574 = tpu.memref_squeeze %dma_wait3A_573 : memref<1x!tpu.dma_semaphore, #tpu.memory_space<semaphore_mem>> -> memref<!tpu.dma_semaphore, #tpu.memory_space<semaphore_mem>>
    tpu.wait_indirect_dma semaphore(%dma_wait3A_574 : memref<!tpu.dma_semaphore, #tpu.memory_space<semaphore_mem>>) src(%dma_wait3A_572 : memref<32000x2048xf32, #tpu.memory_space<hbm>>) dst(%dma_wait3A_567 : memref<8x2048xf32, #tpu.memory_space<vmem>>)
    %add3A_575 = arith.constant 64 : i32
    %add3A_576 = arith.addi %mul3A_2, %add3A_575 : i32
    %dma_start3A_577 = arith.constant 2 : i32
    %dma_start3A_578 = arith.constant 2 : i32
    %dma_start3A_579 = arith.constant 0 : i32
    %dma_start3A_580 = arith.constant 0 : i32
    %dma_start3A_581 = tpu.memref_slice %arg6[%dma_start3A_577, %dma_start3A_579, %dma_start3A_580] : memref<6x8x2048xf32, #tpu.memory_space<vmem>> -> memref<1x8x2048xf32, #tpu.memory_space<vmem>>
    %dma_start3A_582 = tpu.memref_squeeze %dma_start3A_581 : memref<1x8x2048xf32, #tpu.memory_space<vmem>> -> memref<8x2048xf32, #tpu.memory_space<vmem>>
    %dma_start3A_583 = arith.constant 0 : i32
    %dma_start3A_584 = tpu.memref_slice %arg4[%add3A_576, %dma_start3A_583] : memref<8192x2048xf32, #tpu.memory_space<hbm>> -> memref<8x2048xf32, #tpu.memory_space<hbm>>
    %dma_start3A_585 = tpu.memref_slice %arg8[%dma_start3A_578] : memref<6x!tpu.dma_semaphore, #tpu.memory_space<semaphore_mem>> -> memref<1x!tpu.dma_semaphore, #tpu.memory_space<semaphore_mem>>
    %dma_start3A_586 = tpu.memref_squeeze %dma_start3A_585 : memref<1x!tpu.dma_semaphore, #tpu.memory_space<semaphore_mem>> -> memref<!tpu.dma_semaphore, #tpu.memory_space<semaphore_mem>>
    %dma_start3A_587 = arith.constant 0 : i32
    %dma_start3A_588 = tpu.memref_slice %arg4[%add3A_576, %dma_start3A_587] : memref<8192x2048xf32, #tpu.memory_space<hbm>> -> memref<8x2048xf32, #tpu.memory_space<hbm>>
    %dma_start3A_589 = arith.constant 0 : i32
    %dma_start3A_590 = arith.constant 0 : i32
    %dma_start3A_591 = tpu.memref_slice %arg6[%dma_start3A_577, %dma_start3A_589, %dma_start3A_590] : memref<6x8x2048xf32, #tpu.memory_space<vmem>> -> memref<1x8x2048xf32, #tpu.memory_space<vmem>>
    %dma_start3A_592 = tpu.memref_squeeze %dma_start3A_591 : memref<1x8x2048xf32, #tpu.memory_space<vmem>> -> memref<8x2048xf32, #tpu.memory_space<vmem>>
    tpu.enqueue_dma source(%dma_start3A_592 : memref<8x2048xf32, #tpu.memory_space<vmem>>) target(%dma_start3A_588 : memref<8x2048xf32, #tpu.memory_space<hbm>>) target_semaphore(%dma_start3A_586 : memref<!tpu.dma_semaphore, #tpu.memory_space<semaphore_mem>>)
    %dma_wait3A_593 = arith.constant 1 : i32
    %dma_wait3A_594 = arith.constant 1 : i32
    %dma_wait3A_595 = arith.constant 0 : i32
    %dma_wait3A_596 = arith.constant 0 : i32
    %dma_wait3A_597 = tpu.memref_slice %arg6[%dma_wait3A_593, %dma_wait3A_595, %dma_wait3A_596] : memref<6x8x2048xf32, #tpu.memory_space<vmem>> -> memref<1x8x2048xf32, #tpu.memory_space<vmem>>
    %dma_wait3A_598 = tpu.memref_squeeze %dma_wait3A_597 : memref<1x8x2048xf32, #tpu.memory_space<vmem>> -> memref<8x2048xf32, #tpu.memory_space<vmem>>
    %dma_wait3A_599 = arith.constant 0 : i32
    %dma_wait3A_600 = tpu.memref_slice %arg4[%add3A_516, %dma_wait3A_599] : memref<8192x2048xf32, #tpu.memory_space<hbm>> -> memref<8x2048xf32, #tpu.memory_space<hbm>>
    %dma_wait3A_601 = tpu.memref_slice %arg8[%dma_wait3A_594] : memref<6x!tpu.dma_semaphore, #tpu.memory_space<semaphore_mem>> -> memref<1x!tpu.dma_semaphore, #tpu.memory_space<semaphore_mem>>
    %dma_wait3A_602 = tpu.memref_squeeze %dma_wait3A_601 : memref<1x!tpu.dma_semaphore, #tpu.memory_space<semaphore_mem>> -> memref<!tpu.dma_semaphore, #tpu.memory_space<semaphore_mem>>
    %dma_wait3A_603 = arith.constant 0 : i32
    %dma_wait3A_604 = tpu.memref_slice %arg4[%add3A_516, %dma_wait3A_603] : memref<8192x2048xf32, #tpu.memory_space<hbm>> -> memref<8x2048xf32, #tpu.memory_space<hbm>>
    %dma_wait3A_605 = arith.constant 0 : i32
    %dma_wait3A_606 = arith.constant 0 : i32
    %dma_wait3A_607 = tpu.memref_slice %arg6[%dma_wait3A_593, %dma_wait3A_605, %dma_wait3A_606] : memref<6x8x2048xf32, #tpu.memory_space<vmem>> -> memref<1x8x2048xf32, #tpu.memory_space<vmem>>
    %dma_wait3A_608 = tpu.memref_squeeze %dma_wait3A_607 : memref<1x8x2048xf32, #tpu.memory_space<vmem>> -> memref<8x2048xf32, #tpu.memory_space<vmem>>
    tpu.wait_dma2 semaphore(%dma_wait3A_602 : memref<!tpu.dma_semaphore, #tpu.memory_space<semaphore_mem>>) src(%dma_wait3A_608 : memref<8x2048xf32, #tpu.memory_space<vmem>>) dst(%dma_wait3A_604 : memref<8x2048xf32, #tpu.memory_space<hbm>>)
    %dma_start3A_609 = arith.constant 1 : i32
    %dma_start3A_610 = arith.constant 1 : i32
    %dma_start3A_611 = arith.constant 0 : i32
    %dma_start3A_612 = arith.constant 0 : i32
    %dma_start3A_613 = tpu.memref_slice %arg6[%dma_start3A_609, %dma_start3A_611, %dma_start3A_612] : memref<6x8x2048xf32, #tpu.memory_space<vmem>> -> memref<1x8x2048xf32, #tpu.memory_space<vmem>>
    %dma_start3A_614 = tpu.memref_squeeze %dma_start3A_613 : memref<1x8x2048xf32, #tpu.memory_space<vmem>> -> memref<8x2048xf32, #tpu.memory_space<vmem>>
    %dma_start3A_615 = arith.constant 104 : i32
    %dma_start3A_616 = tpu.memref_slice %arg5[%dma_start3A_615] : memref<256xi32, #tpu.memory_space<vmem>> -> memref<8xi32, #tpu.memory_space<vmem>>
    %dma_start3A_617 = arith.constant 0 : i32
    %dma_start3A_618 = arith.constant 0 : i32
    %dma_start3A_619 = tpu.memref_slice %arg3[%dma_start3A_617, %dma_start3A_618] : memref<32000x2048xf32, #tpu.memory_space<hbm>> -> memref<32000x2048xf32, #tpu.memory_space<hbm>>
    %dma_start3A_620 = tpu.memref_slice %arg7[%dma_start3A_610] : memref<6x!tpu.dma_semaphore, #tpu.memory_space<semaphore_mem>> -> memref<1x!tpu.dma_semaphore, #tpu.memory_space<semaphore_mem>>
    %dma_start3A_621 = tpu.memref_squeeze %dma_start3A_620 : memref<1x!tpu.dma_semaphore, #tpu.memory_space<semaphore_mem>> -> memref<!tpu.dma_semaphore, #tpu.memory_space<semaphore_mem>>
    tpu.enqueue_indirect_dma source(%dma_start3A_619 : memref<32000x2048xf32, #tpu.memory_space<hbm>>) target(%dma_start3A_614 : memref<8x2048xf32, #tpu.memory_space<vmem>>) offsets(%dma_start3A_616 : memref<8xi32, #tpu.memory_space<vmem>>) semaphore(%dma_start3A_621 : memref<!tpu.dma_semaphore, #tpu.memory_space<semaphore_mem>>)
    %dma_wait3A_622 = arith.constant 3 : i32
    %dma_wait3A_623 = arith.constant 3 : i32
    %dma_wait3A_624 = arith.constant 0 : i32
    %dma_wait3A_625 = arith.constant 0 : i32
    %dma_wait3A_626 = tpu.memref_slice %arg6[%dma_wait3A_622, %dma_wait3A_624, %dma_wait3A_625] : memref<6x8x2048xf32, #tpu.memory_space<vmem>> -> memref<1x8x2048xf32, #tpu.memory_space<vmem>>
    %dma_wait3A_627 = tpu.memref_squeeze %dma_wait3A_626 : memref<1x8x2048xf32, #tpu.memory_space<vmem>> -> memref<8x2048xf32, #tpu.memory_space<vmem>>
    %dma_wait3A_628 = arith.constant 72 : i32
    %dma_wait3A_629 = tpu.memref_slice %arg5[%dma_wait3A_628] : memref<256xi32, #tpu.memory_space<vmem>> -> memref<8xi32, #tpu.memory_space<vmem>>
    %dma_wait3A_630 = arith.constant 0 : i32
    %dma_wait3A_631 = arith.constant 0 : i32
    %dma_wait3A_632 = tpu.memref_slice %arg3[%dma_wait3A_630, %dma_wait3A_631] : memref<32000x2048xf32, #tpu.memory_space<hbm>> -> memref<32000x2048xf32, #tpu.memory_space<hbm>>
    %dma_wait3A_633 = tpu.memref_slice %arg7[%dma_wait3A_623] : memref<6x!tpu.dma_semaphore, #tpu.memory_space<semaphore_mem>> -> memref<1x!tpu.dma_semaphore, #tpu.memory_space<semaphore_mem>>
    %dma_wait3A_634 = tpu.memref_squeeze %dma_wait3A_633 : memref<1x!tpu.dma_semaphore, #tpu.memory_space<semaphore_mem>> -> memref<!tpu.dma_semaphore, #tpu.memory_space<semaphore_mem>>
    tpu.wait_indirect_dma semaphore(%dma_wait3A_634 : memref<!tpu.dma_semaphore, #tpu.memory_space<semaphore_mem>>) src(%dma_wait3A_632 : memref<32000x2048xf32, #tpu.memory_space<hbm>>) dst(%dma_wait3A_627 : memref<8x2048xf32, #tpu.memory_space<vmem>>)
    %add3A_635 = arith.constant 72 : i32
    %add3A_636 = arith.addi %mul3A_2, %add3A_635 : i32
    %dma_start3A_637 = arith.constant 3 : i32
    %dma_start3A_638 = arith.constant 3 : i32
    %dma_start3A_639 = arith.constant 0 : i32
    %dma_start3A_640 = arith.constant 0 : i32
    %dma_start3A_641 = tpu.memref_slice %arg6[%dma_start3A_637, %dma_start3A_639, %dma_start3A_640] : memref<6x8x2048xf32, #tpu.memory_space<vmem>> -> memref<1x8x2048xf32, #tpu.memory_space<vmem>>
    %dma_start3A_642 = tpu.memref_squeeze %dma_start3A_641 : memref<1x8x2048xf32, #tpu.memory_space<vmem>> -> memref<8x2048xf32, #tpu.memory_space<vmem>>
    %dma_start3A_643 = arith.constant 0 : i32
    %dma_start3A_644 = tpu.memref_slice %arg4[%add3A_636, %dma_start3A_643] : memref<8192x2048xf32, #tpu.memory_space<hbm>> -> memref<8x2048xf32, #tpu.memory_space<hbm>>
    %dma_start3A_645 = tpu.memref_slice %arg8[%dma_start3A_638] : memref<6x!tpu.dma_semaphore, #tpu.memory_space<semaphore_mem>> -> memref<1x!tpu.dma_semaphore, #tpu.memory_space<semaphore_mem>>
    %dma_start3A_646 = tpu.memref_squeeze %dma_start3A_645 : memref<1x!tpu.dma_semaphore, #tpu.memory_space<semaphore_mem>> -> memref<!tpu.dma_semaphore, #tpu.memory_space<semaphore_mem>>
    %dma_start3A_647 = arith.constant 0 : i32
    %dma_start3A_648 = tpu.memref_slice %arg4[%add3A_636, %dma_start3A_647] : memref<8192x2048xf32, #tpu.memory_space<hbm>> -> memref<8x2048xf32, #tpu.memory_space<hbm>>
    %dma_start3A_649 = arith.constant 0 : i32
    %dma_start3A_650 = arith.constant 0 : i32
    %dma_start3A_651 = tpu.memref_slice %arg6[%dma_start3A_637, %dma_start3A_649, %dma_start3A_650] : memref<6x8x2048xf32, #tpu.memory_space<vmem>> -> memref<1x8x2048xf32, #tpu.memory_space<vmem>>
    %dma_start3A_652 = tpu.memref_squeeze %dma_start3A_651 : memref<1x8x2048xf32, #tpu.memory_space<vmem>> -> memref<8x2048xf32, #tpu.memory_space<vmem>>
    tpu.enqueue_dma source(%dma_start3A_652 : memref<8x2048xf32, #tpu.memory_space<vmem>>) target(%dma_start3A_648 : memref<8x2048xf32, #tpu.memory_space<hbm>>) target_semaphore(%dma_start3A_646 : memref<!tpu.dma_semaphore, #tpu.memory_space<semaphore_mem>>)
    %dma_wait3A_653 = arith.constant 2 : i32
    %dma_wait3A_654 = arith.constant 2 : i32
    %dma_wait3A_655 = arith.constant 0 : i32
    %dma_wait3A_656 = arith.constant 0 : i32
    %dma_wait3A_657 = tpu.memref_slice %arg6[%dma_wait3A_653, %dma_wait3A_655, %dma_wait3A_656] : memref<6x8x2048xf32, #tpu.memory_space<vmem>> -> memref<1x8x2048xf32, #tpu.memory_space<vmem>>
    %dma_wait3A_658 = tpu.memref_squeeze %dma_wait3A_657 : memref<1x8x2048xf32, #tpu.memory_space<vmem>> -> memref<8x2048xf32, #tpu.memory_space<vmem>>
    %dma_wait3A_659 = arith.constant 0 : i32
    %dma_wait3A_660 = tpu.memref_slice %arg4[%add3A_576, %dma_wait3A_659] : memref<8192x2048xf32, #tpu.memory_space<hbm>> -> memref<8x2048xf32, #tpu.memory_space<hbm>>
    %dma_wait3A_661 = tpu.memref_slice %arg8[%dma_wait3A_654] : memref<6x!tpu.dma_semaphore, #tpu.memory_space<semaphore_mem>> -> memref<1x!tpu.dma_semaphore, #tpu.memory_space<semaphore_mem>>
    %dma_wait3A_662 = tpu.memref_squeeze %dma_wait3A_661 : memref<1x!tpu.dma_semaphore, #tpu.memory_space<semaphore_mem>> -> memref<!tpu.dma_semaphore, #tpu.memory_space<semaphore_mem>>
    %dma_wait3A_663 = arith.constant 0 : i32
    %dma_wait3A_664 = tpu.memref_slice %arg4[%add3A_576, %dma_wait3A_663] : memref<8192x2048xf32, #tpu.memory_space<hbm>> -> memref<8x2048xf32, #tpu.memory_space<hbm>>
    %dma_wait3A_665 = arith.constant 0 : i32
    %dma_wait3A_666 = arith.constant 0 : i32
    %dma_wait3A_667 = tpu.memref_slice %arg6[%dma_wait3A_653, %dma_wait3A_665, %dma_wait3A_666] : memref<6x8x2048xf32, #tpu.memory_space<vmem>> -> memref<1x8x2048xf32, #tpu.memory_space<vmem>>
    %dma_wait3A_668 = tpu.memref_squeeze %dma_wait3A_667 : memref<1x8x2048xf32, #tpu.memory_space<vmem>> -> memref<8x2048xf32, #tpu.memory_space<vmem>>
    tpu.wait_dma2 semaphore(%dma_wait3A_662 : memref<!tpu.dma_semaphore, #tpu.memory_space<semaphore_mem>>) src(%dma_wait3A_668 : memref<8x2048xf32, #tpu.memory_space<vmem>>) dst(%dma_wait3A_664 : memref<8x2048xf32, #tpu.memory_space<hbm>>)
    %dma_start3A_669 = arith.constant 2 : i32
    %dma_start3A_670 = arith.constant 2 : i32
    %dma_start3A_671 = arith.constant 0 : i32
    %dma_start3A_672 = arith.constant 0 : i32
    %dma_start3A_673 = tpu.memref_slice %arg6[%dma_start3A_669, %dma_start3A_671, %dma_start3A_672] : memref<6x8x2048xf32, #tpu.memory_space<vmem>> -> memref<1x8x2048xf32, #tpu.memory_space<vmem>>
    %dma_start3A_674 = tpu.memref_squeeze %dma_start3A_673 : memref<1x8x2048xf32, #tpu.memory_space<vmem>> -> memref<8x2048xf32, #tpu.memory_space<vmem>>
    %dma_start3A_675 = arith.constant 112 : i32
    %dma_start3A_676 = tpu.memref_slice %arg5[%dma_start3A_675] : memref<256xi32, #tpu.memory_space<vmem>> -> memref<8xi32, #tpu.memory_space<vmem>>
    %dma_start3A_677 = arith.constant 0 : i32
    %dma_start3A_678 = arith.constant 0 : i32
    %dma_start3A_679 = tpu.memref_slice %arg3[%dma_start3A_677, %dma_start3A_678] : memref<32000x2048xf32, #tpu.memory_space<hbm>> -> memref<32000x2048xf32, #tpu.memory_space<hbm>>
    %dma_start3A_680 = tpu.memref_slice %arg7[%dma_start3A_670] : memref<6x!tpu.dma_semaphore, #tpu.memory_space<semaphore_mem>> -> memref<1x!tpu.dma_semaphore, #tpu.memory_space<semaphore_mem>>
    %dma_start3A_681 = tpu.memref_squeeze %dma_start3A_680 : memref<1x!tpu.dma_semaphore, #tpu.memory_space<semaphore_mem>> -> memref<!tpu.dma_semaphore, #tpu.memory_space<semaphore_mem>>
    tpu.enqueue_indirect_dma source(%dma_start3A_679 : memref<32000x2048xf32, #tpu.memory_space<hbm>>) target(%dma_start3A_674 : memref<8x2048xf32, #tpu.memory_space<vmem>>) offsets(%dma_start3A_676 : memref<8xi32, #tpu.memory_space<vmem>>) semaphore(%dma_start3A_681 : memref<!tpu.dma_semaphore, #tpu.memory_space<semaphore_mem>>)
    %dma_wait3A_682 = arith.constant 4 : i32
    %dma_wait3A_683 = arith.constant 4 : i32
    %dma_wait3A_684 = arith.constant 0 : i32
    %dma_wait3A_685 = arith.constant 0 : i32
    %dma_wait3A_686 = tpu.memref_slice %arg6[%dma_wait3A_682, %dma_wait3A_684, %dma_wait3A_685] : memref<6x8x2048xf32, #tpu.memory_space<vmem>> -> memref<1x8x2048xf32, #tpu.memory_space<vmem>>
    %dma_wait3A_687 = tpu.memref_squeeze %dma_wait3A_686 : memref<1x8x2048xf32, #tpu.memory_space<vmem>> -> memref<8x2048xf32, #tpu.memory_space<vmem>>
    %dma_wait3A_688 = arith.constant 80 : i32
    %dma_wait3A_689 = tpu.memref_slice %arg5[%dma_wait3A_688] : memref<256xi32, #tpu.memory_space<vmem>> -> memref<8xi32, #tpu.memory_space<vmem>>
    %dma_wait3A_690 = arith.constant 0 : i32
    %dma_wait3A_691 = arith.constant 0 : i32
    %dma_wait3A_692 = tpu.memref_slice %arg3[%dma_wait3A_690, %dma_wait3A_691] : memref<32000x2048xf32, #tpu.memory_space<hbm>> -> memref<32000x2048xf32, #tpu.memory_space<hbm>>
    %dma_wait3A_693 = tpu.memref_slice %arg7[%dma_wait3A_683] : memref<6x!tpu.dma_semaphore, #tpu.memory_space<semaphore_mem>> -> memref<1x!tpu.dma_semaphore, #tpu.memory_space<semaphore_mem>>
    %dma_wait3A_694 = tpu.memref_squeeze %dma_wait3A_693 : memref<1x!tpu.dma_semaphore, #tpu.memory_space<semaphore_mem>> -> memref<!tpu.dma_semaphore, #tpu.memory_space<semaphore_mem>>
    tpu.wait_indirect_dma semaphore(%dma_wait3A_694 : memref<!tpu.dma_semaphore, #tpu.memory_space<semaphore_mem>>) src(%dma_wait3A_692 : memref<32000x2048xf32, #tpu.memory_space<hbm>>) dst(%dma_wait3A_687 : memref<8x2048xf32, #tpu.memory_space<vmem>>)
    %add3A_695 = arith.constant 80 : i32
    %add3A_696 = arith.addi %mul3A_2, %add3A_695 : i32
    %dma_start3A_697 = arith.constant 4 : i32
    %dma_start3A_698 = arith.constant 4 : i32
    %dma_start3A_699 = arith.constant 0 : i32
    %dma_start3A_700 = arith.constant 0 : i32
    %dma_start3A_701 = tpu.memref_slice %arg6[%dma_start3A_697, %dma_start3A_699, %dma_start3A_700] : memref<6x8x2048xf32, #tpu.memory_space<vmem>> -> memref<1x8x2048xf32, #tpu.memory_space<vmem>>
    %dma_start3A_702 = tpu.memref_squeeze %dma_start3A_701 : memref<1x8x2048xf32, #tpu.memory_space<vmem>> -> memref<8x2048xf32, #tpu.memory_space<vmem>>
    %dma_start3A_703 = arith.constant 0 : i32
    %dma_start3A_704 = tpu.memref_slice %arg4[%add3A_696, %dma_start3A_703] : memref<8192x2048xf32, #tpu.memory_space<hbm>> -> memref<8x2048xf32, #tpu.memory_space<hbm>>
    %dma_start3A_705 = tpu.memref_slice %arg8[%dma_start3A_698] : memref<6x!tpu.dma_semaphore, #tpu.memory_space<semaphore_mem>> -> memref<1x!tpu.dma_semaphore, #tpu.memory_space<semaphore_mem>>
    %dma_start3A_706 = tpu.memref_squeeze %dma_start3A_705 : memref<1x!tpu.dma_semaphore, #tpu.memory_space<semaphore_mem>> -> memref<!tpu.dma_semaphore, #tpu.memory_space<semaphore_mem>>
    %dma_start3A_707 = arith.constant 0 : i32
    %dma_start3A_708 = tpu.memref_slice %arg4[%add3A_696, %dma_start3A_707] : memref<8192x2048xf32, #tpu.memory_space<hbm>> -> memref<8x2048xf32, #tpu.memory_space<hbm>>
    %dma_start3A_709 = arith.constant 0 : i32
    %dma_start3A_710 = arith.constant 0 : i32
    %dma_start3A_711 = tpu.memref_slice %arg6[%dma_start3A_697, %dma_start3A_709, %dma_start3A_710] : memref<6x8x2048xf32, #tpu.memory_space<vmem>> -> memref<1x8x2048xf32, #tpu.memory_space<vmem>>
    %dma_start3A_712 = tpu.memref_squeeze %dma_start3A_711 : memref<1x8x2048xf32, #tpu.memory_space<vmem>> -> memref<8x2048xf32, #tpu.memory_space<vmem>>
    tpu.enqueue_dma source(%dma_start3A_712 : memref<8x2048xf32, #tpu.memory_space<vmem>>) target(%dma_start3A_708 : memref<8x2048xf32, #tpu.memory_space<hbm>>) target_semaphore(%dma_start3A_706 : memref<!tpu.dma_semaphore, #tpu.memory_space<semaphore_mem>>)
    %dma_wait3A_713 = arith.constant 3 : i32
    %dma_wait3A_714 = arith.constant 3 : i32
    %dma_wait3A_715 = arith.constant 0 : i32
    %dma_wait3A_716 = arith.constant 0 : i32
    %dma_wait3A_717 = tpu.memref_slice %arg6[%dma_wait3A_713, %dma_wait3A_715, %dma_wait3A_716] : memref<6x8x2048xf32, #tpu.memory_space<vmem>> -> memref<1x8x2048xf32, #tpu.memory_space<vmem>>
    %dma_wait3A_718 = tpu.memref_squeeze %dma_wait3A_717 : memref<1x8x2048xf32, #tpu.memory_space<vmem>> -> memref<8x2048xf32, #tpu.memory_space<vmem>>
    %dma_wait3A_719 = arith.constant 0 : i32
    %dma_wait3A_720 = tpu.memref_slice %arg4[%add3A_636, %dma_wait3A_719] : memref<8192x2048xf32, #tpu.memory_space<hbm>> -> memref<8x2048xf32, #tpu.memory_space<hbm>>
    %dma_wait3A_721 = tpu.memref_slice %arg8[%dma_wait3A_714] : memref<6x!tpu.dma_semaphore, #tpu.memory_space<semaphore_mem>> -> memref<1x!tpu.dma_semaphore, #tpu.memory_space<semaphore_mem>>
    %dma_wait3A_722 = tpu.memref_squeeze %dma_wait3A_721 : memref<1x!tpu.dma_semaphore, #tpu.memory_space<semaphore_mem>> -> memref<!tpu.dma_semaphore, #tpu.memory_space<semaphore_mem>>
    %dma_wait3A_723 = arith.constant 0 : i32
    %dma_wait3A_724 = tpu.memref_slice %arg4[%add3A_636, %dma_wait3A_723] : memref<8192x2048xf32, #tpu.memory_space<hbm>> -> memref<8x2048xf32, #tpu.memory_space<hbm>>
    %dma_wait3A_725 = arith.constant 0 : i32
    %dma_wait3A_726 = arith.constant 0 : i32
    %dma_wait3A_727 = tpu.memref_slice %arg6[%dma_wait3A_713, %dma_wait3A_725, %dma_wait3A_726] : memref<6x8x2048xf32, #tpu.memory_space<vmem>> -> memref<1x8x2048xf32, #tpu.memory_space<vmem>>
    %dma_wait3A_728 = tpu.memref_squeeze %dma_wait3A_727 : memref<1x8x2048xf32, #tpu.memory_space<vmem>> -> memref<8x2048xf32, #tpu.memory_space<vmem>>
    tpu.wait_dma2 semaphore(%dma_wait3A_722 : memref<!tpu.dma_semaphore, #tpu.memory_space<semaphore_mem>>) src(%dma_wait3A_728 : memref<8x2048xf32, #tpu.memory_space<vmem>>) dst(%dma_wait3A_724 : memref<8x2048xf32, #tpu.memory_space<hbm>>)
    %dma_start3A_729 = arith.constant 3 : i32
    %dma_start3A_730 = arith.constant 3 : i32
    %dma_start3A_731 = arith.constant 0 : i32
    %dma_start3A_732 = arith.constant 0 : i32
    %dma_start3A_733 = tpu.memref_slice %arg6[%dma_start3A_729, %dma_start3A_731, %dma_start3A_732] : memref<6x8x2048xf32, #tpu.memory_space<vmem>> -> memref<1x8x2048xf32, #tpu.memory_space<vmem>>
    %dma_start3A_734 = tpu.memref_squeeze %dma_start3A_733 : memref<1x8x2048xf32, #tpu.memory_space<vmem>> -> memref<8x2048xf32, #tpu.memory_space<vmem>>
    %dma_start3A_735 = arith.constant 120 : i32
    %dma_start3A_736 = tpu.memref_slice %arg5[%dma_start3A_735] : memref<256xi32, #tpu.memory_space<vmem>> -> memref<8xi32, #tpu.memory_space<vmem>>
    %dma_start3A_737 = arith.constant 0 : i32
    %dma_start3A_738 = arith.constant 0 : i32
    %dma_start3A_739 = tpu.memref_slice %arg3[%dma_start3A_737, %dma_start3A_738] : memref<32000x2048xf32, #tpu.memory_space<hbm>> -> memref<32000x2048xf32, #tpu.memory_space<hbm>>
    %dma_start3A_740 = tpu.memref_slice %arg7[%dma_start3A_730] : memref<6x!tpu.dma_semaphore, #tpu.memory_space<semaphore_mem>> -> memref<1x!tpu.dma_semaphore, #tpu.memory_space<semaphore_mem>>
    %dma_start3A_741 = tpu.memref_squeeze %dma_start3A_740 : memref<1x!tpu.dma_semaphore, #tpu.memory_space<semaphore_mem>> -> memref<!tpu.dma_semaphore, #tpu.memory_space<semaphore_mem>>
    tpu.enqueue_indirect_dma source(%dma_start3A_739 : memref<32000x2048xf32, #tpu.memory_space<hbm>>) target(%dma_start3A_734 : memref<8x2048xf32, #tpu.memory_space<vmem>>) offsets(%dma_start3A_736 : memref<8xi32, #tpu.memory_space<vmem>>) semaphore(%dma_start3A_741 : memref<!tpu.dma_semaphore, #tpu.memory_space<semaphore_mem>>)
    %dma_wait3A_742 = arith.constant 5 : i32
    %dma_wait3A_743 = arith.constant 5 : i32
    %dma_wait3A_744 = arith.constant 0 : i32
    %dma_wait3A_745 = arith.constant 0 : i32
    %dma_wait3A_746 = tpu.memref_slice %arg6[%dma_wait3A_742, %dma_wait3A_744, %dma_wait3A_745] : memref<6x8x2048xf32, #tpu.memory_space<vmem>> -> memref<1x8x2048xf32, #tpu.memory_space<vmem>>
    %dma_wait3A_747 = tpu.memref_squeeze %dma_wait3A_746 : memref<1x8x2048xf32, #tpu.memory_space<vmem>> -> memref<8x2048xf32, #tpu.memory_space<vmem>>
    %dma_wait3A_748 = arith.constant 88 : i32
    %dma_wait3A_749 = tpu.memref_slice %arg5[%dma_wait3A_748] : memref<256xi32, #tpu.memory_space<vmem>> -> memref<8xi32, #tpu.memory_space<vmem>>
    %dma_wait3A_750 = arith.constant 0 : i32
    %dma_wait3A_751 = arith.constant 0 : i32
    %dma_wait3A_752 = tpu.memref_slice %arg3[%dma_wait3A_750, %dma_wait3A_751] : memref<32000x2048xf32, #tpu.memory_space<hbm>> -> memref<32000x2048xf32, #tpu.memory_space<hbm>>
    %dma_wait3A_753 = tpu.memref_slice %arg7[%dma_wait3A_743] : memref<6x!tpu.dma_semaphore, #tpu.memory_space<semaphore_mem>> -> memref<1x!tpu.dma_semaphore, #tpu.memory_space<semaphore_mem>>
    %dma_wait3A_754 = tpu.memref_squeeze %dma_wait3A_753 : memref<1x!tpu.dma_semaphore, #tpu.memory_space<semaphore_mem>> -> memref<!tpu.dma_semaphore, #tpu.memory_space<semaphore_mem>>
    tpu.wait_indirect_dma semaphore(%dma_wait3A_754 : memref<!tpu.dma_semaphore, #tpu.memory_space<semaphore_mem>>) src(%dma_wait3A_752 : memref<32000x2048xf32, #tpu.memory_space<hbm>>) dst(%dma_wait3A_747 : memref<8x2048xf32, #tpu.memory_space<vmem>>)
    %add3A_755 = arith.constant 88 : i32
    %add3A_756 = arith.addi %mul3A_2, %add3A_755 : i32
    %dma_start3A_757 = arith.constant 5 : i32
    %dma_start3A_758 = arith.constant 5 : i32
    %dma_start3A_759 = arith.constant 0 : i32
    %dma_start3A_760 = arith.constant 0 : i32
    %dma_start3A_761 = tpu.memref_slice %arg6[%dma_start3A_757, %dma_start3A_759, %dma_start3A_760] : memref<6x8x2048xf32, #tpu.memory_space<vmem>> -> memref<1x8x2048xf32, #tpu.memory_space<vmem>>
    %dma_start3A_762 = tpu.memref_squeeze %dma_start3A_761 : memref<1x8x2048xf32, #tpu.memory_space<vmem>> -> memref<8x2048xf32, #tpu.memory_space<vmem>>
    %dma_start3A_763 = arith.constant 0 : i32
    %dma_start3A_764 = tpu.memref_slice %arg4[%add3A_756, %dma_start3A_763] : memref<8192x2048xf32, #tpu.memory_space<hbm>> -> memref<8x2048xf32, #tpu.memory_space<hbm>>
    %dma_start3A_765 = tpu.memref_slice %arg8[%dma_start3A_758] : memref<6x!tpu.dma_semaphore, #tpu.memory_space<semaphore_mem>> -> memref<1x!tpu.dma_semaphore, #tpu.memory_space<semaphore_mem>>
    %dma_start3A_766 = tpu.memref_squeeze %dma_start3A_765 : memref<1x!tpu.dma_semaphore, #tpu.memory_space<semaphore_mem>> -> memref<!tpu.dma_semaphore, #tpu.memory_space<semaphore_mem>>
    %dma_start3A_767 = arith.constant 0 : i32
    %dma_start3A_768 = tpu.memref_slice %arg4[%add3A_756, %dma_start3A_767] : memref<8192x2048xf32, #tpu.memory_space<hbm>> -> memref<8x2048xf32, #tpu.memory_space<hbm>>
    %dma_start3A_769 = arith.constant 0 : i32
    %dma_start3A_770 = arith.constant 0 : i32
    %dma_start3A_771 = tpu.memref_slice %arg6[%dma_start3A_757, %dma_start3A_769, %dma_start3A_770] : memref<6x8x2048xf32, #tpu.memory_space<vmem>> -> memref<1x8x2048xf32, #tpu.memory_space<vmem>>
    %dma_start3A_772 = tpu.memref_squeeze %dma_start3A_771 : memref<1x8x2048xf32, #tpu.memory_space<vmem>> -> memref<8x2048xf32, #tpu.memory_space<vmem>>
    tpu.enqueue_dma source(%dma_start3A_772 : memref<8x2048xf32, #tpu.memory_space<vmem>>) target(%dma_start3A_768 : memref<8x2048xf32, #tpu.memory_space<hbm>>) target_semaphore(%dma_start3A_766 : memref<!tpu.dma_semaphore, #tpu.memory_space<semaphore_mem>>)
    %dma_wait3A_773 = arith.constant 4 : i32
    %dma_wait3A_774 = arith.constant 4 : i32
    %dma_wait3A_775 = arith.constant 0 : i32
    %dma_wait3A_776 = arith.constant 0 : i32
    %dma_wait3A_777 = tpu.memref_slice %arg6[%dma_wait3A_773, %dma_wait3A_775, %dma_wait3A_776] : memref<6x8x2048xf32, #tpu.memory_space<vmem>> -> memref<1x8x2048xf32, #tpu.memory_space<vmem>>
    %dma_wait3A_778 = tpu.memref_squeeze %dma_wait3A_777 : memref<1x8x2048xf32, #tpu.memory_space<vmem>> -> memref<8x2048xf32, #tpu.memory_space<vmem>>
    %dma_wait3A_779 = arith.constant 0 : i32
    %dma_wait3A_780 = tpu.memref_slice %arg4[%add3A_696, %dma_wait3A_779] : memref<8192x2048xf32, #tpu.memory_space<hbm>> -> memref<8x2048xf32, #tpu.memory_space<hbm>>
    %dma_wait3A_781 = tpu.memref_slice %arg8[%dma_wait3A_774] : memref<6x!tpu.dma_semaphore, #tpu.memory_space<semaphore_mem>> -> memref<1x!tpu.dma_semaphore, #tpu.memory_space<semaphore_mem>>
    %dma_wait3A_782 = tpu.memref_squeeze %dma_wait3A_781 : memref<1x!tpu.dma_semaphore, #tpu.memory_space<semaphore_mem>> -> memref<!tpu.dma_semaphore, #tpu.memory_space<semaphore_mem>>
    %dma_wait3A_783 = arith.constant 0 : i32
    %dma_wait3A_784 = tpu.memref_slice %arg4[%add3A_696, %dma_wait3A_783] : memref<8192x2048xf32, #tpu.memory_space<hbm>> -> memref<8x2048xf32, #tpu.memory_space<hbm>>
    %dma_wait3A_785 = arith.constant 0 : i32
    %dma_wait3A_786 = arith.constant 0 : i32
    %dma_wait3A_787 = tpu.memref_slice %arg6[%dma_wait3A_773, %dma_wait3A_785, %dma_wait3A_786] : memref<6x8x2048xf32, #tpu.memory_space<vmem>> -> memref<1x8x2048xf32, #tpu.memory_space<vmem>>
    %dma_wait3A_788 = tpu.memref_squeeze %dma_wait3A_787 : memref<1x8x2048xf32, #tpu.memory_space<vmem>> -> memref<8x2048xf32, #tpu.memory_space<vmem>>
    tpu.wait_dma2 semaphore(%dma_wait3A_782 : memref<!tpu.dma_semaphore, #tpu.memory_space<semaphore_mem>>) src(%dma_wait3A_788 : memref<8x2048xf32, #tpu.memory_space<vmem>>) dst(%dma_wait3A_784 : memref<8x2048xf32, #tpu.memory_space<hbm>>)
    %dma_start3A_789 = arith.constant 4 : i32
    %dma_start3A_790 = arith.constant 4 : i32
    %dma_start3A_791 = arith.constant 0 : i32
    %dma_start3A_792 = arith.constant 0 : i32
    %dma_start3A_793 = tpu.memref_slice %arg6[%dma_start3A_789, %dma_start3A_791, %dma_start3A_792] : memref<6x8x2048xf32, #tpu.memory_space<vmem>> -> memref<1x8x2048xf32, #tpu.memory_space<vmem>>
    %dma_start3A_794 = tpu.memref_squeeze %dma_start3A_793 : memref<1x8x2048xf32, #tpu.memory_space<vmem>> -> memref<8x2048xf32, #tpu.memory_space<vmem>>
    %dma_start3A_795 = arith.constant 128 : i32
    %dma_start3A_796 = tpu.memref_slice %arg5[%dma_start3A_795] : memref<256xi32, #tpu.memory_space<vmem>> -> memref<8xi32, #tpu.memory_space<vmem>>
    %dma_start3A_797 = arith.constant 0 : i32
    %dma_start3A_798 = arith.constant 0 : i32
    %dma_start3A_799 = tpu.memref_slice %arg3[%dma_start3A_797, %dma_start3A_798] : memref<32000x2048xf32, #tpu.memory_space<hbm>> -> memref<32000x2048xf32, #tpu.memory_space<hbm>>
    %dma_start3A_800 = tpu.memref_slice %arg7[%dma_start3A_790] : memref<6x!tpu.dma_semaphore, #tpu.memory_space<semaphore_mem>> -> memref<1x!tpu.dma_semaphore, #tpu.memory_space<semaphore_mem>>
    %dma_start3A_801 = tpu.memref_squeeze %dma_start3A_800 : memref<1x!tpu.dma_semaphore, #tpu.memory_space<semaphore_mem>> -> memref<!tpu.dma_semaphore, #tpu.memory_space<semaphore_mem>>
    tpu.enqueue_indirect_dma source(%dma_start3A_799 : memref<32000x2048xf32, #tpu.memory_space<hbm>>) target(%dma_start3A_794 : memref<8x2048xf32, #tpu.memory_space<vmem>>) offsets(%dma_start3A_796 : memref<8xi32, #tpu.memory_space<vmem>>) semaphore(%dma_start3A_801 : memref<!tpu.dma_semaphore, #tpu.memory_space<semaphore_mem>>)
    %dma_wait3A_802 = arith.constant 0 : i32
    %dma_wait3A_803 = arith.constant 0 : i32
    %dma_wait3A_804 = arith.constant 0 : i32
    %dma_wait3A_805 = arith.constant 0 : i32
    %dma_wait3A_806 = tpu.memref_slice %arg6[%dma_wait3A_802, %dma_wait3A_804, %dma_wait3A_805] : memref<6x8x2048xf32, #tpu.memory_space<vmem>> -> memref<1x8x2048xf32, #tpu.memory_space<vmem>>
    %dma_wait3A_807 = tpu.memref_squeeze %dma_wait3A_806 : memref<1x8x2048xf32, #tpu.memory_space<vmem>> -> memref<8x2048xf32, #tpu.memory_space<vmem>>
    %dma_wait3A_808 = arith.constant 96 : i32
    %dma_wait3A_809 = tpu.memref_slice %arg5[%dma_wait3A_808] : memref<256xi32, #tpu.memory_space<vmem>> -> memref<8xi32, #tpu.memory_space<vmem>>
    %dma_wait3A_810 = arith.constant 0 : i32
    %dma_wait3A_811 = arith.constant 0 : i32
    %dma_wait3A_812 = tpu.memref_slice %arg3[%dma_wait3A_810, %dma_wait3A_811] : memref<32000x2048xf32, #tpu.memory_space<hbm>> -> memref<32000x2048xf32, #tpu.memory_space<hbm>>
    %dma_wait3A_813 = tpu.memref_slice %arg7[%dma_wait3A_803] : memref<6x!tpu.dma_semaphore, #tpu.memory_space<semaphore_mem>> -> memref<1x!tpu.dma_semaphore, #tpu.memory_space<semaphore_mem>>
    %dma_wait3A_814 = tpu.memref_squeeze %dma_wait3A_813 : memref<1x!tpu.dma_semaphore, #tpu.memory_space<semaphore_mem>> -> memref<!tpu.dma_semaphore, #tpu.memory_space<semaphore_mem>>
    tpu.wait_indirect_dma semaphore(%dma_wait3A_814 : memref<!tpu.dma_semaphore, #tpu.memory_space<semaphore_mem>>) src(%dma_wait3A_812 : memref<32000x2048xf32, #tpu.memory_space<hbm>>) dst(%dma_wait3A_807 : memref<8x2048xf32, #tpu.memory_space<vmem>>)
    %add3A_815 = arith.constant 96 : i32
    %add3A_816 = arith.addi %mul3A_2, %add3A_815 : i32
    %dma_start3A_817 = arith.constant 0 : i32
    %dma_start3A_818 = arith.constant 0 : i32
    %dma_start3A_819 = arith.constant 0 : i32
    %dma_start3A_820 = arith.constant 0 : i32
    %dma_start3A_821 = tpu.memref_slice %arg6[%dma_start3A_817, %dma_start3A_819, %dma_start3A_820] : memref<6x8x2048xf32, #tpu.memory_space<vmem>> -> memref<1x8x2048xf32, #tpu.memory_space<vmem>>
    %dma_start3A_822 = tpu.memref_squeeze %dma_start3A_821 : memref<1x8x2048xf32, #tpu.memory_space<vmem>> -> memref<8x2048xf32, #tpu.memory_space<vmem>>
    %dma_start3A_823 = arith.constant 0 : i32
    %dma_start3A_824 = tpu.memref_slice %arg4[%add3A_816, %dma_start3A_823] : memref<8192x2048xf32, #tpu.memory_space<hbm>> -> memref<8x2048xf32, #tpu.memory_space<hbm>>
    %dma_start3A_825 = tpu.memref_slice %arg8[%dma_start3A_818] : memref<6x!tpu.dma_semaphore, #tpu.memory_space<semaphore_mem>> -> memref<1x!tpu.dma_semaphore, #tpu.memory_space<semaphore_mem>>
    %dma_start3A_826 = tpu.memref_squeeze %dma_start3A_825 : memref<1x!tpu.dma_semaphore, #tpu.memory_space<semaphore_mem>> -> memref<!tpu.dma_semaphore, #tpu.memory_space<semaphore_mem>>
    %dma_start3A_827 = arith.constant 0 : i32
    %dma_start3A_828 = tpu.memref_slice %arg4[%add3A_816, %dma_start3A_827] : memref<8192x2048xf32, #tpu.memory_space<hbm>> -> memref<8x2048xf32, #tpu.memory_space<hbm>>
    %dma_start3A_829 = arith.constant 0 : i32
    %dma_start3A_830 = arith.constant 0 : i32
    %dma_start3A_831 = tpu.memref_slice %arg6[%dma_start3A_817, %dma_start3A_829, %dma_start3A_830] : memref<6x8x2048xf32, #tpu.memory_space<vmem>> -> memref<1x8x2048xf32, #tpu.memory_space<vmem>>
    %dma_start3A_832 = tpu.memref_squeeze %dma_start3A_831 : memref<1x8x2048xf32, #tpu.memory_space<vmem>> -> memref<8x2048xf32, #tpu.memory_space<vmem>>
    tpu.enqueue_dma source(%dma_start3A_832 : memref<8x2048xf32, #tpu.memory_space<vmem>>) target(%dma_start3A_828 : memref<8x2048xf32, #tpu.memory_space<hbm>>) target_semaphore(%dma_start3A_826 : memref<!tpu.dma_semaphore, #tpu.memory_space<semaphore_mem>>)
    %dma_wait3A_833 = arith.constant 5 : i32
    %dma_wait3A_834 = arith.constant 5 : i32
    %dma_wait3A_835 = arith.constant 0 : i32
    %dma_wait3A_836 = arith.constant 0 : i32
    %dma_wait3A_837 = tpu.memref_slice %arg6[%dma_wait3A_833, %dma_wait3A_835, %dma_wait3A_836] : memref<6x8x2048xf32, #tpu.memory_space<vmem>> -> memref<1x8x2048xf32, #tpu.memory_space<vmem>>
    %dma_wait3A_838 = tpu.memref_squeeze %dma_wait3A_837 : memref<1x8x2048xf32, #tpu.memory_space<vmem>> -> memref<8x2048xf32, #tpu.memory_space<vmem>>
    %dma_wait3A_839 = arith.constant 0 : i32
    %dma_wait3A_840 = tpu.memref_slice %arg4[%add3A_756, %dma_wait3A_839] : memref<8192x2048xf32, #tpu.memory_space<hbm>> -> memref<8x2048xf32, #tpu.memory_space<hbm>>
    %dma_wait3A_841 = tpu.memref_slice %arg8[%dma_wait3A_834] : memref<6x!tpu.dma_semaphore, #tpu.memory_space<semaphore_mem>> -> memref<1x!tpu.dma_semaphore, #tpu.memory_space<semaphore_mem>>
    %dma_wait3A_842 = tpu.memref_squeeze %dma_wait3A_841 : memref<1x!tpu.dma_semaphore, #tpu.memory_space<semaphore_mem>> -> memref<!tpu.dma_semaphore, #tpu.memory_space<semaphore_mem>>
    %dma_wait3A_843 = arith.constant 0 : i32
    %dma_wait3A_844 = tpu.memref_slice %arg4[%add3A_756, %dma_wait3A_843] : memref<8192x2048xf32, #tpu.memory_space<hbm>> -> memref<8x2048xf32, #tpu.memory_space<hbm>>
    %dma_wait3A_845 = arith.constant 0 : i32
    %dma_wait3A_846 = arith.constant 0 : i32
    %dma_wait3A_847 = tpu.memref_slice %arg6[%dma_wait3A_833, %dma_wait3A_845, %dma_wait3A_846] : memref<6x8x2048xf32, #tpu.memory_space<vmem>> -> memref<1x8x2048xf32, #tpu.memory_space<vmem>>
    %dma_wait3A_848 = tpu.memref_squeeze %dma_wait3A_847 : memref<1x8x2048xf32, #tpu.memory_space<vmem>> -> memref<8x2048xf32, #tpu.memory_space<vmem>>
    tpu.wait_dma2 semaphore(%dma_wait3A_842 : memref<!tpu.dma_semaphore, #tpu.memory_space<semaphore_mem>>) src(%dma_wait3A_848 : memref<8x2048xf32, #tpu.memory_space<vmem>>) dst(%dma_wait3A_844 : memref<8x2048xf32, #tpu.memory_space<hbm>>)
    %dma_start3A_849 = arith.constant 5 : i32
    %dma_start3A_850 = arith.constant 5 : i32
    %dma_start3A_851 = arith.constant 0 : i32
    %dma_start3A_852 = arith.constant 0 : i32
    %dma_start3A_853 = tpu.memref_slice %arg6[%dma_start3A_849, %dma_start3A_851, %dma_start3A_852] : memref<6x8x2048xf32, #tpu.memory_space<vmem>> -> memref<1x8x2048xf32, #tpu.memory_space<vmem>>
    %dma_start3A_854 = tpu.memref_squeeze %dma_start3A_853 : memref<1x8x2048xf32, #tpu.memory_space<vmem>> -> memref<8x2048xf32, #tpu.memory_space<vmem>>
    %dma_start3A_855 = arith.constant 136 : i32
    %dma_start3A_856 = tpu.memref_slice %arg5[%dma_start3A_855] : memref<256xi32, #tpu.memory_space<vmem>> -> memref<8xi32, #tpu.memory_space<vmem>>
    %dma_start3A_857 = arith.constant 0 : i32
    %dma_start3A_858 = arith.constant 0 : i32
    %dma_start3A_859 = tpu.memref_slice %arg3[%dma_start3A_857, %dma_start3A_858] : memref<32000x2048xf32, #tpu.memory_space<hbm>> -> memref<32000x2048xf32, #tpu.memory_space<hbm>>
    %dma_start3A_860 = tpu.memref_slice %arg7[%dma_start3A_850] : memref<6x!tpu.dma_semaphore, #tpu.memory_space<semaphore_mem>> -> memref<1x!tpu.dma_semaphore, #tpu.memory_space<semaphore_mem>>
    %dma_start3A_861 = tpu.memref_squeeze %dma_start3A_860 : memref<1x!tpu.dma_semaphore, #tpu.memory_space<semaphore_mem>> -> memref<!tpu.dma_semaphore, #tpu.memory_space<semaphore_mem>>
    tpu.enqueue_indirect_dma source(%dma_start3A_859 : memref<32000x2048xf32, #tpu.memory_space<hbm>>) target(%dma_start3A_854 : memref<8x2048xf32, #tpu.memory_space<vmem>>) offsets(%dma_start3A_856 : memref<8xi32, #tpu.memory_space<vmem>>) semaphore(%dma_start3A_861 : memref<!tpu.dma_semaphore, #tpu.memory_space<semaphore_mem>>)
    %dma_wait3A_862 = arith.constant 1 : i32
    %dma_wait3A_863 = arith.constant 1 : i32
    %dma_wait3A_864 = arith.constant 0 : i32
    %dma_wait3A_865 = arith.constant 0 : i32
    %dma_wait3A_866 = tpu.memref_slice %arg6[%dma_wait3A_862, %dma_wait3A_864, %dma_wait3A_865] : memref<6x8x2048xf32, #tpu.memory_space<vmem>> -> memref<1x8x2048xf32, #tpu.memory_space<vmem>>
    %dma_wait3A_867 = tpu.memref_squeeze %dma_wait3A_866 : memref<1x8x2048xf32, #tpu.memory_space<vmem>> -> memref<8x2048xf32, #tpu.memory_space<vmem>>
    %dma_wait3A_868 = arith.constant 104 : i32
    %dma_wait3A_869 = tpu.memref_slice %arg5[%dma_wait3A_868] : memref<256xi32, #tpu.memory_space<vmem>> -> memref<8xi32, #tpu.memory_space<vmem>>
    %dma_wait3A_870 = arith.constant 0 : i32
    %dma_wait3A_871 = arith.constant 0 : i32
    %dma_wait3A_872 = tpu.memref_slice %arg3[%dma_wait3A_870, %dma_wait3A_871] : memref<32000x2048xf32, #tpu.memory_space<hbm>> -> memref<32000x2048xf32, #tpu.memory_space<hbm>>
    %dma_wait3A_873 = tpu.memref_slice %arg7[%dma_wait3A_863] : memref<6x!tpu.dma_semaphore, #tpu.memory_space<semaphore_mem>> -> memref<1x!tpu.dma_semaphore, #tpu.memory_space<semaphore_mem>>
    %dma_wait3A_874 = tpu.memref_squeeze %dma_wait3A_873 : memref<1x!tpu.dma_semaphore, #tpu.memory_space<semaphore_mem>> -> memref<!tpu.dma_semaphore, #tpu.memory_space<semaphore_mem>>
    tpu.wait_indirect_dma semaphore(%dma_wait3A_874 : memref<!tpu.dma_semaphore, #tpu.memory_space<semaphore_mem>>) src(%dma_wait3A_872 : memref<32000x2048xf32, #tpu.memory_space<hbm>>) dst(%dma_wait3A_867 : memref<8x2048xf32, #tpu.memory_space<vmem>>)
    %add3A_875 = arith.constant 104 : i32
    %add3A_876 = arith.addi %mul3A_2, %add3A_875 : i32
    %dma_start3A_877 = arith.constant 1 : i32
    %dma_start3A_878 = arith.constant 1 : i32
    %dma_start3A_879 = arith.constant 0 : i32
    %dma_start3A_880 = arith.constant 0 : i32
    %dma_start3A_881 = tpu.memref_slice %arg6[%dma_start3A_877, %dma_start3A_879, %dma_start3A_880] : memref<6x8x2048xf32, #tpu.memory_space<vmem>> -> memref<1x8x2048xf32, #tpu.memory_space<vmem>>
    %dma_start3A_882 = tpu.memref_squeeze %dma_start3A_881 : memref<1x8x2048xf32, #tpu.memory_space<vmem>> -> memref<8x2048xf32, #tpu.memory_space<vmem>>
    %dma_start3A_883 = arith.constant 0 : i32
    %dma_start3A_884 = tpu.memref_slice %arg4[%add3A_876, %dma_start3A_883] : memref<8192x2048xf32, #tpu.memory_space<hbm>> -> memref<8x2048xf32, #tpu.memory_space<hbm>>
    %dma_start3A_885 = tpu.memref_slice %arg8[%dma_start3A_878] : memref<6x!tpu.dma_semaphore, #tpu.memory_space<semaphore_mem>> -> memref<1x!tpu.dma_semaphore, #tpu.memory_space<semaphore_mem>>
    %dma_start3A_886 = tpu.memref_squeeze %dma_start3A_885 : memref<1x!tpu.dma_semaphore, #tpu.memory_space<semaphore_mem>> -> memref<!tpu.dma_semaphore, #tpu.memory_space<semaphore_mem>>
    %dma_start3A_887 = arith.constant 0 : i32
    %dma_start3A_888 = tpu.memref_slice %arg4[%add3A_876, %dma_start3A_887] : memref<8192x2048xf32, #tpu.memory_space<hbm>> -> memref<8x2048xf32, #tpu.memory_space<hbm>>
    %dma_start3A_889 = arith.constant 0 : i32
    %dma_start3A_890 = arith.constant 0 : i32
    %dma_start3A_891 = tpu.memref_slice %arg6[%dma_start3A_877, %dma_start3A_889, %dma_start3A_890] : memref<6x8x2048xf32, #tpu.memory_space<vmem>> -> memref<1x8x2048xf32, #tpu.memory_space<vmem>>
    %dma_start3A_892 = tpu.memref_squeeze %dma_start3A_891 : memref<1x8x2048xf32, #tpu.memory_space<vmem>> -> memref<8x2048xf32, #tpu.memory_space<vmem>>
    tpu.enqueue_dma source(%dma_start3A_892 : memref<8x2048xf32, #tpu.memory_space<vmem>>) target(%dma_start3A_888 : memref<8x2048xf32, #tpu.memory_space<hbm>>) target_semaphore(%dma_start3A_886 : memref<!tpu.dma_semaphore, #tpu.memory_space<semaphore_mem>>)
    %dma_wait3A_893 = arith.constant 0 : i32
    %dma_wait3A_894 = arith.constant 0 : i32
    %dma_wait3A_895 = arith.constant 0 : i32
    %dma_wait3A_896 = arith.constant 0 : i32
    %dma_wait3A_897 = tpu.memref_slice %arg6[%dma_wait3A_893, %dma_wait3A_895, %dma_wait3A_896] : memref<6x8x2048xf32, #tpu.memory_space<vmem>> -> memref<1x8x2048xf32, #tpu.memory_space<vmem>>
    %dma_wait3A_898 = tpu.memref_squeeze %dma_wait3A_897 : memref<1x8x2048xf32, #tpu.memory_space<vmem>> -> memref<8x2048xf32, #tpu.memory_space<vmem>>
    %dma_wait3A_899 = arith.constant 0 : i32
    %dma_wait3A_900 = tpu.memref_slice %arg4[%add3A_816, %dma_wait3A_899] : memref<8192x2048xf32, #tpu.memory_space<hbm>> -> memref<8x2048xf32, #tpu.memory_space<hbm>>
    %dma_wait3A_901 = tpu.memref_slice %arg8[%dma_wait3A_894] : memref<6x!tpu.dma_semaphore, #tpu.memory_space<semaphore_mem>> -> memref<1x!tpu.dma_semaphore, #tpu.memory_space<semaphore_mem>>
    %dma_wait3A_902 = tpu.memref_squeeze %dma_wait3A_901 : memref<1x!tpu.dma_semaphore, #tpu.memory_space<semaphore_mem>> -> memref<!tpu.dma_semaphore, #tpu.memory_space<semaphore_mem>>
    %dma_wait3A_903 = arith.constant 0 : i32
    %dma_wait3A_904 = tpu.memref_slice %arg4[%add3A_816, %dma_wait3A_903] : memref<8192x2048xf32, #tpu.memory_space<hbm>> -> memref<8x2048xf32, #tpu.memory_space<hbm>>
    %dma_wait3A_905 = arith.constant 0 : i32
    %dma_wait3A_906 = arith.constant 0 : i32
    %dma_wait3A_907 = tpu.memref_slice %arg6[%dma_wait3A_893, %dma_wait3A_905, %dma_wait3A_906] : memref<6x8x2048xf32, #tpu.memory_space<vmem>> -> memref<1x8x2048xf32, #tpu.memory_space<vmem>>
    %dma_wait3A_908 = tpu.memref_squeeze %dma_wait3A_907 : memref<1x8x2048xf32, #tpu.memory_space<vmem>> -> memref<8x2048xf32, #tpu.memory_space<vmem>>
    tpu.wait_dma2 semaphore(%dma_wait3A_902 : memref<!tpu.dma_semaphore, #tpu.memory_space<semaphore_mem>>) src(%dma_wait3A_908 : memref<8x2048xf32, #tpu.memory_space<vmem>>) dst(%dma_wait3A_904 : memref<8x2048xf32, #tpu.memory_space<hbm>>)
    %dma_start3A_909 = arith.constant 0 : i32
    %dma_start3A_910 = arith.constant 0 : i32
    %dma_start3A_911 = arith.constant 0 : i32
    %dma_start3A_912 = arith.constant 0 : i32
    %dma_start3A_913 = tpu.memref_slice %arg6[%dma_start3A_909, %dma_start3A_911, %dma_start3A_912] : memref<6x8x2048xf32, #tpu.memory_space<vmem>> -> memref<1x8x2048xf32, #tpu.memory_space<vmem>>
    %dma_start3A_914 = tpu.memref_squeeze %dma_start3A_913 : memref<1x8x2048xf32, #tpu.memory_space<vmem>> -> memref<8x2048xf32, #tpu.memory_space<vmem>>
    %dma_start3A_915 = arith.constant 144 : i32
    %dma_start3A_916 = tpu.memref_slice %arg5[%dma_start3A_915] : memref<256xi32, #tpu.memory_space<vmem>> -> memref<8xi32, #tpu.memory_space<vmem>>
    %dma_start3A_917 = arith.constant 0 : i32
    %dma_start3A_918 = arith.constant 0 : i32
    %dma_start3A_919 = tpu.memref_slice %arg3[%dma_start3A_917, %dma_start3A_918] : memref<32000x2048xf32, #tpu.memory_space<hbm>> -> memref<32000x2048xf32, #tpu.memory_space<hbm>>
    %dma_start3A_920 = tpu.memref_slice %arg7[%dma_start3A_910] : memref<6x!tpu.dma_semaphore, #tpu.memory_space<semaphore_mem>> -> memref<1x!tpu.dma_semaphore, #tpu.memory_space<semaphore_mem>>
    %dma_start3A_921 = tpu.memref_squeeze %dma_start3A_920 : memref<1x!tpu.dma_semaphore, #tpu.memory_space<semaphore_mem>> -> memref<!tpu.dma_semaphore, #tpu.memory_space<semaphore_mem>>
    tpu.enqueue_indirect_dma source(%dma_start3A_919 : memref<32000x2048xf32, #tpu.memory_space<hbm>>) target(%dma_start3A_914 : memref<8x2048xf32, #tpu.memory_space<vmem>>) offsets(%dma_start3A_916 : memref<8xi32, #tpu.memory_space<vmem>>) semaphore(%dma_start3A_921 : memref<!tpu.dma_semaphore, #tpu.memory_space<semaphore_mem>>)
    %dma_wait3A_922 = arith.constant 2 : i32
    %dma_wait3A_923 = arith.constant 2 : i32
    %dma_wait3A_924 = arith.constant 0 : i32
    %dma_wait3A_925 = arith.constant 0 : i32
    %dma_wait3A_926 = tpu.memref_slice %arg6[%dma_wait3A_922, %dma_wait3A_924, %dma_wait3A_925] : memref<6x8x2048xf32, #tpu.memory_space<vmem>> -> memref<1x8x2048xf32, #tpu.memory_space<vmem>>
    %dma_wait3A_927 = tpu.memref_squeeze %dma_wait3A_926 : memref<1x8x2048xf32, #tpu.memory_space<vmem>> -> memref<8x2048xf32, #tpu.memory_space<vmem>>
    %dma_wait3A_928 = arith.constant 112 : i32
    %dma_wait3A_929 = tpu.memref_slice %arg5[%dma_wait3A_928] : memref<256xi32, #tpu.memory_space<vmem>> -> memref<8xi32, #tpu.memory_space<vmem>>
    %dma_wait3A_930 = arith.constant 0 : i32
    %dma_wait3A_931 = arith.constant 0 : i32
    %dma_wait3A_932 = tpu.memref_slice %arg3[%dma_wait3A_930, %dma_wait3A_931] : memref<32000x2048xf32, #tpu.memory_space<hbm>> -> memref<32000x2048xf32, #tpu.memory_space<hbm>>
    %dma_wait3A_933 = tpu.memref_slice %arg7[%dma_wait3A_923] : memref<6x!tpu.dma_semaphore, #tpu.memory_space<semaphore_mem>> -> memref<1x!tpu.dma_semaphore, #tpu.memory_space<semaphore_mem>>
    %dma_wait3A_934 = tpu.memref_squeeze %dma_wait3A_933 : memref<1x!tpu.dma_semaphore, #tpu.memory_space<semaphore_mem>> -> memref<!tpu.dma_semaphore, #tpu.memory_space<semaphore_mem>>
    tpu.wait_indirect_dma semaphore(%dma_wait3A_934 : memref<!tpu.dma_semaphore, #tpu.memory_space<semaphore_mem>>) src(%dma_wait3A_932 : memref<32000x2048xf32, #tpu.memory_space<hbm>>) dst(%dma_wait3A_927 : memref<8x2048xf32, #tpu.memory_space<vmem>>)
    %add3A_935 = arith.constant 112 : i32
    %add3A_936 = arith.addi %mul3A_2, %add3A_935 : i32
    %dma_start3A_937 = arith.constant 2 : i32
    %dma_start3A_938 = arith.constant 2 : i32
    %dma_start3A_939 = arith.constant 0 : i32
    %dma_start3A_940 = arith.constant 0 : i32
    %dma_start3A_941 = tpu.memref_slice %arg6[%dma_start3A_937, %dma_start3A_939, %dma_start3A_940] : memref<6x8x2048xf32, #tpu.memory_space<vmem>> -> memref<1x8x2048xf32, #tpu.memory_space<vmem>>
    %dma_start3A_942 = tpu.memref_squeeze %dma_start3A_941 : memref<1x8x2048xf32, #tpu.memory_space<vmem>> -> memref<8x2048xf32, #tpu.memory_space<vmem>>
    %dma_start3A_943 = arith.constant 0 : i32
    %dma_start3A_944 = tpu.memref_slice %arg4[%add3A_936, %dma_start3A_943] : memref<8192x2048xf32, #tpu.memory_space<hbm>> -> memref<8x2048xf32, #tpu.memory_space<hbm>>
    %dma_start3A_945 = tpu.memref_slice %arg8[%dma_start3A_938] : memref<6x!tpu.dma_semaphore, #tpu.memory_space<semaphore_mem>> -> memref<1x!tpu.dma_semaphore, #tpu.memory_space<semaphore_mem>>
    %dma_start3A_946 = tpu.memref_squeeze %dma_start3A_945 : memref<1x!tpu.dma_semaphore, #tpu.memory_space<semaphore_mem>> -> memref<!tpu.dma_semaphore, #tpu.memory_space<semaphore_mem>>
    %dma_start3A_947 = arith.constant 0 : i32
    %dma_start3A_948 = tpu.memref_slice %arg4[%add3A_936, %dma_start3A_947] : memref<8192x2048xf32, #tpu.memory_space<hbm>> -> memref<8x2048xf32, #tpu.memory_space<hbm>>
    %dma_start3A_949 = arith.constant 0 : i32
    %dma_start3A_950 = arith.constant 0 : i32
    %dma_start3A_951 = tpu.memref_slice %arg6[%dma_start3A_937, %dma_start3A_949, %dma_start3A_950] : memref<6x8x2048xf32, #tpu.memory_space<vmem>> -> memref<1x8x2048xf32, #tpu.memory_space<vmem>>
    %dma_start3A_952 = tpu.memref_squeeze %dma_start3A_951 : memref<1x8x2048xf32, #tpu.memory_space<vmem>> -> memref<8x2048xf32, #tpu.memory_space<vmem>>
    tpu.enqueue_dma source(%dma_start3A_952 : memref<8x2048xf32, #tpu.memory_space<vmem>>) target(%dma_start3A_948 : memref<8x2048xf32, #tpu.memory_space<hbm>>) target_semaphore(%dma_start3A_946 : memref<!tpu.dma_semaphore, #tpu.memory_space<semaphore_mem>>)
    %dma_wait3A_953 = arith.constant 1 : i32
    %dma_wait3A_954 = arith.constant 1 : i32
    %dma_wait3A_955 = arith.constant 0 : i32
    %dma_wait3A_956 = arith.constant 0 : i32
    %dma_wait3A_957 = tpu.memref_slice %arg6[%dma_wait3A_953, %dma_wait3A_955, %dma_wait3A_956] : memref<6x8x2048xf32, #tpu.memory_space<vmem>> -> memref<1x8x2048xf32, #tpu.memory_space<vmem>>
    %dma_wait3A_958 = tpu.memref_squeeze %dma_wait3A_957 : memref<1x8x2048xf32, #tpu.memory_space<vmem>> -> memref<8x2048xf32, #tpu.memory_space<vmem>>
    %dma_wait3A_959 = arith.constant 0 : i32
    %dma_wait3A_960 = tpu.memref_slice %arg4[%add3A_876, %dma_wait3A_959] : memref<8192x2048xf32, #tpu.memory_space<hbm>> -> memref<8x2048xf32, #tpu.memory_space<hbm>>
    %dma_wait3A_961 = tpu.memref_slice %arg8[%dma_wait3A_954] : memref<6x!tpu.dma_semaphore, #tpu.memory_space<semaphore_mem>> -> memref<1x!tpu.dma_semaphore, #tpu.memory_space<semaphore_mem>>
    %dma_wait3A_962 = tpu.memref_squeeze %dma_wait3A_961 : memref<1x!tpu.dma_semaphore, #tpu.memory_space<semaphore_mem>> -> memref<!tpu.dma_semaphore, #tpu.memory_space<semaphore_mem>>
    %dma_wait3A_963 = arith.constant 0 : i32
    %dma_wait3A_964 = tpu.memref_slice %arg4[%add3A_876, %dma_wait3A_963] : memref<8192x2048xf32, #tpu.memory_space<hbm>> -> memref<8x2048xf32, #tpu.memory_space<hbm>>
    %dma_wait3A_965 = arith.constant 0 : i32
    %dma_wait3A_966 = arith.constant 0 : i32
    %dma_wait3A_967 = tpu.memref_slice %arg6[%dma_wait3A_953, %dma_wait3A_965, %dma_wait3A_966] : memref<6x8x2048xf32, #tpu.memory_space<vmem>> -> memref<1x8x2048xf32, #tpu.memory_space<vmem>>
    %dma_wait3A_968 = tpu.memref_squeeze %dma_wait3A_967 : memref<1x8x2048xf32, #tpu.memory_space<vmem>> -> memref<8x2048xf32, #tpu.memory_space<vmem>>
    tpu.wait_dma2 semaphore(%dma_wait3A_962 : memref<!tpu.dma_semaphore, #tpu.memory_space<semaphore_mem>>) src(%dma_wait3A_968 : memref<8x2048xf32, #tpu.memory_space<vmem>>) dst(%dma_wait3A_964 : memref<8x2048xf32, #tpu.memory_space<hbm>>)
    %dma_start3A_969 = arith.constant 1 : i32
    %dma_start3A_970 = arith.constant 1 : i32
    %dma_start3A_971 = arith.constant 0 : i32
    %dma_start3A_972 = arith.constant 0 : i32
    %dma_start3A_973 = tpu.memref_slice %arg6[%dma_start3A_969, %dma_start3A_971, %dma_start3A_972] : memref<6x8x2048xf32, #tpu.memory_space<vmem>> -> memref<1x8x2048xf32, #tpu.memory_space<vmem>>
    %dma_start3A_974 = tpu.memref_squeeze %dma_start3A_973 : memref<1x8x2048xf32, #tpu.memory_space<vmem>> -> memref<8x2048xf32, #tpu.memory_space<vmem>>
    %dma_start3A_975 = arith.constant 152 : i32
    %dma_start3A_976 = tpu.memref_slice %arg5[%dma_start3A_975] : memref<256xi32, #tpu.memory_space<vmem>> -> memref<8xi32, #tpu.memory_space<vmem>>
    %dma_start3A_977 = arith.constant 0 : i32
    %dma_start3A_978 = arith.constant 0 : i32
    %dma_start3A_979 = tpu.memref_slice %arg3[%dma_start3A_977, %dma_start3A_978] : memref<32000x2048xf32, #tpu.memory_space<hbm>> -> memref<32000x2048xf32, #tpu.memory_space<hbm>>
    %dma_start3A_980 = tpu.memref_slice %arg7[%dma_start3A_970] : memref<6x!tpu.dma_semaphore, #tpu.memory_space<semaphore_mem>> -> memref<1x!tpu.dma_semaphore, #tpu.memory_space<semaphore_mem>>
    %dma_start3A_981 = tpu.memref_squeeze %dma_start3A_980 : memref<1x!tpu.dma_semaphore, #tpu.memory_space<semaphore_mem>> -> memref<!tpu.dma_semaphore, #tpu.memory_space<semaphore_mem>>
    tpu.enqueue_indirect_dma source(%dma_start3A_979 : memref<32000x2048xf32, #tpu.memory_space<hbm>>) target(%dma_start3A_974 : memref<8x2048xf32, #tpu.memory_space<vmem>>) offsets(%dma_start3A_976 : memref<8xi32, #tpu.memory_space<vmem>>) semaphore(%dma_start3A_981 : memref<!tpu.dma_semaphore, #tpu.memory_space<semaphore_mem>>)
    %dma_wait3A_982 = arith.constant 3 : i32
    %dma_wait3A_983 = arith.constant 3 : i32
    %dma_wait3A_984 = arith.constant 0 : i32
    %dma_wait3A_985 = arith.constant 0 : i32
    %dma_wait3A_986 = tpu.memref_slice %arg6[%dma_wait3A_982, %dma_wait3A_984, %dma_wait3A_985] : memref<6x8x2048xf32, #tpu.memory_space<vmem>> -> memref<1x8x2048xf32, #tpu.memory_space<vmem>>
    %dma_wait3A_987 = tpu.memref_squeeze %dma_wait3A_986 : memref<1x8x2048xf32, #tpu.memory_space<vmem>> -> memref<8x2048xf32, #tpu.memory_space<vmem>>
    %dma_wait3A_988 = arith.constant 120 : i32
    %dma_wait3A_989 = tpu.memref_slice %arg5[%dma_wait3A_988] : memref<256xi32, #tpu.memory_space<vmem>> -> memref<8xi32, #tpu.memory_space<vmem>>
    %dma_wait3A_990 = arith.constant 0 : i32
    %dma_wait3A_991 = arith.constant 0 : i32
    %dma_wait3A_992 = tpu.memref_slice %arg3[%dma_wait3A_990, %dma_wait3A_991] : memref<32000x2048xf32, #tpu.memory_space<hbm>> -> memref<32000x2048xf32, #tpu.memory_space<hbm>>
    %dma_wait3A_993 = tpu.memref_slice %arg7[%dma_wait3A_983] : memref<6x!tpu.dma_semaphore, #tpu.memory_space<semaphore_mem>> -> memref<1x!tpu.dma_semaphore, #tpu.memory_space<semaphore_mem>>
    %dma_wait3A_994 = tpu.memref_squeeze %dma_wait3A_993 : memref<1x!tpu.dma_semaphore, #tpu.memory_space<semaphore_mem>> -> memref<!tpu.dma_semaphore, #tpu.memory_space<semaphore_mem>>
    tpu.wait_indirect_dma semaphore(%dma_wait3A_994 : memref<!tpu.dma_semaphore, #tpu.memory_space<semaphore_mem>>) src(%dma_wait3A_992 : memref<32000x2048xf32, #tpu.memory_space<hbm>>) dst(%dma_wait3A_987 : memref<8x2048xf32, #tpu.memory_space<vmem>>)
    %add3A_995 = arith.constant 120 : i32
    %add3A_996 = arith.addi %mul3A_2, %add3A_995 : i32
    %dma_start3A_997 = arith.constant 3 : i32
    %dma_start3A_998 = arith.constant 3 : i32
    %dma_start3A_999 = arith.constant 0 : i32
    %dma_start3A_1000 = arith.constant 0 : i32
    %dma_start3A_1001 = tpu.memref_slice %arg6[%dma_start3A_997, %dma_start3A_999, %dma_start3A_1000] : memref<6x8x2048xf32, #tpu.memory_space<vmem>> -> memref<1x8x2048xf32, #tpu.memory_space<vmem>>
    %dma_start3A_1002 = tpu.memref_squeeze %dma_start3A_1001 : memref<1x8x2048xf32, #tpu.memory_space<vmem>> -> memref<8x2048xf32, #tpu.memory_space<vmem>>
    %dma_start3A_1003 = arith.constant 0 : i32
    %dma_start3A_1004 = tpu.memref_slice %arg4[%add3A_996, %dma_start3A_1003] : memref<8192x2048xf32, #tpu.memory_space<hbm>> -> memref<8x2048xf32, #tpu.memory_space<hbm>>
    %dma_start3A_1005 = tpu.memref_slice %arg8[%dma_start3A_998] : memref<6x!tpu.dma_semaphore, #tpu.memory_space<semaphore_mem>> -> memref<1x!tpu.dma_semaphore, #tpu.memory_space<semaphore_mem>>
    %dma_start3A_1006 = tpu.memref_squeeze %dma_start3A_1005 : memref<1x!tpu.dma_semaphore, #tpu.memory_space<semaphore_mem>> -> memref<!tpu.dma_semaphore, #tpu.memory_space<semaphore_mem>>
    %dma_start3A_1007 = arith.constant 0 : i32
    %dma_start3A_1008 = tpu.memref_slice %arg4[%add3A_996, %dma_start3A_1007] : memref<8192x2048xf32, #tpu.memory_space<hbm>> -> memref<8x2048xf32, #tpu.memory_space<hbm>>
    %dma_start3A_1009 = arith.constant 0 : i32
    %dma_start3A_1010 = arith.constant 0 : i32
    %dma_start3A_1011 = tpu.memref_slice %arg6[%dma_start3A_997, %dma_start3A_1009, %dma_start3A_1010] : memref<6x8x2048xf32, #tpu.memory_space<vmem>> -> memref<1x8x2048xf32, #tpu.memory_space<vmem>>
    %dma_start3A_1012 = tpu.memref_squeeze %dma_start3A_1011 : memref<1x8x2048xf32, #tpu.memory_space<vmem>> -> memref<8x2048xf32, #tpu.memory_space<vmem>>
    tpu.enqueue_dma source(%dma_start3A_1012 : memref<8x2048xf32, #tpu.memory_space<vmem>>) target(%dma_start3A_1008 : memref<8x2048xf32, #tpu.memory_space<hbm>>) target_semaphore(%dma_start3A_1006 : memref<!tpu.dma_semaphore, #tpu.memory_space<semaphore_mem>>)
    %dma_wait3A_1013 = arith.constant 2 : i32
    %dma_wait3A_1014 = arith.constant 2 : i32
    %dma_wait3A_1015 = arith.constant 0 : i32
    %dma_wait3A_1016 = arith.constant 0 : i32
    %dma_wait3A_1017 = tpu.memref_slice %arg6[%dma_wait3A_1013, %dma_wait3A_1015, %dma_wait3A_1016] : memref<6x8x2048xf32, #tpu.memory_space<vmem>> -> memref<1x8x2048xf32, #tpu.memory_space<vmem>>
    %dma_wait3A_1018 = tpu.memref_squeeze %dma_wait3A_1017 : memref<1x8x2048xf32, #tpu.memory_space<vmem>> -> memref<8x2048xf32, #tpu.memory_space<vmem>>
    %dma_wait3A_1019 = arith.constant 0 : i32
    %dma_wait3A_1020 = tpu.memref_slice %arg4[%add3A_936, %dma_wait3A_1019] : memref<8192x2048xf32, #tpu.memory_space<hbm>> -> memref<8x2048xf32, #tpu.memory_space<hbm>>
    %dma_wait3A_1021 = tpu.memref_slice %arg8[%dma_wait3A_1014] : memref<6x!tpu.dma_semaphore, #tpu.memory_space<semaphore_mem>> -> memref<1x!tpu.dma_semaphore, #tpu.memory_space<semaphore_mem>>
    %dma_wait3A_1022 = tpu.memref_squeeze %dma_wait3A_1021 : memref<1x!tpu.dma_semaphore, #tpu.memory_space<semaphore_mem>> -> memref<!tpu.dma_semaphore, #tpu.memory_space<semaphore_mem>>
    %dma_wait3A_1023 = arith.constant 0 : i32
    %dma_wait3A_1024 = tpu.memref_slice %arg4[%add3A_936, %dma_wait3A_1023] : memref<8192x2048xf32, #tpu.memory_space<hbm>> -> memref<8x2048xf32, #tpu.memory_space<hbm>>
    %dma_wait3A_1025 = arith.constant 0 : i32
    %dma_wait3A_1026 = arith.constant 0 : i32
    %dma_wait3A_1027 = tpu.memref_slice %arg6[%dma_wait3A_1013, %dma_wait3A_1025, %dma_wait3A_1026] : memref<6x8x2048xf32, #tpu.memory_space<vmem>> -> memref<1x8x2048xf32, #tpu.memory_space<vmem>>
    %dma_wait3A_1028 = tpu.memref_squeeze %dma_wait3A_1027 : memref<1x8x2048xf32, #tpu.memory_space<vmem>> -> memref<8x2048xf32, #tpu.memory_space<vmem>>
    tpu.wait_dma2 semaphore(%dma_wait3A_1022 : memref<!tpu.dma_semaphore, #tpu.memory_space<semaphore_mem>>) src(%dma_wait3A_1028 : memref<8x2048xf32, #tpu.memory_space<vmem>>) dst(%dma_wait3A_1024 : memref<8x2048xf32, #tpu.memory_space<hbm>>)
    %dma_start3A_1029 = arith.constant 2 : i32
    %dma_start3A_1030 = arith.constant 2 : i32
    %dma_start3A_1031 = arith.constant 0 : i32
    %dma_start3A_1032 = arith.constant 0 : i32
    %dma_start3A_1033 = tpu.memref_slice %arg6[%dma_start3A_1029, %dma_start3A_1031, %dma_start3A_1032] : memref<6x8x2048xf32, #tpu.memory_space<vmem>> -> memref<1x8x2048xf32, #tpu.memory_space<vmem>>
    %dma_start3A_1034 = tpu.memref_squeeze %dma_start3A_1033 : memref<1x8x2048xf32, #tpu.memory_space<vmem>> -> memref<8x2048xf32, #tpu.memory_space<vmem>>
    %dma_start3A_1035 = arith.constant 160 : i32
    %dma_start3A_1036 = tpu.memref_slice %arg5[%dma_start3A_1035] : memref<256xi32, #tpu.memory_space<vmem>> -> memref<8xi32, #tpu.memory_space<vmem>>
    %dma_start3A_1037 = arith.constant 0 : i32
    %dma_start3A_1038 = arith.constant 0 : i32
    %dma_start3A_1039 = tpu.memref_slice %arg3[%dma_start3A_1037, %dma_start3A_1038] : memref<32000x2048xf32, #tpu.memory_space<hbm>> -> memref<32000x2048xf32, #tpu.memory_space<hbm>>
    %dma_start3A_1040 = tpu.memref_slice %arg7[%dma_start3A_1030] : memref<6x!tpu.dma_semaphore, #tpu.memory_space<semaphore_mem>> -> memref<1x!tpu.dma_semaphore, #tpu.memory_space<semaphore_mem>>
    %dma_start3A_1041 = tpu.memref_squeeze %dma_start3A_1040 : memref<1x!tpu.dma_semaphore, #tpu.memory_space<semaphore_mem>> -> memref<!tpu.dma_semaphore, #tpu.memory_space<semaphore_mem>>
    tpu.enqueue_indirect_dma source(%dma_start3A_1039 : memref<32000x2048xf32, #tpu.memory_space<hbm>>) target(%dma_start3A_1034 : memref<8x2048xf32, #tpu.memory_space<vmem>>) offsets(%dma_start3A_1036 : memref<8xi32, #tpu.memory_space<vmem>>) semaphore(%dma_start3A_1041 : memref<!tpu.dma_semaphore, #tpu.memory_space<semaphore_mem>>)
    %dma_wait3A_1042 = arith.constant 4 : i32
    %dma_wait3A_1043 = arith.constant 4 : i32
    %dma_wait3A_1044 = arith.constant 0 : i32
    %dma_wait3A_1045 = arith.constant 0 : i32
    %dma_wait3A_1046 = tpu.memref_slice %arg6[%dma_wait3A_1042, %dma_wait3A_1044, %dma_wait3A_1045] : memref<6x8x2048xf32, #tpu.memory_space<vmem>> -> memref<1x8x2048xf32, #tpu.memory_space<vmem>>
    %dma_wait3A_1047 = tpu.memref_squeeze %dma_wait3A_1046 : memref<1x8x2048xf32, #tpu.memory_space<vmem>> -> memref<8x2048xf32, #tpu.memory_space<vmem>>
    %dma_wait3A_1048 = arith.constant 128 : i32
    %dma_wait3A_1049 = tpu.memref_slice %arg5[%dma_wait3A_1048] : memref<256xi32, #tpu.memory_space<vmem>> -> memref<8xi32, #tpu.memory_space<vmem>>
    %dma_wait3A_1050 = arith.constant 0 : i32
    %dma_wait3A_1051 = arith.constant 0 : i32
    %dma_wait3A_1052 = tpu.memref_slice %arg3[%dma_wait3A_1050, %dma_wait3A_1051] : memref<32000x2048xf32, #tpu.memory_space<hbm>> -> memref<32000x2048xf32, #tpu.memory_space<hbm>>
    %dma_wait3A_1053 = tpu.memref_slice %arg7[%dma_wait3A_1043] : memref<6x!tpu.dma_semaphore, #tpu.memory_space<semaphore_mem>> -> memref<1x!tpu.dma_semaphore, #tpu.memory_space<semaphore_mem>>
    %dma_wait3A_1054 = tpu.memref_squeeze %dma_wait3A_1053 : memref<1x!tpu.dma_semaphore, #tpu.memory_space<semaphore_mem>> -> memref<!tpu.dma_semaphore, #tpu.memory_space<semaphore_mem>>
    tpu.wait_indirect_dma semaphore(%dma_wait3A_1054 : memref<!tpu.dma_semaphore, #tpu.memory_space<semaphore_mem>>) src(%dma_wait3A_1052 : memref<32000x2048xf32, #tpu.memory_space<hbm>>) dst(%dma_wait3A_1047 : memref<8x2048xf32, #tpu.memory_space<vmem>>)
    %add3A_1055 = arith.constant 128 : i32
    %add3A_1056 = arith.addi %mul3A_2, %add3A_1055 : i32
    %dma_start3A_1057 = arith.constant 4 : i32
    %dma_start3A_1058 = arith.constant 4 : i32
    %dma_start3A_1059 = arith.constant 0 : i32
    %dma_start3A_1060 = arith.constant 0 : i32
    %dma_start3A_1061 = tpu.memref_slice %arg6[%dma_start3A_1057, %dma_start3A_1059, %dma_start3A_1060] : memref<6x8x2048xf32, #tpu.memory_space<vmem>> -> memref<1x8x2048xf32, #tpu.memory_space<vmem>>
    %dma_start3A_1062 = tpu.memref_squeeze %dma_start3A_1061 : memref<1x8x2048xf32, #tpu.memory_space<vmem>> -> memref<8x2048xf32, #tpu.memory_space<vmem>>
    %dma_start3A_1063 = arith.constant 0 : i32
    %dma_start3A_1064 = tpu.memref_slice %arg4[%add3A_1056, %dma_start3A_1063] : memref<8192x2048xf32, #tpu.memory_space<hbm>> -> memref<8x2048xf32, #tpu.memory_space<hbm>>
    %dma_start3A_1065 = tpu.memref_slice %arg8[%dma_start3A_1058] : memref<6x!tpu.dma_semaphore, #tpu.memory_space<semaphore_mem>> -> memref<1x!tpu.dma_semaphore, #tpu.memory_space<semaphore_mem>>
    %dma_start3A_1066 = tpu.memref_squeeze %dma_start3A_1065 : memref<1x!tpu.dma_semaphore, #tpu.memory_space<semaphore_mem>> -> memref<!tpu.dma_semaphore, #tpu.memory_space<semaphore_mem>>
    %dma_start3A_1067 = arith.constant 0 : i32
    %dma_start3A_1068 = tpu.memref_slice %arg4[%add3A_1056, %dma_start3A_1067] : memref<8192x2048xf32, #tpu.memory_space<hbm>> -> memref<8x2048xf32, #tpu.memory_space<hbm>>
    %dma_start3A_1069 = arith.constant 0 : i32
    %dma_start3A_1070 = arith.constant 0 : i32
    %dma_start3A_1071 = tpu.memref_slice %arg6[%dma_start3A_1057, %dma_start3A_1069, %dma_start3A_1070] : memref<6x8x2048xf32, #tpu.memory_space<vmem>> -> memref<1x8x2048xf32, #tpu.memory_space<vmem>>
    %dma_start3A_1072 = tpu.memref_squeeze %dma_start3A_1071 : memref<1x8x2048xf32, #tpu.memory_space<vmem>> -> memref<8x2048xf32, #tpu.memory_space<vmem>>
    tpu.enqueue_dma source(%dma_start3A_1072 : memref<8x2048xf32, #tpu.memory_space<vmem>>) target(%dma_start3A_1068 : memref<8x2048xf32, #tpu.memory_space<hbm>>) target_semaphore(%dma_start3A_1066 : memref<!tpu.dma_semaphore, #tpu.memory_space<semaphore_mem>>)
    %dma_wait3A_1073 = arith.constant 3 : i32
    %dma_wait3A_1074 = arith.constant 3 : i32
    %dma_wait3A_1075 = arith.constant 0 : i32
    %dma_wait3A_1076 = arith.constant 0 : i32
    %dma_wait3A_1077 = tpu.memref_slice %arg6[%dma_wait3A_1073, %dma_wait3A_1075, %dma_wait3A_1076] : memref<6x8x2048xf32, #tpu.memory_space<vmem>> -> memref<1x8x2048xf32, #tpu.memory_space<vmem>>
    %dma_wait3A_1078 = tpu.memref_squeeze %dma_wait3A_1077 : memref<1x8x2048xf32, #tpu.memory_space<vmem>> -> memref<8x2048xf32, #tpu.memory_space<vmem>>
    %dma_wait3A_1079 = arith.constant 0 : i32
    %dma_wait3A_1080 = tpu.memref_slice %arg4[%add3A_996, %dma_wait3A_1079] : memref<8192x2048xf32, #tpu.memory_space<hbm>> -> memref<8x2048xf32, #tpu.memory_space<hbm>>
    %dma_wait3A_1081 = tpu.memref_slice %arg8[%dma_wait3A_1074] : memref<6x!tpu.dma_semaphore, #tpu.memory_space<semaphore_mem>> -> memref<1x!tpu.dma_semaphore, #tpu.memory_space<semaphore_mem>>
    %dma_wait3A_1082 = tpu.memref_squeeze %dma_wait3A_1081 : memref<1x!tpu.dma_semaphore, #tpu.memory_space<semaphore_mem>> -> memref<!tpu.dma_semaphore, #tpu.memory_space<semaphore_mem>>
    %dma_wait3A_1083 = arith.constant 0 : i32
    %dma_wait3A_1084 = tpu.memref_slice %arg4[%add3A_996, %dma_wait3A_1083] : memref<8192x2048xf32, #tpu.memory_space<hbm>> -> memref<8x2048xf32, #tpu.memory_space<hbm>>
    %dma_wait3A_1085 = arith.constant 0 : i32
    %dma_wait3A_1086 = arith.constant 0 : i32
    %dma_wait3A_1087 = tpu.memref_slice %arg6[%dma_wait3A_1073, %dma_wait3A_1085, %dma_wait3A_1086] : memref<6x8x2048xf32, #tpu.memory_space<vmem>> -> memref<1x8x2048xf32, #tpu.memory_space<vmem>>
    %dma_wait3A_1088 = tpu.memref_squeeze %dma_wait3A_1087 : memref<1x8x2048xf32, #tpu.memory_space<vmem>> -> memref<8x2048xf32, #tpu.memory_space<vmem>>
    tpu.wait_dma2 semaphore(%dma_wait3A_1082 : memref<!tpu.dma_semaphore, #tpu.memory_space<semaphore_mem>>) src(%dma_wait3A_1088 : memref<8x2048xf32, #tpu.memory_space<vmem>>) dst(%dma_wait3A_1084 : memref<8x2048xf32, #tpu.memory_space<hbm>>)
    %dma_start3A_1089 = arith.constant 3 : i32
    %dma_start3A_1090 = arith.constant 3 : i32
    %dma_start3A_1091 = arith.constant 0 : i32
    %dma_start3A_1092 = arith.constant 0 : i32
    %dma_start3A_1093 = tpu.memref_slice %arg6[%dma_start3A_1089, %dma_start3A_1091, %dma_start3A_1092] : memref<6x8x2048xf32, #tpu.memory_space<vmem>> -> memref<1x8x2048xf32, #tpu.memory_space<vmem>>
    %dma_start3A_1094 = tpu.memref_squeeze %dma_start3A_1093 : memref<1x8x2048xf32, #tpu.memory_space<vmem>> -> memref<8x2048xf32, #tpu.memory_space<vmem>>
    %dma_start3A_1095 = arith.constant 168 : i32
    %dma_start3A_1096 = tpu.memref_slice %arg5[%dma_start3A_1095] : memref<256xi32, #tpu.memory_space<vmem>> -> memref<8xi32, #tpu.memory_space<vmem>>
    %dma_start3A_1097 = arith.constant 0 : i32
    %dma_start3A_1098 = arith.constant 0 : i32
    %dma_start3A_1099 = tpu.memref_slice %arg3[%dma_start3A_1097, %dma_start3A_1098] : memref<32000x2048xf32, #tpu.memory_space<hbm>> -> memref<32000x2048xf32, #tpu.memory_space<hbm>>
    %dma_start3A_1100 = tpu.memref_slice %arg7[%dma_start3A_1090] : memref<6x!tpu.dma_semaphore, #tpu.memory_space<semaphore_mem>> -> memref<1x!tpu.dma_semaphore, #tpu.memory_space<semaphore_mem>>
    %dma_start3A_1101 = tpu.memref_squeeze %dma_start3A_1100 : memref<1x!tpu.dma_semaphore, #tpu.memory_space<semaphore_mem>> -> memref<!tpu.dma_semaphore, #tpu.memory_space<semaphore_mem>>
    tpu.enqueue_indirect_dma source(%dma_start3A_1099 : memref<32000x2048xf32, #tpu.memory_space<hbm>>) target(%dma_start3A_1094 : memref<8x2048xf32, #tpu.memory_space<vmem>>) offsets(%dma_start3A_1096 : memref<8xi32, #tpu.memory_space<vmem>>) semaphore(%dma_start3A_1101 : memref<!tpu.dma_semaphore, #tpu.memory_space<semaphore_mem>>)
    %dma_wait3A_1102 = arith.constant 5 : i32
    %dma_wait3A_1103 = arith.constant 5 : i32
    %dma_wait3A_1104 = arith.constant 0 : i32
    %dma_wait3A_1105 = arith.constant 0 : i32
    %dma_wait3A_1106 = tpu.memref_slice %arg6[%dma_wait3A_1102, %dma_wait3A_1104, %dma_wait3A_1105] : memref<6x8x2048xf32, #tpu.memory_space<vmem>> -> memref<1x8x2048xf32, #tpu.memory_space<vmem>>
    %dma_wait3A_1107 = tpu.memref_squeeze %dma_wait3A_1106 : memref<1x8x2048xf32, #tpu.memory_space<vmem>> -> memref<8x2048xf32, #tpu.memory_space<vmem>>
    %dma_wait3A_1108 = arith.constant 136 : i32
    %dma_wait3A_1109 = tpu.memref_slice %arg5[%dma_wait3A_1108] : memref<256xi32, #tpu.memory_space<vmem>> -> memref<8xi32, #tpu.memory_space<vmem>>
    %dma_wait3A_1110 = arith.constant 0 : i32
    %dma_wait3A_1111 = arith.constant 0 : i32
    %dma_wait3A_1112 = tpu.memref_slice %arg3[%dma_wait3A_1110, %dma_wait3A_1111] : memref<32000x2048xf32, #tpu.memory_space<hbm>> -> memref<32000x2048xf32, #tpu.memory_space<hbm>>
    %dma_wait3A_1113 = tpu.memref_slice %arg7[%dma_wait3A_1103] : memref<6x!tpu.dma_semaphore, #tpu.memory_space<semaphore_mem>> -> memref<1x!tpu.dma_semaphore, #tpu.memory_space<semaphore_mem>>
    %dma_wait3A_1114 = tpu.memref_squeeze %dma_wait3A_1113 : memref<1x!tpu.dma_semaphore, #tpu.memory_space<semaphore_mem>> -> memref<!tpu.dma_semaphore, #tpu.memory_space<semaphore_mem>>
    tpu.wait_indirect_dma semaphore(%dma_wait3A_1114 : memref<!tpu.dma_semaphore, #tpu.memory_space<semaphore_mem>>) src(%dma_wait3A_1112 : memref<32000x2048xf32, #tpu.memory_space<hbm>>) dst(%dma_wait3A_1107 : memref<8x2048xf32, #tpu.memory_space<vmem>>)
    %add3A_1115 = arith.constant 136 : i32
    %add3A_1116 = arith.addi %mul3A_2, %add3A_1115 : i32
    %dma_start3A_1117 = arith.constant 5 : i32
    %dma_start3A_1118 = arith.constant 5 : i32
    %dma_start3A_1119 = arith.constant 0 : i32
    %dma_start3A_1120 = arith.constant 0 : i32
    %dma_start3A_1121 = tpu.memref_slice %arg6[%dma_start3A_1117, %dma_start3A_1119, %dma_start3A_1120] : memref<6x8x2048xf32, #tpu.memory_space<vmem>> -> memref<1x8x2048xf32, #tpu.memory_space<vmem>>
    %dma_start3A_1122 = tpu.memref_squeeze %dma_start3A_1121 : memref<1x8x2048xf32, #tpu.memory_space<vmem>> -> memref<8x2048xf32, #tpu.memory_space<vmem>>
    %dma_start3A_1123 = arith.constant 0 : i32
    %dma_start3A_1124 = tpu.memref_slice %arg4[%add3A_1116, %dma_start3A_1123] : memref<8192x2048xf32, #tpu.memory_space<hbm>> -> memref<8x2048xf32, #tpu.memory_space<hbm>>
    %dma_start3A_1125 = tpu.memref_slice %arg8[%dma_start3A_1118] : memref<6x!tpu.dma_semaphore, #tpu.memory_space<semaphore_mem>> -> memref<1x!tpu.dma_semaphore, #tpu.memory_space<semaphore_mem>>
    %dma_start3A_1126 = tpu.memref_squeeze %dma_start3A_1125 : memref<1x!tpu.dma_semaphore, #tpu.memory_space<semaphore_mem>> -> memref<!tpu.dma_semaphore, #tpu.memory_space<semaphore_mem>>
    %dma_start3A_1127 = arith.constant 0 : i32
    %dma_start3A_1128 = tpu.memref_slice %arg4[%add3A_1116, %dma_start3A_1127] : memref<8192x2048xf32, #tpu.memory_space<hbm>> -> memref<8x2048xf32, #tpu.memory_space<hbm>>
    %dma_start3A_1129 = arith.constant 0 : i32
    %dma_start3A_1130 = arith.constant 0 : i32
    %dma_start3A_1131 = tpu.memref_slice %arg6[%dma_start3A_1117, %dma_start3A_1129, %dma_start3A_1130] : memref<6x8x2048xf32, #tpu.memory_space<vmem>> -> memref<1x8x2048xf32, #tpu.memory_space<vmem>>
    %dma_start3A_1132 = tpu.memref_squeeze %dma_start3A_1131 : memref<1x8x2048xf32, #tpu.memory_space<vmem>> -> memref<8x2048xf32, #tpu.memory_space<vmem>>
    tpu.enqueue_dma source(%dma_start3A_1132 : memref<8x2048xf32, #tpu.memory_space<vmem>>) target(%dma_start3A_1128 : memref<8x2048xf32, #tpu.memory_space<hbm>>) target_semaphore(%dma_start3A_1126 : memref<!tpu.dma_semaphore, #tpu.memory_space<semaphore_mem>>)
    %dma_wait3A_1133 = arith.constant 4 : i32
    %dma_wait3A_1134 = arith.constant 4 : i32
    %dma_wait3A_1135 = arith.constant 0 : i32
    %dma_wait3A_1136 = arith.constant 0 : i32
    %dma_wait3A_1137 = tpu.memref_slice %arg6[%dma_wait3A_1133, %dma_wait3A_1135, %dma_wait3A_1136] : memref<6x8x2048xf32, #tpu.memory_space<vmem>> -> memref<1x8x2048xf32, #tpu.memory_space<vmem>>
    %dma_wait3A_1138 = tpu.memref_squeeze %dma_wait3A_1137 : memref<1x8x2048xf32, #tpu.memory_space<vmem>> -> memref<8x2048xf32, #tpu.memory_space<vmem>>
    %dma_wait3A_1139 = arith.constant 0 : i32
    %dma_wait3A_1140 = tpu.memref_slice %arg4[%add3A_1056, %dma_wait3A_1139] : memref<8192x2048xf32, #tpu.memory_space<hbm>> -> memref<8x2048xf32, #tpu.memory_space<hbm>>
    %dma_wait3A_1141 = tpu.memref_slice %arg8[%dma_wait3A_1134] : memref<6x!tpu.dma_semaphore, #tpu.memory_space<semaphore_mem>> -> memref<1x!tpu.dma_semaphore, #tpu.memory_space<semaphore_mem>>
    %dma_wait3A_1142 = tpu.memref_squeeze %dma_wait3A_1141 : memref<1x!tpu.dma_semaphore, #tpu.memory_space<semaphore_mem>> -> memref<!tpu.dma_semaphore, #tpu.memory_space<semaphore_mem>>
    %dma_wait3A_1143 = arith.constant 0 : i32
    %dma_wait3A_1144 = tpu.memref_slice %arg4[%add3A_1056, %dma_wait3A_1143] : memref<8192x2048xf32, #tpu.memory_space<hbm>> -> memref<8x2048xf32, #tpu.memory_space<hbm>>
    %dma_wait3A_1145 = arith.constant 0 : i32
    %dma_wait3A_1146 = arith.constant 0 : i32
    %dma_wait3A_1147 = tpu.memref_slice %arg6[%dma_wait3A_1133, %dma_wait3A_1145, %dma_wait3A_1146] : memref<6x8x2048xf32, #tpu.memory_space<vmem>> -> memref<1x8x2048xf32, #tpu.memory_space<vmem>>
    %dma_wait3A_1148 = tpu.memref_squeeze %dma_wait3A_1147 : memref<1x8x2048xf32, #tpu.memory_space<vmem>> -> memref<8x2048xf32, #tpu.memory_space<vmem>>
    tpu.wait_dma2 semaphore(%dma_wait3A_1142 : memref<!tpu.dma_semaphore, #tpu.memory_space<semaphore_mem>>) src(%dma_wait3A_1148 : memref<8x2048xf32, #tpu.memory_space<vmem>>) dst(%dma_wait3A_1144 : memref<8x2048xf32, #tpu.memory_space<hbm>>)
    %dma_start3A_1149 = arith.constant 4 : i32
    %dma_start3A_1150 = arith.constant 4 : i32
    %dma_start3A_1151 = arith.constant 0 : i32
    %dma_start3A_1152 = arith.constant 0 : i32
    %dma_start3A_1153 = tpu.memref_slice %arg6[%dma_start3A_1149, %dma_start3A_1151, %dma_start3A_1152] : memref<6x8x2048xf32, #tpu.memory_space<vmem>> -> memref<1x8x2048xf32, #tpu.memory_space<vmem>>
    %dma_start3A_1154 = tpu.memref_squeeze %dma_start3A_1153 : memref<1x8x2048xf32, #tpu.memory_space<vmem>> -> memref<8x2048xf32, #tpu.memory_space<vmem>>
    %dma_start3A_1155 = arith.constant 176 : i32
    %dma_start3A_1156 = tpu.memref_slice %arg5[%dma_start3A_1155] : memref<256xi32, #tpu.memory_space<vmem>> -> memref<8xi32, #tpu.memory_space<vmem>>
    %dma_start3A_1157 = arith.constant 0 : i32
    %dma_start3A_1158 = arith.constant 0 : i32
    %dma_start3A_1159 = tpu.memref_slice %arg3[%dma_start3A_1157, %dma_start3A_1158] : memref<32000x2048xf32, #tpu.memory_space<hbm>> -> memref<32000x2048xf32, #tpu.memory_space<hbm>>
    %dma_start3A_1160 = tpu.memref_slice %arg7[%dma_start3A_1150] : memref<6x!tpu.dma_semaphore, #tpu.memory_space<semaphore_mem>> -> memref<1x!tpu.dma_semaphore, #tpu.memory_space<semaphore_mem>>
    %dma_start3A_1161 = tpu.memref_squeeze %dma_start3A_1160 : memref<1x!tpu.dma_semaphore, #tpu.memory_space<semaphore_mem>> -> memref<!tpu.dma_semaphore, #tpu.memory_space<semaphore_mem>>
    tpu.enqueue_indirect_dma source(%dma_start3A_1159 : memref<32000x2048xf32, #tpu.memory_space<hbm>>) target(%dma_start3A_1154 : memref<8x2048xf32, #tpu.memory_space<vmem>>) offsets(%dma_start3A_1156 : memref<8xi32, #tpu.memory_space<vmem>>) semaphore(%dma_start3A_1161 : memref<!tpu.dma_semaphore, #tpu.memory_space<semaphore_mem>>)
    %dma_wait3A_1162 = arith.constant 0 : i32
    %dma_wait3A_1163 = arith.constant 0 : i32
    %dma_wait3A_1164 = arith.constant 0 : i32
    %dma_wait3A_1165 = arith.constant 0 : i32
    %dma_wait3A_1166 = tpu.memref_slice %arg6[%dma_wait3A_1162, %dma_wait3A_1164, %dma_wait3A_1165] : memref<6x8x2048xf32, #tpu.memory_space<vmem>> -> memref<1x8x2048xf32, #tpu.memory_space<vmem>>
    %dma_wait3A_1167 = tpu.memref_squeeze %dma_wait3A_1166 : memref<1x8x2048xf32, #tpu.memory_space<vmem>> -> memref<8x2048xf32, #tpu.memory_space<vmem>>
    %dma_wait3A_1168 = arith.constant 144 : i32
    %dma_wait3A_1169 = tpu.memref_slice %arg5[%dma_wait3A_1168] : memref<256xi32, #tpu.memory_space<vmem>> -> memref<8xi32, #tpu.memory_space<vmem>>
    %dma_wait3A_1170 = arith.constant 0 : i32
    %dma_wait3A_1171 = arith.constant 0 : i32
    %dma_wait3A_1172 = tpu.memref_slice %arg3[%dma_wait3A_1170, %dma_wait3A_1171] : memref<32000x2048xf32, #tpu.memory_space<hbm>> -> memref<32000x2048xf32, #tpu.memory_space<hbm>>
    %dma_wait3A_1173 = tpu.memref_slice %arg7[%dma_wait3A_1163] : memref<6x!tpu.dma_semaphore, #tpu.memory_space<semaphore_mem>> -> memref<1x!tpu.dma_semaphore, #tpu.memory_space<semaphore_mem>>
    %dma_wait3A_1174 = tpu.memref_squeeze %dma_wait3A_1173 : memref<1x!tpu.dma_semaphore, #tpu.memory_space<semaphore_mem>> -> memref<!tpu.dma_semaphore, #tpu.memory_space<semaphore_mem>>
    tpu.wait_indirect_dma semaphore(%dma_wait3A_1174 : memref<!tpu.dma_semaphore, #tpu.memory_space<semaphore_mem>>) src(%dma_wait3A_1172 : memref<32000x2048xf32, #tpu.memory_space<hbm>>) dst(%dma_wait3A_1167 : memref<8x2048xf32, #tpu.memory_space<vmem>>)
    %add3A_1175 = arith.constant 144 : i32
    %add3A_1176 = arith.addi %mul3A_2, %add3A_1175 : i32
    %dma_start3A_1177 = arith.constant 0 : i32
    %dma_start3A_1178 = arith.constant 0 : i32
    %dma_start3A_1179 = arith.constant 0 : i32
    %dma_start3A_1180 = arith.constant 0 : i32
    %dma_start3A_1181 = tpu.memref_slice %arg6[%dma_start3A_1177, %dma_start3A_1179, %dma_start3A_1180] : memref<6x8x2048xf32, #tpu.memory_space<vmem>> -> memref<1x8x2048xf32, #tpu.memory_space<vmem>>
    %dma_start3A_1182 = tpu.memref_squeeze %dma_start3A_1181 : memref<1x8x2048xf32, #tpu.memory_space<vmem>> -> memref<8x2048xf32, #tpu.memory_space<vmem>>
    %dma_start3A_1183 = arith.constant 0 : i32
    %dma_start3A_1184 = tpu.memref_slice %arg4[%add3A_1176, %dma_start3A_1183] : memref<8192x2048xf32, #tpu.memory_space<hbm>> -> memref<8x2048xf32, #tpu.memory_space<hbm>>
    %dma_start3A_1185 = tpu.memref_slice %arg8[%dma_start3A_1178] : memref<6x!tpu.dma_semaphore, #tpu.memory_space<semaphore_mem>> -> memref<1x!tpu.dma_semaphore, #tpu.memory_space<semaphore_mem>>
    %dma_start3A_1186 = tpu.memref_squeeze %dma_start3A_1185 : memref<1x!tpu.dma_semaphore, #tpu.memory_space<semaphore_mem>> -> memref<!tpu.dma_semaphore, #tpu.memory_space<semaphore_mem>>
    %dma_start3A_1187 = arith.constant 0 : i32
    %dma_start3A_1188 = tpu.memref_slice %arg4[%add3A_1176, %dma_start3A_1187] : memref<8192x2048xf32, #tpu.memory_space<hbm>> -> memref<8x2048xf32, #tpu.memory_space<hbm>>
    %dma_start3A_1189 = arith.constant 0 : i32
    %dma_start3A_1190 = arith.constant 0 : i32
    %dma_start3A_1191 = tpu.memref_slice %arg6[%dma_start3A_1177, %dma_start3A_1189, %dma_start3A_1190] : memref<6x8x2048xf32, #tpu.memory_space<vmem>> -> memref<1x8x2048xf32, #tpu.memory_space<vmem>>
    %dma_start3A_1192 = tpu.memref_squeeze %dma_start3A_1191 : memref<1x8x2048xf32, #tpu.memory_space<vmem>> -> memref<8x2048xf32, #tpu.memory_space<vmem>>
    tpu.enqueue_dma source(%dma_start3A_1192 : memref<8x2048xf32, #tpu.memory_space<vmem>>) target(%dma_start3A_1188 : memref<8x2048xf32, #tpu.memory_space<hbm>>) target_semaphore(%dma_start3A_1186 : memref<!tpu.dma_semaphore, #tpu.memory_space<semaphore_mem>>)
    %dma_wait3A_1193 = arith.constant 5 : i32
    %dma_wait3A_1194 = arith.constant 5 : i32
    %dma_wait3A_1195 = arith.constant 0 : i32
    %dma_wait3A_1196 = arith.constant 0 : i32
    %dma_wait3A_1197 = tpu.memref_slice %arg6[%dma_wait3A_1193, %dma_wait3A_1195, %dma_wait3A_1196] : memref<6x8x2048xf32, #tpu.memory_space<vmem>> -> memref<1x8x2048xf32, #tpu.memory_space<vmem>>
    %dma_wait3A_1198 = tpu.memref_squeeze %dma_wait3A_1197 : memref<1x8x2048xf32, #tpu.memory_space<vmem>> -> memref<8x2048xf32, #tpu.memory_space<vmem>>
    %dma_wait3A_1199 = arith.constant 0 : i32
    %dma_wait3A_1200 = tpu.memref_slice %arg4[%add3A_1116, %dma_wait3A_1199] : memref<8192x2048xf32, #tpu.memory_space<hbm>> -> memref<8x2048xf32, #tpu.memory_space<hbm>>
    %dma_wait3A_1201 = tpu.memref_slice %arg8[%dma_wait3A_1194] : memref<6x!tpu.dma_semaphore, #tpu.memory_space<semaphore_mem>> -> memref<1x!tpu.dma_semaphore, #tpu.memory_space<semaphore_mem>>
    %dma_wait3A_1202 = tpu.memref_squeeze %dma_wait3A_1201 : memref<1x!tpu.dma_semaphore, #tpu.memory_space<semaphore_mem>> -> memref<!tpu.dma_semaphore, #tpu.memory_space<semaphore_mem>>
    %dma_wait3A_1203 = arith.constant 0 : i32
    %dma_wait3A_1204 = tpu.memref_slice %arg4[%add3A_1116, %dma_wait3A_1203] : memref<8192x2048xf32, #tpu.memory_space<hbm>> -> memref<8x2048xf32, #tpu.memory_space<hbm>>
    %dma_wait3A_1205 = arith.constant 0 : i32
    %dma_wait3A_1206 = arith.constant 0 : i32
    %dma_wait3A_1207 = tpu.memref_slice %arg6[%dma_wait3A_1193, %dma_wait3A_1205, %dma_wait3A_1206] : memref<6x8x2048xf32, #tpu.memory_space<vmem>> -> memref<1x8x2048xf32, #tpu.memory_space<vmem>>
    %dma_wait3A_1208 = tpu.memref_squeeze %dma_wait3A_1207 : memref<1x8x2048xf32, #tpu.memory_space<vmem>> -> memref<8x2048xf32, #tpu.memory_space<vmem>>
    tpu.wait_dma2 semaphore(%dma_wait3A_1202 : memref<!tpu.dma_semaphore, #tpu.memory_space<semaphore_mem>>) src(%dma_wait3A_1208 : memref<8x2048xf32, #tpu.memory_space<vmem>>) dst(%dma_wait3A_1204 : memref<8x2048xf32, #tpu.memory_space<hbm>>)
    %dma_start3A_1209 = arith.constant 5 : i32
    %dma_start3A_1210 = arith.constant 5 : i32
    %dma_start3A_1211 = arith.constant 0 : i32
    %dma_start3A_1212 = arith.constant 0 : i32
    %dma_start3A_1213 = tpu.memref_slice %arg6[%dma_start3A_1209, %dma_start3A_1211, %dma_start3A_1212] : memref<6x8x2048xf32, #tpu.memory_space<vmem>> -> memref<1x8x2048xf32, #tpu.memory_space<vmem>>
    %dma_start3A_1214 = tpu.memref_squeeze %dma_start3A_1213 : memref<1x8x2048xf32, #tpu.memory_space<vmem>> -> memref<8x2048xf32, #tpu.memory_space<vmem>>
    %dma_start3A_1215 = arith.constant 184 : i32
    %dma_start3A_1216 = tpu.memref_slice %arg5[%dma_start3A_1215] : memref<256xi32, #tpu.memory_space<vmem>> -> memref<8xi32, #tpu.memory_space<vmem>>
    %dma_start3A_1217 = arith.constant 0 : i32
    %dma_start3A_1218 = arith.constant 0 : i32
    %dma_start3A_1219 = tpu.memref_slice %arg3[%dma_start3A_1217, %dma_start3A_1218] : memref<32000x2048xf32, #tpu.memory_space<hbm>> -> memref<32000x2048xf32, #tpu.memory_space<hbm>>
    %dma_start3A_1220 = tpu.memref_slice %arg7[%dma_start3A_1210] : memref<6x!tpu.dma_semaphore, #tpu.memory_space<semaphore_mem>> -> memref<1x!tpu.dma_semaphore, #tpu.memory_space<semaphore_mem>>
    %dma_start3A_1221 = tpu.memref_squeeze %dma_start3A_1220 : memref<1x!tpu.dma_semaphore, #tpu.memory_space<semaphore_mem>> -> memref<!tpu.dma_semaphore, #tpu.memory_space<semaphore_mem>>
    tpu.enqueue_indirect_dma source(%dma_start3A_1219 : memref<32000x2048xf32, #tpu.memory_space<hbm>>) target(%dma_start3A_1214 : memref<8x2048xf32, #tpu.memory_space<vmem>>) offsets(%dma_start3A_1216 : memref<8xi32, #tpu.memory_space<vmem>>) semaphore(%dma_start3A_1221 : memref<!tpu.dma_semaphore, #tpu.memory_space<semaphore_mem>>)
    %dma_wait3A_1222 = arith.constant 1 : i32
    %dma_wait3A_1223 = arith.constant 1 : i32
    %dma_wait3A_1224 = arith.constant 0 : i32
    %dma_wait3A_1225 = arith.constant 0 : i32
    %dma_wait3A_1226 = tpu.memref_slice %arg6[%dma_wait3A_1222, %dma_wait3A_1224, %dma_wait3A_1225] : memref<6x8x2048xf32, #tpu.memory_space<vmem>> -> memref<1x8x2048xf32, #tpu.memory_space<vmem>>
    %dma_wait3A_1227 = tpu.memref_squeeze %dma_wait3A_1226 : memref<1x8x2048xf32, #tpu.memory_space<vmem>> -> memref<8x2048xf32, #tpu.memory_space<vmem>>
    %dma_wait3A_1228 = arith.constant 152 : i32
    %dma_wait3A_1229 = tpu.memref_slice %arg5[%dma_wait3A_1228] : memref<256xi32, #tpu.memory_space<vmem>> -> memref<8xi32, #tpu.memory_space<vmem>>
    %dma_wait3A_1230 = arith.constant 0 : i32
    %dma_wait3A_1231 = arith.constant 0 : i32
    %dma_wait3A_1232 = tpu.memref_slice %arg3[%dma_wait3A_1230, %dma_wait3A_1231] : memref<32000x2048xf32, #tpu.memory_space<hbm>> -> memref<32000x2048xf32, #tpu.memory_space<hbm>>
    %dma_wait3A_1233 = tpu.memref_slice %arg7[%dma_wait3A_1223] : memref<6x!tpu.dma_semaphore, #tpu.memory_space<semaphore_mem>> -> memref<1x!tpu.dma_semaphore, #tpu.memory_space<semaphore_mem>>
    %dma_wait3A_1234 = tpu.memref_squeeze %dma_wait3A_1233 : memref<1x!tpu.dma_semaphore, #tpu.memory_space<semaphore_mem>> -> memref<!tpu.dma_semaphore, #tpu.memory_space<semaphore_mem>>
    tpu.wait_indirect_dma semaphore(%dma_wait3A_1234 : memref<!tpu.dma_semaphore, #tpu.memory_space<semaphore_mem>>) src(%dma_wait3A_1232 : memref<32000x2048xf32, #tpu.memory_space<hbm>>) dst(%dma_wait3A_1227 : memref<8x2048xf32, #tpu.memory_space<vmem>>)
    %add3A_1235 = arith.constant 152 : i32
    %add3A_1236 = arith.addi %mul3A_2, %add3A_1235 : i32
    %dma_start3A_1237 = arith.constant 1 : i32
    %dma_start3A_1238 = arith.constant 1 : i32
    %dma_start3A_1239 = arith.constant 0 : i32
    %dma_start3A_1240 = arith.constant 0 : i32
    %dma_start3A_1241 = tpu.memref_slice %arg6[%dma_start3A_1237, %dma_start3A_1239, %dma_start3A_1240] : memref<6x8x2048xf32, #tpu.memory_space<vmem>> -> memref<1x8x2048xf32, #tpu.memory_space<vmem>>
    %dma_start3A_1242 = tpu.memref_squeeze %dma_start3A_1241 : memref<1x8x2048xf32, #tpu.memory_space<vmem>> -> memref<8x2048xf32, #tpu.memory_space<vmem>>
    %dma_start3A_1243 = arith.constant 0 : i32
    %dma_start3A_1244 = tpu.memref_slice %arg4[%add3A_1236, %dma_start3A_1243] : memref<8192x2048xf32, #tpu.memory_space<hbm>> -> memref<8x2048xf32, #tpu.memory_space<hbm>>
    %dma_start3A_1245 = tpu.memref_slice %arg8[%dma_start3A_1238] : memref<6x!tpu.dma_semaphore, #tpu.memory_space<semaphore_mem>> -> memref<1x!tpu.dma_semaphore, #tpu.memory_space<semaphore_mem>>
    %dma_start3A_1246 = tpu.memref_squeeze %dma_start3A_1245 : memref<1x!tpu.dma_semaphore, #tpu.memory_space<semaphore_mem>> -> memref<!tpu.dma_semaphore, #tpu.memory_space<semaphore_mem>>
    %dma_start3A_1247 = arith.constant 0 : i32
    %dma_start3A_1248 = tpu.memref_slice %arg4[%add3A_1236, %dma_start3A_1247] : memref<8192x2048xf32, #tpu.memory_space<hbm>> -> memref<8x2048xf32, #tpu.memory_space<hbm>>
    %dma_start3A_1249 = arith.constant 0 : i32
    %dma_start3A_1250 = arith.constant 0 : i32
    %dma_start3A_1251 = tpu.memref_slice %arg6[%dma_start3A_1237, %dma_start3A_1249, %dma_start3A_1250] : memref<6x8x2048xf32, #tpu.memory_space<vmem>> -> memref<1x8x2048xf32, #tpu.memory_space<vmem>>
    %dma_start3A_1252 = tpu.memref_squeeze %dma_start3A_1251 : memref<1x8x2048xf32, #tpu.memory_space<vmem>> -> memref<8x2048xf32, #tpu.memory_space<vmem>>
    tpu.enqueue_dma source(%dma_start3A_1252 : memref<8x2048xf32, #tpu.memory_space<vmem>>) target(%dma_start3A_1248 : memref<8x2048xf32, #tpu.memory_space<hbm>>) target_semaphore(%dma_start3A_1246 : memref<!tpu.dma_semaphore, #tpu.memory_space<semaphore_mem>>)
    %dma_wait3A_1253 = arith.constant 0 : i32
    %dma_wait3A_1254 = arith.constant 0 : i32
    %dma_wait3A_1255 = arith.constant 0 : i32
    %dma_wait3A_1256 = arith.constant 0 : i32
    %dma_wait3A_1257 = tpu.memref_slice %arg6[%dma_wait3A_1253, %dma_wait3A_1255, %dma_wait3A_1256] : memref<6x8x2048xf32, #tpu.memory_space<vmem>> -> memref<1x8x2048xf32, #tpu.memory_space<vmem>>
    %dma_wait3A_1258 = tpu.memref_squeeze %dma_wait3A_1257 : memref<1x8x2048xf32, #tpu.memory_space<vmem>> -> memref<8x2048xf32, #tpu.memory_space<vmem>>
    %dma_wait3A_1259 = arith.constant 0 : i32
    %dma_wait3A_1260 = tpu.memref_slice %arg4[%add3A_1176, %dma_wait3A_1259] : memref<8192x2048xf32, #tpu.memory_space<hbm>> -> memref<8x2048xf32, #tpu.memory_space<hbm>>
    %dma_wait3A_1261 = tpu.memref_slice %arg8[%dma_wait3A_1254] : memref<6x!tpu.dma_semaphore, #tpu.memory_space<semaphore_mem>> -> memref<1x!tpu.dma_semaphore, #tpu.memory_space<semaphore_mem>>
    %dma_wait3A_1262 = tpu.memref_squeeze %dma_wait3A_1261 : memref<1x!tpu.dma_semaphore, #tpu.memory_space<semaphore_mem>> -> memref<!tpu.dma_semaphore, #tpu.memory_space<semaphore_mem>>
    %dma_wait3A_1263 = arith.constant 0 : i32
    %dma_wait3A_1264 = tpu.memref_slice %arg4[%add3A_1176, %dma_wait3A_1263] : memref<8192x2048xf32, #tpu.memory_space<hbm>> -> memref<8x2048xf32, #tpu.memory_space<hbm>>
    %dma_wait3A_1265 = arith.constant 0 : i32
    %dma_wait3A_1266 = arith.constant 0 : i32
    %dma_wait3A_1267 = tpu.memref_slice %arg6[%dma_wait3A_1253, %dma_wait3A_1265, %dma_wait3A_1266] : memref<6x8x2048xf32, #tpu.memory_space<vmem>> -> memref<1x8x2048xf32, #tpu.memory_space<vmem>>
    %dma_wait3A_1268 = tpu.memref_squeeze %dma_wait3A_1267 : memref<1x8x2048xf32, #tpu.memory_space<vmem>> -> memref<8x2048xf32, #tpu.memory_space<vmem>>
    tpu.wait_dma2 semaphore(%dma_wait3A_1262 : memref<!tpu.dma_semaphore, #tpu.memory_space<semaphore_mem>>) src(%dma_wait3A_1268 : memref<8x2048xf32, #tpu.memory_space<vmem>>) dst(%dma_wait3A_1264 : memref<8x2048xf32, #tpu.memory_space<hbm>>)
    %dma_start3A_1269 = arith.constant 0 : i32
    %dma_start3A_1270 = arith.constant 0 : i32
    %dma_start3A_1271 = arith.constant 0 : i32
    %dma_start3A_1272 = arith.constant 0 : i32
    %dma_start3A_1273 = tpu.memref_slice %arg6[%dma_start3A_1269, %dma_start3A_1271, %dma_start3A_1272] : memref<6x8x2048xf32, #tpu.memory_space<vmem>> -> memref<1x8x2048xf32, #tpu.memory_space<vmem>>
    %dma_start3A_1274 = tpu.memref_squeeze %dma_start3A_1273 : memref<1x8x2048xf32, #tpu.memory_space<vmem>> -> memref<8x2048xf32, #tpu.memory_space<vmem>>
    %dma_start3A_1275 = arith.constant 192 : i32
    %dma_start3A_1276 = tpu.memref_slice %arg5[%dma_start3A_1275] : memref<256xi32, #tpu.memory_space<vmem>> -> memref<8xi32, #tpu.memory_space<vmem>>
    %dma_start3A_1277 = arith.constant 0 : i32
    %dma_start3A_1278 = arith.constant 0 : i32
    %dma_start3A_1279 = tpu.memref_slice %arg3[%dma_start3A_1277, %dma_start3A_1278] : memref<32000x2048xf32, #tpu.memory_space<hbm>> -> memref<32000x2048xf32, #tpu.memory_space<hbm>>
    %dma_start3A_1280 = tpu.memref_slice %arg7[%dma_start3A_1270] : memref<6x!tpu.dma_semaphore, #tpu.memory_space<semaphore_mem>> -> memref<1x!tpu.dma_semaphore, #tpu.memory_space<semaphore_mem>>
    %dma_start3A_1281 = tpu.memref_squeeze %dma_start3A_1280 : memref<1x!tpu.dma_semaphore, #tpu.memory_space<semaphore_mem>> -> memref<!tpu.dma_semaphore, #tpu.memory_space<semaphore_mem>>
    tpu.enqueue_indirect_dma source(%dma_start3A_1279 : memref<32000x2048xf32, #tpu.memory_space<hbm>>) target(%dma_start3A_1274 : memref<8x2048xf32, #tpu.memory_space<vmem>>) offsets(%dma_start3A_1276 : memref<8xi32, #tpu.memory_space<vmem>>) semaphore(%dma_start3A_1281 : memref<!tpu.dma_semaphore, #tpu.memory_space<semaphore_mem>>)
    %dma_wait3A_1282 = arith.constant 2 : i32
    %dma_wait3A_1283 = arith.constant 2 : i32
    %dma_wait3A_1284 = arith.constant 0 : i32
    %dma_wait3A_1285 = arith.constant 0 : i32
    %dma_wait3A_1286 = tpu.memref_slice %arg6[%dma_wait3A_1282, %dma_wait3A_1284, %dma_wait3A_1285] : memref<6x8x2048xf32, #tpu.memory_space<vmem>> -> memref<1x8x2048xf32, #tpu.memory_space<vmem>>
    %dma_wait3A_1287 = tpu.memref_squeeze %dma_wait3A_1286 : memref<1x8x2048xf32, #tpu.memory_space<vmem>> -> memref<8x2048xf32, #tpu.memory_space<vmem>>
    %dma_wait3A_1288 = arith.constant 160 : i32
    %dma_wait3A_1289 = tpu.memref_slice %arg5[%dma_wait3A_1288] : memref<256xi32, #tpu.memory_space<vmem>> -> memref<8xi32, #tpu.memory_space<vmem>>
    %dma_wait3A_1290 = arith.constant 0 : i32
    %dma_wait3A_1291 = arith.constant 0 : i32
    %dma_wait3A_1292 = tpu.memref_slice %arg3[%dma_wait3A_1290, %dma_wait3A_1291] : memref<32000x2048xf32, #tpu.memory_space<hbm>> -> memref<32000x2048xf32, #tpu.memory_space<hbm>>
    %dma_wait3A_1293 = tpu.memref_slice %arg7[%dma_wait3A_1283] : memref<6x!tpu.dma_semaphore, #tpu.memory_space<semaphore_mem>> -> memref<1x!tpu.dma_semaphore, #tpu.memory_space<semaphore_mem>>
    %dma_wait3A_1294 = tpu.memref_squeeze %dma_wait3A_1293 : memref<1x!tpu.dma_semaphore, #tpu.memory_space<semaphore_mem>> -> memref<!tpu.dma_semaphore, #tpu.memory_space<semaphore_mem>>
    tpu.wait_indirect_dma semaphore(%dma_wait3A_1294 : memref<!tpu.dma_semaphore, #tpu.memory_space<semaphore_mem>>) src(%dma_wait3A_1292 : memref<32000x2048xf32, #tpu.memory_space<hbm>>) dst(%dma_wait3A_1287 : memref<8x2048xf32, #tpu.memory_space<vmem>>)
    %add3A_1295 = arith.constant 160 : i32
    %add3A_1296 = arith.addi %mul3A_2, %add3A_1295 : i32
    %dma_start3A_1297 = arith.constant 2 : i32
    %dma_start3A_1298 = arith.constant 2 : i32
    %dma_start3A_1299 = arith.constant 0 : i32
    %dma_start3A_1300 = arith.constant 0 : i32
    %dma_start3A_1301 = tpu.memref_slice %arg6[%dma_start3A_1297, %dma_start3A_1299, %dma_start3A_1300] : memref<6x8x2048xf32, #tpu.memory_space<vmem>> -> memref<1x8x2048xf32, #tpu.memory_space<vmem>>
    %dma_start3A_1302 = tpu.memref_squeeze %dma_start3A_1301 : memref<1x8x2048xf32, #tpu.memory_space<vmem>> -> memref<8x2048xf32, #tpu.memory_space<vmem>>
    %dma_start3A_1303 = arith.constant 0 : i32
    %dma_start3A_1304 = tpu.memref_slice %arg4[%add3A_1296, %dma_start3A_1303] : memref<8192x2048xf32, #tpu.memory_space<hbm>> -> memref<8x2048xf32, #tpu.memory_space<hbm>>
    %dma_start3A_1305 = tpu.memref_slice %arg8[%dma_start3A_1298] : memref<6x!tpu.dma_semaphore, #tpu.memory_space<semaphore_mem>> -> memref<1x!tpu.dma_semaphore, #tpu.memory_space<semaphore_mem>>
    %dma_start3A_1306 = tpu.memref_squeeze %dma_start3A_1305 : memref<1x!tpu.dma_semaphore, #tpu.memory_space<semaphore_mem>> -> memref<!tpu.dma_semaphore, #tpu.memory_space<semaphore_mem>>
    %dma_start3A_1307 = arith.constant 0 : i32
    %dma_start3A_1308 = tpu.memref_slice %arg4[%add3A_1296, %dma_start3A_1307] : memref<8192x2048xf32, #tpu.memory_space<hbm>> -> memref<8x2048xf32, #tpu.memory_space<hbm>>
    %dma_start3A_1309 = arith.constant 0 : i32
    %dma_start3A_1310 = arith.constant 0 : i32
    %dma_start3A_1311 = tpu.memref_slice %arg6[%dma_start3A_1297, %dma_start3A_1309, %dma_start3A_1310] : memref<6x8x2048xf32, #tpu.memory_space<vmem>> -> memref<1x8x2048xf32, #tpu.memory_space<vmem>>
    %dma_start3A_1312 = tpu.memref_squeeze %dma_start3A_1311 : memref<1x8x2048xf32, #tpu.memory_space<vmem>> -> memref<8x2048xf32, #tpu.memory_space<vmem>>
    tpu.enqueue_dma source(%dma_start3A_1312 : memref<8x2048xf32, #tpu.memory_space<vmem>>) target(%dma_start3A_1308 : memref<8x2048xf32, #tpu.memory_space<hbm>>) target_semaphore(%dma_start3A_1306 : memref<!tpu.dma_semaphore, #tpu.memory_space<semaphore_mem>>)
    %dma_wait3A_1313 = arith.constant 1 : i32
    %dma_wait3A_1314 = arith.constant 1 : i32
    %dma_wait3A_1315 = arith.constant 0 : i32
    %dma_wait3A_1316 = arith.constant 0 : i32
    %dma_wait3A_1317 = tpu.memref_slice %arg6[%dma_wait3A_1313, %dma_wait3A_1315, %dma_wait3A_1316] : memref<6x8x2048xf32, #tpu.memory_space<vmem>> -> memref<1x8x2048xf32, #tpu.memory_space<vmem>>
    %dma_wait3A_1318 = tpu.memref_squeeze %dma_wait3A_1317 : memref<1x8x2048xf32, #tpu.memory_space<vmem>> -> memref<8x2048xf32, #tpu.memory_space<vmem>>
    %dma_wait3A_1319 = arith.constant 0 : i32
    %dma_wait3A_1320 = tpu.memref_slice %arg4[%add3A_1236, %dma_wait3A_1319] : memref<8192x2048xf32, #tpu.memory_space<hbm>> -> memref<8x2048xf32, #tpu.memory_space<hbm>>
    %dma_wait3A_1321 = tpu.memref_slice %arg8[%dma_wait3A_1314] : memref<6x!tpu.dma_semaphore, #tpu.memory_space<semaphore_mem>> -> memref<1x!tpu.dma_semaphore, #tpu.memory_space<semaphore_mem>>
    %dma_wait3A_1322 = tpu.memref_squeeze %dma_wait3A_1321 : memref<1x!tpu.dma_semaphore, #tpu.memory_space<semaphore_mem>> -> memref<!tpu.dma_semaphore, #tpu.memory_space<semaphore_mem>>
    %dma_wait3A_1323 = arith.constant 0 : i32
    %dma_wait3A_1324 = tpu.memref_slice %arg4[%add3A_1236, %dma_wait3A_1323] : memref<8192x2048xf32, #tpu.memory_space<hbm>> -> memref<8x2048xf32, #tpu.memory_space<hbm>>
    %dma_wait3A_1325 = arith.constant 0 : i32
    %dma_wait3A_1326 = arith.constant 0 : i32
    %dma_wait3A_1327 = tpu.memref_slice %arg6[%dma_wait3A_1313, %dma_wait3A_1325, %dma_wait3A_1326] : memref<6x8x2048xf32, #tpu.memory_space<vmem>> -> memref<1x8x2048xf32, #tpu.memory_space<vmem>>
    %dma_wait3A_1328 = tpu.memref_squeeze %dma_wait3A_1327 : memref<1x8x2048xf32, #tpu.memory_space<vmem>> -> memref<8x2048xf32, #tpu.memory_space<vmem>>
    tpu.wait_dma2 semaphore(%dma_wait3A_1322 : memref<!tpu.dma_semaphore, #tpu.memory_space<semaphore_mem>>) src(%dma_wait3A_1328 : memref<8x2048xf32, #tpu.memory_space<vmem>>) dst(%dma_wait3A_1324 : memref<8x2048xf32, #tpu.memory_space<hbm>>)
    %dma_start3A_1329 = arith.constant 1 : i32
    %dma_start3A_1330 = arith.constant 1 : i32
    %dma_start3A_1331 = arith.constant 0 : i32
    %dma_start3A_1332 = arith.constant 0 : i32
    %dma_start3A_1333 = tpu.memref_slice %arg6[%dma_start3A_1329, %dma_start3A_1331, %dma_start3A_1332] : memref<6x8x2048xf32, #tpu.memory_space<vmem>> -> memref<1x8x2048xf32, #tpu.memory_space<vmem>>
    %dma_start3A_1334 = tpu.memref_squeeze %dma_start3A_1333 : memref<1x8x2048xf32, #tpu.memory_space<vmem>> -> memref<8x2048xf32, #tpu.memory_space<vmem>>
    %dma_start3A_1335 = arith.constant 200 : i32
    %dma_start3A_1336 = tpu.memref_slice %arg5[%dma_start3A_1335] : memref<256xi32, #tpu.memory_space<vmem>> -> memref<8xi32, #tpu.memory_space<vmem>>
    %dma_start3A_1337 = arith.constant 0 : i32
    %dma_start3A_1338 = arith.constant 0 : i32
    %dma_start3A_1339 = tpu.memref_slice %arg3[%dma_start3A_1337, %dma_start3A_1338] : memref<32000x2048xf32, #tpu.memory_space<hbm>> -> memref<32000x2048xf32, #tpu.memory_space<hbm>>
    %dma_start3A_1340 = tpu.memref_slice %arg7[%dma_start3A_1330] : memref<6x!tpu.dma_semaphore, #tpu.memory_space<semaphore_mem>> -> memref<1x!tpu.dma_semaphore, #tpu.memory_space<semaphore_mem>>
    %dma_start3A_1341 = tpu.memref_squeeze %dma_start3A_1340 : memref<1x!tpu.dma_semaphore, #tpu.memory_space<semaphore_mem>> -> memref<!tpu.dma_semaphore, #tpu.memory_space<semaphore_mem>>
    tpu.enqueue_indirect_dma source(%dma_start3A_1339 : memref<32000x2048xf32, #tpu.memory_space<hbm>>) target(%dma_start3A_1334 : memref<8x2048xf32, #tpu.memory_space<vmem>>) offsets(%dma_start3A_1336 : memref<8xi32, #tpu.memory_space<vmem>>) semaphore(%dma_start3A_1341 : memref<!tpu.dma_semaphore, #tpu.memory_space<semaphore_mem>>)
    %dma_wait3A_1342 = arith.constant 3 : i32
    %dma_wait3A_1343 = arith.constant 3 : i32
    %dma_wait3A_1344 = arith.constant 0 : i32
    %dma_wait3A_1345 = arith.constant 0 : i32
    %dma_wait3A_1346 = tpu.memref_slice %arg6[%dma_wait3A_1342, %dma_wait3A_1344, %dma_wait3A_1345] : memref<6x8x2048xf32, #tpu.memory_space<vmem>> -> memref<1x8x2048xf32, #tpu.memory_space<vmem>>
    %dma_wait3A_1347 = tpu.memref_squeeze %dma_wait3A_1346 : memref<1x8x2048xf32, #tpu.memory_space<vmem>> -> memref<8x2048xf32, #tpu.memory_space<vmem>>
    %dma_wait3A_1348 = arith.constant 168 : i32
    %dma_wait3A_1349 = tpu.memref_slice %arg5[%dma_wait3A_1348] : memref<256xi32, #tpu.memory_space<vmem>> -> memref<8xi32, #tpu.memory_space<vmem>>
    %dma_wait3A_1350 = arith.constant 0 : i32
    %dma_wait3A_1351 = arith.constant 0 : i32
    %dma_wait3A_1352 = tpu.memref_slice %arg3[%dma_wait3A_1350, %dma_wait3A_1351] : memref<32000x2048xf32, #tpu.memory_space<hbm>> -> memref<32000x2048xf32, #tpu.memory_space<hbm>>
    %dma_wait3A_1353 = tpu.memref_slice %arg7[%dma_wait3A_1343] : memref<6x!tpu.dma_semaphore, #tpu.memory_space<semaphore_mem>> -> memref<1x!tpu.dma_semaphore, #tpu.memory_space<semaphore_mem>>
    %dma_wait3A_1354 = tpu.memref_squeeze %dma_wait3A_1353 : memref<1x!tpu.dma_semaphore, #tpu.memory_space<semaphore_mem>> -> memref<!tpu.dma_semaphore, #tpu.memory_space<semaphore_mem>>
    tpu.wait_indirect_dma semaphore(%dma_wait3A_1354 : memref<!tpu.dma_semaphore, #tpu.memory_space<semaphore_mem>>) src(%dma_wait3A_1352 : memref<32000x2048xf32, #tpu.memory_space<hbm>>) dst(%dma_wait3A_1347 : memref<8x2048xf32, #tpu.memory_space<vmem>>)
    %add3A_1355 = arith.constant 168 : i32
    %add3A_1356 = arith.addi %mul3A_2, %add3A_1355 : i32
    %dma_start3A_1357 = arith.constant 3 : i32
    %dma_start3A_1358 = arith.constant 3 : i32
    %dma_start3A_1359 = arith.constant 0 : i32
    %dma_start3A_1360 = arith.constant 0 : i32
    %dma_start3A_1361 = tpu.memref_slice %arg6[%dma_start3A_1357, %dma_start3A_1359, %dma_start3A_1360] : memref<6x8x2048xf32, #tpu.memory_space<vmem>> -> memref<1x8x2048xf32, #tpu.memory_space<vmem>>
    %dma_start3A_1362 = tpu.memref_squeeze %dma_start3A_1361 : memref<1x8x2048xf32, #tpu.memory_space<vmem>> -> memref<8x2048xf32, #tpu.memory_space<vmem>>
    %dma_start3A_1363 = arith.constant 0 : i32
    %dma_start3A_1364 = tpu.memref_slice %arg4[%add3A_1356, %dma_start3A_1363] : memref<8192x2048xf32, #tpu.memory_space<hbm>> -> memref<8x2048xf32, #tpu.memory_space<hbm>>
    %dma_start3A_1365 = tpu.memref_slice %arg8[%dma_start3A_1358] : memref<6x!tpu.dma_semaphore, #tpu.memory_space<semaphore_mem>> -> memref<1x!tpu.dma_semaphore, #tpu.memory_space<semaphore_mem>>
    %dma_start3A_1366 = tpu.memref_squeeze %dma_start3A_1365 : memref<1x!tpu.dma_semaphore, #tpu.memory_space<semaphore_mem>> -> memref<!tpu.dma_semaphore, #tpu.memory_space<semaphore_mem>>
    %dma_start3A_1367 = arith.constant 0 : i32
    %dma_start3A_1368 = tpu.memref_slice %arg4[%add3A_1356, %dma_start3A_1367] : memref<8192x2048xf32, #tpu.memory_space<hbm>> -> memref<8x2048xf32, #tpu.memory_space<hbm>>
    %dma_start3A_1369 = arith.constant 0 : i32
    %dma_start3A_1370 = arith.constant 0 : i32
    %dma_start3A_1371 = tpu.memref_slice %arg6[%dma_start3A_1357, %dma_start3A_1369, %dma_start3A_1370] : memref<6x8x2048xf32, #tpu.memory_space<vmem>> -> memref<1x8x2048xf32, #tpu.memory_space<vmem>>
    %dma_start3A_1372 = tpu.memref_squeeze %dma_start3A_1371 : memref<1x8x2048xf32, #tpu.memory_space<vmem>> -> memref<8x2048xf32, #tpu.memory_space<vmem>>
    tpu.enqueue_dma source(%dma_start3A_1372 : memref<8x2048xf32, #tpu.memory_space<vmem>>) target(%dma_start3A_1368 : memref<8x2048xf32, #tpu.memory_space<hbm>>) target_semaphore(%dma_start3A_1366 : memref<!tpu.dma_semaphore, #tpu.memory_space<semaphore_mem>>)
    %dma_wait3A_1373 = arith.constant 2 : i32
    %dma_wait3A_1374 = arith.constant 2 : i32
    %dma_wait3A_1375 = arith.constant 0 : i32
    %dma_wait3A_1376 = arith.constant 0 : i32
    %dma_wait3A_1377 = tpu.memref_slice %arg6[%dma_wait3A_1373, %dma_wait3A_1375, %dma_wait3A_1376] : memref<6x8x2048xf32, #tpu.memory_space<vmem>> -> memref<1x8x2048xf32, #tpu.memory_space<vmem>>
    %dma_wait3A_1378 = tpu.memref_squeeze %dma_wait3A_1377 : memref<1x8x2048xf32, #tpu.memory_space<vmem>> -> memref<8x2048xf32, #tpu.memory_space<vmem>>
    %dma_wait3A_1379 = arith.constant 0 : i32
    %dma_wait3A_1380 = tpu.memref_slice %arg4[%add3A_1296, %dma_wait3A_1379] : memref<8192x2048xf32, #tpu.memory_space<hbm>> -> memref<8x2048xf32, #tpu.memory_space<hbm>>
    %dma_wait3A_1381 = tpu.memref_slice %arg8[%dma_wait3A_1374] : memref<6x!tpu.dma_semaphore, #tpu.memory_space<semaphore_mem>> -> memref<1x!tpu.dma_semaphore, #tpu.memory_space<semaphore_mem>>
    %dma_wait3A_1382 = tpu.memref_squeeze %dma_wait3A_1381 : memref<1x!tpu.dma_semaphore, #tpu.memory_space<semaphore_mem>> -> memref<!tpu.dma_semaphore, #tpu.memory_space<semaphore_mem>>
    %dma_wait3A_1383 = arith.constant 0 : i32
    %dma_wait3A_1384 = tpu.memref_slice %arg4[%add3A_1296, %dma_wait3A_1383] : memref<8192x2048xf32, #tpu.memory_space<hbm>> -> memref<8x2048xf32, #tpu.memory_space<hbm>>
    %dma_wait3A_1385 = arith.constant 0 : i32
    %dma_wait3A_1386 = arith.constant 0 : i32
    %dma_wait3A_1387 = tpu.memref_slice %arg6[%dma_wait3A_1373, %dma_wait3A_1385, %dma_wait3A_1386] : memref<6x8x2048xf32, #tpu.memory_space<vmem>> -> memref<1x8x2048xf32, #tpu.memory_space<vmem>>
    %dma_wait3A_1388 = tpu.memref_squeeze %dma_wait3A_1387 : memref<1x8x2048xf32, #tpu.memory_space<vmem>> -> memref<8x2048xf32, #tpu.memory_space<vmem>>
    tpu.wait_dma2 semaphore(%dma_wait3A_1382 : memref<!tpu.dma_semaphore, #tpu.memory_space<semaphore_mem>>) src(%dma_wait3A_1388 : memref<8x2048xf32, #tpu.memory_space<vmem>>) dst(%dma_wait3A_1384 : memref<8x2048xf32, #tpu.memory_space<hbm>>)
    %dma_start3A_1389 = arith.constant 2 : i32
    %dma_start3A_1390 = arith.constant 2 : i32
    %dma_start3A_1391 = arith.constant 0 : i32
    %dma_start3A_1392 = arith.constant 0 : i32
    %dma_start3A_1393 = tpu.memref_slice %arg6[%dma_start3A_1389, %dma_start3A_1391, %dma_start3A_1392] : memref<6x8x2048xf32, #tpu.memory_space<vmem>> -> memref<1x8x2048xf32, #tpu.memory_space<vmem>>
    %dma_start3A_1394 = tpu.memref_squeeze %dma_start3A_1393 : memref<1x8x2048xf32, #tpu.memory_space<vmem>> -> memref<8x2048xf32, #tpu.memory_space<vmem>>
    %dma_start3A_1395 = arith.constant 208 : i32
    %dma_start3A_1396 = tpu.memref_slice %arg5[%dma_start3A_1395] : memref<256xi32, #tpu.memory_space<vmem>> -> memref<8xi32, #tpu.memory_space<vmem>>
    %dma_start3A_1397 = arith.constant 0 : i32
    %dma_start3A_1398 = arith.constant 0 : i32
    %dma_start3A_1399 = tpu.memref_slice %arg3[%dma_start3A_1397, %dma_start3A_1398] : memref<32000x2048xf32, #tpu.memory_space<hbm>> -> memref<32000x2048xf32, #tpu.memory_space<hbm>>
    %dma_start3A_1400 = tpu.memref_slice %arg7[%dma_start3A_1390] : memref<6x!tpu.dma_semaphore, #tpu.memory_space<semaphore_mem>> -> memref<1x!tpu.dma_semaphore, #tpu.memory_space<semaphore_mem>>
    %dma_start3A_1401 = tpu.memref_squeeze %dma_start3A_1400 : memref<1x!tpu.dma_semaphore, #tpu.memory_space<semaphore_mem>> -> memref<!tpu.dma_semaphore, #tpu.memory_space<semaphore_mem>>
    tpu.enqueue_indirect_dma source(%dma_start3A_1399 : memref<32000x2048xf32, #tpu.memory_space<hbm>>) target(%dma_start3A_1394 : memref<8x2048xf32, #tpu.memory_space<vmem>>) offsets(%dma_start3A_1396 : memref<8xi32, #tpu.memory_space<vmem>>) semaphore(%dma_start3A_1401 : memref<!tpu.dma_semaphore, #tpu.memory_space<semaphore_mem>>)
    %dma_wait3A_1402 = arith.constant 4 : i32
    %dma_wait3A_1403 = arith.constant 4 : i32
    %dma_wait3A_1404 = arith.constant 0 : i32
    %dma_wait3A_1405 = arith.constant 0 : i32
    %dma_wait3A_1406 = tpu.memref_slice %arg6[%dma_wait3A_1402, %dma_wait3A_1404, %dma_wait3A_1405] : memref<6x8x2048xf32, #tpu.memory_space<vmem>> -> memref<1x8x2048xf32, #tpu.memory_space<vmem>>
    %dma_wait3A_1407 = tpu.memref_squeeze %dma_wait3A_1406 : memref<1x8x2048xf32, #tpu.memory_space<vmem>> -> memref<8x2048xf32, #tpu.memory_space<vmem>>
    %dma_wait3A_1408 = arith.constant 176 : i32
    %dma_wait3A_1409 = tpu.memref_slice %arg5[%dma_wait3A_1408] : memref<256xi32, #tpu.memory_space<vmem>> -> memref<8xi32, #tpu.memory_space<vmem>>
    %dma_wait3A_1410 = arith.constant 0 : i32
    %dma_wait3A_1411 = arith.constant 0 : i32
    %dma_wait3A_1412 = tpu.memref_slice %arg3[%dma_wait3A_1410, %dma_wait3A_1411] : memref<32000x2048xf32, #tpu.memory_space<hbm>> -> memref<32000x2048xf32, #tpu.memory_space<hbm>>
    %dma_wait3A_1413 = tpu.memref_slice %arg7[%dma_wait3A_1403] : memref<6x!tpu.dma_semaphore, #tpu.memory_space<semaphore_mem>> -> memref<1x!tpu.dma_semaphore, #tpu.memory_space<semaphore_mem>>
    %dma_wait3A_1414 = tpu.memref_squeeze %dma_wait3A_1413 : memref<1x!tpu.dma_semaphore, #tpu.memory_space<semaphore_mem>> -> memref<!tpu.dma_semaphore, #tpu.memory_space<semaphore_mem>>
    tpu.wait_indirect_dma semaphore(%dma_wait3A_1414 : memref<!tpu.dma_semaphore, #tpu.memory_space<semaphore_mem>>) src(%dma_wait3A_1412 : memref<32000x2048xf32, #tpu.memory_space<hbm>>) dst(%dma_wait3A_1407 : memref<8x2048xf32, #tpu.memory_space<vmem>>)
    %add3A_1415 = arith.constant 176 : i32
    %add3A_1416 = arith.addi %mul3A_2, %add3A_1415 : i32
    %dma_start3A_1417 = arith.constant 4 : i32
    %dma_start3A_1418 = arith.constant 4 : i32
    %dma_start3A_1419 = arith.constant 0 : i32
    %dma_start3A_1420 = arith.constant 0 : i32
    %dma_start3A_1421 = tpu.memref_slice %arg6[%dma_start3A_1417, %dma_start3A_1419, %dma_start3A_1420] : memref<6x8x2048xf32, #tpu.memory_space<vmem>> -> memref<1x8x2048xf32, #tpu.memory_space<vmem>>
    %dma_start3A_1422 = tpu.memref_squeeze %dma_start3A_1421 : memref<1x8x2048xf32, #tpu.memory_space<vmem>> -> memref<8x2048xf32, #tpu.memory_space<vmem>>
    %dma_start3A_1423 = arith.constant 0 : i32
    %dma_start3A_1424 = tpu.memref_slice %arg4[%add3A_1416, %dma_start3A_1423] : memref<8192x2048xf32, #tpu.memory_space<hbm>> -> memref<8x2048xf32, #tpu.memory_space<hbm>>
    %dma_start3A_1425 = tpu.memref_slice %arg8[%dma_start3A_1418] : memref<6x!tpu.dma_semaphore, #tpu.memory_space<semaphore_mem>> -> memref<1x!tpu.dma_semaphore, #tpu.memory_space<semaphore_mem>>
    %dma_start3A_1426 = tpu.memref_squeeze %dma_start3A_1425 : memref<1x!tpu.dma_semaphore, #tpu.memory_space<semaphore_mem>> -> memref<!tpu.dma_semaphore, #tpu.memory_space<semaphore_mem>>
    %dma_start3A_1427 = arith.constant 0 : i32
    %dma_start3A_1428 = tpu.memref_slice %arg4[%add3A_1416, %dma_start3A_1427] : memref<8192x2048xf32, #tpu.memory_space<hbm>> -> memref<8x2048xf32, #tpu.memory_space<hbm>>
    %dma_start3A_1429 = arith.constant 0 : i32
    %dma_start3A_1430 = arith.constant 0 : i32
    %dma_start3A_1431 = tpu.memref_slice %arg6[%dma_start3A_1417, %dma_start3A_1429, %dma_start3A_1430] : memref<6x8x2048xf32, #tpu.memory_space<vmem>> -> memref<1x8x2048xf32, #tpu.memory_space<vmem>>
    %dma_start3A_1432 = tpu.memref_squeeze %dma_start3A_1431 : memref<1x8x2048xf32, #tpu.memory_space<vmem>> -> memref<8x2048xf32, #tpu.memory_space<vmem>>
    tpu.enqueue_dma source(%dma_start3A_1432 : memref<8x2048xf32, #tpu.memory_space<vmem>>) target(%dma_start3A_1428 : memref<8x2048xf32, #tpu.memory_space<hbm>>) target_semaphore(%dma_start3A_1426 : memref<!tpu.dma_semaphore, #tpu.memory_space<semaphore_mem>>)
    %dma_wait3A_1433 = arith.constant 3 : i32
    %dma_wait3A_1434 = arith.constant 3 : i32
    %dma_wait3A_1435 = arith.constant 0 : i32
    %dma_wait3A_1436 = arith.constant 0 : i32
    %dma_wait3A_1437 = tpu.memref_slice %arg6[%dma_wait3A_1433, %dma_wait3A_1435, %dma_wait3A_1436] : memref<6x8x2048xf32, #tpu.memory_space<vmem>> -> memref<1x8x2048xf32, #tpu.memory_space<vmem>>
    %dma_wait3A_1438 = tpu.memref_squeeze %dma_wait3A_1437 : memref<1x8x2048xf32, #tpu.memory_space<vmem>> -> memref<8x2048xf32, #tpu.memory_space<vmem>>
    %dma_wait3A_1439 = arith.constant 0 : i32
    %dma_wait3A_1440 = tpu.memref_slice %arg4[%add3A_1356, %dma_wait3A_1439] : memref<8192x2048xf32, #tpu.memory_space<hbm>> -> memref<8x2048xf32, #tpu.memory_space<hbm>>
    %dma_wait3A_1441 = tpu.memref_slice %arg8[%dma_wait3A_1434] : memref<6x!tpu.dma_semaphore, #tpu.memory_space<semaphore_mem>> -> memref<1x!tpu.dma_semaphore, #tpu.memory_space<semaphore_mem>>
    %dma_wait3A_1442 = tpu.memref_squeeze %dma_wait3A_1441 : memref<1x!tpu.dma_semaphore, #tpu.memory_space<semaphore_mem>> -> memref<!tpu.dma_semaphore, #tpu.memory_space<semaphore_mem>>
    %dma_wait3A_1443 = arith.constant 0 : i32
    %dma_wait3A_1444 = tpu.memref_slice %arg4[%add3A_1356, %dma_wait3A_1443] : memref<8192x2048xf32, #tpu.memory_space<hbm>> -> memref<8x2048xf32, #tpu.memory_space<hbm>>
    %dma_wait3A_1445 = arith.constant 0 : i32
    %dma_wait3A_1446 = arith.constant 0 : i32
    %dma_wait3A_1447 = tpu.memref_slice %arg6[%dma_wait3A_1433, %dma_wait3A_1445, %dma_wait3A_1446] : memref<6x8x2048xf32, #tpu.memory_space<vmem>> -> memref<1x8x2048xf32, #tpu.memory_space<vmem>>
    %dma_wait3A_1448 = tpu.memref_squeeze %dma_wait3A_1447 : memref<1x8x2048xf32, #tpu.memory_space<vmem>> -> memref<8x2048xf32, #tpu.memory_space<vmem>>
    tpu.wait_dma2 semaphore(%dma_wait3A_1442 : memref<!tpu.dma_semaphore, #tpu.memory_space<semaphore_mem>>) src(%dma_wait3A_1448 : memref<8x2048xf32, #tpu.memory_space<vmem>>) dst(%dma_wait3A_1444 : memref<8x2048xf32, #tpu.memory_space<hbm>>)
    %dma_start3A_1449 = arith.constant 3 : i32
    %dma_start3A_1450 = arith.constant 3 : i32
    %dma_start3A_1451 = arith.constant 0 : i32
    %dma_start3A_1452 = arith.constant 0 : i32
    %dma_start3A_1453 = tpu.memref_slice %arg6[%dma_start3A_1449, %dma_start3A_1451, %dma_start3A_1452] : memref<6x8x2048xf32, #tpu.memory_space<vmem>> -> memref<1x8x2048xf32, #tpu.memory_space<vmem>>
    %dma_start3A_1454 = tpu.memref_squeeze %dma_start3A_1453 : memref<1x8x2048xf32, #tpu.memory_space<vmem>> -> memref<8x2048xf32, #tpu.memory_space<vmem>>
    %dma_start3A_1455 = arith.constant 216 : i32
    %dma_start3A_1456 = tpu.memref_slice %arg5[%dma_start3A_1455] : memref<256xi32, #tpu.memory_space<vmem>> -> memref<8xi32, #tpu.memory_space<vmem>>
    %dma_start3A_1457 = arith.constant 0 : i32
    %dma_start3A_1458 = arith.constant 0 : i32
    %dma_start3A_1459 = tpu.memref_slice %arg3[%dma_start3A_1457, %dma_start3A_1458] : memref<32000x2048xf32, #tpu.memory_space<hbm>> -> memref<32000x2048xf32, #tpu.memory_space<hbm>>
    %dma_start3A_1460 = tpu.memref_slice %arg7[%dma_start3A_1450] : memref<6x!tpu.dma_semaphore, #tpu.memory_space<semaphore_mem>> -> memref<1x!tpu.dma_semaphore, #tpu.memory_space<semaphore_mem>>
    %dma_start3A_1461 = tpu.memref_squeeze %dma_start3A_1460 : memref<1x!tpu.dma_semaphore, #tpu.memory_space<semaphore_mem>> -> memref<!tpu.dma_semaphore, #tpu.memory_space<semaphore_mem>>
    tpu.enqueue_indirect_dma source(%dma_start3A_1459 : memref<32000x2048xf32, #tpu.memory_space<hbm>>) target(%dma_start3A_1454 : memref<8x2048xf32, #tpu.memory_space<vmem>>) offsets(%dma_start3A_1456 : memref<8xi32, #tpu.memory_space<vmem>>) semaphore(%dma_start3A_1461 : memref<!tpu.dma_semaphore, #tpu.memory_space<semaphore_mem>>)
    %dma_wait3A_1462 = arith.constant 5 : i32
    %dma_wait3A_1463 = arith.constant 5 : i32
    %dma_wait3A_1464 = arith.constant 0 : i32
    %dma_wait3A_1465 = arith.constant 0 : i32
    %dma_wait3A_1466 = tpu.memref_slice %arg6[%dma_wait3A_1462, %dma_wait3A_1464, %dma_wait3A_1465] : memref<6x8x2048xf32, #tpu.memory_space<vmem>> -> memref<1x8x2048xf32, #tpu.memory_space<vmem>>
    %dma_wait3A_1467 = tpu.memref_squeeze %dma_wait3A_1466 : memref<1x8x2048xf32, #tpu.memory_space<vmem>> -> memref<8x2048xf32, #tpu.memory_space<vmem>>
    %dma_wait3A_1468 = arith.constant 184 : i32
    %dma_wait3A_1469 = tpu.memref_slice %arg5[%dma_wait3A_1468] : memref<256xi32, #tpu.memory_space<vmem>> -> memref<8xi32, #tpu.memory_space<vmem>>
    %dma_wait3A_1470 = arith.constant 0 : i32
    %dma_wait3A_1471 = arith.constant 0 : i32
    %dma_wait3A_1472 = tpu.memref_slice %arg3[%dma_wait3A_1470, %dma_wait3A_1471] : memref<32000x2048xf32, #tpu.memory_space<hbm>> -> memref<32000x2048xf32, #tpu.memory_space<hbm>>
    %dma_wait3A_1473 = tpu.memref_slice %arg7[%dma_wait3A_1463] : memref<6x!tpu.dma_semaphore, #tpu.memory_space<semaphore_mem>> -> memref<1x!tpu.dma_semaphore, #tpu.memory_space<semaphore_mem>>
    %dma_wait3A_1474 = tpu.memref_squeeze %dma_wait3A_1473 : memref<1x!tpu.dma_semaphore, #tpu.memory_space<semaphore_mem>> -> memref<!tpu.dma_semaphore, #tpu.memory_space<semaphore_mem>>
    tpu.wait_indirect_dma semaphore(%dma_wait3A_1474 : memref<!tpu.dma_semaphore, #tpu.memory_space<semaphore_mem>>) src(%dma_wait3A_1472 : memref<32000x2048xf32, #tpu.memory_space<hbm>>) dst(%dma_wait3A_1467 : memref<8x2048xf32, #tpu.memory_space<vmem>>)
    %add3A_1475 = arith.constant 184 : i32
    %add3A_1476 = arith.addi %mul3A_2, %add3A_1475 : i32
    %dma_start3A_1477 = arith.constant 5 : i32
    %dma_start3A_1478 = arith.constant 5 : i32
    %dma_start3A_1479 = arith.constant 0 : i32
    %dma_start3A_1480 = arith.constant 0 : i32
    %dma_start3A_1481 = tpu.memref_slice %arg6[%dma_start3A_1477, %dma_start3A_1479, %dma_start3A_1480] : memref<6x8x2048xf32, #tpu.memory_space<vmem>> -> memref<1x8x2048xf32, #tpu.memory_space<vmem>>
    %dma_start3A_1482 = tpu.memref_squeeze %dma_start3A_1481 : memref<1x8x2048xf32, #tpu.memory_space<vmem>> -> memref<8x2048xf32, #tpu.memory_space<vmem>>
    %dma_start3A_1483 = arith.constant 0 : i32
    %dma_start3A_1484 = tpu.memref_slice %arg4[%add3A_1476, %dma_start3A_1483] : memref<8192x2048xf32, #tpu.memory_space<hbm>> -> memref<8x2048xf32, #tpu.memory_space<hbm>>
    %dma_start3A_1485 = tpu.memref_slice %arg8[%dma_start3A_1478] : memref<6x!tpu.dma_semaphore, #tpu.memory_space<semaphore_mem>> -> memref<1x!tpu.dma_semaphore, #tpu.memory_space<semaphore_mem>>
    %dma_start3A_1486 = tpu.memref_squeeze %dma_start3A_1485 : memref<1x!tpu.dma_semaphore, #tpu.memory_space<semaphore_mem>> -> memref<!tpu.dma_semaphore, #tpu.memory_space<semaphore_mem>>
    %dma_start3A_1487 = arith.constant 0 : i32
    %dma_start3A_1488 = tpu.memref_slice %arg4[%add3A_1476, %dma_start3A_1487] : memref<8192x2048xf32, #tpu.memory_space<hbm>> -> memref<8x2048xf32, #tpu.memory_space<hbm>>
    %dma_start3A_1489 = arith.constant 0 : i32
    %dma_start3A_1490 = arith.constant 0 : i32
    %dma_start3A_1491 = tpu.memref_slice %arg6[%dma_start3A_1477, %dma_start3A_1489, %dma_start3A_1490] : memref<6x8x2048xf32, #tpu.memory_space<vmem>> -> memref<1x8x2048xf32, #tpu.memory_space<vmem>>
    %dma_start3A_1492 = tpu.memref_squeeze %dma_start3A_1491 : memref<1x8x2048xf32, #tpu.memory_space<vmem>> -> memref<8x2048xf32, #tpu.memory_space<vmem>>
    tpu.enqueue_dma source(%dma_start3A_1492 : memref<8x2048xf32, #tpu.memory_space<vmem>>) target(%dma_start3A_1488 : memref<8x2048xf32, #tpu.memory_space<hbm>>) target_semaphore(%dma_start3A_1486 : memref<!tpu.dma_semaphore, #tpu.memory_space<semaphore_mem>>)
    %dma_wait3A_1493 = arith.constant 4 : i32
    %dma_wait3A_1494 = arith.constant 4 : i32
    %dma_wait3A_1495 = arith.constant 0 : i32
    %dma_wait3A_1496 = arith.constant 0 : i32
    %dma_wait3A_1497 = tpu.memref_slice %arg6[%dma_wait3A_1493, %dma_wait3A_1495, %dma_wait3A_1496] : memref<6x8x2048xf32, #tpu.memory_space<vmem>> -> memref<1x8x2048xf32, #tpu.memory_space<vmem>>
    %dma_wait3A_1498 = tpu.memref_squeeze %dma_wait3A_1497 : memref<1x8x2048xf32, #tpu.memory_space<vmem>> -> memref<8x2048xf32, #tpu.memory_space<vmem>>
    %dma_wait3A_1499 = arith.constant 0 : i32
    %dma_wait3A_1500 = tpu.memref_slice %arg4[%add3A_1416, %dma_wait3A_1499] : memref<8192x2048xf32, #tpu.memory_space<hbm>> -> memref<8x2048xf32, #tpu.memory_space<hbm>>
    %dma_wait3A_1501 = tpu.memref_slice %arg8[%dma_wait3A_1494] : memref<6x!tpu.dma_semaphore, #tpu.memory_space<semaphore_mem>> -> memref<1x!tpu.dma_semaphore, #tpu.memory_space<semaphore_mem>>
    %dma_wait3A_1502 = tpu.memref_squeeze %dma_wait3A_1501 : memref<1x!tpu.dma_semaphore, #tpu.memory_space<semaphore_mem>> -> memref<!tpu.dma_semaphore, #tpu.memory_space<semaphore_mem>>
    %dma_wait3A_1503 = arith.constant 0 : i32
    %dma_wait3A_1504 = tpu.memref_slice %arg4[%add3A_1416, %dma_wait3A_1503] : memref<8192x2048xf32, #tpu.memory_space<hbm>> -> memref<8x2048xf32, #tpu.memory_space<hbm>>
    %dma_wait3A_1505 = arith.constant 0 : i32
    %dma_wait3A_1506 = arith.constant 0 : i32
    %dma_wait3A_1507 = tpu.memref_slice %arg6[%dma_wait3A_1493, %dma_wait3A_1505, %dma_wait3A_1506] : memref<6x8x2048xf32, #tpu.memory_space<vmem>> -> memref<1x8x2048xf32, #tpu.memory_space<vmem>>
    %dma_wait3A_1508 = tpu.memref_squeeze %dma_wait3A_1507 : memref<1x8x2048xf32, #tpu.memory_space<vmem>> -> memref<8x2048xf32, #tpu.memory_space<vmem>>
    tpu.wait_dma2 semaphore(%dma_wait3A_1502 : memref<!tpu.dma_semaphore, #tpu.memory_space<semaphore_mem>>) src(%dma_wait3A_1508 : memref<8x2048xf32, #tpu.memory_space<vmem>>) dst(%dma_wait3A_1504 : memref<8x2048xf32, #tpu.memory_space<hbm>>)
    %dma_start3A_1509 = arith.constant 4 : i32
    %dma_start3A_1510 = arith.constant 4 : i32
    %dma_start3A_1511 = arith.constant 0 : i32
    %dma_start3A_1512 = arith.constant 0 : i32
    %dma_start3A_1513 = tpu.memref_slice %arg6[%dma_start3A_1509, %dma_start3A_1511, %dma_start3A_1512] : memref<6x8x2048xf32, #tpu.memory_space<vmem>> -> memref<1x8x2048xf32, #tpu.memory_space<vmem>>
    %dma_start3A_1514 = tpu.memref_squeeze %dma_start3A_1513 : memref<1x8x2048xf32, #tpu.memory_space<vmem>> -> memref<8x2048xf32, #tpu.memory_space<vmem>>
    %dma_start3A_1515 = arith.constant 224 : i32
    %dma_start3A_1516 = tpu.memref_slice %arg5[%dma_start3A_1515] : memref<256xi32, #tpu.memory_space<vmem>> -> memref<8xi32, #tpu.memory_space<vmem>>
    %dma_start3A_1517 = arith.constant 0 : i32
    %dma_start3A_1518 = arith.constant 0 : i32
    %dma_start3A_1519 = tpu.memref_slice %arg3[%dma_start3A_1517, %dma_start3A_1518] : memref<32000x2048xf32, #tpu.memory_space<hbm>> -> memref<32000x2048xf32, #tpu.memory_space<hbm>>
    %dma_start3A_1520 = tpu.memref_slice %arg7[%dma_start3A_1510] : memref<6x!tpu.dma_semaphore, #tpu.memory_space<semaphore_mem>> -> memref<1x!tpu.dma_semaphore, #tpu.memory_space<semaphore_mem>>
    %dma_start3A_1521 = tpu.memref_squeeze %dma_start3A_1520 : memref<1x!tpu.dma_semaphore, #tpu.memory_space<semaphore_mem>> -> memref<!tpu.dma_semaphore, #tpu.memory_space<semaphore_mem>>
    tpu.enqueue_indirect_dma source(%dma_start3A_1519 : memref<32000x2048xf32, #tpu.memory_space<hbm>>) target(%dma_start3A_1514 : memref<8x2048xf32, #tpu.memory_space<vmem>>) offsets(%dma_start3A_1516 : memref<8xi32, #tpu.memory_space<vmem>>) semaphore(%dma_start3A_1521 : memref<!tpu.dma_semaphore, #tpu.memory_space<semaphore_mem>>)
    %dma_wait3A_1522 = arith.constant 0 : i32
    %dma_wait3A_1523 = arith.constant 0 : i32
    %dma_wait3A_1524 = arith.constant 0 : i32
    %dma_wait3A_1525 = arith.constant 0 : i32
    %dma_wait3A_1526 = tpu.memref_slice %arg6[%dma_wait3A_1522, %dma_wait3A_1524, %dma_wait3A_1525] : memref<6x8x2048xf32, #tpu.memory_space<vmem>> -> memref<1x8x2048xf32, #tpu.memory_space<vmem>>
    %dma_wait3A_1527 = tpu.memref_squeeze %dma_wait3A_1526 : memref<1x8x2048xf32, #tpu.memory_space<vmem>> -> memref<8x2048xf32, #tpu.memory_space<vmem>>
    %dma_wait3A_1528 = arith.constant 192 : i32
    %dma_wait3A_1529 = tpu.memref_slice %arg5[%dma_wait3A_1528] : memref<256xi32, #tpu.memory_space<vmem>> -> memref<8xi32, #tpu.memory_space<vmem>>
    %dma_wait3A_1530 = arith.constant 0 : i32
    %dma_wait3A_1531 = arith.constant 0 : i32
    %dma_wait3A_1532 = tpu.memref_slice %arg3[%dma_wait3A_1530, %dma_wait3A_1531] : memref<32000x2048xf32, #tpu.memory_space<hbm>> -> memref<32000x2048xf32, #tpu.memory_space<hbm>>
    %dma_wait3A_1533 = tpu.memref_slice %arg7[%dma_wait3A_1523] : memref<6x!tpu.dma_semaphore, #tpu.memory_space<semaphore_mem>> -> memref<1x!tpu.dma_semaphore, #tpu.memory_space<semaphore_mem>>
    %dma_wait3A_1534 = tpu.memref_squeeze %dma_wait3A_1533 : memref<1x!tpu.dma_semaphore, #tpu.memory_space<semaphore_mem>> -> memref<!tpu.dma_semaphore, #tpu.memory_space<semaphore_mem>>
    tpu.wait_indirect_dma semaphore(%dma_wait3A_1534 : memref<!tpu.dma_semaphore, #tpu.memory_space<semaphore_mem>>) src(%dma_wait3A_1532 : memref<32000x2048xf32, #tpu.memory_space<hbm>>) dst(%dma_wait3A_1527 : memref<8x2048xf32, #tpu.memory_space<vmem>>)
    %add3A_1535 = arith.constant 192 : i32
    %add3A_1536 = arith.addi %mul3A_2, %add3A_1535 : i32
    %dma_start3A_1537 = arith.constant 0 : i32
    %dma_start3A_1538 = arith.constant 0 : i32
    %dma_start3A_1539 = arith.constant 0 : i32
    %dma_start3A_1540 = arith.constant 0 : i32
    %dma_start3A_1541 = tpu.memref_slice %arg6[%dma_start3A_1537, %dma_start3A_1539, %dma_start3A_1540] : memref<6x8x2048xf32, #tpu.memory_space<vmem>> -> memref<1x8x2048xf32, #tpu.memory_space<vmem>>
    %dma_start3A_1542 = tpu.memref_squeeze %dma_start3A_1541 : memref<1x8x2048xf32, #tpu.memory_space<vmem>> -> memref<8x2048xf32, #tpu.memory_space<vmem>>
    %dma_start3A_1543 = arith.constant 0 : i32
    %dma_start3A_1544 = tpu.memref_slice %arg4[%add3A_1536, %dma_start3A_1543] : memref<8192x2048xf32, #tpu.memory_space<hbm>> -> memref<8x2048xf32, #tpu.memory_space<hbm>>
    %dma_start3A_1545 = tpu.memref_slice %arg8[%dma_start3A_1538] : memref<6x!tpu.dma_semaphore, #tpu.memory_space<semaphore_mem>> -> memref<1x!tpu.dma_semaphore, #tpu.memory_space<semaphore_mem>>
    %dma_start3A_1546 = tpu.memref_squeeze %dma_start3A_1545 : memref<1x!tpu.dma_semaphore, #tpu.memory_space<semaphore_mem>> -> memref<!tpu.dma_semaphore, #tpu.memory_space<semaphore_mem>>
    %dma_start3A_1547 = arith.constant 0 : i32
    %dma_start3A_1548 = tpu.memref_slice %arg4[%add3A_1536, %dma_start3A_1547] : memref<8192x2048xf32, #tpu.memory_space<hbm>> -> memref<8x2048xf32, #tpu.memory_space<hbm>>
    %dma_start3A_1549 = arith.constant 0 : i32
    %dma_start3A_1550 = arith.constant 0 : i32
    %dma_start3A_1551 = tpu.memref_slice %arg6[%dma_start3A_1537, %dma_start3A_1549, %dma_start3A_1550] : memref<6x8x2048xf32, #tpu.memory_space<vmem>> -> memref<1x8x2048xf32, #tpu.memory_space<vmem>>
    %dma_start3A_1552 = tpu.memref_squeeze %dma_start3A_1551 : memref<1x8x2048xf32, #tpu.memory_space<vmem>> -> memref<8x2048xf32, #tpu.memory_space<vmem>>
    tpu.enqueue_dma source(%dma_start3A_1552 : memref<8x2048xf32, #tpu.memory_space<vmem>>) target(%dma_start3A_1548 : memref<8x2048xf32, #tpu.memory_space<hbm>>) target_semaphore(%dma_start3A_1546 : memref<!tpu.dma_semaphore, #tpu.memory_space<semaphore_mem>>)
    %dma_wait3A_1553 = arith.constant 5 : i32
    %dma_wait3A_1554 = arith.constant 5 : i32
    %dma_wait3A_1555 = arith.constant 0 : i32
    %dma_wait3A_1556 = arith.constant 0 : i32
    %dma_wait3A_1557 = tpu.memref_slice %arg6[%dma_wait3A_1553, %dma_wait3A_1555, %dma_wait3A_1556] : memref<6x8x2048xf32, #tpu.memory_space<vmem>> -> memref<1x8x2048xf32, #tpu.memory_space<vmem>>
    %dma_wait3A_1558 = tpu.memref_squeeze %dma_wait3A_1557 : memref<1x8x2048xf32, #tpu.memory_space<vmem>> -> memref<8x2048xf32, #tpu.memory_space<vmem>>
    %dma_wait3A_1559 = arith.constant 0 : i32
    %dma_wait3A_1560 = tpu.memref_slice %arg4[%add3A_1476, %dma_wait3A_1559] : memref<8192x2048xf32, #tpu.memory_space<hbm>> -> memref<8x2048xf32, #tpu.memory_space<hbm>>
    %dma_wait3A_1561 = tpu.memref_slice %arg8[%dma_wait3A_1554] : memref<6x!tpu.dma_semaphore, #tpu.memory_space<semaphore_mem>> -> memref<1x!tpu.dma_semaphore, #tpu.memory_space<semaphore_mem>>
    %dma_wait3A_1562 = tpu.memref_squeeze %dma_wait3A_1561 : memref<1x!tpu.dma_semaphore, #tpu.memory_space<semaphore_mem>> -> memref<!tpu.dma_semaphore, #tpu.memory_space<semaphore_mem>>
    %dma_wait3A_1563 = arith.constant 0 : i32
    %dma_wait3A_1564 = tpu.memref_slice %arg4[%add3A_1476, %dma_wait3A_1563] : memref<8192x2048xf32, #tpu.memory_space<hbm>> -> memref<8x2048xf32, #tpu.memory_space<hbm>>
    %dma_wait3A_1565 = arith.constant 0 : i32
    %dma_wait3A_1566 = arith.constant 0 : i32
    %dma_wait3A_1567 = tpu.memref_slice %arg6[%dma_wait3A_1553, %dma_wait3A_1565, %dma_wait3A_1566] : memref<6x8x2048xf32, #tpu.memory_space<vmem>> -> memref<1x8x2048xf32, #tpu.memory_space<vmem>>
    %dma_wait3A_1568 = tpu.memref_squeeze %dma_wait3A_1567 : memref<1x8x2048xf32, #tpu.memory_space<vmem>> -> memref<8x2048xf32, #tpu.memory_space<vmem>>
    tpu.wait_dma2 semaphore(%dma_wait3A_1562 : memref<!tpu.dma_semaphore, #tpu.memory_space<semaphore_mem>>) src(%dma_wait3A_1568 : memref<8x2048xf32, #tpu.memory_space<vmem>>) dst(%dma_wait3A_1564 : memref<8x2048xf32, #tpu.memory_space<hbm>>)
    %dma_start3A_1569 = arith.constant 5 : i32
    %dma_start3A_1570 = arith.constant 5 : i32
    %dma_start3A_1571 = arith.constant 0 : i32
    %dma_start3A_1572 = arith.constant 0 : i32
    %dma_start3A_1573 = tpu.memref_slice %arg6[%dma_start3A_1569, %dma_start3A_1571, %dma_start3A_1572] : memref<6x8x2048xf32, #tpu.memory_space<vmem>> -> memref<1x8x2048xf32, #tpu.memory_space<vmem>>
    %dma_start3A_1574 = tpu.memref_squeeze %dma_start3A_1573 : memref<1x8x2048xf32, #tpu.memory_space<vmem>> -> memref<8x2048xf32, #tpu.memory_space<vmem>>
    %dma_start3A_1575 = arith.constant 232 : i32
    %dma_start3A_1576 = tpu.memref_slice %arg5[%dma_start3A_1575] : memref<256xi32, #tpu.memory_space<vmem>> -> memref<8xi32, #tpu.memory_space<vmem>>
    %dma_start3A_1577 = arith.constant 0 : i32
    %dma_start3A_1578 = arith.constant 0 : i32
    %dma_start3A_1579 = tpu.memref_slice %arg3[%dma_start3A_1577, %dma_start3A_1578] : memref<32000x2048xf32, #tpu.memory_space<hbm>> -> memref<32000x2048xf32, #tpu.memory_space<hbm>>
    %dma_start3A_1580 = tpu.memref_slice %arg7[%dma_start3A_1570] : memref<6x!tpu.dma_semaphore, #tpu.memory_space<semaphore_mem>> -> memref<1x!tpu.dma_semaphore, #tpu.memory_space<semaphore_mem>>
    %dma_start3A_1581 = tpu.memref_squeeze %dma_start3A_1580 : memref<1x!tpu.dma_semaphore, #tpu.memory_space<semaphore_mem>> -> memref<!tpu.dma_semaphore, #tpu.memory_space<semaphore_mem>>
    tpu.enqueue_indirect_dma source(%dma_start3A_1579 : memref<32000x2048xf32, #tpu.memory_space<hbm>>) target(%dma_start3A_1574 : memref<8x2048xf32, #tpu.memory_space<vmem>>) offsets(%dma_start3A_1576 : memref<8xi32, #tpu.memory_space<vmem>>) semaphore(%dma_start3A_1581 : memref<!tpu.dma_semaphore, #tpu.memory_space<semaphore_mem>>)
    %dma_wait3A_1582 = arith.constant 1 : i32
    %dma_wait3A_1583 = arith.constant 1 : i32
    %dma_wait3A_1584 = arith.constant 0 : i32
    %dma_wait3A_1585 = arith.constant 0 : i32
    %dma_wait3A_1586 = tpu.memref_slice %arg6[%dma_wait3A_1582, %dma_wait3A_1584, %dma_wait3A_1585] : memref<6x8x2048xf32, #tpu.memory_space<vmem>> -> memref<1x8x2048xf32, #tpu.memory_space<vmem>>
    %dma_wait3A_1587 = tpu.memref_squeeze %dma_wait3A_1586 : memref<1x8x2048xf32, #tpu.memory_space<vmem>> -> memref<8x2048xf32, #tpu.memory_space<vmem>>
    %dma_wait3A_1588 = arith.constant 200 : i32
    %dma_wait3A_1589 = tpu.memref_slice %arg5[%dma_wait3A_1588] : memref<256xi32, #tpu.memory_space<vmem>> -> memref<8xi32, #tpu.memory_space<vmem>>
    %dma_wait3A_1590 = arith.constant 0 : i32
    %dma_wait3A_1591 = arith.constant 0 : i32
    %dma_wait3A_1592 = tpu.memref_slice %arg3[%dma_wait3A_1590, %dma_wait3A_1591] : memref<32000x2048xf32, #tpu.memory_space<hbm>> -> memref<32000x2048xf32, #tpu.memory_space<hbm>>
    %dma_wait3A_1593 = tpu.memref_slice %arg7[%dma_wait3A_1583] : memref<6x!tpu.dma_semaphore, #tpu.memory_space<semaphore_mem>> -> memref<1x!tpu.dma_semaphore, #tpu.memory_space<semaphore_mem>>
    %dma_wait3A_1594 = tpu.memref_squeeze %dma_wait3A_1593 : memref<1x!tpu.dma_semaphore, #tpu.memory_space<semaphore_mem>> -> memref<!tpu.dma_semaphore, #tpu.memory_space<semaphore_mem>>
    tpu.wait_indirect_dma semaphore(%dma_wait3A_1594 : memref<!tpu.dma_semaphore, #tpu.memory_space<semaphore_mem>>) src(%dma_wait3A_1592 : memref<32000x2048xf32, #tpu.memory_space<hbm>>) dst(%dma_wait3A_1587 : memref<8x2048xf32, #tpu.memory_space<vmem>>)
    %add3A_1595 = arith.constant 200 : i32
    %add3A_1596 = arith.addi %mul3A_2, %add3A_1595 : i32
    %dma_start3A_1597 = arith.constant 1 : i32
    %dma_start3A_1598 = arith.constant 1 : i32
    %dma_start3A_1599 = arith.constant 0 : i32
    %dma_start3A_1600 = arith.constant 0 : i32
    %dma_start3A_1601 = tpu.memref_slice %arg6[%dma_start3A_1597, %dma_start3A_1599, %dma_start3A_1600] : memref<6x8x2048xf32, #tpu.memory_space<vmem>> -> memref<1x8x2048xf32, #tpu.memory_space<vmem>>
    %dma_start3A_1602 = tpu.memref_squeeze %dma_start3A_1601 : memref<1x8x2048xf32, #tpu.memory_space<vmem>> -> memref<8x2048xf32, #tpu.memory_space<vmem>>
    %dma_start3A_1603 = arith.constant 0 : i32
    %dma_start3A_1604 = tpu.memref_slice %arg4[%add3A_1596, %dma_start3A_1603] : memref<8192x2048xf32, #tpu.memory_space<hbm>> -> memref<8x2048xf32, #tpu.memory_space<hbm>>
    %dma_start3A_1605 = tpu.memref_slice %arg8[%dma_start3A_1598] : memref<6x!tpu.dma_semaphore, #tpu.memory_space<semaphore_mem>> -> memref<1x!tpu.dma_semaphore, #tpu.memory_space<semaphore_mem>>
    %dma_start3A_1606 = tpu.memref_squeeze %dma_start3A_1605 : memref<1x!tpu.dma_semaphore, #tpu.memory_space<semaphore_mem>> -> memref<!tpu.dma_semaphore, #tpu.memory_space<semaphore_mem>>
    %dma_start3A_1607 = arith.constant 0 : i32
    %dma_start3A_1608 = tpu.memref_slice %arg4[%add3A_1596, %dma_start3A_1607] : memref<8192x2048xf32, #tpu.memory_space<hbm>> -> memref<8x2048xf32, #tpu.memory_space<hbm>>
    %dma_start3A_1609 = arith.constant 0 : i32
    %dma_start3A_1610 = arith.constant 0 : i32
    %dma_start3A_1611 = tpu.memref_slice %arg6[%dma_start3A_1597, %dma_start3A_1609, %dma_start3A_1610] : memref<6x8x2048xf32, #tpu.memory_space<vmem>> -> memref<1x8x2048xf32, #tpu.memory_space<vmem>>
    %dma_start3A_1612 = tpu.memref_squeeze %dma_start3A_1611 : memref<1x8x2048xf32, #tpu.memory_space<vmem>> -> memref<8x2048xf32, #tpu.memory_space<vmem>>
    tpu.enqueue_dma source(%dma_start3A_1612 : memref<8x2048xf32, #tpu.memory_space<vmem>>) target(%dma_start3A_1608 : memref<8x2048xf32, #tpu.memory_space<hbm>>) target_semaphore(%dma_start3A_1606 : memref<!tpu.dma_semaphore, #tpu.memory_space<semaphore_mem>>)
    %dma_wait3A_1613 = arith.constant 0 : i32
    %dma_wait3A_1614 = arith.constant 0 : i32
    %dma_wait3A_1615 = arith.constant 0 : i32
    %dma_wait3A_1616 = arith.constant 0 : i32
    %dma_wait3A_1617 = tpu.memref_slice %arg6[%dma_wait3A_1613, %dma_wait3A_1615, %dma_wait3A_1616] : memref<6x8x2048xf32, #tpu.memory_space<vmem>> -> memref<1x8x2048xf32, #tpu.memory_space<vmem>>
    %dma_wait3A_1618 = tpu.memref_squeeze %dma_wait3A_1617 : memref<1x8x2048xf32, #tpu.memory_space<vmem>> -> memref<8x2048xf32, #tpu.memory_space<vmem>>
    %dma_wait3A_1619 = arith.constant 0 : i32
    %dma_wait3A_1620 = tpu.memref_slice %arg4[%add3A_1536, %dma_wait3A_1619] : memref<8192x2048xf32, #tpu.memory_space<hbm>> -> memref<8x2048xf32, #tpu.memory_space<hbm>>
    %dma_wait3A_1621 = tpu.memref_slice %arg8[%dma_wait3A_1614] : memref<6x!tpu.dma_semaphore, #tpu.memory_space<semaphore_mem>> -> memref<1x!tpu.dma_semaphore, #tpu.memory_space<semaphore_mem>>
    %dma_wait3A_1622 = tpu.memref_squeeze %dma_wait3A_1621 : memref<1x!tpu.dma_semaphore, #tpu.memory_space<semaphore_mem>> -> memref<!tpu.dma_semaphore, #tpu.memory_space<semaphore_mem>>
    %dma_wait3A_1623 = arith.constant 0 : i32
    %dma_wait3A_1624 = tpu.memref_slice %arg4[%add3A_1536, %dma_wait3A_1623] : memref<8192x2048xf32, #tpu.memory_space<hbm>> -> memref<8x2048xf32, #tpu.memory_space<hbm>>
    %dma_wait3A_1625 = arith.constant 0 : i32
    %dma_wait3A_1626 = arith.constant 0 : i32
    %dma_wait3A_1627 = tpu.memref_slice %arg6[%dma_wait3A_1613, %dma_wait3A_1625, %dma_wait3A_1626] : memref<6x8x2048xf32, #tpu.memory_space<vmem>> -> memref<1x8x2048xf32, #tpu.memory_space<vmem>>
    %dma_wait3A_1628 = tpu.memref_squeeze %dma_wait3A_1627 : memref<1x8x2048xf32, #tpu.memory_space<vmem>> -> memref<8x2048xf32, #tpu.memory_space<vmem>>
    tpu.wait_dma2 semaphore(%dma_wait3A_1622 : memref<!tpu.dma_semaphore, #tpu.memory_space<semaphore_mem>>) src(%dma_wait3A_1628 : memref<8x2048xf32, #tpu.memory_space<vmem>>) dst(%dma_wait3A_1624 : memref<8x2048xf32, #tpu.memory_space<hbm>>)
    %dma_start3A_1629 = arith.constant 0 : i32
    %dma_start3A_1630 = arith.constant 0 : i32
    %dma_start3A_1631 = arith.constant 0 : i32
    %dma_start3A_1632 = arith.constant 0 : i32
    %dma_start3A_1633 = tpu.memref_slice %arg6[%dma_start3A_1629, %dma_start3A_1631, %dma_start3A_1632] : memref<6x8x2048xf32, #tpu.memory_space<vmem>> -> memref<1x8x2048xf32, #tpu.memory_space<vmem>>
    %dma_start3A_1634 = tpu.memref_squeeze %dma_start3A_1633 : memref<1x8x2048xf32, #tpu.memory_space<vmem>> -> memref<8x2048xf32, #tpu.memory_space<vmem>>
    %dma_start3A_1635 = arith.constant 240 : i32
    %dma_start3A_1636 = tpu.memref_slice %arg5[%dma_start3A_1635] : memref<256xi32, #tpu.memory_space<vmem>> -> memref<8xi32, #tpu.memory_space<vmem>>
    %dma_start3A_1637 = arith.constant 0 : i32
    %dma_start3A_1638 = arith.constant 0 : i32
    %dma_start3A_1639 = tpu.memref_slice %arg3[%dma_start3A_1637, %dma_start3A_1638] : memref<32000x2048xf32, #tpu.memory_space<hbm>> -> memref<32000x2048xf32, #tpu.memory_space<hbm>>
    %dma_start3A_1640 = tpu.memref_slice %arg7[%dma_start3A_1630] : memref<6x!tpu.dma_semaphore, #tpu.memory_space<semaphore_mem>> -> memref<1x!tpu.dma_semaphore, #tpu.memory_space<semaphore_mem>>
    %dma_start3A_1641 = tpu.memref_squeeze %dma_start3A_1640 : memref<1x!tpu.dma_semaphore, #tpu.memory_space<semaphore_mem>> -> memref<!tpu.dma_semaphore, #tpu.memory_space<semaphore_mem>>
    tpu.enqueue_indirect_dma source(%dma_start3A_1639 : memref<32000x2048xf32, #tpu.memory_space<hbm>>) target(%dma_start3A_1634 : memref<8x2048xf32, #tpu.memory_space<vmem>>) offsets(%dma_start3A_1636 : memref<8xi32, #tpu.memory_space<vmem>>) semaphore(%dma_start3A_1641 : memref<!tpu.dma_semaphore, #tpu.memory_space<semaphore_mem>>)
    %dma_wait3A_1642 = arith.constant 2 : i32
    %dma_wait3A_1643 = arith.constant 2 : i32
    %dma_wait3A_1644 = arith.constant 0 : i32
    %dma_wait3A_1645 = arith.constant 0 : i32
    %dma_wait3A_1646 = tpu.memref_slice %arg6[%dma_wait3A_1642, %dma_wait3A_1644, %dma_wait3A_1645] : memref<6x8x2048xf32, #tpu.memory_space<vmem>> -> memref<1x8x2048xf32, #tpu.memory_space<vmem>>
    %dma_wait3A_1647 = tpu.memref_squeeze %dma_wait3A_1646 : memref<1x8x2048xf32, #tpu.memory_space<vmem>> -> memref<8x2048xf32, #tpu.memory_space<vmem>>
    %dma_wait3A_1648 = arith.constant 208 : i32
    %dma_wait3A_1649 = tpu.memref_slice %arg5[%dma_wait3A_1648] : memref<256xi32, #tpu.memory_space<vmem>> -> memref<8xi32, #tpu.memory_space<vmem>>
    %dma_wait3A_1650 = arith.constant 0 : i32
    %dma_wait3A_1651 = arith.constant 0 : i32
    %dma_wait3A_1652 = tpu.memref_slice %arg3[%dma_wait3A_1650, %dma_wait3A_1651] : memref<32000x2048xf32, #tpu.memory_space<hbm>> -> memref<32000x2048xf32, #tpu.memory_space<hbm>>
    %dma_wait3A_1653 = tpu.memref_slice %arg7[%dma_wait3A_1643] : memref<6x!tpu.dma_semaphore, #tpu.memory_space<semaphore_mem>> -> memref<1x!tpu.dma_semaphore, #tpu.memory_space<semaphore_mem>>
    %dma_wait3A_1654 = tpu.memref_squeeze %dma_wait3A_1653 : memref<1x!tpu.dma_semaphore, #tpu.memory_space<semaphore_mem>> -> memref<!tpu.dma_semaphore, #tpu.memory_space<semaphore_mem>>
    tpu.wait_indirect_dma semaphore(%dma_wait3A_1654 : memref<!tpu.dma_semaphore, #tpu.memory_space<semaphore_mem>>) src(%dma_wait3A_1652 : memref<32000x2048xf32, #tpu.memory_space<hbm>>) dst(%dma_wait3A_1647 : memref<8x2048xf32, #tpu.memory_space<vmem>>)
    %add3A_1655 = arith.constant 208 : i32
    %add3A_1656 = arith.addi %mul3A_2, %add3A_1655 : i32
    %dma_start3A_1657 = arith.constant 2 : i32
    %dma_start3A_1658 = arith.constant 2 : i32
    %dma_start3A_1659 = arith.constant 0 : i32
    %dma_start3A_1660 = arith.constant 0 : i32
    %dma_start3A_1661 = tpu.memref_slice %arg6[%dma_start3A_1657, %dma_start3A_1659, %dma_start3A_1660] : memref<6x8x2048xf32, #tpu.memory_space<vmem>> -> memref<1x8x2048xf32, #tpu.memory_space<vmem>>
    %dma_start3A_1662 = tpu.memref_squeeze %dma_start3A_1661 : memref<1x8x2048xf32, #tpu.memory_space<vmem>> -> memref<8x2048xf32, #tpu.memory_space<vmem>>
    %dma_start3A_1663 = arith.constant 0 : i32
    %dma_start3A_1664 = tpu.memref_slice %arg4[%add3A_1656, %dma_start3A_1663] : memref<8192x2048xf32, #tpu.memory_space<hbm>> -> memref<8x2048xf32, #tpu.memory_space<hbm>>
    %dma_start3A_1665 = tpu.memref_slice %arg8[%dma_start3A_1658] : memref<6x!tpu.dma_semaphore, #tpu.memory_space<semaphore_mem>> -> memref<1x!tpu.dma_semaphore, #tpu.memory_space<semaphore_mem>>
    %dma_start3A_1666 = tpu.memref_squeeze %dma_start3A_1665 : memref<1x!tpu.dma_semaphore, #tpu.memory_space<semaphore_mem>> -> memref<!tpu.dma_semaphore, #tpu.memory_space<semaphore_mem>>
    %dma_start3A_1667 = arith.constant 0 : i32
    %dma_start3A_1668 = tpu.memref_slice %arg4[%add3A_1656, %dma_start3A_1667] : memref<8192x2048xf32, #tpu.memory_space<hbm>> -> memref<8x2048xf32, #tpu.memory_space<hbm>>
    %dma_start3A_1669 = arith.constant 0 : i32
    %dma_start3A_1670 = arith.constant 0 : i32
    %dma_start3A_1671 = tpu.memref_slice %arg6[%dma_start3A_1657, %dma_start3A_1669, %dma_start3A_1670] : memref<6x8x2048xf32, #tpu.memory_space<vmem>> -> memref<1x8x2048xf32, #tpu.memory_space<vmem>>
    %dma_start3A_1672 = tpu.memref_squeeze %dma_start3A_1671 : memref<1x8x2048xf32, #tpu.memory_space<vmem>> -> memref<8x2048xf32, #tpu.memory_space<vmem>>
    tpu.enqueue_dma source(%dma_start3A_1672 : memref<8x2048xf32, #tpu.memory_space<vmem>>) target(%dma_start3A_1668 : memref<8x2048xf32, #tpu.memory_space<hbm>>) target_semaphore(%dma_start3A_1666 : memref<!tpu.dma_semaphore, #tpu.memory_space<semaphore_mem>>)
    %dma_wait3A_1673 = arith.constant 1 : i32
    %dma_wait3A_1674 = arith.constant 1 : i32
    %dma_wait3A_1675 = arith.constant 0 : i32
    %dma_wait3A_1676 = arith.constant 0 : i32
    %dma_wait3A_1677 = tpu.memref_slice %arg6[%dma_wait3A_1673, %dma_wait3A_1675, %dma_wait3A_1676] : memref<6x8x2048xf32, #tpu.memory_space<vmem>> -> memref<1x8x2048xf32, #tpu.memory_space<vmem>>
    %dma_wait3A_1678 = tpu.memref_squeeze %dma_wait3A_1677 : memref<1x8x2048xf32, #tpu.memory_space<vmem>> -> memref<8x2048xf32, #tpu.memory_space<vmem>>
    %dma_wait3A_1679 = arith.constant 0 : i32
    %dma_wait3A_1680 = tpu.memref_slice %arg4[%add3A_1596, %dma_wait3A_1679] : memref<8192x2048xf32, #tpu.memory_space<hbm>> -> memref<8x2048xf32, #tpu.memory_space<hbm>>
    %dma_wait3A_1681 = tpu.memref_slice %arg8[%dma_wait3A_1674] : memref<6x!tpu.dma_semaphore, #tpu.memory_space<semaphore_mem>> -> memref<1x!tpu.dma_semaphore, #tpu.memory_space<semaphore_mem>>
    %dma_wait3A_1682 = tpu.memref_squeeze %dma_wait3A_1681 : memref<1x!tpu.dma_semaphore, #tpu.memory_space<semaphore_mem>> -> memref<!tpu.dma_semaphore, #tpu.memory_space<semaphore_mem>>
    %dma_wait3A_1683 = arith.constant 0 : i32
    %dma_wait3A_1684 = tpu.memref_slice %arg4[%add3A_1596, %dma_wait3A_1683] : memref<8192x2048xf32, #tpu.memory_space<hbm>> -> memref<8x2048xf32, #tpu.memory_space<hbm>>
    %dma_wait3A_1685 = arith.constant 0 : i32
    %dma_wait3A_1686 = arith.constant 0 : i32
    %dma_wait3A_1687 = tpu.memref_slice %arg6[%dma_wait3A_1673, %dma_wait3A_1685, %dma_wait3A_1686] : memref<6x8x2048xf32, #tpu.memory_space<vmem>> -> memref<1x8x2048xf32, #tpu.memory_space<vmem>>
    %dma_wait3A_1688 = tpu.memref_squeeze %dma_wait3A_1687 : memref<1x8x2048xf32, #tpu.memory_space<vmem>> -> memref<8x2048xf32, #tpu.memory_space<vmem>>
    tpu.wait_dma2 semaphore(%dma_wait3A_1682 : memref<!tpu.dma_semaphore, #tpu.memory_space<semaphore_mem>>) src(%dma_wait3A_1688 : memref<8x2048xf32, #tpu.memory_space<vmem>>) dst(%dma_wait3A_1684 : memref<8x2048xf32, #tpu.memory_space<hbm>>)
    %dma_start3A_1689 = arith.constant 1 : i32
    %dma_start3A_1690 = arith.constant 1 : i32
    %dma_start3A_1691 = arith.constant 0 : i32
    %dma_start3A_1692 = arith.constant 0 : i32
    %dma_start3A_1693 = tpu.memref_slice %arg6[%dma_start3A_1689, %dma_start3A_1691, %dma_start3A_1692] : memref<6x8x2048xf32, #tpu.memory_space<vmem>> -> memref<1x8x2048xf32, #tpu.memory_space<vmem>>
    %dma_start3A_1694 = tpu.memref_squeeze %dma_start3A_1693 : memref<1x8x2048xf32, #tpu.memory_space<vmem>> -> memref<8x2048xf32, #tpu.memory_space<vmem>>
    %dma_start3A_1695 = arith.constant 248 : i32
    %dma_start3A_1696 = tpu.memref_slice %arg5[%dma_start3A_1695] : memref<256xi32, #tpu.memory_space<vmem>> -> memref<8xi32, #tpu.memory_space<vmem>>
    %dma_start3A_1697 = arith.constant 0 : i32
    %dma_start3A_1698 = arith.constant 0 : i32
    %dma_start3A_1699 = tpu.memref_slice %arg3[%dma_start3A_1697, %dma_start3A_1698] : memref<32000x2048xf32, #tpu.memory_space<hbm>> -> memref<32000x2048xf32, #tpu.memory_space<hbm>>
    %dma_start3A_1700 = tpu.memref_slice %arg7[%dma_start3A_1690] : memref<6x!tpu.dma_semaphore, #tpu.memory_space<semaphore_mem>> -> memref<1x!tpu.dma_semaphore, #tpu.memory_space<semaphore_mem>>
    %dma_start3A_1701 = tpu.memref_squeeze %dma_start3A_1700 : memref<1x!tpu.dma_semaphore, #tpu.memory_space<semaphore_mem>> -> memref<!tpu.dma_semaphore, #tpu.memory_space<semaphore_mem>>
    tpu.enqueue_indirect_dma source(%dma_start3A_1699 : memref<32000x2048xf32, #tpu.memory_space<hbm>>) target(%dma_start3A_1694 : memref<8x2048xf32, #tpu.memory_space<vmem>>) offsets(%dma_start3A_1696 : memref<8xi32, #tpu.memory_space<vmem>>) semaphore(%dma_start3A_1701 : memref<!tpu.dma_semaphore, #tpu.memory_space<semaphore_mem>>)
    %dma_wait3A_1702 = arith.constant 3 : i32
    %dma_wait3A_1703 = arith.constant 3 : i32
    %dma_wait3A_1704 = arith.constant 0 : i32
    %dma_wait3A_1705 = arith.constant 0 : i32
    %dma_wait3A_1706 = tpu.memref_slice %arg6[%dma_wait3A_1702, %dma_wait3A_1704, %dma_wait3A_1705] : memref<6x8x2048xf32, #tpu.memory_space<vmem>> -> memref<1x8x2048xf32, #tpu.memory_space<vmem>>
    %dma_wait3A_1707 = tpu.memref_squeeze %dma_wait3A_1706 : memref<1x8x2048xf32, #tpu.memory_space<vmem>> -> memref<8x2048xf32, #tpu.memory_space<vmem>>
    %dma_wait3A_1708 = arith.constant 216 : i32
    %dma_wait3A_1709 = tpu.memref_slice %arg5[%dma_wait3A_1708] : memref<256xi32, #tpu.memory_space<vmem>> -> memref<8xi32, #tpu.memory_space<vmem>>
    %dma_wait3A_1710 = arith.constant 0 : i32
    %dma_wait3A_1711 = arith.constant 0 : i32
    %dma_wait3A_1712 = tpu.memref_slice %arg3[%dma_wait3A_1710, %dma_wait3A_1711] : memref<32000x2048xf32, #tpu.memory_space<hbm>> -> memref<32000x2048xf32, #tpu.memory_space<hbm>>
    %dma_wait3A_1713 = tpu.memref_slice %arg7[%dma_wait3A_1703] : memref<6x!tpu.dma_semaphore, #tpu.memory_space<semaphore_mem>> -> memref<1x!tpu.dma_semaphore, #tpu.memory_space<semaphore_mem>>
    %dma_wait3A_1714 = tpu.memref_squeeze %dma_wait3A_1713 : memref<1x!tpu.dma_semaphore, #tpu.memory_space<semaphore_mem>> -> memref<!tpu.dma_semaphore, #tpu.memory_space<semaphore_mem>>
    tpu.wait_indirect_dma semaphore(%dma_wait3A_1714 : memref<!tpu.dma_semaphore, #tpu.memory_space<semaphore_mem>>) src(%dma_wait3A_1712 : memref<32000x2048xf32, #tpu.memory_space<hbm>>) dst(%dma_wait3A_1707 : memref<8x2048xf32, #tpu.memory_space<vmem>>)
    %add3A_1715 = arith.constant 216 : i32
    %add3A_1716 = arith.addi %mul3A_2, %add3A_1715 : i32
    %dma_start3A_1717 = arith.constant 3 : i32
    %dma_start3A_1718 = arith.constant 3 : i32
    %dma_start3A_1719 = arith.constant 0 : i32
    %dma_start3A_1720 = arith.constant 0 : i32
    %dma_start3A_1721 = tpu.memref_slice %arg6[%dma_start3A_1717, %dma_start3A_1719, %dma_start3A_1720] : memref<6x8x2048xf32, #tpu.memory_space<vmem>> -> memref<1x8x2048xf32, #tpu.memory_space<vmem>>
    %dma_start3A_1722 = tpu.memref_squeeze %dma_start3A_1721 : memref<1x8x2048xf32, #tpu.memory_space<vmem>> -> memref<8x2048xf32, #tpu.memory_space<vmem>>
    %dma_start3A_1723 = arith.constant 0 : i32
    %dma_start3A_1724 = tpu.memref_slice %arg4[%add3A_1716, %dma_start3A_1723] : memref<8192x2048xf32, #tpu.memory_space<hbm>> -> memref<8x2048xf32, #tpu.memory_space<hbm>>
    %dma_start3A_1725 = tpu.memref_slice %arg8[%dma_start3A_1718] : memref<6x!tpu.dma_semaphore, #tpu.memory_space<semaphore_mem>> -> memref<1x!tpu.dma_semaphore, #tpu.memory_space<semaphore_mem>>
    %dma_start3A_1726 = tpu.memref_squeeze %dma_start3A_1725 : memref<1x!tpu.dma_semaphore, #tpu.memory_space<semaphore_mem>> -> memref<!tpu.dma_semaphore, #tpu.memory_space<semaphore_mem>>
    %dma_start3A_1727 = arith.constant 0 : i32
    %dma_start3A_1728 = tpu.memref_slice %arg4[%add3A_1716, %dma_start3A_1727] : memref<8192x2048xf32, #tpu.memory_space<hbm>> -> memref<8x2048xf32, #tpu.memory_space<hbm>>
    %dma_start3A_1729 = arith.constant 0 : i32
    %dma_start3A_1730 = arith.constant 0 : i32
    %dma_start3A_1731 = tpu.memref_slice %arg6[%dma_start3A_1717, %dma_start3A_1729, %dma_start3A_1730] : memref<6x8x2048xf32, #tpu.memory_space<vmem>> -> memref<1x8x2048xf32, #tpu.memory_space<vmem>>
    %dma_start3A_1732 = tpu.memref_squeeze %dma_start3A_1731 : memref<1x8x2048xf32, #tpu.memory_space<vmem>> -> memref<8x2048xf32, #tpu.memory_space<vmem>>
    tpu.enqueue_dma source(%dma_start3A_1732 : memref<8x2048xf32, #tpu.memory_space<vmem>>) target(%dma_start3A_1728 : memref<8x2048xf32, #tpu.memory_space<hbm>>) target_semaphore(%dma_start3A_1726 : memref<!tpu.dma_semaphore, #tpu.memory_space<semaphore_mem>>)
    %dma_wait3A_1733 = arith.constant 4 : i32
    %dma_wait3A_1734 = arith.constant 4 : i32
    %dma_wait3A_1735 = arith.constant 0 : i32
    %dma_wait3A_1736 = arith.constant 0 : i32
    %dma_wait3A_1737 = tpu.memref_slice %arg6[%dma_wait3A_1733, %dma_wait3A_1735, %dma_wait3A_1736] : memref<6x8x2048xf32, #tpu.memory_space<vmem>> -> memref<1x8x2048xf32, #tpu.memory_space<vmem>>
    %dma_wait3A_1738 = tpu.memref_squeeze %dma_wait3A_1737 : memref<1x8x2048xf32, #tpu.memory_space<vmem>> -> memref<8x2048xf32, #tpu.memory_space<vmem>>
    %dma_wait3A_1739 = arith.constant 224 : i32
    %dma_wait3A_1740 = tpu.memref_slice %arg5[%dma_wait3A_1739] : memref<256xi32, #tpu.memory_space<vmem>> -> memref<8xi32, #tpu.memory_space<vmem>>
    %dma_wait3A_1741 = arith.constant 0 : i32
    %dma_wait3A_1742 = arith.constant 0 : i32
    %dma_wait3A_1743 = tpu.memref_slice %arg3[%dma_wait3A_1741, %dma_wait3A_1742] : memref<32000x2048xf32, #tpu.memory_space<hbm>> -> memref<32000x2048xf32, #tpu.memory_space<hbm>>
    %dma_wait3A_1744 = tpu.memref_slice %arg7[%dma_wait3A_1734] : memref<6x!tpu.dma_semaphore, #tpu.memory_space<semaphore_mem>> -> memref<1x!tpu.dma_semaphore, #tpu.memory_space<semaphore_mem>>
    %dma_wait3A_1745 = tpu.memref_squeeze %dma_wait3A_1744 : memref<1x!tpu.dma_semaphore, #tpu.memory_space<semaphore_mem>> -> memref<!tpu.dma_semaphore, #tpu.memory_space<semaphore_mem>>
    tpu.wait_indirect_dma semaphore(%dma_wait3A_1745 : memref<!tpu.dma_semaphore, #tpu.memory_space<semaphore_mem>>) src(%dma_wait3A_1743 : memref<32000x2048xf32, #tpu.memory_space<hbm>>) dst(%dma_wait3A_1738 : memref<8x2048xf32, #tpu.memory_space<vmem>>)
    %add3A_1746 = arith.constant 224 : i32
    %add3A_1747 = arith.addi %mul3A_2, %add3A_1746 : i32
    %dma_start3A_1748 = arith.constant 4 : i32
    %dma_start3A_1749 = arith.constant 4 : i32
    %dma_start3A_1750 = arith.constant 0 : i32
    %dma_start3A_1751 = arith.constant 0 : i32
    %dma_start3A_1752 = tpu.memref_slice %arg6[%dma_start3A_1748, %dma_start3A_1750, %dma_start3A_1751] : memref<6x8x2048xf32, #tpu.memory_space<vmem>> -> memref<1x8x2048xf32, #tpu.memory_space<vmem>>
    %dma_start3A_1753 = tpu.memref_squeeze %dma_start3A_1752 : memref<1x8x2048xf32, #tpu.memory_space<vmem>> -> memref<8x2048xf32, #tpu.memory_space<vmem>>
    %dma_start3A_1754 = arith.constant 0 : i32
    %dma_start3A_1755 = tpu.memref_slice %arg4[%add3A_1747, %dma_start3A_1754] : memref<8192x2048xf32, #tpu.memory_space<hbm>> -> memref<8x2048xf32, #tpu.memory_space<hbm>>
    %dma_start3A_1756 = tpu.memref_slice %arg8[%dma_start3A_1749] : memref<6x!tpu.dma_semaphore, #tpu.memory_space<semaphore_mem>> -> memref<1x!tpu.dma_semaphore, #tpu.memory_space<semaphore_mem>>
    %dma_start3A_1757 = tpu.memref_squeeze %dma_start3A_1756 : memref<1x!tpu.dma_semaphore, #tpu.memory_space<semaphore_mem>> -> memref<!tpu.dma_semaphore, #tpu.memory_space<semaphore_mem>>
    %dma_start3A_1758 = arith.constant 0 : i32
    %dma_start3A_1759 = tpu.memref_slice %arg4[%add3A_1747, %dma_start3A_1758] : memref<8192x2048xf32, #tpu.memory_space<hbm>> -> memref<8x2048xf32, #tpu.memory_space<hbm>>
    %dma_start3A_1760 = arith.constant 0 : i32
    %dma_start3A_1761 = arith.constant 0 : i32
    %dma_start3A_1762 = tpu.memref_slice %arg6[%dma_start3A_1748, %dma_start3A_1760, %dma_start3A_1761] : memref<6x8x2048xf32, #tpu.memory_space<vmem>> -> memref<1x8x2048xf32, #tpu.memory_space<vmem>>
    %dma_start3A_1763 = tpu.memref_squeeze %dma_start3A_1762 : memref<1x8x2048xf32, #tpu.memory_space<vmem>> -> memref<8x2048xf32, #tpu.memory_space<vmem>>
    tpu.enqueue_dma source(%dma_start3A_1763 : memref<8x2048xf32, #tpu.memory_space<vmem>>) target(%dma_start3A_1759 : memref<8x2048xf32, #tpu.memory_space<hbm>>) target_semaphore(%dma_start3A_1757 : memref<!tpu.dma_semaphore, #tpu.memory_space<semaphore_mem>>)
    %dma_wait3A_1764 = arith.constant 5 : i32
    %dma_wait3A_1765 = arith.constant 5 : i32
    %dma_wait3A_1766 = arith.constant 0 : i32
    %dma_wait3A_1767 = arith.constant 0 : i32
    %dma_wait3A_1768 = tpu.memref_slice %arg6[%dma_wait3A_1764, %dma_wait3A_1766, %dma_wait3A_1767] : memref<6x8x2048xf32, #tpu.memory_space<vmem>> -> memref<1x8x2048xf32, #tpu.memory_space<vmem>>
    %dma_wait3A_1769 = tpu.memref_squeeze %dma_wait3A_1768 : memref<1x8x2048xf32, #tpu.memory_space<vmem>> -> memref<8x2048xf32, #tpu.memory_space<vmem>>
    %dma_wait3A_1770 = arith.constant 232 : i32
    %dma_wait3A_1771 = tpu.memref_slice %arg5[%dma_wait3A_1770] : memref<256xi32, #tpu.memory_space<vmem>> -> memref<8xi32, #tpu.memory_space<vmem>>
    %dma_wait3A_1772 = arith.constant 0 : i32
    %dma_wait3A_1773 = arith.constant 0 : i32
    %dma_wait3A_1774 = tpu.memref_slice %arg3[%dma_wait3A_1772, %dma_wait3A_1773] : memref<32000x2048xf32, #tpu.memory_space<hbm>> -> memref<32000x2048xf32, #tpu.memory_space<hbm>>
    %dma_wait3A_1775 = tpu.memref_slice %arg7[%dma_wait3A_1765] : memref<6x!tpu.dma_semaphore, #tpu.memory_space<semaphore_mem>> -> memref<1x!tpu.dma_semaphore, #tpu.memory_space<semaphore_mem>>
    %dma_wait3A_1776 = tpu.memref_squeeze %dma_wait3A_1775 : memref<1x!tpu.dma_semaphore, #tpu.memory_space<semaphore_mem>> -> memref<!tpu.dma_semaphore, #tpu.memory_space<semaphore_mem>>
    tpu.wait_indirect_dma semaphore(%dma_wait3A_1776 : memref<!tpu.dma_semaphore, #tpu.memory_space<semaphore_mem>>) src(%dma_wait3A_1774 : memref<32000x2048xf32, #tpu.memory_space<hbm>>) dst(%dma_wait3A_1769 : memref<8x2048xf32, #tpu.memory_space<vmem>>)
    %add3A_1777 = arith.constant 232 : i32
    %add3A_1778 = arith.addi %mul3A_2, %add3A_1777 : i32
    %dma_start3A_1779 = arith.constant 5 : i32
    %dma_start3A_1780 = arith.constant 5 : i32
    %dma_start3A_1781 = arith.constant 0 : i32
    %dma_start3A_1782 = arith.constant 0 : i32
    %dma_start3A_1783 = tpu.memref_slice %arg6[%dma_start3A_1779, %dma_start3A_1781, %dma_start3A_1782] : memref<6x8x2048xf32, #tpu.memory_space<vmem>> -> memref<1x8x2048xf32, #tpu.memory_space<vmem>>
    %dma_start3A_1784 = tpu.memref_squeeze %dma_start3A_1783 : memref<1x8x2048xf32, #tpu.memory_space<vmem>> -> memref<8x2048xf32, #tpu.memory_space<vmem>>
    %dma_start3A_1785 = arith.constant 0 : i32
    %dma_start3A_1786 = tpu.memref_slice %arg4[%add3A_1778, %dma_start3A_1785] : memref<8192x2048xf32, #tpu.memory_space<hbm>> -> memref<8x2048xf32, #tpu.memory_space<hbm>>
    %dma_start3A_1787 = tpu.memref_slice %arg8[%dma_start3A_1780] : memref<6x!tpu.dma_semaphore, #tpu.memory_space<semaphore_mem>> -> memref<1x!tpu.dma_semaphore, #tpu.memory_space<semaphore_mem>>
    %dma_start3A_1788 = tpu.memref_squeeze %dma_start3A_1787 : memref<1x!tpu.dma_semaphore, #tpu.memory_space<semaphore_mem>> -> memref<!tpu.dma_semaphore, #tpu.memory_space<semaphore_mem>>
    %dma_start3A_1789 = arith.constant 0 : i32
    %dma_start3A_1790 = tpu.memref_slice %arg4[%add3A_1778, %dma_start3A_1789] : memref<8192x2048xf32, #tpu.memory_space<hbm>> -> memref<8x2048xf32, #tpu.memory_space<hbm>>
    %dma_start3A_1791 = arith.constant 0 : i32
    %dma_start3A_1792 = arith.constant 0 : i32
    %dma_start3A_1793 = tpu.memref_slice %arg6[%dma_start3A_1779, %dma_start3A_1791, %dma_start3A_1792] : memref<6x8x2048xf32, #tpu.memory_space<vmem>> -> memref<1x8x2048xf32, #tpu.memory_space<vmem>>
    %dma_start3A_1794 = tpu.memref_squeeze %dma_start3A_1793 : memref<1x8x2048xf32, #tpu.memory_space<vmem>> -> memref<8x2048xf32, #tpu.memory_space<vmem>>
    tpu.enqueue_dma source(%dma_start3A_1794 : memref<8x2048xf32, #tpu.memory_space<vmem>>) target(%dma_start3A_1790 : memref<8x2048xf32, #tpu.memory_space<hbm>>) target_semaphore(%dma_start3A_1788 : memref<!tpu.dma_semaphore, #tpu.memory_space<semaphore_mem>>)
    %dma_wait3A_1795 = arith.constant 0 : i32
    %dma_wait3A_1796 = arith.constant 0 : i32
    %dma_wait3A_1797 = arith.constant 0 : i32
    %dma_wait3A_1798 = arith.constant 0 : i32
    %dma_wait3A_1799 = tpu.memref_slice %arg6[%dma_wait3A_1795, %dma_wait3A_1797, %dma_wait3A_1798] : memref<6x8x2048xf32, #tpu.memory_space<vmem>> -> memref<1x8x2048xf32, #tpu.memory_space<vmem>>
    %dma_wait3A_1800 = tpu.memref_squeeze %dma_wait3A_1799 : memref<1x8x2048xf32, #tpu.memory_space<vmem>> -> memref<8x2048xf32, #tpu.memory_space<vmem>>
    %dma_wait3A_1801 = arith.constant 240 : i32
    %dma_wait3A_1802 = tpu.memref_slice %arg5[%dma_wait3A_1801] : memref<256xi32, #tpu.memory_space<vmem>> -> memref<8xi32, #tpu.memory_space<vmem>>
    %dma_wait3A_1803 = arith.constant 0 : i32
    %dma_wait3A_1804 = arith.constant 0 : i32
    %dma_wait3A_1805 = tpu.memref_slice %arg3[%dma_wait3A_1803, %dma_wait3A_1804] : memref<32000x2048xf32, #tpu.memory_space<hbm>> -> memref<32000x2048xf32, #tpu.memory_space<hbm>>
    %dma_wait3A_1806 = tpu.memref_slice %arg7[%dma_wait3A_1796] : memref<6x!tpu.dma_semaphore, #tpu.memory_space<semaphore_mem>> -> memref<1x!tpu.dma_semaphore, #tpu.memory_space<semaphore_mem>>
    %dma_wait3A_1807 = tpu.memref_squeeze %dma_wait3A_1806 : memref<1x!tpu.dma_semaphore, #tpu.memory_space<semaphore_mem>> -> memref<!tpu.dma_semaphore, #tpu.memory_space<semaphore_mem>>
    tpu.wait_indirect_dma semaphore(%dma_wait3A_1807 : memref<!tpu.dma_semaphore, #tpu.memory_space<semaphore_mem>>) src(%dma_wait3A_1805 : memref<32000x2048xf32, #tpu.memory_space<hbm>>) dst(%dma_wait3A_1800 : memref<8x2048xf32, #tpu.memory_space<vmem>>)
    %add3A_1808 = arith.constant 240 : i32
    %add3A_1809 = arith.addi %mul3A_2, %add3A_1808 : i32
    %dma_start3A_1810 = arith.constant 0 : i32
    %dma_start3A_1811 = arith.constant 0 : i32
    %dma_start3A_1812 = arith.constant 0 : i32
    %dma_start3A_1813 = arith.constant 0 : i32
    %dma_start3A_1814 = tpu.memref_slice %arg6[%dma_start3A_1810, %dma_start3A_1812, %dma_start3A_1813] : memref<6x8x2048xf32, #tpu.memory_space<vmem>> -> memref<1x8x2048xf32, #tpu.memory_space<vmem>>
    %dma_start3A_1815 = tpu.memref_squeeze %dma_start3A_1814 : memref<1x8x2048xf32, #tpu.memory_space<vmem>> -> memref<8x2048xf32, #tpu.memory_space<vmem>>
    %dma_start3A_1816 = arith.constant 0 : i32
    %dma_start3A_1817 = tpu.memref_slice %arg4[%add3A_1809, %dma_start3A_1816] : memref<8192x2048xf32, #tpu.memory_space<hbm>> -> memref<8x2048xf32, #tpu.memory_space<hbm>>
    %dma_start3A_1818 = tpu.memref_slice %arg8[%dma_start3A_1811] : memref<6x!tpu.dma_semaphore, #tpu.memory_space<semaphore_mem>> -> memref<1x!tpu.dma_semaphore, #tpu.memory_space<semaphore_mem>>
    %dma_start3A_1819 = tpu.memref_squeeze %dma_start3A_1818 : memref<1x!tpu.dma_semaphore, #tpu.memory_space<semaphore_mem>> -> memref<!tpu.dma_semaphore, #tpu.memory_space<semaphore_mem>>
    %dma_start3A_1820 = arith.constant 0 : i32
    %dma_start3A_1821 = tpu.memref_slice %arg4[%add3A_1809, %dma_start3A_1820] : memref<8192x2048xf32, #tpu.memory_space<hbm>> -> memref<8x2048xf32, #tpu.memory_space<hbm>>
    %dma_start3A_1822 = arith.constant 0 : i32
    %dma_start3A_1823 = arith.constant 0 : i32
    %dma_start3A_1824 = tpu.memref_slice %arg6[%dma_start3A_1810, %dma_start3A_1822, %dma_start3A_1823] : memref<6x8x2048xf32, #tpu.memory_space<vmem>> -> memref<1x8x2048xf32, #tpu.memory_space<vmem>>
    %dma_start3A_1825 = tpu.memref_squeeze %dma_start3A_1824 : memref<1x8x2048xf32, #tpu.memory_space<vmem>> -> memref<8x2048xf32, #tpu.memory_space<vmem>>
    tpu.enqueue_dma source(%dma_start3A_1825 : memref<8x2048xf32, #tpu.memory_space<vmem>>) target(%dma_start3A_1821 : memref<8x2048xf32, #tpu.memory_space<hbm>>) target_semaphore(%dma_start3A_1819 : memref<!tpu.dma_semaphore, #tpu.memory_space<semaphore_mem>>)
    %dma_wait3A_1826 = arith.constant 1 : i32
    %dma_wait3A_1827 = arith.constant 1 : i32
    %dma_wait3A_1828 = arith.constant 0 : i32
    %dma_wait3A_1829 = arith.constant 0 : i32
    %dma_wait3A_1830 = tpu.memref_slice %arg6[%dma_wait3A_1826, %dma_wait3A_1828, %dma_wait3A_1829] : memref<6x8x2048xf32, #tpu.memory_space<vmem>> -> memref<1x8x2048xf32, #tpu.memory_space<vmem>>
    %dma_wait3A_1831 = tpu.memref_squeeze %dma_wait3A_1830 : memref<1x8x2048xf32, #tpu.memory_space<vmem>> -> memref<8x2048xf32, #tpu.memory_space<vmem>>
    %dma_wait3A_1832 = arith.constant 248 : i32
    %dma_wait3A_1833 = tpu.memref_slice %arg5[%dma_wait3A_1832] : memref<256xi32, #tpu.memory_space<vmem>> -> memref<8xi32, #tpu.memory_space<vmem>>
    %dma_wait3A_1834 = arith.constant 0 : i32
    %dma_wait3A_1835 = arith.constant 0 : i32
    %dma_wait3A_1836 = tpu.memref_slice %arg3[%dma_wait3A_1834, %dma_wait3A_1835] : memref<32000x2048xf32, #tpu.memory_space<hbm>> -> memref<32000x2048xf32, #tpu.memory_space<hbm>>
    %dma_wait3A_1837 = tpu.memref_slice %arg7[%dma_wait3A_1827] : memref<6x!tpu.dma_semaphore, #tpu.memory_space<semaphore_mem>> -> memref<1x!tpu.dma_semaphore, #tpu.memory_space<semaphore_mem>>
    %dma_wait3A_1838 = tpu.memref_squeeze %dma_wait3A_1837 : memref<1x!tpu.dma_semaphore, #tpu.memory_space<semaphore_mem>> -> memref<!tpu.dma_semaphore, #tpu.memory_space<semaphore_mem>>
    tpu.wait_indirect_dma semaphore(%dma_wait3A_1838 : memref<!tpu.dma_semaphore, #tpu.memory_space<semaphore_mem>>) src(%dma_wait3A_1836 : memref<32000x2048xf32, #tpu.memory_space<hbm>>) dst(%dma_wait3A_1831 : memref<8x2048xf32, #tpu.memory_space<vmem>>)
    %add3A_1839 = arith.constant 248 : i32
    %add3A_1840 = arith.addi %mul3A_2, %add3A_1839 : i32
    %dma_start3A_1841 = arith.constant 1 : i32
    %dma_start3A_1842 = arith.constant 1 : i32
    %dma_start3A_1843 = arith.constant 0 : i32
    %dma_start3A_1844 = arith.constant 0 : i32
    %dma_start3A_1845 = tpu.memref_slice %arg6[%dma_start3A_1841, %dma_start3A_1843, %dma_start3A_1844] : memref<6x8x2048xf32, #tpu.memory_space<vmem>> -> memref<1x8x2048xf32, #tpu.memory_space<vmem>>
    %dma_start3A_1846 = tpu.memref_squeeze %dma_start3A_1845 : memref<1x8x2048xf32, #tpu.memory_space<vmem>> -> memref<8x2048xf32, #tpu.memory_space<vmem>>
    %dma_start3A_1847 = arith.constant 0 : i32
    %dma_start3A_1848 = tpu.memref_slice %arg4[%add3A_1840, %dma_start3A_1847] : memref<8192x2048xf32, #tpu.memory_space<hbm>> -> memref<8x2048xf32, #tpu.memory_space<hbm>>
    %dma_start3A_1849 = tpu.memref_slice %arg8[%dma_start3A_1842] : memref<6x!tpu.dma_semaphore, #tpu.memory_space<semaphore_mem>> -> memref<1x!tpu.dma_semaphore, #tpu.memory_space<semaphore_mem>>
    %dma_start3A_1850 = tpu.memref_squeeze %dma_start3A_1849 : memref<1x!tpu.dma_semaphore, #tpu.memory_space<semaphore_mem>> -> memref<!tpu.dma_semaphore, #tpu.memory_space<semaphore_mem>>
    %dma_start3A_1851 = arith.constant 0 : i32
    %dma_start3A_1852 = tpu.memref_slice %arg4[%add3A_1840, %dma_start3A_1851] : memref<8192x2048xf32, #tpu.memory_space<hbm>> -> memref<8x2048xf32, #tpu.memory_space<hbm>>
    %dma_start3A_1853 = arith.constant 0 : i32
    %dma_start3A_1854 = arith.constant 0 : i32
    %dma_start3A_1855 = tpu.memref_slice %arg6[%dma_start3A_1841, %dma_start3A_1853, %dma_start3A_1854] : memref<6x8x2048xf32, #tpu.memory_space<vmem>> -> memref<1x8x2048xf32, #tpu.memory_space<vmem>>
    %dma_start3A_1856 = tpu.memref_squeeze %dma_start3A_1855 : memref<1x8x2048xf32, #tpu.memory_space<vmem>> -> memref<8x2048xf32, #tpu.memory_space<vmem>>
    tpu.enqueue_dma source(%dma_start3A_1856 : memref<8x2048xf32, #tpu.memory_space<vmem>>) target(%dma_start3A_1852 : memref<8x2048xf32, #tpu.memory_space<hbm>>) target_semaphore(%dma_start3A_1850 : memref<!tpu.dma_semaphore, #tpu.memory_space<semaphore_mem>>)
    %dma_wait3A_1857 = arith.constant 2 : i32
    %dma_wait3A_1858 = arith.constant 2 : i32
    %dma_wait3A_1859 = arith.constant 0 : i32
    %dma_wait3A_1860 = arith.constant 0 : i32
    %dma_wait3A_1861 = tpu.memref_slice %arg6[%dma_wait3A_1857, %dma_wait3A_1859, %dma_wait3A_1860] : memref<6x8x2048xf32, #tpu.memory_space<vmem>> -> memref<1x8x2048xf32, #tpu.memory_space<vmem>>
    %dma_wait3A_1862 = tpu.memref_squeeze %dma_wait3A_1861 : memref<1x8x2048xf32, #tpu.memory_space<vmem>> -> memref<8x2048xf32, #tpu.memory_space<vmem>>
    %dma_wait3A_1863 = arith.constant 0 : i32
    %dma_wait3A_1864 = tpu.memref_slice %arg4[%add3A_1656, %dma_wait3A_1863] : memref<8192x2048xf32, #tpu.memory_space<hbm>> -> memref<8x2048xf32, #tpu.memory_space<hbm>>
    %dma_wait3A_1865 = tpu.memref_slice %arg8[%dma_wait3A_1858] : memref<6x!tpu.dma_semaphore, #tpu.memory_space<semaphore_mem>> -> memref<1x!tpu.dma_semaphore, #tpu.memory_space<semaphore_mem>>
    %dma_wait3A_1866 = tpu.memref_squeeze %dma_wait3A_1865 : memref<1x!tpu.dma_semaphore, #tpu.memory_space<semaphore_mem>> -> memref<!tpu.dma_semaphore, #tpu.memory_space<semaphore_mem>>
    %dma_wait3A_1867 = arith.constant 0 : i32
    %dma_wait3A_1868 = tpu.memref_slice %arg4[%add3A_1656, %dma_wait3A_1867] : memref<8192x2048xf32, #tpu.memory_space<hbm>> -> memref<8x2048xf32, #tpu.memory_space<hbm>>
    %dma_wait3A_1869 = arith.constant 0 : i32
    %dma_wait3A_1870 = arith.constant 0 : i32
    %dma_wait3A_1871 = tpu.memref_slice %arg6[%dma_wait3A_1857, %dma_wait3A_1869, %dma_wait3A_1870] : memref<6x8x2048xf32, #tpu.memory_space<vmem>> -> memref<1x8x2048xf32, #tpu.memory_space<vmem>>
    %dma_wait3A_1872 = tpu.memref_squeeze %dma_wait3A_1871 : memref<1x8x2048xf32, #tpu.memory_space<vmem>> -> memref<8x2048xf32, #tpu.memory_space<vmem>>
    tpu.wait_dma2 semaphore(%dma_wait3A_1866 : memref<!tpu.dma_semaphore, #tpu.memory_space<semaphore_mem>>) src(%dma_wait3A_1872 : memref<8x2048xf32, #tpu.memory_space<vmem>>) dst(%dma_wait3A_1868 : memref<8x2048xf32, #tpu.memory_space<hbm>>)
    %dma_wait3A_1873 = arith.constant 3 : i32
    %dma_wait3A_1874 = arith.constant 3 : i32
    %dma_wait3A_1875 = arith.constant 0 : i32
    %dma_wait3A_1876 = arith.constant 0 : i32
    %dma_wait3A_1877 = tpu.memref_slice %arg6[%dma_wait3A_1873, %dma_wait3A_1875, %dma_wait3A_1876] : memref<6x8x2048xf32, #tpu.memory_space<vmem>> -> memref<1x8x2048xf32, #tpu.memory_space<vmem>>
    %dma_wait3A_1878 = tpu.memref_squeeze %dma_wait3A_1877 : memref<1x8x2048xf32, #tpu.memory_space<vmem>> -> memref<8x2048xf32, #tpu.memory_space<vmem>>
    %dma_wait3A_1879 = arith.constant 0 : i32
    %dma_wait3A_1880 = tpu.memref_slice %arg4[%add3A_1716, %dma_wait3A_1879] : memref<8192x2048xf32, #tpu.memory_space<hbm>> -> memref<8x2048xf32, #tpu.memory_space<hbm>>
    %dma_wait3A_1881 = tpu.memref_slice %arg8[%dma_wait3A_1874] : memref<6x!tpu.dma_semaphore, #tpu.memory_space<semaphore_mem>> -> memref<1x!tpu.dma_semaphore, #tpu.memory_space<semaphore_mem>>
    %dma_wait3A_1882 = tpu.memref_squeeze %dma_wait3A_1881 : memref<1x!tpu.dma_semaphore, #tpu.memory_space<semaphore_mem>> -> memref<!tpu.dma_semaphore, #tpu.memory_space<semaphore_mem>>
    %dma_wait3A_1883 = arith.constant 0 : i32
    %dma_wait3A_1884 = tpu.memref_slice %arg4[%add3A_1716, %dma_wait3A_1883] : memref<8192x2048xf32, #tpu.memory_space<hbm>> -> memref<8x2048xf32, #tpu.memory_space<hbm>>
    %dma_wait3A_1885 = arith.constant 0 : i32
    %dma_wait3A_1886 = arith.constant 0 : i32
    %dma_wait3A_1887 = tpu.memref_slice %arg6[%dma_wait3A_1873, %dma_wait3A_1885, %dma_wait3A_1886] : memref<6x8x2048xf32, #tpu.memory_space<vmem>> -> memref<1x8x2048xf32, #tpu.memory_space<vmem>>
    %dma_wait3A_1888 = tpu.memref_squeeze %dma_wait3A_1887 : memref<1x8x2048xf32, #tpu.memory_space<vmem>> -> memref<8x2048xf32, #tpu.memory_space<vmem>>
    tpu.wait_dma2 semaphore(%dma_wait3A_1882 : memref<!tpu.dma_semaphore, #tpu.memory_space<semaphore_mem>>) src(%dma_wait3A_1888 : memref<8x2048xf32, #tpu.memory_space<vmem>>) dst(%dma_wait3A_1884 : memref<8x2048xf32, #tpu.memory_space<hbm>>)
    %dma_wait3A_1889 = arith.constant 4 : i32
    %dma_wait3A_1890 = arith.constant 4 : i32
    %dma_wait3A_1891 = arith.constant 0 : i32
    %dma_wait3A_1892 = arith.constant 0 : i32
    %dma_wait3A_1893 = tpu.memref_slice %arg6[%dma_wait3A_1889, %dma_wait3A_1891, %dma_wait3A_1892] : memref<6x8x2048xf32, #tpu.memory_space<vmem>> -> memref<1x8x2048xf32, #tpu.memory_space<vmem>>
    %dma_wait3A_1894 = tpu.memref_squeeze %dma_wait3A_1893 : memref<1x8x2048xf32, #tpu.memory_space<vmem>> -> memref<8x2048xf32, #tpu.memory_space<vmem>>
    %dma_wait3A_1895 = arith.constant 0 : i32
    %dma_wait3A_1896 = tpu.memref_slice %arg4[%add3A_1747, %dma_wait3A_1895] : memref<8192x2048xf32, #tpu.memory_space<hbm>> -> memref<8x2048xf32, #tpu.memory_space<hbm>>
    %dma_wait3A_1897 = tpu.memref_slice %arg8[%dma_wait3A_1890] : memref<6x!tpu.dma_semaphore, #tpu.memory_space<semaphore_mem>> -> memref<1x!tpu.dma_semaphore, #tpu.memory_space<semaphore_mem>>
    %dma_wait3A_1898 = tpu.memref_squeeze %dma_wait3A_1897 : memref<1x!tpu.dma_semaphore, #tpu.memory_space<semaphore_mem>> -> memref<!tpu.dma_semaphore, #tpu.memory_space<semaphore_mem>>
    %dma_wait3A_1899 = arith.constant 0 : i32
    %dma_wait3A_1900 = tpu.memref_slice %arg4[%add3A_1747, %dma_wait3A_1899] : memref<8192x2048xf32, #tpu.memory_space<hbm>> -> memref<8x2048xf32, #tpu.memory_space<hbm>>
    %dma_wait3A_1901 = arith.constant 0 : i32
    %dma_wait3A_1902 = arith.constant 0 : i32
    %dma_wait3A_1903 = tpu.memref_slice %arg6[%dma_wait3A_1889, %dma_wait3A_1901, %dma_wait3A_1902] : memref<6x8x2048xf32, #tpu.memory_space<vmem>> -> memref<1x8x2048xf32, #tpu.memory_space<vmem>>
    %dma_wait3A_1904 = tpu.memref_squeeze %dma_wait3A_1903 : memref<1x8x2048xf32, #tpu.memory_space<vmem>> -> memref<8x2048xf32, #tpu.memory_space<vmem>>
    tpu.wait_dma2 semaphore(%dma_wait3A_1898 : memref<!tpu.dma_semaphore, #tpu.memory_space<semaphore_mem>>) src(%dma_wait3A_1904 : memref<8x2048xf32, #tpu.memory_space<vmem>>) dst(%dma_wait3A_1900 : memref<8x2048xf32, #tpu.memory_space<hbm>>)
    %dma_wait3A_1905 = arith.constant 5 : i32
    %dma_wait3A_1906 = arith.constant 5 : i32
    %dma_wait3A_1907 = arith.constant 0 : i32
    %dma_wait3A_1908 = arith.constant 0 : i32
    %dma_wait3A_1909 = tpu.memref_slice %arg6[%dma_wait3A_1905, %dma_wait3A_1907, %dma_wait3A_1908] : memref<6x8x2048xf32, #tpu.memory_space<vmem>> -> memref<1x8x2048xf32, #tpu.memory_space<vmem>>
    %dma_wait3A_1910 = tpu.memref_squeeze %dma_wait3A_1909 : memref<1x8x2048xf32, #tpu.memory_space<vmem>> -> memref<8x2048xf32, #tpu.memory_space<vmem>>
    %dma_wait3A_1911 = arith.constant 0 : i32
    %dma_wait3A_1912 = tpu.memref_slice %arg4[%add3A_1778, %dma_wait3A_1911] : memref<8192x2048xf32, #tpu.memory_space<hbm>> -> memref<8x2048xf32, #tpu.memory_space<hbm>>
    %dma_wait3A_1913 = tpu.memref_slice %arg8[%dma_wait3A_1906] : memref<6x!tpu.dma_semaphore, #tpu.memory_space<semaphore_mem>> -> memref<1x!tpu.dma_semaphore, #tpu.memory_space<semaphore_mem>>
    %dma_wait3A_1914 = tpu.memref_squeeze %dma_wait3A_1913 : memref<1x!tpu.dma_semaphore, #tpu.memory_space<semaphore_mem>> -> memref<!tpu.dma_semaphore, #tpu.memory_space<semaphore_mem>>
    %dma_wait3A_1915 = arith.constant 0 : i32
    %dma_wait3A_1916 = tpu.memref_slice %arg4[%add3A_1778, %dma_wait3A_1915] : memref<8192x2048xf32, #tpu.memory_space<hbm>> -> memref<8x2048xf32, #tpu.memory_space<hbm>>
    %dma_wait3A_1917 = arith.constant 0 : i32
    %dma_wait3A_1918 = arith.constant 0 : i32
    %dma_wait3A_1919 = tpu.memref_slice %arg6[%dma_wait3A_1905, %dma_wait3A_1917, %dma_wait3A_1918] : memref<6x8x2048xf32, #tpu.memory_space<vmem>> -> memref<1x8x2048xf32, #tpu.memory_space<vmem>>
    %dma_wait3A_1920 = tpu.memref_squeeze %dma_wait3A_1919 : memref<1x8x2048xf32, #tpu.memory_space<vmem>> -> memref<8x2048xf32, #tpu.memory_space<vmem>>
    tpu.wait_dma2 semaphore(%dma_wait3A_1914 : memref<!tpu.dma_semaphore, #tpu.memory_space<semaphore_mem>>) src(%dma_wait3A_1920 : memref<8x2048xf32, #tpu.memory_space<vmem>>) dst(%dma_wait3A_1916 : memref<8x2048xf32, #tpu.memory_space<hbm>>)
    %dma_wait3A_1921 = arith.constant 0 : i32
    %dma_wait3A_1922 = arith.constant 0 : i32
    %dma_wait3A_1923 = arith.constant 0 : i32
    %dma_wait3A_1924 = arith.constant 0 : i32
    %dma_wait3A_1925 = tpu.memref_slice %arg6[%dma_wait3A_1921, %dma_wait3A_1923, %dma_wait3A_1924] : memref<6x8x2048xf32, #tpu.memory_space<vmem>> -> memref<1x8x2048xf32, #tpu.memory_space<vmem>>
    %dma_wait3A_1926 = tpu.memref_squeeze %dma_wait3A_1925 : memref<1x8x2048xf32, #tpu.memory_space<vmem>> -> memref<8x2048xf32, #tpu.memory_space<vmem>>
    %dma_wait3A_1927 = arith.constant 0 : i32
    %dma_wait3A_1928 = tpu.memref_slice %arg4[%add3A_1809, %dma_wait3A_1927] : memref<8192x2048xf32, #tpu.memory_space<hbm>> -> memref<8x2048xf32, #tpu.memory_space<hbm>>
    %dma_wait3A_1929 = tpu.memref_slice %arg8[%dma_wait3A_1922] : memref<6x!tpu.dma_semaphore, #tpu.memory_space<semaphore_mem>> -> memref<1x!tpu.dma_semaphore, #tpu.memory_space<semaphore_mem>>
    %dma_wait3A_1930 = tpu.memref_squeeze %dma_wait3A_1929 : memref<1x!tpu.dma_semaphore, #tpu.memory_space<semaphore_mem>> -> memref<!tpu.dma_semaphore, #tpu.memory_space<semaphore_mem>>
    %dma_wait3A_1931 = arith.constant 0 : i32
    %dma_wait3A_1932 = tpu.memref_slice %arg4[%add3A_1809, %dma_wait3A_1931] : memref<8192x2048xf32, #tpu.memory_space<hbm>> -> memref<8x2048xf32, #tpu.memory_space<hbm>>
    %dma_wait3A_1933 = arith.constant 0 : i32
    %dma_wait3A_1934 = arith.constant 0 : i32
    %dma_wait3A_1935 = tpu.memref_slice %arg6[%dma_wait3A_1921, %dma_wait3A_1933, %dma_wait3A_1934] : memref<6x8x2048xf32, #tpu.memory_space<vmem>> -> memref<1x8x2048xf32, #tpu.memory_space<vmem>>
    %dma_wait3A_1936 = tpu.memref_squeeze %dma_wait3A_1935 : memref<1x8x2048xf32, #tpu.memory_space<vmem>> -> memref<8x2048xf32, #tpu.memory_space<vmem>>
    tpu.wait_dma2 semaphore(%dma_wait3A_1930 : memref<!tpu.dma_semaphore, #tpu.memory_space<semaphore_mem>>) src(%dma_wait3A_1936 : memref<8x2048xf32, #tpu.memory_space<vmem>>) dst(%dma_wait3A_1932 : memref<8x2048xf32, #tpu.memory_space<hbm>>)
    %dma_wait3A_1937 = arith.constant 1 : i32
    %dma_wait3A_1938 = arith.constant 1 : i32
    %dma_wait3A_1939 = arith.constant 0 : i32
    %dma_wait3A_1940 = arith.constant 0 : i32
    %dma_wait3A_1941 = tpu.memref_slice %arg6[%dma_wait3A_1937, %dma_wait3A_1939, %dma_wait3A_1940] : memref<6x8x2048xf32, #tpu.memory_space<vmem>> -> memref<1x8x2048xf32, #tpu.memory_space<vmem>>
    %dma_wait3A_1942 = tpu.memref_squeeze %dma_wait3A_1941 : memref<1x8x2048xf32, #tpu.memory_space<vmem>> -> memref<8x2048xf32, #tpu.memory_space<vmem>>
    %dma_wait3A_1943 = arith.constant 0 : i32
    %dma_wait3A_1944 = tpu.memref_slice %arg4[%add3A_1840, %dma_wait3A_1943] : memref<8192x2048xf32, #tpu.memory_space<hbm>> -> memref<8x2048xf32, #tpu.memory_space<hbm>>
    %dma_wait3A_1945 = tpu.memref_slice %arg8[%dma_wait3A_1938] : memref<6x!tpu.dma_semaphore, #tpu.memory_space<semaphore_mem>> -> memref<1x!tpu.dma_semaphore, #tpu.memory_space<semaphore_mem>>
    %dma_wait3A_1946 = tpu.memref_squeeze %dma_wait3A_1945 : memref<1x!tpu.dma_semaphore, #tpu.memory_space<semaphore_mem>> -> memref<!tpu.dma_semaphore, #tpu.memory_space<semaphore_mem>>
    %dma_wait3A_1947 = arith.constant 0 : i32
    %dma_wait3A_1948 = tpu.memref_slice %arg4[%add3A_1840, %dma_wait3A_1947] : memref<8192x2048xf32, #tpu.memory_space<hbm>> -> memref<8x2048xf32, #tpu.memory_space<hbm>>
    %dma_wait3A_1949 = arith.constant 0 : i32
    %dma_wait3A_1950 = arith.constant 0 : i32
    %dma_wait3A_1951 = tpu.memref_slice %arg6[%dma_wait3A_1937, %dma_wait3A_1949, %dma_wait3A_1950] : memref<6x8x2048xf32, #tpu.memory_space<vmem>> -> memref<1x8x2048xf32, #tpu.memory_space<vmem>>
    %dma_wait3A_1952 = tpu.memref_squeeze %dma_wait3A_1951 : memref<1x8x2048xf32, #tpu.memory_space<vmem>> -> memref<8x2048xf32, #tpu.memory_space<vmem>>
    tpu.wait_dma2 semaphore(%dma_wait3A_1946 : memref<!tpu.dma_semaphore, #tpu.memory_space<semaphore_mem>>) src(%dma_wait3A_1952 : memref<8x2048xf32, #tpu.memory_space<vmem>>) dst(%dma_wait3A_1948 : memref<8x2048xf32, #tpu.memory_space<hbm>>)
    return
  }
}

</mosaic_0001>

<sc_bundles>
// kernel: kernel.3.cloned.1.call-start
scs
__scs_entry_jumppad:
0x0: {  	(pc) =	sbr.rel $0x88, $3  }
0x1: {  	(tag) =	ssettag $0x0;
	lr =	simm.s32 $0x1  }
0x2: {  	[smem:$0x3F9F] =	sst lr;
	_ =	strace $0xD0000000  }
0x3: {  	_ = 	snop  }
0x4: {  	_ = 	snop  }
0x5: {  	_ = 	snop  }
0x6: {  	_ = 	snop  }
0x7: {  	_ = 	snop  }
__scs_overlays_trampoline_lowered:
0x8: {  	[smem:$0x3FAE] =	sst s0  }
0x9: {  	[smem:$0x3FAF] =	sst s1  }
0xa: {  	[smem:$0x3FB0] =	sst s2  }
0xb: {  	[smem:$0x3FB1] =	sst s3  }
0xc: {  	[smem:$0x3FB2] =	sst s4  }
0xd: {  	[smem:$0x3FB3] =	sst s5  }
0xe: {  	[smem:$0x3FB4] =	sst s6  }
0xf: {  	[smem:$0x3FB5] =	sst s7  }
0x10: {  	[smem:$0x3FB6] =	sst s8  }
0x11: {  	[smem:$0x3FB7] =	sst s9;
	s0 =	simm.s32 @!p0 $0x0  }
0x12: {  	s1 =	sld [smem:$0x3F9D];
	s0 =	simm.s32 @p0 $0x1  }
0x13: {  	[smem:$0x3FB8] =	sst s0;
	s0 =	simm.s32 @!p1 $0x0  }
0x14: {  	s2 =	sld [smem:$0x3F9C];
	s0 =	simm.s32 @p1 $0x1  }
0x15: {  	[smem:$0x3FB9] =	sst s0;
	s0 =	simm.s32 @!p2 $0x0  }
0x16: {  	s3 =	sld [smem:$0x3FDB];
	s0 =	simm.s32 @p2 $0x1  }
0x17: {  	s4 =	simm.s32 $0x1BF5;
	[smem:$0x3FBB] =	sst s0  }
0x18: {  	s0 =	sld [smem:$0x3F9E];
	_ =	swait.ge [sflag:s4], $0x0  }
0x19: {  	s7 =	sld [smem:$0x3F9F]  }
0x1a: {  	s8 =	sadd.s32 $0xFFFFE003, lr  }
0x1b: {  	s9 =	sadd.s32 $0xFFFFFEF7, lr;
	s5 =	simm.s32 $0xFFFFFFFF;
	p2 =	slt.u32 s8, $0xFFFFF086  }
0x1c: {  	p1 =	slt.u32 s9, $0xF7A;
	s5 =	simm.s32 @!p2 $0x0  }
0x1d: {  	s5 =	simm.s32 @p1 $0x1;
	p0 =	seq.s32 s7, s2  }
0x1e: {  	s7 =	smul.u32 @!p0 $0xF7A, s2;
	p2 =	seq.s32 @!p0 s5, $0x0  }
0x1f: {  	s9 =	smul.u32 $0xF7A, s1;
	s8 =	simm.s32 @!p0 $0x1BF5;
	p2 =	por !p2, p0  }
0x20: {  	[sflag:s8] =	ssyncset.s32 @!p0 $0xFFFFF086;
	s6 =	sadd.s32 @!p0 s3, s7;
	s7 =	simm.s32 @!p0 $0x108  }
0x21: {  	s3 =	sadd.s32 s3, s9;
	s6 =	sadd.s32 @!p0 $0x88, s6;
	s7 =	simm.s32 @p2 $0x1082  }
0x22: {  	[simem:s7], [sflag:s8] =	dma.local @!p0 [hbm:s6], $0xF7A  }
0x23: {  	s9 =	sor.u32 $0xD0000000, s2;
	s6 =	simm.s32 $0x108;
	_ =	swait.ge @!p0 [sflag:s8], $0x0  }
0x24: {  	s3 =	sadd.s32 $0x88, s3;
	s6 =	simm.s32 @!p1 $0x1082;
	[sflag:s4] =	ssyncset.s32 $0xFFFFF086  }
0x25: {  	[simem:s6], [sflag:s4] =	dma.local [hbm:s3], $0xF7A  }
0x26: {  	[smem:$0x3F9F] =	sst s1;
	(tag) =	ssettag s2;
	_ =	strace s9  }
0x27: {  	s1 =	sld [smem:$0x3FAF]  }
0x28: {  	s2 =	sld [smem:$0x3FB0]  }
0x29: {  	s4 =	sld [smem:$0x3FB2]  }
0x2a: {  	p0 =	seq.s32 s5, $0x0;
	s5 =	sld [smem:$0x3FB3]  }
0x2b: {  	s6 =	sld [smem:$0x3FB4]  }
0x2c: {  	s7 =	sld [smem:$0x3FB5]  }
0x2d: {  	s3 =	simm.s32 $0x108;
	s8 =	sld [smem:$0x3FB6]  }
0x2e: {  	s3 =	simm.s32 @!p0 $0x1082;
	s9 =	sld [smem:$0x3FB7]  }
0x2f: {  	lr =	sadd.s32 s0, s3;
	s0 =	sld [smem:$0x3FAE]  }
0x30: {  	s3 =	sld [smem:$0x3FB1]  }
0x31: {  	[smem:$0x3FBA] =	sst s10  }
0x32: {  	s10 =	sld [smem:$0x3FB8];
	_ =	sdelay $0x3  }
0x33: {  	p0 =	seq.s32 s10, $0x1;
	s10 =	sld [smem:$0x3FBA];
	_ =	sdelay $0x3  }
0x34: {  	[smem:$0x3FBA] =	sst s10  }
0x35: {  	s10 =	sld [smem:$0x3FB9];
	_ =	sdelay $0x3  }
0x36: {  	p1 =	seq.s32 s10, $0x1;
	s10 =	sld [smem:$0x3FBA];
	_ =	sdelay $0x3  }
0x37: {  	[smem:$0x3FBA] =	sst s10  }
0x38: {  	s10 =	sld [smem:$0x3FBB]  }
0x39: {  	_ = 	snop;
	(pc) =	sbr.ind lr, $3  }
0x3a: {  	_ = 	snop  }
0x3b: {  	_ = 	snop  }
0x3c: {  	p2 =	seq.s32 s10, $0x1;
	s10 =	sld [smem:$0x3FBA]  }
0x3d: {  	_ =	shalt  }
0x3e: {  	_ =	shalt  }
0x3f: {  	_ =	shalt  }
0x40: {  	_ =	shalt  }
0x41: {  	_ =	shalt  }
0x42: {  	_ =	shalt  }
0x43: {  	_ =	shalt  }
0x44: {  	_ =	shalt  }
0x45: {  	_ =	shalt  }
0x46: {  	_ =	shalt  }
0x47: {  	_ =	shalt  }
0x48: {  	_ =	shalt  }
0x49: {  	_ =	shalt  }
0x4a: {  	_ =	shalt  }
0x4b: {  	_ =	shalt  }
0x4c: {  	_ =	shalt  }
0x4d: {  	_ =	shalt  }
0x4e: {  	_ =	shalt  }
0x4f: {  	_ =	shalt  }
0x50: {  	_ =	shalt  }
0x51: {  	_ =	shalt  }
0x52: {  	_ =	shalt  }
0x53: {  	_ =	shalt  }
0x54: {  	_ =	shalt  }
0x55: {  	_ =	shalt  }
0x56: {  	_ =	shalt  }
0x57: {  	_ =	shalt  }
0x58: {  	_ =	shalt  }
0x59: {  	_ =	shalt  }
0x5a: {  	_ =	shalt  }
0x5b: {  	_ =	shalt  }
0x5c: {  	_ =	shalt  }
0x5d: {  	_ =	shalt  }
0x5e: {  	_ =	shalt  }
0x5f: {  	_ =	shalt  }
0x60: {  	_ =	shalt  }
0x61: {  	_ =	shalt  }
0x62: {  	_ =	shalt  }
0x63: {  	_ =	shalt  }
0x64: {  	_ =	shalt  }
0x65: {  	_ =	shalt  }
0x66: {  	_ =	shalt  }
0x67: {  	_ =	shalt  }
0x68: {  	_ =	shalt  }
0x69: {  	_ =	shalt  }
0x6a: {  	_ =	shalt  }
0x6b: {  	_ =	shalt  }
0x6c: {  	_ =	shalt  }
0x6d: {  	_ =	shalt  }
0x6e: {  	_ =	shalt  }
0x6f: {  	_ =	shalt  }
0x70: {  	_ =	shalt  }
0x71: {  	_ =	shalt  }
0x72: {  	_ =	shalt  }
0x73: {  	_ =	shalt  }
0x74: {  	_ =	shalt  }
0x75: {  	_ =	shalt  }
0x76: {  	_ =	shalt  }
0x77: {  	_ =	shalt  }
0x78: {  	_ =	shalt  }
0x79: {  	_ =	shalt  }
0x7a: {  	_ =	shalt  }
0x7b: {  	_ =	shalt  }
0x7c: {  	_ =	shalt  }
0x7d: {  	_ =	shalt  }
0x7e: {  	_ =	shalt  }
0x7f: {  	_ =	shalt  }
0x80: {  	_ =	shalt  }
0x81: {  	_ =	shalt  }
0x82: {  	_ =	shalt  }
0x83: {  	_ =	shalt  }
0x84: {  	_ =	shalt  }
0x85: {  	_ =	shalt  }
0x86: {  	_ =	shalt  }
0x87: {  	_ =	shalt  }
.Lfunc_end0:
.L_simem_size_0:
called_computation_lowered:
.L_overlay_start_0:
0x88: {  	s2 =	sld [smem:$0x3FD9]  }
0x89: {  	s3 =	sld [smem:$0x3FFE];
	_ =	sdelay $0x1  }
0x8a: {  	s1 =	srdreg.scid  }
0x8b: {  	s0 =	sand.u32 $0x1, s1  }
0x8c: {  	s18 =	sshll.u32 s0, $0xA;
	s2 =	sadd.s32 s3, s2  }
0x8d: {  	s2 =	sadd.s32 s2, s18  }
0x8e: {  	[smem:$0x3FC6] =	sst s2  }
0x8f: {  	_ = 	snop  }
0x90: {  	s2 =	sld [smem:$0x3FC9]  }
0x91: {  	s19 =	sld [smem:$0x3FC8]  }
0x92: {  	s4 =	sld [smem:$0x3FD0];
	(tm) =	ssettm $0x1  }
0x93: {  	s5 =	sld [smem:$0x3FFB];
	_ =	sdelay $0x3  }
0x94: {  	_ =	strace s5  }
0x95: {  	s5 =	sld [smem:$0x3FFC];
	_ =	sdelay $0x3  }
0x96: {  	_ =	strace s5  }
0x97: {  	s5 =	sld [smem:$0x3FFD];
	_ =	sdelay $0x3  }
0x98: {  	_ =	strace s5  }
0x99: {  	_ =	strace $0x8FFFFFFF  }
0x9a: {  	s20 =	sld [smem:$0x3FDB];
	_ =	sdelay $0x1  }
0x9b: {  	s6 =	simm.s32 $_scs_section_size  }
0x9c: {  	s7 =	simm.s32 $_size__tile_overlayer_lowered;
	s8 =	simm.s32 $_tile_overlayer_lowered  }
0x9d: {  	s23 =	simm.s32 $0x1BFF;
	s22 =	sshll.u32 s8, $0x1;
	s5 =	sadd.s32 s6, s20  }
0x9e: {  	s9 =	simm.s32 $0x0;
	s21 =	sshll.u32 s7, $0x1;
	s7 =	sadd.s32 s22, s5  }
0x9f: {  	[timem:s9], [sflag:s23] =	dma.local [hbm:s7], s21  }
0xa0: {  	_ =	swait.ge [sflag:s23], s21  }
0xa1: {  	s6 =	ssub.s32 $0x0, s21;
	[sflag:s23] =	ssyncset.done $0x0  }
0xa2: {  	[sflag:s23] =	ssyncadd.s32 s6;
	_ =	sdelay $0x1  }
0xa3: {  	s24 =	simm.s32 $0x1B8B  }
0xa4: {  	_ =	swait.ge [sflag:s24], $0x1  }
0xa5: {  	[sflag:s24] =	ssyncset.done $0x0  }
0xa6: {  	s25 =	simm.s32 $0x1B8E;
	[sflag:s24] =	ssyncadd.s32 $0xFFFFFFFF  }
0xa7: {  	s26 =	simm.s32 $execute0_lowered;
	[smem:$0x3FD2] =	sst s25  }
0xa8: {  	s6 =	sshll.u32 s26, $0x1;
	_ =	strace $0x80000046;
	[dreg:$0x1] =	wrdreg $0xFFFFFFFF  }
0xa9: {  	s28 =	simm.s32 $_size_execute0_lowered;
	s5 =	sadd.s32 s5, s6;
	[dreg:$0x0] =	wrdreg $0x0  }
0xaa: {  	s6 =	sshll.u32 s28, $0x1;
	[dreg:$0x2] =	wrdreg s5  }
0xab: {  	[dreg:$0x3] =	wrdreg s6  }
0xac: {  	[dreg:$0x4] =	wrdreg $0xC0  }
0xad: {  	_ =	task [dreg:s9], $0x5FFFF  }
0xae: {  	[dreg:$0x1] =	wrdreg $0xFFFFFFFF  }
0xaf: {  	[dreg:$0x0] =	wrdreg $0x60  }
0xb0: {  	[dreg:$0x2] =	wrdreg s2  }
0xb1: {  	[dreg:$0x3] =	wrdreg s19  }
0xb2: {  	[dreg:$0x4] =	wrdreg s4  }
0xb3: {  	[dreg:$0x5] =	wrdreg $0x9  }
0xb4: {  	_ =	task.clear_ibuf [dreg:s9], $0x6FFFF;
	_ =	strace $0x90000046  }
0xb5: {  	s29 =	simm.s32 $0x9;
	_ =	strace $0x80000048  }
0xb6: {  	_ =	swait.ge [sflag:s29], $0x1  }
0xb7: {  	[sflag:s29] =	ssyncadd.s32 $0xFFFFFFFF  }
0xb8: {  	_ =	strace $0x90000048  }
0xb9: {  	_ =	sfence  }
0xba: {  	s30 =	sld [smem:$0x0];
	_ =	sdelay $0x2  }
0xbb: {  	s31 =	sshll.u32 s1, $0xD;
	s1 =	sshrl.u32 s1, $0x2  }
0xbc: {  	s3 =	sand.u32 $0x4000, s31;
	s1 =	sadd.s32 s1, s30  }
0xbd: {  	s0 =	sor.u32 s3, s0;
	s1 =	sshll.u32 s1, $0x11  }
0xbe: {  	s0 =	sor.u32 s1, s0  }
0xbf: {  	s0 =	sadd.s32 $0x8F2B, s0  }
0xc0: {  	[sflag:s0] =	ssyncadd.remote.s32 $0x1  }
0xc1: {  	_ =	sfence.sel $0xFFFF  }
0xc2: {  	[dreg:$0x0] =	wrdreg $0xFFFFFFFF;
	(pc) =	sbr.abs _section_cstart, $3  }
0xc3: {  	[dreg:$0x1] =	wrdreg $0xFFFFFFFF  }
0xc4: {  	_ =	task.clear_ibuf [dreg:s9], $0x2FFFF;
	_ =	strace $0x9FFFFFFF  }
0xc5: {  	(tm) =	ssettm $0x7FFFFFFF  }
tec
execute0_lowered:
.L_overlay_start_1:
0x0: {  	(tag) =	ssettag $0x1  }
0x1: {  	s0 =	rddreg [dreg:$0x0]  }
0x2: {  	s2 =	rddreg [dreg:$0x1]  }
0x3: {  	s1 =	rddreg [dreg:$0x2]  }
0x4: {  	s3 =	srdreg.scid;
	s6 =	stileid.u32  }
0x5: {  	s4 =	sand.u32 $0x1, s3;
	s5 =	sshll.u32 s6, $0x1;
	s3 =	simm.s32 $0x0  }
0x6: {  	s6 =	sshll.u32 s6, $0x2;
	s5 =	sor.u32 s4, s5;
	[smem:$0x7FF] =	sst s3  }
0x7: {  	s6 =	sand.u32 $0x30, s6;
	s7 =	sshll.u32 s5, $0x7;
	s5 =	sshll.u32 s5, $0x10  }
0x8: {  	s0 =	sadd.s32 s0, s6;
	s7 =	sand.u32 $0x380, s7;
	s10 =	sadd.s32 s1, s5  }
0x9: {  	_ =	strace $0x80000047;
	s0 =	sadd.s32 s7, s0;
	[smem:$0x7FA] =	sst s10  }
0xa: {  	s23 =	sadd.s32 $0x800, s10;
	[dreg:$0x4] =	wrdreg s0  }
0xb: {  	s24 =	sadd.s32 $0x1000, s10;
	[dreg:$0x5] =	wrdreg s23  }
0xc: {  	s25 =	sadd.s32 $0x1800, s10;
	[dreg:$0x6] =	wrdreg s24  }
0xd: {  	s26 =	sadd.s32 $0x2000, s10;
	[dreg:$0x7] =	wrdreg s25  }
0xe: {  	s28 =	sadd.s32 $0x2800, s10;
	[dreg:$0x8] =	wrdreg s26  }
0xf: {  	s29 =	sadd.s32 $0x3000, s10;
	[dreg:$0x9] =	wrdreg s28  }
0x10: {  	s30 =	sadd.s32 $0x3800, s10;
	[dreg:$0xa] =	wrdreg s29  }
0x11: {  	s31 =	sadd.s32 $0x4000, s10;
	[dreg:$0xb] =	wrdreg s30  }
0x12: {  	s1 =	sadd.s32 $0x4800, s10;
	[dreg:$0xc] =	wrdreg s31  }
0x13: {  	s5 =	sadd.s32 $0x5000, s10;
	[dreg:$0xd] =	wrdreg s1  }
0x14: {  	s6 =	sadd.s32 $0x5800, s10;
	[dreg:$0xe] =	wrdreg s5  }
0x15: {  	s7 =	sadd.s32 $0x6000, s10;
	[dreg:$0xf] =	wrdreg s6  }
0x16: {  	s8 =	sadd.s32 $0x6800, s10;
	[dreg:$0x10] =	wrdreg s7  }
0x17: {  	s9 =	sadd.s32 $0x7000, s10;
	[dreg:$0x11] =	wrdreg s8  }
0x18: {  	s11 =	sadd.s32 $0x7800, s10;
	[dreg:$0x12] =	wrdreg s9  }
0x19: {  	s12 =	sadd.s32 $0x8000, s10;
	[dreg:$0x13] =	wrdreg s11  }
0x1a: {  	s13 =	sadd.s32 $0x8800, s10;
	[dreg:$0x14] =	wrdreg s12  }
0x1b: {  	s14 =	sadd.s32 $0x9000, s10;
	[dreg:$0x15] =	wrdreg s13  }
0x1c: {  	s15 =	sadd.s32 $0x9800, s10;
	[dreg:$0x16] =	wrdreg s14  }
0x1d: {  	s16 =	sadd.s32 $0xA000, s10;
	[dreg:$0x17] =	wrdreg s15  }
0x1e: {  	s17 =	sadd.s32 $0xA800, s10;
	[dreg:$0x18] =	wrdreg s16  }
0x1f: {  	s18 =	sadd.s32 $0xB000, s10;
	[dreg:$0x19] =	wrdreg s17  }
0x20: {  	s19 =	sadd.s32 $0xB800, s10;
	[dreg:$0x1a] =	wrdreg s18  }
0x21: {  	s20 =	ssub.s32 $0x2, s4;
	s21 =	sadd.s32 $0xC000, s10;
	[dreg:$0x1b] =	wrdreg s19  }
0x22: {  	s4 =	sshrl.u32 s20, $0x1;
	s22 =	sadd.s32 $0xC800, s10;
	[dreg:$0x1c] =	wrdreg s21  }
0x23: {  	s1 =	ssub.s32 s20, s4;
	[dreg:$0x1d] =	wrdreg s22  }
0x24: {  	s23 =	sadd.s32 $0xD000, s10;
	s5 =	sadd.s32 $0x100, s2;
	s24 =	sadd.s32 $0xD800, s10  }
0x25: {  	s6 =	sadd.s32 $0x200, s2;
	s25 =	sadd.s32 $0xE000, s10;
	[dreg:$0x1e] =	wrdreg s23  }
0x26: {  	s7 =	sadd.s32 $0x300, s2;
	s26 =	sadd.s32 $0xE800, s10;
	[dreg:$0x1f] =	wrdreg s24  }
0x27: {  	s8 =	sadd.s32 $0x400, s2;
	s28 =	sadd.s32 $0xF000, s10;
	[smem:$0x7F7] =	sst s25  }
0x28: {  	s9 =	sadd.s32 $0x500, s2;
	s29 =	sadd.s32 $0xF800, s10;
	[smem:$0x7F8] =	sst s26  }
0x29: {  	s10 =	sadd.s32 $0x600, s2;
	s30 =	simm.s32 $0x80;
	[smem:$0x7F9] =	sst s28  }
0x2a: {  	v0 =	vlaneseq.u32;
	s11 =	sadd.s32 $0x700, s2;
	s31 =	simm.s32 $0x200;
	[smem:$0x7FB] =	sst s29  }
0x2b: {  	v1 =	vshrl.u32 v0, $0x3;
	s19 =	simm.s32 $0x1;
	s16 =	simm.s32 $0x2;
	[smem:$0x7FC] =	sst s30  }
0x2c: {  	vm0 =	vmmov $0xffff;
	v0 =	vand.u32 $0x7, v0;
	v1 =	vmul.u32 $0x8, v1;
	s18 =	simm.s32 $0x7;
	s1 =	smax.u32 s1, $0x1;
	[smem:$0x7FD] =	sst s31  }
.LBB2_1:
0x2d: {  	s29 =	sld [smem:$0x7FC]  }
0x2e: {  	s30 =	sld [smem:$0x7FD]  }
0x2f: {  	[smem:$0x7F6] =	sst s1  }
0x30: {  	s28 =	rddreg [dreg:$0x4];
	s20 =	simm.s32 $0xD  }
0x31: {  	[tilespmem:s3], [sflag:$0xD] =	stream.strided.gather [hbm4b:s28+s29], $0x100, s30, s29, $0x38;
	[tilespmem:$0x18100] =	vst v63  }
0x32: {  	_ =	swait.ge [sflag:s20], $0x100  }
0x33: {  	[sflag:s20] =	ssyncset.done $0x0  }
0x34: {  	[sflag:s20] =	ssyncadd.s32 $0xFFFFFF00  }
0x35: {  	v2 =	vld.msk [tilespmem:$0x0], $0xff;
	_ =	sdelay $0x4  }
0x36: {  	v3 =	vshll.u32 v2, $0x4  }
0x37: {  	v2 =	vand.u32 $0x7, v2;
	v3 =	vand.u32 $0xFFFFFF80, v3  }
0x38: {  	v2 =	vor.u32 v2, v3  }
0x39: {  	v2 =	vperm.xlane v2, v0;
	_ =	sdelay $0x1  }
0x3a: {  	v2 =	vadd.s32 v1, v2;
	_ =	sdelay $0x3  }
0x3b: {  	s21 =	simm.s32 $0x100  }
0x3c: {  	[tilespmem:s21], [sflag:$0x1] =	stream.indirect_vreg.gather [hbm4b:s2+s3], $0x80, v2, vm0, $0xb8;
	[tilespmem:$0x18100] =	vst v63  }
0x3d: {  	s22 =	simm.s32 $0x900  }
0x3e: {  	[tilespmem:s22], [sflag:$0x1] =	stream.indirect_vreg.gather [hbm4b:s5+s3], $0x80, v2, vm0, $0xb8;
	[tilespmem:$0x18100] =	vst v63  }
0x3f: {  	s23 =	simm.s32 $0x1100  }
0x40: {  	[tilespmem:s23], [sflag:$0x1] =	stream.indirect_vreg.gather [hbm4b:s6+s3], $0x80, v2, vm0, $0xb8;
	[tilespmem:$0x18100] =	vst v63  }
0x41: {  	s24 =	simm.s32 $0x1900  }
0x42: {  	[tilespmem:s24], [sflag:$0x1] =	stream.indirect_vreg.gather [hbm4b:s7+s3], $0x80, v2, vm0, $0xb8;
	[tilespmem:$0x18100] =	vst v63  }
0x43: {  	s25 =	simm.s32 $0x2100  }
0x44: {  	[tilespmem:s25], [sflag:$0x1] =	stream.indirect_vreg.gather [hbm4b:s8+s3], $0x80, v2, vm0, $0xb8;
	[tilespmem:$0x18100] =	vst v63  }
0x45: {  	s26 =	simm.s32 $0x2900  }
0x46: {  	[tilespmem:s26], [sflag:$0x1] =	stream.indirect_vreg.gather [hbm4b:s9+s3], $0x80, v2, vm0, $0xb8;
	[tilespmem:$0x18100] =	vst v63  }
0x47: {  	s28 =	simm.s32 $0x3100  }
0x48: {  	[tilespmem:s28], [sflag:$0x1] =	stream.indirect_vreg.gather [hbm4b:s10+s3], $0x80, v2, vm0, $0xb8;
	[tilespmem:$0x18100] =	vst v63  }
0x49: {  	s29 =	simm.s32 $0x3900  }
0x4a: {  	[tilespmem:s29], [sflag:$0x1] =	stream.indirect_vreg.gather [hbm4b:s11+s3], $0x80, v2, vm0, $0xb8;
	[tilespmem:$0x18100] =	vst v63  }
0x4b: {  	v2 =	vld.msk [tilespmem:$0x8], $0xff;
	_ =	sdelay $0x4  }
0x4c: {  	v3 =	vshll.u32 v2, $0x4  }
0x4d: {  	v2 =	vand.u32 $0x7, v2;
	v3 =	vand.u32 $0xFFFFFF80, v3  }
0x4e: {  	v2 =	vor.u32 v2, v3  }
0x4f: {  	v2 =	vperm.xlane v2, v0;
	_ =	sdelay $0x1  }
0x50: {  	v2 =	vadd.s32 v1, v2;
	_ =	sdelay $0x3  }
0x51: {  	s30 =	simm.s32 $0x4100  }
0x52: {  	[tilespmem:s30], [sflag:$0x2] =	stream.indirect_vreg.gather [hbm4b:s2+s3], $0x80, v2, vm0, $0xb8;
	[tilespmem:$0x18100] =	vst v63  }
0x53: {  	s31 =	simm.s32 $0x4900  }
0x54: {  	[tilespmem:s31], [sflag:$0x2] =	stream.indirect_vreg.gather [hbm4b:s5+s3], $0x80, v2, vm0, $0xb8;
	[tilespmem:$0x18100] =	vst v63  }
0x55: {  	s0 =	simm.s32 $0x5100  }
0x56: {  	[tilespmem:s0], [sflag:$0x2] =	stream.indirect_vreg.gather [hbm4b:s6+s3], $0x80, v2, vm0, $0xb8;
	[tilespmem:$0x18100] =	vst v63  }
0x57: {  	s1 =	simm.s32 $0x5900  }
0x58: {  	[tilespmem:s1], [sflag:$0x2] =	stream.indirect_vreg.gather [hbm4b:s7+s3], $0x80, v2, vm0, $0xb8;
	[tilespmem:$0x18100] =	vst v63  }
0x59: {  	s4 =	simm.s32 $0x6100  }
0x5a: {  	[tilespmem:s4], [sflag:$0x2] =	stream.indirect_vreg.gather [hbm4b:s8+s3], $0x80, v2, vm0, $0xb8;
	[tilespmem:$0x18100] =	vst v63  }
0x5b: {  	s13 =	simm.s32 $0x6900  }
0x5c: {  	[tilespmem:s13], [sflag:$0x2] =	stream.indirect_vreg.gather [hbm4b:s9+s3], $0x80, v2, vm0, $0xb8;
	[tilespmem:$0x18100] =	vst v63  }
0x5d: {  	s14 =	simm.s32 $0x7100  }
0x5e: {  	[tilespmem:s14], [sflag:$0x2] =	stream.indirect_vreg.gather [hbm4b:s10+s3], $0x80, v2, vm0, $0xb8;
	[tilespmem:$0x18100] =	vst v63  }
0x5f: {  	s17 =	simm.s32 $0x7900  }
0x60: {  	[tilespmem:s17], [sflag:$0x2] =	stream.indirect_vreg.gather [hbm4b:s11+s3], $0x80, v2, vm0, $0xb8;
	[tilespmem:$0x18100] =	vst v63  }
0x61: {  	v2 =	vld.msk [tilespmem:$0x10], $0xff;
	_ =	sdelay $0x4  }
0x62: {  	v3 =	vshll.u32 v2, $0x4  }
0x63: {  	v2 =	vand.u32 $0x7, v2;
	v3 =	vand.u32 $0xFFFFFF80, v3  }
0x64: {  	v2 =	vor.u32 v2, v3  }
0x65: {  	v2 =	vperm.xlane v2, v0;
	_ =	sdelay $0x1  }
0x66: {  	v2 =	vadd.s32 v1, v2;
	_ =	sdelay $0x3  }
0x67: {  	s23 =	simm.s32 $0x8100  }
0x68: {  	[tilespmem:s23], [sflag:$0x3] =	stream.indirect_vreg.gather [hbm4b:s2+s3], $0x80, v2, vm0, $0xb8;
	[tilespmem:$0x18100] =	vst v63  }
0x69: {  	s24 =	simm.s32 $0x8900  }
0x6a: {  	[tilespmem:s24], [sflag:$0x3] =	stream.indirect_vreg.gather [hbm4b:s5+s3], $0x80, v2, vm0, $0xb8;
	[tilespmem:$0x18100] =	vst v63  }
0x6b: {  	s25 =	simm.s32 $0x9100  }
0x6c: {  	[tilespmem:s25], [sflag:$0x3] =	stream.indirect_vreg.gather [hbm4b:s6+s3], $0x80, v2, vm0, $0xb8;
	[tilespmem:$0x18100] =	vst v63  }
0x6d: {  	s26 =	simm.s32 $0x9900  }
0x6e: {  	[tilespmem:s26], [sflag:$0x3] =	stream.indirect_vreg.gather [hbm4b:s7+s3], $0x80, v2, vm0, $0xb8;
	[tilespmem:$0x18100] =	vst v63  }
0x6f: {  	s28 =	simm.s32 $0xA100  }
0x70: {  	[tilespmem:s28], [sflag:$0x3] =	stream.indirect_vreg.gather [hbm4b:s8+s3], $0x80, v2, vm0, $0xb8;
	[tilespmem:$0x18100] =	vst v63  }
0x71: {  	s31 =	simm.s32 $0xA900  }
0x72: {  	[tilespmem:s31], [sflag:$0x3] =	stream.indirect_vreg.gather [hbm4b:s9+s3], $0x80, v2, vm0, $0xb8;
	[tilespmem:$0x18100] =	vst v63  }
0x73: {  	s4 =	simm.s32 $0xB100  }
0x74: {  	[tilespmem:s4], [sflag:$0x3] =	stream.indirect_vreg.gather [hbm4b:s10+s3], $0x80, v2, vm0, $0xb8;
	[tilespmem:$0x18100] =	vst v63  }
0x75: {  	s14 =	simm.s32 $0xB900  }
0x76: {  	[tilespmem:s14], [sflag:$0x3] =	stream.indirect_vreg.gather [hbm4b:s11+s3], $0x80, v2, vm0, $0xb8;
	[tilespmem:$0x18100] =	vst v63  }
0x77: {  	v2 =	vld.msk [tilespmem:$0x18], $0xff;
	_ =	sdelay $0x4  }
0x78: {  	v3 =	vshll.u32 v2, $0x4  }
0x79: {  	v2 =	vand.u32 $0x7, v2;
	v3 =	vand.u32 $0xFFFFFF80, v3  }
0x7a: {  	v2 =	vor.u32 v2, v3  }
0x7b: {  	v2 =	vperm.xlane v2, v0;
	_ =	sdelay $0x1  }
0x7c: {  	v2 =	vadd.s32 v1, v2;
	_ =	sdelay $0x3  }
0x7d: {  	s4 =	simm.s32 $0xC100  }
0x7e: {  	[tilespmem:s4], [sflag:$0x4] =	stream.indirect_vreg.gather [hbm4b:s2+s3], $0x80, v2, vm0, $0xb8;
	[tilespmem:$0x18100] =	vst v63  }
0x7f: {  	s25 =	simm.s32 $0xC900  }
0x80: {  	[tilespmem:s25], [sflag:$0x4] =	stream.indirect_vreg.gather [hbm4b:s5+s3], $0x80, v2, vm0, $0xb8;
	[tilespmem:$0x18100] =	vst v63  }
0x81: {  	s26 =	simm.s32 $0xD100  }
0x82: {  	[tilespmem:s26], [sflag:$0x4] =	stream.indirect_vreg.gather [hbm4b:s6+s3], $0x80, v2, vm0, $0xb8;
	[tilespmem:$0x18100] =	vst v63  }
0x83: {  	s28 =	simm.s32 $0xD900  }
0x84: {  	[tilespmem:s28], [sflag:$0x4] =	stream.indirect_vreg.gather [hbm4b:s7+s3], $0x80, v2, vm0, $0xb8;
	[tilespmem:$0x18100] =	vst v63  }
0x85: {  	s4 =	simm.s32 $0xE100  }
0x86: {  	[tilespmem:s4], [sflag:$0x4] =	stream.indirect_vreg.gather [hbm4b:s8+s3], $0x80, v2, vm0, $0xb8;
	[tilespmem:$0x18100] =	vst v63  }
0x87: {  	s14 =	simm.s32 $0xE900  }
0x88: {  	[tilespmem:s14], [sflag:$0x4] =	stream.indirect_vreg.gather [hbm4b:s9+s3], $0x80, v2, vm0, $0xb8;
	[tilespmem:$0x18100] =	vst v63  }
0x89: {  	s28 =	simm.s32 $0xF100  }
0x8a: {  	[tilespmem:s28], [sflag:$0x4] =	stream.indirect_vreg.gather [hbm4b:s10+s3], $0x80, v2, vm0, $0xb8;
	[tilespmem:$0x18100] =	vst v63  }
0x8b: {  	s4 =	simm.s32 $0xF900  }
0x8c: {  	[tilespmem:s4], [sflag:$0x4] =	stream.indirect_vreg.gather [hbm4b:s11+s3], $0x80, v2, vm0, $0xb8;
	[tilespmem:$0x18100] =	vst v63  }
0x8d: {  	v2 =	vld.msk [tilespmem:$0x20], $0xff;
	_ =	sdelay $0x4  }
0x8e: {  	v3 =	vshll.u32 v2, $0x4  }
0x8f: {  	v2 =	vand.u32 $0x7, v2;
	v3 =	vand.u32 $0xFFFFFF80, v3  }
0x90: {  	v2 =	vor.u32 v2, v3  }
0x91: {  	v2 =	vperm.xlane v2, v0;
	_ =	sdelay $0x1  }
0x92: {  	v2 =	vadd.s32 v1, v2;
	_ =	sdelay $0x3  }
0x93: {  	s14 =	simm.s32 $0x10100  }
0x94: {  	[tilespmem:s14], [sflag:$0x5] =	stream.indirect_vreg.gather [hbm4b:s2+s3], $0x80, v2, vm0, $0xb8;
	[tilespmem:$0x18100] =	vst v63  }
0x95: {  	s14 =	simm.s32 $0x10900  }
0x96: {  	[tilespmem:s14], [sflag:$0x5] =	stream.indirect_vreg.gather [hbm4b:s5+s3], $0x80, v2, vm0, $0xb8;
	[tilespmem:$0x18100] =	vst v63  }
0x97: {  	s28 =	simm.s32 $0x11100  }
0x98: {  	[tilespmem:s28], [sflag:$0x5] =	stream.indirect_vreg.gather [hbm4b:s6+s3], $0x80, v2, vm0, $0xb8;
	[tilespmem:$0x18100] =	vst v63  }
0x99: {  	s1 =	simm.s32 $0x11900  }
0x9a: {  	[tilespmem:s1], [sflag:$0x5] =	stream.indirect_vreg.gather [hbm4b:s7+s3], $0x80, v2, vm0, $0xb8;
	[tilespmem:$0x18100] =	vst v63  }
0x9b: {  	s4 =	simm.s32 $0x12100  }
0x9c: {  	[tilespmem:s4], [sflag:$0x5] =	stream.indirect_vreg.gather [hbm4b:s8+s3], $0x80, v2, vm0, $0xb8;
	[tilespmem:$0x18100] =	vst v63  }
0x9d: {  	s28 =	simm.s32 $0x12900  }
0x9e: {  	[tilespmem:s28], [sflag:$0x5] =	stream.indirect_vreg.gather [hbm4b:s9+s3], $0x80, v2, vm0, $0xb8;
	[tilespmem:$0x18100] =	vst v63  }
0x9f: {  	s1 =	simm.s32 $0x13100  }
0xa0: {  	[tilespmem:s1], [sflag:$0x5] =	stream.indirect_vreg.gather [hbm4b:s10+s3], $0x80, v2, vm0, $0xb8;
	[tilespmem:$0x18100] =	vst v63  }
0xa1: {  	s4 =	simm.s32 $0x13900  }
0xa2: {  	[tilespmem:s4], [sflag:$0x5] =	stream.indirect_vreg.gather [hbm4b:s11+s3], $0x80, v2, vm0, $0xb8;
	[tilespmem:$0x18100] =	vst v63  }
0xa3: {  	_ =	swait.ge [sflag:s19], $0x4000  }
0xa4: {  	s14 =	sld [smem:$0x7FA]  }
0xa5: {  	[sflag:s19] =	ssyncset.done $0x0  }
0xa6: {  	s4 =	simm.s32 $0x100;
	[sflag:s19] =	ssyncadd.s32 $0xFFFFC000  }
0xa7: {  	[hbm4b:s14+s3] =	stream.linear.scatter [tilespmem:s4], [sflag:$0x7], $0x4000, $0x38;
	[tilespmem:$0x18100] =	vst v63  }
0xa8: {  	v2 =	vld.msk [tilespmem:$0x28], $0xff;
	_ =	sdelay $0x4  }
0xa9: {  	v3 =	vshll.u32 v2, $0x4  }
0xaa: {  	v2 =	vand.u32 $0x7, v2;
	v3 =	vand.u32 $0xFFFFFF80, v3  }
0xab: {  	v2 =	vor.u32 v2, v3  }
0xac: {  	v2 =	vperm.xlane v2, v0;
	_ =	sdelay $0x1  }
0xad: {  	v2 =	vadd.s32 v1, v2;
	_ =	sdelay $0x3  }
0xae: {  	s28 =	simm.s32 $0x14100  }
0xaf: {  	[tilespmem:s28], [sflag:$0x6] =	stream.indirect_vreg.gather [hbm4b:s2+s3], $0x80, v2, vm0, $0xb8;
	[tilespmem:$0x18100] =	vst v63  }
0xb0: {  	s14 =	simm.s32 $0x14900  }
0xb1: {  	[tilespmem:s14], [sflag:$0x6] =	stream.indirect_vreg.gather [hbm4b:s5+s3], $0x80, v2, vm0, $0xb8;
	[tilespmem:$0x18100] =	vst v63  }
0xb2: {  	s1 =	simm.s32 $0x15100  }
0xb3: {  	[tilespmem:s1], [sflag:$0x6] =	stream.indirect_vreg.gather [hbm4b:s6+s3], $0x80, v2, vm0, $0xb8;
	[tilespmem:$0x18100] =	vst v63  }
0xb4: {  	s14 =	simm.s32 $0x15900  }
0xb5: {  	[tilespmem:s14], [sflag:$0x6] =	stream.indirect_vreg.gather [hbm4b:s7+s3], $0x80, v2, vm0, $0xb8;
	[tilespmem:$0x18100] =	vst v63  }
0xb6: {  	s1 =	simm.s32 $0x16100  }
0xb7: {  	[tilespmem:s1], [sflag:$0x6] =	stream.indirect_vreg.gather [hbm4b:s8+s3], $0x80, v2, vm0, $0xb8;
	[tilespmem:$0x18100] =	vst v63  }
0xb8: {  	s14 =	simm.s32 $0x16900  }
0xb9: {  	[tilespmem:s14], [sflag:$0x6] =	stream.indirect_vreg.gather [hbm4b:s9+s3], $0x80, v2, vm0, $0xb8;
	[tilespmem:$0x18100] =	vst v63  }
0xba: {  	s1 =	simm.s32 $0x17100  }
0xbb: {  	[tilespmem:s1], [sflag:$0x6] =	stream.indirect_vreg.gather [hbm4b:s10+s3], $0x80, v2, vm0, $0xb8;
	[tilespmem:$0x18100] =	vst v63  }
0xbc: {  	s14 =	simm.s32 $0x17900  }
0xbd: {  	[tilespmem:s14], [sflag:$0x6] =	stream.indirect_vreg.gather [hbm4b:s11+s3], $0x80, v2, vm0, $0xb8;
	[tilespmem:$0x18100] =	vst v63  }
0xbe: {  	_ =	swait.ge [sflag:s16], $0x4000  }
0xbf: {  	[sflag:s16] =	ssyncset.done $0x0  }
0xc0: {  	s14 =	simm.s32 $0x4100;
	s1 =	rddreg [dreg:$0x5];
	[sflag:s16] =	ssyncadd.s32 $0xFFFFC000  }
0xc1: {  	[hbm4b:s1+s3] =	stream.linear.scatter [tilespmem:s14], [sflag:$0x8], $0x4000, $0x38;
	[tilespmem:$0x18100] =	vst v63  }
0xc2: {  	_ =	swait.ge [sflag:s18], $0x4000  }
0xc3: {  	[sflag:s18] =	ssyncset.done $0x0  }
0xc4: {  	[sflag:s18] =	ssyncadd.s32 $0xFFFFC000  }
0xc5: {  	v2 =	vld.msk [tilespmem:$0x30], $0xff;
	_ =	sdelay $0x4  }
0xc6: {  	v3 =	vshll.u32 v2, $0x4  }
0xc7: {  	v2 =	vand.u32 $0x7, v2;
	v3 =	vand.u32 $0xFFFFFF80, v3  }
0xc8: {  	v2 =	vor.u32 v2, v3  }
0xc9: {  	v2 =	vperm.xlane v2, v0;
	_ =	sdelay $0x1  }
0xca: {  	v2 =	vadd.s32 v1, v2;
	_ =	sdelay $0x4  }
0xcb: {  	[tilespmem:s4], [sflag:$0x1] =	stream.indirect_vreg.gather [hbm4b:s2+s3], $0x80, v2, vm0, $0xb8;
	[tilespmem:$0x18100] =	vst v63  }
0xcc: {  	s15 =	simm.s32 $0x900  }
0xcd: {  	[tilespmem:s15], [sflag:$0x1] =	stream.indirect_vreg.gather [hbm4b:s5+s3], $0x80, v2, vm0, $0xb8;
	[tilespmem:$0x18100] =	vst v63  }
0xce: {  	s12 =	simm.s32 $0x1100  }
0xcf: {  	[tilespmem:s12], [sflag:$0x1] =	stream.indirect_vreg.gather [hbm4b:s6+s3], $0x80, v2, vm0, $0xb8;
	[tilespmem:$0x18100] =	vst v63  }
0xd0: {  	s21 =	simm.s32 $0x1900  }
0xd1: {  	[tilespmem:s21], [sflag:$0x1] =	stream.indirect_vreg.gather [hbm4b:s7+s3], $0x80, v2, vm0, $0xb8;
	[tilespmem:$0x18100] =	vst v63  }
0xd2: {  	s12 =	simm.s32 $0x2100  }
0xd3: {  	[tilespmem:s12], [sflag:$0x1] =	stream.indirect_vreg.gather [hbm4b:s8+s3], $0x80, v2, vm0, $0xb8;
	[tilespmem:$0x18100] =	vst v63  }
0xd4: {  	s15 =	simm.s32 $0x2900  }
0xd5: {  	[tilespmem:s15], [sflag:$0x1] =	stream.indirect_vreg.gather [hbm4b:s9+s3], $0x80, v2, vm0, $0xb8;
	[tilespmem:$0x18100] =	vst v63  }
0xd6: {  	s21 =	simm.s32 $0x3100  }
0xd7: {  	[tilespmem:s21], [sflag:$0x1] =	stream.indirect_vreg.gather [hbm4b:s10+s3], $0x80, v2, vm0, $0xb8;
	[tilespmem:$0x18100] =	vst v63  }
0xd8: {  	s22 =	simm.s32 $0x3900;
	s21 =	simm.s32 $0x3  }
0xd9: {  	[tilespmem:s22], [sflag:$0x1] =	stream.indirect_vreg.gather [hbm4b:s11+s3], $0x80, v2, vm0, $0xb8;
	[tilespmem:$0x18100] =	vst v63  }
0xda: {  	_ =	swait.ge [sflag:s21], $0x4000  }
0xdb: {  	s1 =	simm.s32 $0x8100;
	[sflag:s21] =	ssyncset.done $0x0  }
0xdc: {  	s15 =	simm.s32 $0x8;
	s22 =	rddreg [dreg:$0x6];
	[sflag:s21] =	ssyncadd.s32 $0xFFFFC000  }
0xdd: {  	[hbm4b:s22+s3] =	stream.linear.scatter [tilespmem:s1], [sflag:$0x9], $0x4000, $0x38;
	[tilespmem:$0x18100] =	vst v63  }
0xde: {  	_ =	swait.ge [sflag:s15], $0x4000  }
0xdf: {  	[sflag:s15] =	ssyncset.done $0x0  }
0xe0: {  	[sflag:s15] =	ssyncadd.s32 $0xFFFFC000  }
0xe1: {  	v2 =	vld.msk [tilespmem:$0x38], $0xff;
	_ =	sdelay $0x4  }
0xe2: {  	v3 =	vshll.u32 v2, $0x4  }
0xe3: {  	v2 =	vand.u32 $0x7, v2;
	v3 =	vand.u32 $0xFFFFFF80, v3  }
0xe4: {  	v2 =	vor.u32 v2, v3  }
0xe5: {  	v2 =	vperm.xlane v2, v0;
	_ =	sdelay $0x1  }
0xe6: {  	v2 =	vadd.s32 v1, v2;
	_ =	sdelay $0x4  }
0xe7: {  	[tilespmem:s14], [sflag:$0x2] =	stream.indirect_vreg.gather [hbm4b:s2+s3], $0x80, v2, vm0, $0xb8;
	[tilespmem:$0x18100] =	vst v63  }
0xe8: {  	s20 =	simm.s32 $0x4900  }
0xe9: {  	[tilespmem:s20], [sflag:$0x2] =	stream.indirect_vreg.gather [hbm4b:s5+s3], $0x80, v2, vm0, $0xb8;
	[tilespmem:$0x18100] =	vst v63  }
0xea: {  	s30 =	simm.s32 $0x5100  }
0xeb: {  	[tilespmem:s30], [sflag:$0x2] =	stream.indirect_vreg.gather [hbm4b:s6+s3], $0x80, v2, vm0, $0xb8;
	[tilespmem:$0x18100] =	vst v63  }
0xec: {  	s28 =	simm.s32 $0x5900  }
0xed: {  	[tilespmem:s28], [sflag:$0x2] =	stream.indirect_vreg.gather [hbm4b:s7+s3], $0x80, v2, vm0, $0xb8;
	[tilespmem:$0x18100] =	vst v63  }
0xee: {  	s30 =	simm.s32 $0x6100  }
0xef: {  	[tilespmem:s30], [sflag:$0x2] =	stream.indirect_vreg.gather [hbm4b:s8+s3], $0x80, v2, vm0, $0xb8;
	[tilespmem:$0x18100] =	vst v63  }
0xf0: {  	s12 =	simm.s32 $0x6900  }
0xf1: {  	[tilespmem:s12], [sflag:$0x2] =	stream.indirect_vreg.gather [hbm4b:s9+s3], $0x80, v2, vm0, $0xb8;
	[tilespmem:$0x18100] =	vst v63  }
0xf2: {  	s20 =	simm.s32 $0x7100  }
0xf3: {  	[tilespmem:s20], [sflag:$0x2] =	stream.indirect_vreg.gather [hbm4b:s10+s3], $0x80, v2, vm0, $0xb8;
	[tilespmem:$0x18100] =	vst v63  }
0xf4: {  	s28 =	simm.s32 $0x7900;
	s20 =	simm.s32 $0x4  }
0xf5: {  	[tilespmem:s28], [sflag:$0x2] =	stream.indirect_vreg.gather [hbm4b:s11+s3], $0x80, v2, vm0, $0xb8;
	[tilespmem:$0x18100] =	vst v63  }
0xf6: {  	_ =	swait.ge [sflag:s20], $0x4000  }
0xf7: {  	[sflag:s20] =	ssyncset.done $0x0  }
0xf8: {  	s4 =	simm.s32 $0xC100;
	s30 =	rddreg [dreg:$0x7];
	[sflag:s20] =	ssyncadd.s32 $0xFFFFC000  }
0xf9: {  	[hbm4b:s30+s3] =	stream.linear.scatter [tilespmem:s4], [sflag:$0xA], $0x4000, $0x38;
	[tilespmem:$0x18100] =	vst v63  }
0xfa: {  	s30 =	simm.s32 $0x9  }
0xfb: {  	_ =	swait.ge [sflag:s30], $0x4000  }
0xfc: {  	[sflag:s30] =	ssyncset.done $0x0  }
0xfd: {  	[sflag:s30] =	ssyncadd.s32 $0xFFFFC000  }
0xfe: {  	v2 =	vld.msk [tilespmem:$0x40], $0xff;
	_ =	sdelay $0x4  }
0xff: {  	v3 =	vshll.u32 v2, $0x4  }
0x100: {  	v2 =	vand.u32 $0x7, v2;
	v3 =	vand.u32 $0xFFFFFF80, v3  }
0x101: {  	v2 =	vor.u32 v2, v3  }
0x102: {  	v2 =	vperm.xlane v2, v0;
	_ =	sdelay $0x1  }
0x103: {  	v2 =	vadd.s32 v1, v2;
	_ =	sdelay $0x4  }
0x104: {  	[tilespmem:s1], [sflag:$0x3] =	stream.indirect_vreg.gather [hbm4b:s2+s3], $0x80, v2, vm0, $0xb8;
	[tilespmem:$0x18100] =	vst v63  }
0x105: {  	s13 =	simm.s32 $0x8900  }
0x106: {  	[tilespmem:s13], [sflag:$0x3] =	stream.indirect_vreg.gather [hbm4b:s5+s3], $0x80, v2, vm0, $0xb8;
	[tilespmem:$0x18100] =	vst v63  }
0x107: {  	s17 =	simm.s32 $0x9100  }
0x108: {  	[tilespmem:s17], [sflag:$0x3] =	stream.indirect_vreg.gather [hbm4b:s6+s3], $0x80, v2, vm0, $0xb8;
	[tilespmem:$0x18100] =	vst v63  }
0x109: {  	s29 =	simm.s32 $0x9900  }
0x10a: {  	[tilespmem:s29], [sflag:$0x3] =	stream.indirect_vreg.gather [hbm4b:s7+s3], $0x80, v2, vm0, $0xb8;
	[tilespmem:$0x18100] =	vst v63  }
0x10b: {  	s0 =	simm.s32 $0xA100  }
0x10c: {  	[tilespmem:s0], [sflag:$0x3] =	stream.indirect_vreg.gather [hbm4b:s8+s3], $0x80, v2, vm0, $0xb8;
	[tilespmem:$0x18100] =	vst v63  }
0x10d: {  	s23 =	simm.s32 $0xA900  }
0x10e: {  	[tilespmem:s23], [sflag:$0x3] =	stream.indirect_vreg.gather [hbm4b:s9+s3], $0x80, v2, vm0, $0xb8;
	[tilespmem:$0x18100] =	vst v63  }
0x10f: {  	s24 =	simm.s32 $0xB100  }
0x110: {  	[tilespmem:s24], [sflag:$0x3] =	stream.indirect_vreg.gather [hbm4b:s10+s3], $0x80, v2, vm0, $0xb8;
	[tilespmem:$0x18100] =	vst v63  }
0x111: {  	s31 =	simm.s32 $0xB900;
	s23 =	simm.s32 $0x5  }
0x112: {  	[tilespmem:s31], [sflag:$0x3] =	stream.indirect_vreg.gather [hbm4b:s11+s3], $0x80, v2, vm0, $0xb8;
	[tilespmem:$0x18100] =	vst v63  }
0x113: {  	_ =	swait.ge [sflag:s23], $0x4000  }
0x114: {  	s13 =	simm.s32 $0x10100;
	[sflag:s23] =	ssyncset.done $0x0  }
0x115: {  	s24 =	simm.s32 $0xA;
	s12 =	rddreg [dreg:$0x8];
	[sflag:s23] =	ssyncadd.s32 $0xFFFFC000  }
0x116: {  	[hbm4b:s12+s3] =	stream.linear.scatter [tilespmem:s13], [sflag:$0xB], $0x4000, $0x38;
	[tilespmem:$0x18100] =	vst v63  }
0x117: {  	_ =	swait.ge [sflag:s24], $0x4000  }
0x118: {  	[sflag:s24] =	ssyncset.done $0x0  }
0x119: {  	[sflag:s24] =	ssyncadd.s32 $0xFFFFC000  }
0x11a: {  	v2 =	vld.msk [tilespmem:$0x48], $0xff;
	_ =	sdelay $0x4  }
0x11b: {  	v3 =	vshll.u32 v2, $0x4  }
0x11c: {  	v2 =	vand.u32 $0x7, v2;
	v3 =	vand.u32 $0xFFFFFF80, v3  }
0x11d: {  	v2 =	vor.u32 v2, v3  }
0x11e: {  	v2 =	vperm.xlane v2, v0;
	_ =	sdelay $0x1  }
0x11f: {  	v2 =	vadd.s32 v1, v2;
	_ =	sdelay $0x4  }
0x120: {  	[tilespmem:s4], [sflag:$0x4] =	stream.indirect_vreg.gather [hbm4b:s2+s3], $0x80, v2, vm0, $0xb8;
	[tilespmem:$0x18100] =	vst v63  }
0x121: {  	s25 =	simm.s32 $0xC900  }
0x122: {  	[tilespmem:s25], [sflag:$0x4] =	stream.indirect_vreg.gather [hbm4b:s5+s3], $0x80, v2, vm0, $0xb8;
	[tilespmem:$0x18100] =	vst v63  }
0x123: {  	s26 =	simm.s32 $0xD100  }
0x124: {  	[tilespmem:s26], [sflag:$0x4] =	stream.indirect_vreg.gather [hbm4b:s6+s3], $0x80, v2, vm0, $0xb8;
	[tilespmem:$0x18100] =	vst v63  }
0x125: {  	s17 =	simm.s32 $0xD900  }
0x126: {  	[tilespmem:s17], [sflag:$0x4] =	stream.indirect_vreg.gather [hbm4b:s7+s3], $0x80, v2, vm0, $0xb8;
	[tilespmem:$0x18100] =	vst v63  }
0x127: {  	s25 =	simm.s32 $0xE100  }
0x128: {  	[tilespmem:s25], [sflag:$0x4] =	stream.indirect_vreg.gather [hbm4b:s8+s3], $0x80, v2, vm0, $0xb8;
	[tilespmem:$0x18100] =	vst v63  }
0x129: {  	s26 =	simm.s32 $0xE900  }
0x12a: {  	[tilespmem:s26], [sflag:$0x4] =	stream.indirect_vreg.gather [hbm4b:s9+s3], $0x80, v2, vm0, $0xb8;
	[tilespmem:$0x18100] =	vst v63  }
0x12b: {  	s28 =	simm.s32 $0xF100  }
0x12c: {  	[tilespmem:s28], [sflag:$0x4] =	stream.indirect_vreg.gather [hbm4b:s10+s3], $0x80, v2, vm0, $0xb8;
	[tilespmem:$0x18100] =	vst v63  }
0x12d: {  	s29 =	simm.s32 $0xF900;
	s25 =	simm.s32 $0x6  }
0x12e: {  	[tilespmem:s29], [sflag:$0x4] =	stream.indirect_vreg.gather [hbm4b:s11+s3], $0x80, v2, vm0, $0xb8;
	[tilespmem:$0x18100] =	vst v63  }
0x12f: {  	_ =	swait.ge [sflag:s25], $0x4000  }
0x130: {  	s17 =	simm.s32 $0x14100;
	[sflag:s25] =	ssyncset.done $0x0  }
0x131: {  	s26 =	simm.s32 $0xB;
	s0 =	rddreg [dreg:$0x9];
	[sflag:s25] =	ssyncadd.s32 $0xFFFFC000  }
0x132: {  	[hbm4b:s0+s3] =	stream.linear.scatter [tilespmem:s17], [sflag:$0xC], $0x4000, $0x38;
	[tilespmem:$0x18100] =	vst v63  }
0x133: {  	_ =	swait.ge [sflag:s26], $0x4000  }
0x134: {  	[sflag:s26] =	ssyncset.done $0x0  }
0x135: {  	[sflag:s26] =	ssyncadd.s32 $0xFFFFC000  }
0x136: {  	v2 =	vld.msk [tilespmem:$0x50], $0xff;
	_ =	sdelay $0x4  }
0x137: {  	v3 =	vshll.u32 v2, $0x4  }
0x138: {  	v2 =	vand.u32 $0x7, v2;
	v3 =	vand.u32 $0xFFFFFF80, v3  }
0x139: {  	v2 =	vor.u32 v2, v3  }
0x13a: {  	v2 =	vperm.xlane v2, v0;
	_ =	sdelay $0x1  }
0x13b: {  	v2 =	vadd.s32 v1, v2;
	_ =	sdelay $0x4  }
0x13c: {  	[tilespmem:s13], [sflag:$0x5] =	stream.indirect_vreg.gather [hbm4b:s2+s3], $0x80, v2, vm0, $0xb8;
	[tilespmem:$0x18100] =	vst v63  }
0x13d: {  	s29 =	simm.s32 $0x10900  }
0x13e: {  	[tilespmem:s29], [sflag:$0x5] =	stream.indirect_vreg.gather [hbm4b:s5+s3], $0x80, v2, vm0, $0xb8;
	[tilespmem:$0x18100] =	vst v63  }
0x13f: {  	s1 =	simm.s32 $0x11100  }
0x140: {  	[tilespmem:s1], [sflag:$0x5] =	stream.indirect_vreg.gather [hbm4b:s6+s3], $0x80, v2, vm0, $0xb8;
	[tilespmem:$0x18100] =	vst v63  }
0x141: {  	s4 =	simm.s32 $0x11900  }
0x142: {  	[tilespmem:s4], [sflag:$0x5] =	stream.indirect_vreg.gather [hbm4b:s7+s3], $0x80, v2, vm0, $0xb8;
	[tilespmem:$0x18100] =	vst v63  }
0x143: {  	s12 =	simm.s32 $0x12100  }
0x144: {  	[tilespmem:s12], [sflag:$0x5] =	stream.indirect_vreg.gather [hbm4b:s8+s3], $0x80, v2, vm0, $0xb8;
	[tilespmem:$0x18100] =	vst v63  }
0x145: {  	s1 =	simm.s32 $0x12900  }
0x146: {  	[tilespmem:s1], [sflag:$0x5] =	stream.indirect_vreg.gather [hbm4b:s9+s3], $0x80, v2, vm0, $0xb8;
	[tilespmem:$0x18100] =	vst v63  }
0x147: {  	s13 =	simm.s32 $0x13100  }
0x148: {  	[tilespmem:s13], [sflag:$0x5] =	stream.indirect_vreg.gather [hbm4b:s10+s3], $0x80, v2, vm0, $0xb8;
	[tilespmem:$0x18100] =	vst v63  }
0x149: {  	s28 =	simm.s32 $0x13900  }
0x14a: {  	[tilespmem:s28], [sflag:$0x5] =	stream.indirect_vreg.gather [hbm4b:s11+s3], $0x80, v2, vm0, $0xb8;
	[tilespmem:$0x18100] =	vst v63  }
0x14b: {  	_ =	swait.ge [sflag:s19], $0x4000  }
0x14c: {  	[sflag:s19] =	ssyncset.done $0x0  }
0x14d: {  	s12 =	simm.s32 $0x100;
	s4 =	rddreg [dreg:$0xa];
	[sflag:s19] =	ssyncadd.s32 $0xFFFFC000  }
0x14e: {  	[hbm4b:s4+s3] =	stream.linear.scatter [tilespmem:s12], [sflag:$0x7], $0x4000, $0x38;
	[tilespmem:$0x18100] =	vst v63  }
0x14f: {  	s4 =	simm.s32 $0xC  }
0x150: {  	_ =	swait.ge [sflag:s4], $0x4000  }
0x151: {  	[sflag:s4] =	ssyncset.done $0x0  }
0x152: {  	[sflag:s4] =	ssyncadd.s32 $0xFFFFC000  }
0x153: {  	v2 =	vld.msk [tilespmem:$0x58], $0xff;
	_ =	sdelay $0x4  }
0x154: {  	v3 =	vshll.u32 v2, $0x4  }
0x155: {  	v2 =	vand.u32 $0x7, v2;
	v3 =	vand.u32 $0xFFFFFF80, v3  }
0x156: {  	v2 =	vor.u32 v2, v3  }
0x157: {  	v2 =	vperm.xlane v2, v0;
	_ =	sdelay $0x1  }
0x158: {  	v2 =	vadd.s32 v1, v2;
	_ =	sdelay $0x4  }
0x159: {  	[tilespmem:s17], [sflag:$0x6] =	stream.indirect_vreg.gather [hbm4b:s2+s3], $0x80, v2, vm0, $0xb8;
	[tilespmem:$0x18100] =	vst v63  }
0x15a: {  	s13 =	simm.s32 $0x14900  }
0x15b: {  	[tilespmem:s13], [sflag:$0x6] =	stream.indirect_vreg.gather [hbm4b:s5+s3], $0x80, v2, vm0, $0xb8;
	[tilespmem:$0x18100] =	vst v63  }
0x15c: {  	s17 =	simm.s32 $0x15100  }
0x15d: {  	[tilespmem:s17], [sflag:$0x6] =	stream.indirect_vreg.gather [hbm4b:s6+s3], $0x80, v2, vm0, $0xb8;
	[tilespmem:$0x18100] =	vst v63  }
0x15e: {  	s28 =	simm.s32 $0x15900  }
0x15f: {  	[tilespmem:s28], [sflag:$0x6] =	stream.indirect_vreg.gather [hbm4b:s7+s3], $0x80, v2, vm0, $0xb8;
	[tilespmem:$0x18100] =	vst v63  }
0x160: {  	s13 =	simm.s32 $0x16100  }
0x161: {  	[tilespmem:s13], [sflag:$0x6] =	stream.indirect_vreg.gather [hbm4b:s8+s3], $0x80, v2, vm0, $0xb8;
	[tilespmem:$0x18100] =	vst v63  }
0x162: {  	s17 =	simm.s32 $0x16900  }
0x163: {  	[tilespmem:s17], [sflag:$0x6] =	stream.indirect_vreg.gather [hbm4b:s9+s3], $0x80, v2, vm0, $0xb8;
	[tilespmem:$0x18100] =	vst v63  }
0x164: {  	s28 =	simm.s32 $0x17100  }
0x165: {  	[tilespmem:s28], [sflag:$0x6] =	stream.indirect_vreg.gather [hbm4b:s10+s3], $0x80, v2, vm0, $0xb8;
	[tilespmem:$0x18100] =	vst v63  }
0x166: {  	s13 =	simm.s32 $0x17900  }
0x167: {  	[tilespmem:s13], [sflag:$0x6] =	stream.indirect_vreg.gather [hbm4b:s11+s3], $0x80, v2, vm0, $0xb8;
	[tilespmem:$0x18100] =	vst v63  }
0x168: {  	_ =	swait.ge [sflag:s16], $0x4000  }
0x169: {  	[sflag:s16] =	ssyncset.done $0x0  }
0x16a: {  	s13 =	simm.s32 $0x4100;
	s17 =	rddreg [dreg:$0xb];
	[sflag:s16] =	ssyncadd.s32 $0xFFFFC000  }
0x16b: {  	[hbm4b:s17+s3] =	stream.linear.scatter [tilespmem:s13], [sflag:$0x8], $0x4000, $0x38;
	[tilespmem:$0x18100] =	vst v63  }
0x16c: {  	_ =	swait.ge [sflag:s18], $0x4000  }
0x16d: {  	[sflag:s18] =	ssyncset.done $0x0  }
0x16e: {  	[sflag:s18] =	ssyncadd.s32 $0xFFFFC000  }
0x16f: {  	v2 =	vld.msk [tilespmem:$0x60], $0xff;
	_ =	sdelay $0x4  }
0x170: {  	v3 =	vshll.u32 v2, $0x4  }
0x171: {  	v2 =	vand.u32 $0x7, v2;
	v3 =	vand.u32 $0xFFFFFF80, v3  }
0x172: {  	v2 =	vor.u32 v2, v3  }
0x173: {  	v2 =	vperm.xlane v2, v0;
	_ =	sdelay $0x1  }
0x174: {  	v2 =	vadd.s32 v1, v2;
	_ =	sdelay $0x4  }
0x175: {  	[tilespmem:s12], [sflag:$0x1] =	stream.indirect_vreg.gather [hbm4b:s2+s3], $0x80, v2, vm0, $0xb8;
	[tilespmem:$0x18100] =	vst v63  }
0x176: {  	s28 =	simm.s32 $0x900  }
0x177: {  	[tilespmem:s28], [sflag:$0x1] =	stream.indirect_vreg.gather [hbm4b:s5+s3], $0x80, v2, vm0, $0xb8;
	[tilespmem:$0x18100] =	vst v63  }
0x178: {  	s12 =	simm.s32 $0x1100  }
0x179: {  	[tilespmem:s12], [sflag:$0x1] =	stream.indirect_vreg.gather [hbm4b:s6+s3], $0x80, v2, vm0, $0xb8;
	[tilespmem:$0x18100] =	vst v63  }
0x17a: {  	s17 =	simm.s32 $0x1900  }
0x17b: {  	[tilespmem:s17], [sflag:$0x1] =	stream.indirect_vreg.gather [hbm4b:s7+s3], $0x80, v2, vm0, $0xb8;
	[tilespmem:$0x18100] =	vst v63  }
0x17c: {  	s28 =	simm.s32 $0x2100  }
0x17d: {  	[tilespmem:s28], [sflag:$0x1] =	stream.indirect_vreg.gather [hbm4b:s8+s3], $0x80, v2, vm0, $0xb8;
	[tilespmem:$0x18100] =	vst v63  }
0x17e: {  	s12 =	simm.s32 $0x2900  }
0x17f: {  	[tilespmem:s12], [sflag:$0x1] =	stream.indirect_vreg.gather [hbm4b:s9+s3], $0x80, v2, vm0, $0xb8;
	[tilespmem:$0x18100] =	vst v63  }
0x180: {  	s17 =	simm.s32 $0x3100  }
0x181: {  	[tilespmem:s17], [sflag:$0x1] =	stream.indirect_vreg.gather [hbm4b:s10+s3], $0x80, v2, vm0, $0xb8;
	[tilespmem:$0x18100] =	vst v63  }
0x182: {  	s28 =	simm.s32 $0x3900  }
0x183: {  	[tilespmem:s28], [sflag:$0x1] =	stream.indirect_vreg.gather [hbm4b:s11+s3], $0x80, v2, vm0, $0xb8;
	[tilespmem:$0x18100] =	vst v63  }
0x184: {  	_ =	swait.ge [sflag:s21], $0x4000  }
0x185: {  	[sflag:s21] =	ssyncset.done $0x0  }
0x186: {  	s17 =	simm.s32 $0x8100;
	s12 =	rddreg [dreg:$0xc];
	[sflag:s21] =	ssyncadd.s32 $0xFFFFC000  }
0x187: {  	[hbm4b:s12+s3] =	stream.linear.scatter [tilespmem:s17], [sflag:$0x9], $0x4000, $0x38;
	[tilespmem:$0x18100] =	vst v63  }
0x188: {  	_ =	swait.ge [sflag:s15], $0x4000  }
0x189: {  	[sflag:s15] =	ssyncset.done $0x0  }
0x18a: {  	[sflag:s15] =	ssyncadd.s32 $0xFFFFC000  }
0x18b: {  	v2 =	vld.msk [tilespmem:$0x68], $0xff;
	_ =	sdelay $0x4  }
0x18c: {  	v3 =	vshll.u32 v2, $0x4  }
0x18d: {  	v2 =	vand.u32 $0x7, v2;
	v3 =	vand.u32 $0xFFFFFF80, v3  }
0x18e: {  	v2 =	vor.u32 v2, v3  }
0x18f: {  	v2 =	vperm.xlane v2, v0;
	_ =	sdelay $0x1  }
0x190: {  	v2 =	vadd.s32 v1, v2;
	_ =	sdelay $0x4  }
0x191: {  	[tilespmem:s13], [sflag:$0x2] =	stream.indirect_vreg.gather [hbm4b:s2+s3], $0x80, v2, vm0, $0xb8;
	[tilespmem:$0x18100] =	vst v63  }
0x192: {  	s14 =	simm.s32 $0x4900  }
0x193: {  	[tilespmem:s14], [sflag:$0x2] =	stream.indirect_vreg.gather [hbm4b:s5+s3], $0x80, v2, vm0, $0xb8;
	[tilespmem:$0x18100] =	vst v63  }
0x194: {  	s22 =	simm.s32 $0x5100  }
0x195: {  	[tilespmem:s22], [sflag:$0x2] =	stream.indirect_vreg.gather [hbm4b:s6+s3], $0x80, v2, vm0, $0xb8;
	[tilespmem:$0x18100] =	vst v63  }
0x196: {  	s14 =	simm.s32 $0x5900  }
0x197: {  	[tilespmem:s14], [sflag:$0x2] =	stream.indirect_vreg.gather [hbm4b:s7+s3], $0x80, v2, vm0, $0xb8;
	[tilespmem:$0x18100] =	vst v63  }
0x198: {  	s22 =	simm.s32 $0x6100  }
0x199: {  	[tilespmem:s22], [sflag:$0x2] =	stream.indirect_vreg.gather [hbm4b:s8+s3], $0x80, v2, vm0, $0xb8;
	[tilespmem:$0x18100] =	vst v63  }
0x19a: {  	s28 =	simm.s32 $0x6900  }
0x19b: {  	[tilespmem:s28], [sflag:$0x2] =	stream.indirect_vreg.gather [hbm4b:s9+s3], $0x80, v2, vm0, $0xb8;
	[tilespmem:$0x18100] =	vst v63  }
0x19c: {  	s12 =	simm.s32 $0x7100  }
0x19d: {  	[tilespmem:s12], [sflag:$0x2] =	stream.indirect_vreg.gather [hbm4b:s10+s3], $0x80, v2, vm0, $0xb8;
	[tilespmem:$0x18100] =	vst v63  }
0x19e: {  	s13 =	simm.s32 $0x7900  }
0x19f: {  	[tilespmem:s13], [sflag:$0x2] =	stream.indirect_vreg.gather [hbm4b:s11+s3], $0x80, v2, vm0, $0xb8;
	[tilespmem:$0x18100] =	vst v63  }
0x1a0: {  	_ =	swait.ge [sflag:s20], $0x4000  }
0x1a1: {  	[sflag:s20] =	ssyncset.done $0x0  }
0x1a2: {  	s12 =	simm.s32 $0xC100;
	s14 =	rddreg [dreg:$0xd];
	[sflag:s20] =	ssyncadd.s32 $0xFFFFC000  }
0x1a3: {  	[hbm4b:s14+s3] =	stream.linear.scatter [tilespmem:s12], [sflag:$0xA], $0x4000, $0x38;
	[tilespmem:$0x18100] =	vst v63  }
0x1a4: {  	_ =	swait.ge [sflag:s30], $0x4000  }
0x1a5: {  	[sflag:s30] =	ssyncset.done $0x0  }
0x1a6: {  	[sflag:s30] =	ssyncadd.s32 $0xFFFFC000  }
0x1a7: {  	v2 =	vld.msk [tilespmem:$0x70], $0xff;
	_ =	sdelay $0x4  }
0x1a8: {  	v3 =	vshll.u32 v2, $0x4  }
0x1a9: {  	v2 =	vand.u32 $0x7, v2;
	v3 =	vand.u32 $0xFFFFFF80, v3  }
0x1aa: {  	v2 =	vor.u32 v2, v3  }
0x1ab: {  	v2 =	vperm.xlane v2, v0;
	_ =	sdelay $0x1  }
0x1ac: {  	v2 =	vadd.s32 v1, v2;
	_ =	sdelay $0x4  }
0x1ad: {  	[tilespmem:s17], [sflag:$0x3] =	stream.indirect_vreg.gather [hbm4b:s2+s3], $0x80, v2, vm0, $0xb8;
	[tilespmem:$0x18100] =	vst v63  }
0x1ae: {  	s22 =	simm.s32 $0x8900  }
0x1af: {  	[tilespmem:s22], [sflag:$0x3] =	stream.indirect_vreg.gather [hbm4b:s5+s3], $0x80, v2, vm0, $0xb8;
	[tilespmem:$0x18100] =	vst v63  }
0x1b0: {  	s28 =	simm.s32 $0x9100  }
0x1b1: {  	[tilespmem:s28], [sflag:$0x3] =	stream.indirect_vreg.gather [hbm4b:s6+s3], $0x80, v2, vm0, $0xb8;
	[tilespmem:$0x18100] =	vst v63  }
0x1b2: {  	s13 =	simm.s32 $0x9900  }
0x1b3: {  	[tilespmem:s13], [sflag:$0x3] =	stream.indirect_vreg.gather [hbm4b:s7+s3], $0x80, v2, vm0, $0xb8;
	[tilespmem:$0x18100] =	vst v63  }
0x1b4: {  	s14 =	simm.s32 $0xA100  }
0x1b5: {  	[tilespmem:s14], [sflag:$0x3] =	stream.indirect_vreg.gather [hbm4b:s8+s3], $0x80, v2, vm0, $0xb8;
	[tilespmem:$0x18100] =	vst v63  }
0x1b6: {  	s22 =	simm.s32 $0xA900  }
0x1b7: {  	[tilespmem:s22], [sflag:$0x3] =	stream.indirect_vreg.gather [hbm4b:s9+s3], $0x80, v2, vm0, $0xb8;
	[tilespmem:$0x18100] =	vst v63  }
0x1b8: {  	s28 =	simm.s32 $0xB100  }
0x1b9: {  	[tilespmem:s28], [sflag:$0x3] =	stream.indirect_vreg.gather [hbm4b:s10+s3], $0x80, v2, vm0, $0xb8;
	[tilespmem:$0x18100] =	vst v63  }
0x1ba: {  	s13 =	simm.s32 $0xB900  }
0x1bb: {  	[tilespmem:s13], [sflag:$0x3] =	stream.indirect_vreg.gather [hbm4b:s11+s3], $0x80, v2, vm0, $0xb8;
	[tilespmem:$0x18100] =	vst v63  }
0x1bc: {  	_ =	swait.ge [sflag:s23], $0x4000  }
0x1bd: {  	[sflag:s23] =	ssyncset.done $0x0  }
0x1be: {  	s22 =	simm.s32 $0x10100;
	s14 =	rddreg [dreg:$0xe];
	[sflag:s23] =	ssyncadd.s32 $0xFFFFC000  }
0x1bf: {  	[hbm4b:s14+s3] =	stream.linear.scatter [tilespmem:s22], [sflag:$0xB], $0x4000, $0x38;
	[tilespmem:$0x18100] =	vst v63  }
0x1c0: {  	_ =	swait.ge [sflag:s24], $0x4000  }
0x1c1: {  	[sflag:s24] =	ssyncset.done $0x0  }
0x1c2: {  	[sflag:s24] =	ssyncadd.s32 $0xFFFFC000  }
0x1c3: {  	v2 =	vld.msk [tilespmem:$0x78], $0xff;
	_ =	sdelay $0x4  }
0x1c4: {  	v3 =	vshll.u32 v2, $0x4  }
0x1c5: {  	v2 =	vand.u32 $0x7, v2;
	v3 =	vand.u32 $0xFFFFFF80, v3  }
0x1c6: {  	v2 =	vor.u32 v2, v3  }
0x1c7: {  	v2 =	vperm.xlane v2, v0;
	_ =	sdelay $0x1  }
0x1c8: {  	v2 =	vadd.s32 v1, v2;
	_ =	sdelay $0x4  }
0x1c9: {  	[tilespmem:s12], [sflag:$0x4] =	stream.indirect_vreg.gather [hbm4b:s2+s3], $0x80, v2, vm0, $0xb8;
	[tilespmem:$0x18100] =	vst v63  }
0x1ca: {  	s28 =	simm.s32 $0xC900  }
0x1cb: {  	[tilespmem:s28], [sflag:$0x4] =	stream.indirect_vreg.gather [hbm4b:s5+s3], $0x80, v2, vm0, $0xb8;
	[tilespmem:$0x18100] =	vst v63  }
0x1cc: {  	s31 =	simm.s32 $0xD100  }
0x1cd: {  	[tilespmem:s31], [sflag:$0x4] =	stream.indirect_vreg.gather [hbm4b:s6+s3], $0x80, v2, vm0, $0xb8;
	[tilespmem:$0x18100] =	vst v63  }
0x1ce: {  	s0 =	simm.s32 $0xD900  }
0x1cf: {  	[tilespmem:s0], [sflag:$0x4] =	stream.indirect_vreg.gather [hbm4b:s7+s3], $0x80, v2, vm0, $0xb8;
	[tilespmem:$0x18100] =	vst v63  }
0x1d0: {  	s31 =	simm.s32 $0xE100  }
0x1d1: {  	[tilespmem:s31], [sflag:$0x4] =	stream.indirect_vreg.gather [hbm4b:s8+s3], $0x80, v2, vm0, $0xb8;
	[tilespmem:$0x18100] =	vst v63  }
0x1d2: {  	s13 =	simm.s32 $0xE900  }
0x1d3: {  	[tilespmem:s13], [sflag:$0x4] =	stream.indirect_vreg.gather [hbm4b:s9+s3], $0x80, v2, vm0, $0xb8;
	[tilespmem:$0x18100] =	vst v63  }
0x1d4: {  	s28 =	simm.s32 $0xF100  }
0x1d5: {  	[tilespmem:s28], [sflag:$0x4] =	stream.indirect_vreg.gather [hbm4b:s10+s3], $0x80, v2, vm0, $0xb8;
	[tilespmem:$0x18100] =	vst v63  }
0x1d6: {  	s31 =	simm.s32 $0xF900  }
0x1d7: {  	[tilespmem:s31], [sflag:$0x4] =	stream.indirect_vreg.gather [hbm4b:s11+s3], $0x80, v2, vm0, $0xb8;
	[tilespmem:$0x18100] =	vst v63  }
0x1d8: {  	_ =	swait.ge [sflag:s25], $0x4000  }
0x1d9: {  	[sflag:s25] =	ssyncset.done $0x0  }
0x1da: {  	s31 =	simm.s32 $0x14100;
	s13 =	rddreg [dreg:$0xf];
	[sflag:s25] =	ssyncadd.s32 $0xFFFFC000  }
0x1db: {  	[hbm4b:s13+s3] =	stream.linear.scatter [tilespmem:s31], [sflag:$0xC], $0x4000, $0x38;
	[tilespmem:$0x18100] =	vst v63  }
0x1dc: {  	_ =	swait.ge [sflag:s26], $0x4000  }
0x1dd: {  	[sflag:s26] =	ssyncset.done $0x0  }
0x1de: {  	[sflag:s26] =	ssyncadd.s32 $0xFFFFC000  }
0x1df: {  	v2 =	vld.msk [tilespmem:$0x80], $0xff;
	_ =	sdelay $0x4  }
0x1e0: {  	v3 =	vshll.u32 v2, $0x4  }
0x1e1: {  	v2 =	vand.u32 $0x7, v2;
	v3 =	vand.u32 $0xFFFFFF80, v3  }
0x1e2: {  	v2 =	vor.u32 v2, v3  }
0x1e3: {  	v2 =	vperm.xlane v2, v0;
	_ =	sdelay $0x1  }
0x1e4: {  	v2 =	vadd.s32 v1, v2;
	_ =	sdelay $0x4  }
0x1e5: {  	[tilespmem:s22], [sflag:$0x5] =	stream.indirect_vreg.gather [hbm4b:s2+s3], $0x80, v2, vm0, $0xb8;
	[tilespmem:$0x18100] =	vst v63  }
0x1e6: {  	_ = 	snop  }
0x1e7: {  	[tilespmem:s29], [sflag:$0x5] =	stream.indirect_vreg.gather [hbm4b:s5+s3], $0x80, v2, vm0, $0xb8;
	[tilespmem:$0x18100] =	vst v63  }
0x1e8: {  	s22 =	simm.s32 $0x11100  }
0x1e9: {  	[tilespmem:s22], [sflag:$0x5] =	stream.indirect_vreg.gather [hbm4b:s6+s3], $0x80, v2, vm0, $0xb8;
	[tilespmem:$0x18100] =	vst v63  }
0x1ea: {  	s28 =	simm.s32 $0x11900  }
0x1eb: {  	[tilespmem:s28], [sflag:$0x5] =	stream.indirect_vreg.gather [hbm4b:s7+s3], $0x80, v2, vm0, $0xb8;
	[tilespmem:$0x18100] =	vst v63  }
0x1ec: {  	s29 =	simm.s32 $0x12100  }
0x1ed: {  	[tilespmem:s29], [sflag:$0x5] =	stream.indirect_vreg.gather [hbm4b:s8+s3], $0x80, v2, vm0, $0xb8;
	[tilespmem:$0x18100] =	vst v63  }
0x1ee: {  	_ = 	snop  }
0x1ef: {  	[tilespmem:s1], [sflag:$0x5] =	stream.indirect_vreg.gather [hbm4b:s9+s3], $0x80, v2, vm0, $0xb8;
	[tilespmem:$0x18100] =	vst v63  }
0x1f0: {  	s22 =	simm.s32 $0x13100  }
0x1f1: {  	[tilespmem:s22], [sflag:$0x5] =	stream.indirect_vreg.gather [hbm4b:s10+s3], $0x80, v2, vm0, $0xb8;
	[tilespmem:$0x18100] =	vst v63  }
0x1f2: {  	s28 =	simm.s32 $0x13900  }
0x1f3: {  	[tilespmem:s28], [sflag:$0x5] =	stream.indirect_vreg.gather [hbm4b:s11+s3], $0x80, v2, vm0, $0xb8;
	[tilespmem:$0x18100] =	vst v63  }
0x1f4: {  	_ =	swait.ge [sflag:s19], $0x4000  }
0x1f5: {  	[sflag:s19] =	ssyncset.done $0x0  }
0x1f6: {  	s1 =	simm.s32 $0x100;
	s29 =	rddreg [dreg:$0x10];
	[sflag:s19] =	ssyncadd.s32 $0xFFFFC000  }
0x1f7: {  	[hbm4b:s29+s3] =	stream.linear.scatter [tilespmem:s1], [sflag:$0x7], $0x4000, $0x38;
	[tilespmem:$0x18100] =	vst v63  }
0x1f8: {  	_ =	swait.ge [sflag:s4], $0x4000  }
0x1f9: {  	[sflag:s4] =	ssyncset.done $0x0  }
0x1fa: {  	[sflag:s4] =	ssyncadd.s32 $0xFFFFC000  }
0x1fb: {  	v2 =	vld.msk [tilespmem:$0x88], $0xff;
	_ =	sdelay $0x4  }
0x1fc: {  	v3 =	vshll.u32 v2, $0x4  }
0x1fd: {  	v2 =	vand.u32 $0x7, v2;
	v3 =	vand.u32 $0xFFFFFF80, v3  }
0x1fe: {  	v2 =	vor.u32 v2, v3  }
0x1ff: {  	v2 =	vperm.xlane v2, v0;
	_ =	sdelay $0x1  }
0x200: {  	v2 =	vadd.s32 v1, v2;
	_ =	sdelay $0x4  }
0x201: {  	[tilespmem:s31], [sflag:$0x6] =	stream.indirect_vreg.gather [hbm4b:s2+s3], $0x80, v2, vm0, $0xb8;
	[tilespmem:$0x18100] =	vst v63  }
0x202: {  	s22 =	simm.s32 $0x14900  }
0x203: {  	[tilespmem:s22], [sflag:$0x6] =	stream.indirect_vreg.gather [hbm4b:s5+s3], $0x80, v2, vm0, $0xb8;
	[tilespmem:$0x18100] =	vst v63  }
0x204: {  	s31 =	simm.s32 $0x15100  }
0x205: {  	[tilespmem:s31], [sflag:$0x6] =	stream.indirect_vreg.gather [hbm4b:s6+s3], $0x80, v2, vm0, $0xb8;
	[tilespmem:$0x18100] =	vst v63  }
0x206: {  	s28 =	simm.s32 $0x15900  }
0x207: {  	[tilespmem:s28], [sflag:$0x6] =	stream.indirect_vreg.gather [hbm4b:s7+s3], $0x80, v2, vm0, $0xb8;
	[tilespmem:$0x18100] =	vst v63  }
0x208: {  	s29 =	simm.s32 $0x16100  }
0x209: {  	[tilespmem:s29], [sflag:$0x6] =	stream.indirect_vreg.gather [hbm4b:s8+s3], $0x80, v2, vm0, $0xb8;
	[tilespmem:$0x18100] =	vst v63  }
0x20a: {  	s31 =	simm.s32 $0x16900  }
0x20b: {  	[tilespmem:s31], [sflag:$0x6] =	stream.indirect_vreg.gather [hbm4b:s9+s3], $0x80, v2, vm0, $0xb8;
	[tilespmem:$0x18100] =	vst v63  }
0x20c: {  	s13 =	simm.s32 $0x17100  }
0x20d: {  	[tilespmem:s13], [sflag:$0x6] =	stream.indirect_vreg.gather [hbm4b:s10+s3], $0x80, v2, vm0, $0xb8;
	[tilespmem:$0x18100] =	vst v63  }
0x20e: {  	s29 =	simm.s32 $0x17900  }
0x20f: {  	[tilespmem:s29], [sflag:$0x6] =	stream.indirect_vreg.gather [hbm4b:s11+s3], $0x80, v2, vm0, $0xb8;
	[tilespmem:$0x18100] =	vst v63  }
0x210: {  	_ =	swait.ge [sflag:s16], $0x4000  }
0x211: {  	[sflag:s16] =	ssyncset.done $0x0  }
0x212: {  	s29 =	simm.s32 $0x4100;
	s31 =	rddreg [dreg:$0x11];
	[sflag:s16] =	ssyncadd.s32 $0xFFFFC000  }
0x213: {  	[hbm4b:s31+s3] =	stream.linear.scatter [tilespmem:s29], [sflag:$0x8], $0x4000, $0x38;
	[tilespmem:$0x18100] =	vst v63  }
0x214: {  	_ =	swait.ge [sflag:s18], $0x4000  }
0x215: {  	[sflag:s18] =	ssyncset.done $0x0  }
0x216: {  	[sflag:s18] =	ssyncadd.s32 $0xFFFFC000  }
0x217: {  	v2 =	vld.msk [tilespmem:$0x90], $0xff;
	_ =	sdelay $0x4  }
0x218: {  	v3 =	vshll.u32 v2, $0x4  }
0x219: {  	v2 =	vand.u32 $0x7, v2;
	v3 =	vand.u32 $0xFFFFFF80, v3  }
0x21a: {  	v2 =	vor.u32 v2, v3  }
0x21b: {  	v2 =	vperm.xlane v2, v0;
	_ =	sdelay $0x1  }
0x21c: {  	v2 =	vadd.s32 v1, v2;
	_ =	sdelay $0x4  }
0x21d: {  	[tilespmem:s1], [sflag:$0x1] =	stream.indirect_vreg.gather [hbm4b:s2+s3], $0x80, v2, vm0, $0xb8;
	[tilespmem:$0x18100] =	vst v63  }
0x21e: {  	s31 =	simm.s32 $0x900  }
0x21f: {  	[tilespmem:s31], [sflag:$0x1] =	stream.indirect_vreg.gather [hbm4b:s5+s3], $0x80, v2, vm0, $0xb8;
	[tilespmem:$0x18100] =	vst v63  }
0x220: {  	s13 =	simm.s32 $0x1100  }
0x221: {  	[tilespmem:s13], [sflag:$0x1] =	stream.indirect_vreg.gather [hbm4b:s6+s3], $0x80, v2, vm0, $0xb8;
	[tilespmem:$0x18100] =	vst v63  }
0x222: {  	s28 =	simm.s32 $0x1900  }
0x223: {  	[tilespmem:s28], [sflag:$0x1] =	stream.indirect_vreg.gather [hbm4b:s7+s3], $0x80, v2, vm0, $0xb8;
	[tilespmem:$0x18100] =	vst v63  }
0x224: {  	s13 =	simm.s32 $0x2100  }
0x225: {  	[tilespmem:s13], [sflag:$0x1] =	stream.indirect_vreg.gather [hbm4b:s8+s3], $0x80, v2, vm0, $0xb8;
	[tilespmem:$0x18100] =	vst v63  }
0x226: {  	s28 =	simm.s32 $0x2900  }
0x227: {  	[tilespmem:s28], [sflag:$0x1] =	stream.indirect_vreg.gather [hbm4b:s9+s3], $0x80, v2, vm0, $0xb8;
	[tilespmem:$0x18100] =	vst v63  }
0x228: {  	s13 =	simm.s32 $0x3100  }
0x229: {  	[tilespmem:s13], [sflag:$0x1] =	stream.indirect_vreg.gather [hbm4b:s10+s3], $0x80, v2, vm0, $0xb8;
	[tilespmem:$0x18100] =	vst v63  }
0x22a: {  	s28 =	simm.s32 $0x3900  }
0x22b: {  	[tilespmem:s28], [sflag:$0x1] =	stream.indirect_vreg.gather [hbm4b:s11+s3], $0x80, v2, vm0, $0xb8;
	[tilespmem:$0x18100] =	vst v63  }
0x22c: {  	_ =	swait.ge [sflag:s21], $0x4000  }
0x22d: {  	[sflag:s21] =	ssyncset.done $0x0  }
0x22e: {  	s17 =	simm.s32 $0x8100;
	s1 =	rddreg [dreg:$0x12];
	[sflag:s21] =	ssyncadd.s32 $0xFFFFC000  }
0x22f: {  	[hbm4b:s1+s3] =	stream.linear.scatter [tilespmem:s17], [sflag:$0x9], $0x4000, $0x38;
	[tilespmem:$0x18100] =	vst v63  }
0x230: {  	_ =	swait.ge [sflag:s15], $0x4000  }
0x231: {  	[sflag:s15] =	ssyncset.done $0x0  }
0x232: {  	[sflag:s15] =	ssyncadd.s32 $0xFFFFC000  }
0x233: {  	v2 =	vld.msk [tilespmem:$0x98], $0xff;
	_ =	sdelay $0x4  }
0x234: {  	v3 =	vshll.u32 v2, $0x4  }
0x235: {  	v2 =	vand.u32 $0x7, v2;
	v3 =	vand.u32 $0xFFFFFF80, v3  }
0x236: {  	v2 =	vor.u32 v2, v3  }
0x237: {  	v2 =	vperm.xlane v2, v0;
	_ =	sdelay $0x1  }
0x238: {  	v2 =	vadd.s32 v1, v2;
	_ =	sdelay $0x4  }
0x239: {  	[tilespmem:s29], [sflag:$0x2] =	stream.indirect_vreg.gather [hbm4b:s2+s3], $0x80, v2, vm0, $0xb8;
	[tilespmem:$0x18100] =	vst v63  }
0x23a: {  	s1 =	simm.s32 $0x4900  }
0x23b: {  	[tilespmem:s1], [sflag:$0x2] =	stream.indirect_vreg.gather [hbm4b:s5+s3], $0x80, v2, vm0, $0xb8;
	[tilespmem:$0x18100] =	vst v63  }
0x23c: {  	s29 =	simm.s32 $0x5100  }
0x23d: {  	[tilespmem:s29], [sflag:$0x2] =	stream.indirect_vreg.gather [hbm4b:s6+s3], $0x80, v2, vm0, $0xb8;
	[tilespmem:$0x18100] =	vst v63  }
0x23e: {  	s13 =	simm.s32 $0x5900  }
0x23f: {  	[tilespmem:s13], [sflag:$0x2] =	stream.indirect_vreg.gather [hbm4b:s7+s3], $0x80, v2, vm0, $0xb8;
	[tilespmem:$0x18100] =	vst v63  }
0x240: {  	s13 =	simm.s32 $0x6100  }
0x241: {  	[tilespmem:s13], [sflag:$0x2] =	stream.indirect_vreg.gather [hbm4b:s8+s3], $0x80, v2, vm0, $0xb8;
	[tilespmem:$0x18100] =	vst v63  }
0x242: {  	s13 =	simm.s32 $0x6900  }
0x243: {  	[tilespmem:s13], [sflag:$0x2] =	stream.indirect_vreg.gather [hbm4b:s9+s3], $0x80, v2, vm0, $0xb8;
	[tilespmem:$0x18100] =	vst v63  }
0x244: {  	s13 =	simm.s32 $0x7100  }
0x245: {  	[tilespmem:s13], [sflag:$0x2] =	stream.indirect_vreg.gather [hbm4b:s10+s3], $0x80, v2, vm0, $0xb8;
	[tilespmem:$0x18100] =	vst v63  }
0x246: {  	s13 =	simm.s32 $0x7900  }
0x247: {  	[tilespmem:s13], [sflag:$0x2] =	stream.indirect_vreg.gather [hbm4b:s11+s3], $0x80, v2, vm0, $0xb8;
	[tilespmem:$0x18100] =	vst v63  }
0x248: {  	_ =	swait.ge [sflag:s20], $0x4000  }
0x249: {  	[sflag:s20] =	ssyncset.done $0x0  }
0x24a: {  	s14 =	simm.s32 $0xC100;
	s13 =	rddreg [dreg:$0x13];
	[sflag:s20] =	ssyncadd.s32 $0xFFFFC000  }
0x24b: {  	[hbm4b:s13+s3] =	stream.linear.scatter [tilespmem:s14], [sflag:$0xA], $0x4000, $0x38;
	[tilespmem:$0x18100] =	vst v63  }
0x24c: {  	_ =	swait.ge [sflag:s30], $0x4000  }
0x24d: {  	[sflag:s30] =	ssyncset.done $0x0  }
0x24e: {  	[sflag:s30] =	ssyncadd.s32 $0xFFFFC000  }
0x24f: {  	v2 =	vld.msk [tilespmem:$0xA0], $0xff;
	_ =	sdelay $0x4  }
0x250: {  	v3 =	vshll.u32 v2, $0x4  }
0x251: {  	v2 =	vand.u32 $0x7, v2;
	v3 =	vand.u32 $0xFFFFFF80, v3  }
0x252: {  	v2 =	vor.u32 v2, v3  }
0x253: {  	v2 =	vperm.xlane v2, v0;
	_ =	sdelay $0x1  }
0x254: {  	v2 =	vadd.s32 v1, v2;
	_ =	sdelay $0x4  }
0x255: {  	[tilespmem:s17], [sflag:$0x3] =	stream.indirect_vreg.gather [hbm4b:s2+s3], $0x80, v2, vm0, $0xb8;
	[tilespmem:$0x18100] =	vst v63  }
0x256: {  	s28 =	simm.s32 $0x8900  }
0x257: {  	[tilespmem:s28], [sflag:$0x3] =	stream.indirect_vreg.gather [hbm4b:s5+s3], $0x80, v2, vm0, $0xb8;
	[tilespmem:$0x18100] =	vst v63  }
0x258: {  	s17 =	simm.s32 $0x9100  }
0x259: {  	[tilespmem:s17], [sflag:$0x3] =	stream.indirect_vreg.gather [hbm4b:s6+s3], $0x80, v2, vm0, $0xb8;
	[tilespmem:$0x18100] =	vst v63  }
0x25a: {  	s28 =	simm.s32 $0x9900  }
0x25b: {  	[tilespmem:s28], [sflag:$0x3] =	stream.indirect_vreg.gather [hbm4b:s7+s3], $0x80, v2, vm0, $0xb8;
	[tilespmem:$0x18100] =	vst v63  }
0x25c: {  	s17 =	simm.s32 $0xA100  }
0x25d: {  	[tilespmem:s17], [sflag:$0x3] =	stream.indirect_vreg.gather [hbm4b:s8+s3], $0x80, v2, vm0, $0xb8;
	[tilespmem:$0x18100] =	vst v63  }
0x25e: {  	s28 =	simm.s32 $0xA900  }
0x25f: {  	[tilespmem:s28], [sflag:$0x3] =	stream.indirect_vreg.gather [hbm4b:s9+s3], $0x80, v2, vm0, $0xb8;
	[tilespmem:$0x18100] =	vst v63  }
0x260: {  	s17 =	simm.s32 $0xB100  }
0x261: {  	[tilespmem:s17], [sflag:$0x3] =	stream.indirect_vreg.gather [hbm4b:s10+s3], $0x80, v2, vm0, $0xb8;
	[tilespmem:$0x18100] =	vst v63  }
0x262: {  	s28 =	simm.s32 $0xB900  }
0x263: {  	[tilespmem:s28], [sflag:$0x3] =	stream.indirect_vreg.gather [hbm4b:s11+s3], $0x80, v2, vm0, $0xb8;
	[tilespmem:$0x18100] =	vst v63  }
0x264: {  	_ =	swait.ge [sflag:s23], $0x4000  }
0x265: {  	[sflag:s23] =	ssyncset.done $0x0  }
0x266: {  	s12 =	simm.s32 $0x10100;
	s17 =	rddreg [dreg:$0x14];
	[sflag:s23] =	ssyncadd.s32 $0xFFFFC000  }
0x267: {  	[hbm4b:s17+s3] =	stream.linear.scatter [tilespmem:s12], [sflag:$0xB], $0x4000, $0x38;
	[tilespmem:$0x18100] =	vst v63  }
0x268: {  	_ =	swait.ge [sflag:s24], $0x4000  }
0x269: {  	[sflag:s24] =	ssyncset.done $0x0  }
0x26a: {  	[sflag:s24] =	ssyncadd.s32 $0xFFFFC000  }
0x26b: {  	v2 =	vld.msk [tilespmem:$0xA8], $0xff;
	_ =	sdelay $0x4  }
0x26c: {  	v3 =	vshll.u32 v2, $0x4  }
0x26d: {  	v2 =	vand.u32 $0x7, v2;
	v3 =	vand.u32 $0xFFFFFF80, v3  }
0x26e: {  	v2 =	vor.u32 v2, v3  }
0x26f: {  	v2 =	vperm.xlane v2, v0;
	_ =	sdelay $0x1  }
0x270: {  	v2 =	vadd.s32 v1, v2;
	_ =	sdelay $0x4  }
0x271: {  	[tilespmem:s14], [sflag:$0x4] =	stream.indirect_vreg.gather [hbm4b:s2+s3], $0x80, v2, vm0, $0xb8;
	[tilespmem:$0x18100] =	vst v63  }
0x272: {  	s28 =	simm.s32 $0xC900  }
0x273: {  	[tilespmem:s28], [sflag:$0x4] =	stream.indirect_vreg.gather [hbm4b:s5+s3], $0x80, v2, vm0, $0xb8;
	[tilespmem:$0x18100] =	vst v63  }
0x274: {  	s17 =	simm.s32 $0xD100  }
0x275: {  	[tilespmem:s17], [sflag:$0x4] =	stream.indirect_vreg.gather [hbm4b:s6+s3], $0x80, v2, vm0, $0xb8;
	[tilespmem:$0x18100] =	vst v63  }
0x276: {  	_ = 	snop  }
0x277: {  	[tilespmem:s0], [sflag:$0x4] =	stream.indirect_vreg.gather [hbm4b:s7+s3], $0x80, v2, vm0, $0xb8;
	[tilespmem:$0x18100] =	vst v63  }
0x278: {  	s13 =	simm.s32 $0xE100  }
0x279: {  	[tilespmem:s13], [sflag:$0x4] =	stream.indirect_vreg.gather [hbm4b:s8+s3], $0x80, v2, vm0, $0xb8;
	[tilespmem:$0x18100] =	vst v63  }
0x27a: {  	s14 =	simm.s32 $0xE900  }
0x27b: {  	[tilespmem:s14], [sflag:$0x4] =	stream.indirect_vreg.gather [hbm4b:s9+s3], $0x80, v2, vm0, $0xb8;
	[tilespmem:$0x18100] =	vst v63  }
0x27c: {  	s28 =	simm.s32 $0xF100  }
0x27d: {  	[tilespmem:s28], [sflag:$0x4] =	stream.indirect_vreg.gather [hbm4b:s10+s3], $0x80, v2, vm0, $0xb8;
	[tilespmem:$0x18100] =	vst v63  }
0x27e: {  	s13 =	simm.s32 $0xF900  }
0x27f: {  	[tilespmem:s13], [sflag:$0x4] =	stream.indirect_vreg.gather [hbm4b:s11+s3], $0x80, v2, vm0, $0xb8;
	[tilespmem:$0x18100] =	vst v63  }
0x280: {  	_ =	swait.ge [sflag:s25], $0x4000  }
0x281: {  	[sflag:s25] =	ssyncset.done $0x0  }
0x282: {  	s0 =	simm.s32 $0x14100;
	s14 =	rddreg [dreg:$0x15];
	[sflag:s25] =	ssyncadd.s32 $0xFFFFC000  }
0x283: {  	[hbm4b:s14+s3] =	stream.linear.scatter [tilespmem:s0], [sflag:$0xC], $0x4000, $0x38;
	[tilespmem:$0x18100] =	vst v63  }
0x284: {  	_ =	swait.ge [sflag:s26], $0x4000  }
0x285: {  	[sflag:s26] =	ssyncset.done $0x0  }
0x286: {  	[sflag:s26] =	ssyncadd.s32 $0xFFFFC000  }
0x287: {  	v2 =	vld.msk [tilespmem:$0xB0], $0xff;
	_ =	sdelay $0x4  }
0x288: {  	v3 =	vshll.u32 v2, $0x4  }
0x289: {  	v2 =	vand.u32 $0x7, v2;
	v3 =	vand.u32 $0xFFFFFF80, v3  }
0x28a: {  	v2 =	vor.u32 v2, v3  }
0x28b: {  	v2 =	vperm.xlane v2, v0;
	_ =	sdelay $0x1  }
0x28c: {  	v2 =	vadd.s32 v1, v2;
	_ =	sdelay $0x4  }
0x28d: {  	[tilespmem:s12], [sflag:$0x5] =	stream.indirect_vreg.gather [hbm4b:s2+s3], $0x80, v2, vm0, $0xb8;
	[tilespmem:$0x18100] =	vst v63  }
0x28e: {  	s13 =	simm.s32 $0x10900  }
0x28f: {  	[tilespmem:s13], [sflag:$0x5] =	stream.indirect_vreg.gather [hbm4b:s5+s3], $0x80, v2, vm0, $0xb8;
	[tilespmem:$0x18100] =	vst v63  }
0x290: {  	s14 =	simm.s32 $0x11100  }
0x291: {  	[tilespmem:s14], [sflag:$0x5] =	stream.indirect_vreg.gather [hbm4b:s6+s3], $0x80, v2, vm0, $0xb8;
	[tilespmem:$0x18100] =	vst v63  }
0x292: {  	s28 =	simm.s32 $0x11900  }
0x293: {  	[tilespmem:s28], [sflag:$0x5] =	stream.indirect_vreg.gather [hbm4b:s7+s3], $0x80, v2, vm0, $0xb8;
	[tilespmem:$0x18100] =	vst v63  }
0x294: {  	s13 =	simm.s32 $0x12100  }
0x295: {  	[tilespmem:s13], [sflag:$0x5] =	stream.indirect_vreg.gather [hbm4b:s8+s3], $0x80, v2, vm0, $0xb8;
	[tilespmem:$0x18100] =	vst v63  }
0x296: {  	s14 =	simm.s32 $0x12900  }
0x297: {  	[tilespmem:s14], [sflag:$0x5] =	stream.indirect_vreg.gather [hbm4b:s9+s3], $0x80, v2, vm0, $0xb8;
	[tilespmem:$0x18100] =	vst v63  }
0x298: {  	s28 =	simm.s32 $0x13100  }
0x299: {  	[tilespmem:s28], [sflag:$0x5] =	stream.indirect_vreg.gather [hbm4b:s10+s3], $0x80, v2, vm0, $0xb8;
	[tilespmem:$0x18100] =	vst v63  }
0x29a: {  	s13 =	simm.s32 $0x13900  }
0x29b: {  	[tilespmem:s13], [sflag:$0x5] =	stream.indirect_vreg.gather [hbm4b:s11+s3], $0x80, v2, vm0, $0xb8;
	[tilespmem:$0x18100] =	vst v63  }
0x29c: {  	_ =	swait.ge [sflag:s19], $0x4000  }
0x29d: {  	[sflag:s19] =	ssyncset.done $0x0  }
0x29e: {  	s13 =	simm.s32 $0x100;
	s14 =	rddreg [dreg:$0x16];
	[sflag:s19] =	ssyncadd.s32 $0xFFFFC000  }
0x29f: {  	[hbm4b:s14+s3] =	stream.linear.scatter [tilespmem:s13], [sflag:$0x7], $0x4000, $0x38;
	[tilespmem:$0x18100] =	vst v63  }
0x2a0: {  	_ =	swait.ge [sflag:s4], $0x4000  }
0x2a1: {  	[sflag:s4] =	ssyncset.done $0x0  }
0x2a2: {  	[sflag:s4] =	ssyncadd.s32 $0xFFFFC000  }
0x2a3: {  	v2 =	vld.msk [tilespmem:$0xB8], $0xff;
	_ =	sdelay $0x4  }
0x2a4: {  	v3 =	vshll.u32 v2, $0x4  }
0x2a5: {  	v2 =	vand.u32 $0x7, v2;
	v3 =	vand.u32 $0xFFFFFF80, v3  }
0x2a6: {  	v2 =	vor.u32 v2, v3  }
0x2a7: {  	v2 =	vperm.xlane v2, v0;
	_ =	sdelay $0x1  }
0x2a8: {  	v2 =	vadd.s32 v1, v2;
	_ =	sdelay $0x4  }
0x2a9: {  	[tilespmem:s0], [sflag:$0x6] =	stream.indirect_vreg.gather [hbm4b:s2+s3], $0x80, v2, vm0, $0xb8;
	[tilespmem:$0x18100] =	vst v63  }
0x2aa: {  	_ = 	snop  }
0x2ab: {  	[tilespmem:s22], [sflag:$0x6] =	stream.indirect_vreg.gather [hbm4b:s5+s3], $0x80, v2, vm0, $0xb8;
	[tilespmem:$0x18100] =	vst v63  }
0x2ac: {  	s12 =	simm.s32 $0x15100  }
0x2ad: {  	[tilespmem:s12], [sflag:$0x6] =	stream.indirect_vreg.gather [hbm4b:s6+s3], $0x80, v2, vm0, $0xb8;
	[tilespmem:$0x18100] =	vst v63  }
0x2ae: {  	s14 =	simm.s32 $0x15900  }
0x2af: {  	[tilespmem:s14], [sflag:$0x6] =	stream.indirect_vreg.gather [hbm4b:s7+s3], $0x80, v2, vm0, $0xb8;
	[tilespmem:$0x18100] =	vst v63  }
0x2b0: {  	s22 =	simm.s32 $0x16100  }
0x2b1: {  	[tilespmem:s22], [sflag:$0x6] =	stream.indirect_vreg.gather [hbm4b:s8+s3], $0x80, v2, vm0, $0xb8;
	[tilespmem:$0x18100] =	vst v63  }
0x2b2: {  	s28 =	simm.s32 $0x16900  }
0x2b3: {  	[tilespmem:s28], [sflag:$0x6] =	stream.indirect_vreg.gather [hbm4b:s9+s3], $0x80, v2, vm0, $0xb8;
	[tilespmem:$0x18100] =	vst v63  }
0x2b4: {  	s0 =	simm.s32 $0x17100  }
0x2b5: {  	[tilespmem:s0], [sflag:$0x6] =	stream.indirect_vreg.gather [hbm4b:s10+s3], $0x80, v2, vm0, $0xb8;
	[tilespmem:$0x18100] =	vst v63  }
0x2b6: {  	s12 =	simm.s32 $0x17900  }
0x2b7: {  	[tilespmem:s12], [sflag:$0x6] =	stream.indirect_vreg.gather [hbm4b:s11+s3], $0x80, v2, vm0, $0xb8;
	[tilespmem:$0x18100] =	vst v63  }
0x2b8: {  	_ =	swait.ge [sflag:s16], $0x4000  }
0x2b9: {  	[sflag:s16] =	ssyncset.done $0x0  }
0x2ba: {  	s0 =	simm.s32 $0x4100;
	s14 =	rddreg [dreg:$0x17];
	[sflag:s16] =	ssyncadd.s32 $0xFFFFC000  }
0x2bb: {  	[hbm4b:s14+s3] =	stream.linear.scatter [tilespmem:s0], [sflag:$0x8], $0x4000, $0x38;
	[tilespmem:$0x18100] =	vst v63  }
0x2bc: {  	_ =	swait.ge [sflag:s18], $0x4000  }
0x2bd: {  	[sflag:s18] =	ssyncset.done $0x0  }
0x2be: {  	[sflag:s18] =	ssyncadd.s32 $0xFFFFC000  }
0x2bf: {  	v2 =	vld.msk [tilespmem:$0xC0], $0xff;
	_ =	sdelay $0x4  }
0x2c0: {  	v3 =	vshll.u32 v2, $0x4  }
0x2c1: {  	v2 =	vand.u32 $0x7, v2;
	v3 =	vand.u32 $0xFFFFFF80, v3  }
0x2c2: {  	v2 =	vor.u32 v2, v3  }
0x2c3: {  	v2 =	vperm.xlane v2, v0;
	_ =	sdelay $0x1  }
0x2c4: {  	v2 =	vadd.s32 v1, v2;
	_ =	sdelay $0x4  }
0x2c5: {  	[tilespmem:s13], [sflag:$0x1] =	stream.indirect_vreg.gather [hbm4b:s2+s3], $0x80, v2, vm0, $0xb8;
	[tilespmem:$0x18100] =	vst v63  }
0x2c6: {  	_ = 	snop  }
0x2c7: {  	[tilespmem:s31], [sflag:$0x1] =	stream.indirect_vreg.gather [hbm4b:s5+s3], $0x80, v2, vm0, $0xb8;
	[tilespmem:$0x18100] =	vst v63  }
0x2c8: {  	s22 =	simm.s32 $0x1100  }
0x2c9: {  	[tilespmem:s22], [sflag:$0x1] =	stream.indirect_vreg.gather [hbm4b:s6+s3], $0x80, v2, vm0, $0xb8;
	[tilespmem:$0x18100] =	vst v63  }
0x2ca: {  	s12 =	simm.s32 $0x1900  }
0x2cb: {  	[tilespmem:s12], [sflag:$0x1] =	stream.indirect_vreg.gather [hbm4b:s7+s3], $0x80, v2, vm0, $0xb8;
	[tilespmem:$0x18100] =	vst v63  }
0x2cc: {  	s13 =	simm.s32 $0x2100  }
0x2cd: {  	[tilespmem:s13], [sflag:$0x1] =	stream.indirect_vreg.gather [hbm4b:s8+s3], $0x80, v2, vm0, $0xb8;
	[tilespmem:$0x18100] =	vst v63  }
0x2ce: {  	s22 =	simm.s32 $0x2900  }
0x2cf: {  	[tilespmem:s22], [sflag:$0x1] =	stream.indirect_vreg.gather [hbm4b:s9+s3], $0x80, v2, vm0, $0xb8;
	[tilespmem:$0x18100] =	vst v63  }
0x2d0: {  	s12 =	simm.s32 $0x3100  }
0x2d1: {  	[tilespmem:s12], [sflag:$0x1] =	stream.indirect_vreg.gather [hbm4b:s10+s3], $0x80, v2, vm0, $0xb8;
	[tilespmem:$0x18100] =	vst v63  }
0x2d2: {  	s13 =	simm.s32 $0x3900  }
0x2d3: {  	[tilespmem:s13], [sflag:$0x1] =	stream.indirect_vreg.gather [hbm4b:s11+s3], $0x80, v2, vm0, $0xb8;
	[tilespmem:$0x18100] =	vst v63  }
0x2d4: {  	_ =	swait.ge [sflag:s21], $0x4000  }
0x2d5: {  	[sflag:s21] =	ssyncset.done $0x0  }
0x2d6: {  	s12 =	simm.s32 $0x8100;
	s22 =	rddreg [dreg:$0x18];
	[sflag:s21] =	ssyncadd.s32 $0xFFFFC000  }
0x2d7: {  	[hbm4b:s22+s3] =	stream.linear.scatter [tilespmem:s12], [sflag:$0x9], $0x4000, $0x38;
	[tilespmem:$0x18100] =	vst v63  }
0x2d8: {  	_ =	swait.ge [sflag:s15], $0x4000  }
0x2d9: {  	[sflag:s15] =	ssyncset.done $0x0  }
0x2da: {  	[sflag:s15] =	ssyncadd.s32 $0xFFFFC000  }
0x2db: {  	v2 =	vld.msk [tilespmem:$0xC8], $0xff;
	_ =	sdelay $0x4  }
0x2dc: {  	v3 =	vshll.u32 v2, $0x4  }
0x2dd: {  	v2 =	vand.u32 $0x7, v2;
	v3 =	vand.u32 $0xFFFFFF80, v3  }
0x2de: {  	v2 =	vor.u32 v2, v3  }
0x2df: {  	v2 =	vperm.xlane v2, v0;
	_ =	sdelay $0x1  }
0x2e0: {  	v2 =	vadd.s32 v1, v2;
	_ =	sdelay $0x4  }
0x2e1: {  	[tilespmem:s0], [sflag:$0x2] =	stream.indirect_vreg.gather [hbm4b:s2+s3], $0x80, v2, vm0, $0xb8;
	[tilespmem:$0x18100] =	vst v63  }
0x2e2: {  	_ = 	snop  }
0x2e3: {  	[tilespmem:s1], [sflag:$0x2] =	stream.indirect_vreg.gather [hbm4b:s5+s3], $0x80, v2, vm0, $0xb8;
	[tilespmem:$0x18100] =	vst v63  }
0x2e4: {  	_ = 	snop  }
0x2e5: {  	[tilespmem:s29], [sflag:$0x2] =	stream.indirect_vreg.gather [hbm4b:s6+s3], $0x80, v2, vm0, $0xb8;
	[tilespmem:$0x18100] =	vst v63  }
0x2e6: {  	s0 =	simm.s32 $0x5900  }
0x2e7: {  	[tilespmem:s0], [sflag:$0x2] =	stream.indirect_vreg.gather [hbm4b:s7+s3], $0x80, v2, vm0, $0xb8;
	[tilespmem:$0x18100] =	vst v63  }
0x2e8: {  	s1 =	simm.s32 $0x6100  }
0x2e9: {  	[tilespmem:s1], [sflag:$0x2] =	stream.indirect_vreg.gather [hbm4b:s8+s3], $0x80, v2, vm0, $0xb8;
	[tilespmem:$0x18100] =	vst v63  }
0x2ea: {  	s22 =	simm.s32 $0x6900  }
0x2eb: {  	[tilespmem:s22], [sflag:$0x2] =	stream.indirect_vreg.gather [hbm4b:s9+s3], $0x80, v2, vm0, $0xb8;
	[tilespmem:$0x18100] =	vst v63  }
0x2ec: {  	s0 =	simm.s32 $0x7100  }
0x2ed: {  	[tilespmem:s0], [sflag:$0x2] =	stream.indirect_vreg.gather [hbm4b:s10+s3], $0x80, v2, vm0, $0xb8;
	[tilespmem:$0x18100] =	vst v63  }
0x2ee: {  	s1 =	simm.s32 $0x7900  }
0x2ef: {  	[tilespmem:s1], [sflag:$0x2] =	stream.indirect_vreg.gather [hbm4b:s11+s3], $0x80, v2, vm0, $0xb8;
	[tilespmem:$0x18100] =	vst v63  }
0x2f0: {  	_ =	swait.ge [sflag:s20], $0x4000  }
0x2f1: {  	[sflag:s20] =	ssyncset.done $0x0  }
0x2f2: {  	s1 =	simm.s32 $0xC100;
	s22 =	rddreg [dreg:$0x19];
	[sflag:s20] =	ssyncadd.s32 $0xFFFFC000  }
0x2f3: {  	[hbm4b:s22+s3] =	stream.linear.scatter [tilespmem:s1], [sflag:$0xA], $0x4000, $0x38;
	[tilespmem:$0x18100] =	vst v63  }
0x2f4: {  	_ =	swait.ge [sflag:s30], $0x4000  }
0x2f5: {  	[sflag:s30] =	ssyncset.done $0x0  }
0x2f6: {  	[sflag:s30] =	ssyncadd.s32 $0xFFFFC000  }
0x2f7: {  	v2 =	vld.msk [tilespmem:$0xD0], $0xff;
	_ =	sdelay $0x4  }
0x2f8: {  	v3 =	vshll.u32 v2, $0x4  }
0x2f9: {  	v2 =	vand.u32 $0x7, v2;
	v3 =	vand.u32 $0xFFFFFF80, v3  }
0x2fa: {  	v2 =	vor.u32 v2, v3  }
0x2fb: {  	v2 =	vperm.xlane v2, v0;
	_ =	sdelay $0x1  }
0x2fc: {  	v2 =	vadd.s32 v1, v2;
	_ =	sdelay $0x4  }
0x2fd: {  	[tilespmem:s12], [sflag:$0x3] =	stream.indirect_vreg.gather [hbm4b:s2+s3], $0x80, v2, vm0, $0xb8;
	[tilespmem:$0x18100] =	vst v63  }
0x2fe: {  	s28 =	simm.s32 $0x8900  }
0x2ff: {  	[tilespmem:s28], [sflag:$0x3] =	stream.indirect_vreg.gather [hbm4b:s5+s3], $0x80, v2, vm0, $0xb8;
	[tilespmem:$0x18100] =	vst v63  }
0x300: {  	s22 =	simm.s32 $0x9100  }
0x301: {  	[tilespmem:s22], [sflag:$0x3] =	stream.indirect_vreg.gather [hbm4b:s6+s3], $0x80, v2, vm0, $0xb8;
	[tilespmem:$0x18100] =	vst v63  }
0x302: {  	s28 =	simm.s32 $0x9900  }
0x303: {  	[tilespmem:s28], [sflag:$0x3] =	stream.indirect_vreg.gather [hbm4b:s7+s3], $0x80, v2, vm0, $0xb8;
	[tilespmem:$0x18100] =	vst v63  }
0x304: {  	s22 =	simm.s32 $0xA100  }
0x305: {  	[tilespmem:s22], [sflag:$0x3] =	stream.indirect_vreg.gather [hbm4b:s8+s3], $0x80, v2, vm0, $0xb8;
	[tilespmem:$0x18100] =	vst v63  }
0x306: {  	s28 =	simm.s32 $0xA900  }
0x307: {  	[tilespmem:s28], [sflag:$0x3] =	stream.indirect_vreg.gather [hbm4b:s9+s3], $0x80, v2, vm0, $0xb8;
	[tilespmem:$0x18100] =	vst v63  }
0x308: {  	s22 =	simm.s32 $0xB100  }
0x309: {  	[tilespmem:s22], [sflag:$0x3] =	stream.indirect_vreg.gather [hbm4b:s10+s3], $0x80, v2, vm0, $0xb8;
	[tilespmem:$0x18100] =	vst v63  }
0x30a: {  	s28 =	simm.s32 $0xB900  }
0x30b: {  	[tilespmem:s28], [sflag:$0x3] =	stream.indirect_vreg.gather [hbm4b:s11+s3], $0x80, v2, vm0, $0xb8;
	[tilespmem:$0x18100] =	vst v63  }
0x30c: {  	_ =	swait.ge [sflag:s23], $0x4000  }
0x30d: {  	[sflag:s23] =	ssyncset.done $0x0  }
0x30e: {  	s0 =	simm.s32 $0x10100;
	s22 =	rddreg [dreg:$0x1a];
	[sflag:s23] =	ssyncadd.s32 $0xFFFFC000  }
0x30f: {  	[hbm4b:s22+s3] =	stream.linear.scatter [tilespmem:s0], [sflag:$0xB], $0x4000, $0x38;
	[tilespmem:$0x18100] =	vst v63  }
0x310: {  	_ =	swait.ge [sflag:s24], $0x4000  }
0x311: {  	[sflag:s24] =	ssyncset.done $0x0  }
0x312: {  	[sflag:s24] =	ssyncadd.s32 $0xFFFFC000  }
0x313: {  	v2 =	vld.msk [tilespmem:$0xD8], $0xff;
	_ =	sdelay $0x4  }
0x314: {  	v3 =	vshll.u32 v2, $0x4  }
0x315: {  	v2 =	vand.u32 $0x7, v2;
	v3 =	vand.u32 $0xFFFFFF80, v3  }
0x316: {  	v2 =	vor.u32 v2, v3  }
0x317: {  	v2 =	vperm.xlane v2, v0;
	_ =	sdelay $0x1  }
0x318: {  	v2 =	vadd.s32 v1, v2;
	_ =	sdelay $0x4  }
0x319: {  	[tilespmem:s1], [sflag:$0x4] =	stream.indirect_vreg.gather [hbm4b:s2+s3], $0x80, v2, vm0, $0xb8;
	[tilespmem:$0x18100] =	vst v63  }
0x31a: {  	s28 =	simm.s32 $0xC900  }
0x31b: {  	[tilespmem:s28], [sflag:$0x4] =	stream.indirect_vreg.gather [hbm4b:s5+s3], $0x80, v2, vm0, $0xb8;
	[tilespmem:$0x18100] =	vst v63  }
0x31c: {  	_ = 	snop  }
0x31d: {  	[tilespmem:s17], [sflag:$0x4] =	stream.indirect_vreg.gather [hbm4b:s6+s3], $0x80, v2, vm0, $0xb8;
	[tilespmem:$0x18100] =	vst v63  }
0x31e: {  	s28 =	simm.s32 $0xD900  }
0x31f: {  	[tilespmem:s28], [sflag:$0x4] =	stream.indirect_vreg.gather [hbm4b:s7+s3], $0x80, v2, vm0, $0xb8;
	[tilespmem:$0x18100] =	vst v63  }
0x320: {  	s17 =	simm.s32 $0xE100  }
0x321: {  	[tilespmem:s17], [sflag:$0x4] =	stream.indirect_vreg.gather [hbm4b:s8+s3], $0x80, v2, vm0, $0xb8;
	[tilespmem:$0x18100] =	vst v63  }
0x322: {  	s28 =	simm.s32 $0xE900  }
0x323: {  	[tilespmem:s28], [sflag:$0x4] =	stream.indirect_vreg.gather [hbm4b:s9+s3], $0x80, v2, vm0, $0xb8;
	[tilespmem:$0x18100] =	vst v63  }
0x324: {  	s17 =	simm.s32 $0xF100  }
0x325: {  	[tilespmem:s17], [sflag:$0x4] =	stream.indirect_vreg.gather [hbm4b:s10+s3], $0x80, v2, vm0, $0xb8;
	[tilespmem:$0x18100] =	vst v63  }
0x326: {  	s28 =	simm.s32 $0xF900  }
0x327: {  	[tilespmem:s28], [sflag:$0x4] =	stream.indirect_vreg.gather [hbm4b:s11+s3], $0x80, v2, vm0, $0xb8;
	[tilespmem:$0x18100] =	vst v63  }
0x328: {  	_ =	swait.ge [sflag:s25], $0x4000  }
0x329: {  	[sflag:s25] =	ssyncset.done $0x0  }
0x32a: {  	s1 =	simm.s32 $0x14100;
	s17 =	rddreg [dreg:$0x1b];
	[sflag:s25] =	ssyncadd.s32 $0xFFFFC000  }
0x32b: {  	[hbm4b:s17+s3] =	stream.linear.scatter [tilespmem:s1], [sflag:$0xC], $0x4000, $0x38;
	[tilespmem:$0x18100] =	vst v63  }
0x32c: {  	_ =	swait.ge [sflag:s26], $0x4000  }
0x32d: {  	[sflag:s26] =	ssyncset.done $0x0  }
0x32e: {  	[sflag:s26] =	ssyncadd.s32 $0xFFFFC000  }
0x32f: {  	v2 =	vld.msk [tilespmem:$0xE0], $0xff;
	_ =	sdelay $0x4  }
0x330: {  	v3 =	vshll.u32 v2, $0x4  }
0x331: {  	v2 =	vand.u32 $0x7, v2;
	v3 =	vand.u32 $0xFFFFFF80, v3  }
0x332: {  	v2 =	vor.u32 v2, v3  }
0x333: {  	v2 =	vperm.xlane v2, v0;
	_ =	sdelay $0x1  }
0x334: {  	v2 =	vadd.s32 v1, v2;
	_ =	sdelay $0x4  }
0x335: {  	[tilespmem:s0], [sflag:$0x5] =	stream.indirect_vreg.gather [hbm4b:s2+s3], $0x80, v2, vm0, $0xb8;
	[tilespmem:$0x18100] =	vst v63  }
0x336: {  	s28 =	simm.s32 $0x10900  }
0x337: {  	[tilespmem:s28], [sflag:$0x5] =	stream.indirect_vreg.gather [hbm4b:s5+s3], $0x80, v2, vm0, $0xb8;
	[tilespmem:$0x18100] =	vst v63  }
0x338: {  	s28 =	simm.s32 $0x11100  }
0x339: {  	[tilespmem:s28], [sflag:$0x5] =	stream.indirect_vreg.gather [hbm4b:s6+s3], $0x80, v2, vm0, $0xb8;
	[tilespmem:$0x18100] =	vst v63  }
0x33a: {  	s28 =	simm.s32 $0x11900  }
0x33b: {  	[tilespmem:s28], [sflag:$0x5] =	stream.indirect_vreg.gather [hbm4b:s7+s3], $0x80, v2, vm0, $0xb8;
	[tilespmem:$0x18100] =	vst v63  }
0x33c: {  	s28 =	simm.s32 $0x12100  }
0x33d: {  	[tilespmem:s28], [sflag:$0x5] =	stream.indirect_vreg.gather [hbm4b:s8+s3], $0x80, v2, vm0, $0xb8;
	[tilespmem:$0x18100] =	vst v63  }
0x33e: {  	s28 =	simm.s32 $0x12900  }
0x33f: {  	[tilespmem:s28], [sflag:$0x5] =	stream.indirect_vreg.gather [hbm4b:s9+s3], $0x80, v2, vm0, $0xb8;
	[tilespmem:$0x18100] =	vst v63  }
0x340: {  	s28 =	simm.s32 $0x13100  }
0x341: {  	[tilespmem:s28], [sflag:$0x5] =	stream.indirect_vreg.gather [hbm4b:s10+s3], $0x80, v2, vm0, $0xb8;
	[tilespmem:$0x18100] =	vst v63  }
0x342: {  	s28 =	simm.s32 $0x13900  }
0x343: {  	[tilespmem:s28], [sflag:$0x5] =	stream.indirect_vreg.gather [hbm4b:s11+s3], $0x80, v2, vm0, $0xb8;
	[tilespmem:$0x18100] =	vst v63  }
0x344: {  	_ =	swait.ge [sflag:s19], $0x4000  }
0x345: {  	[sflag:s19] =	ssyncset.done $0x0  }
0x346: {  	s14 =	simm.s32 $0x100;
	s17 =	rddreg [dreg:$0x1c];
	[sflag:s19] =	ssyncadd.s32 $0xFFFFC000  }
0x347: {  	[hbm4b:s17+s3] =	stream.linear.scatter [tilespmem:s14], [sflag:$0x7], $0x4000, $0x38;
	[tilespmem:$0x18100] =	vst v63  }
0x348: {  	_ =	swait.ge [sflag:s4], $0x4000  }
0x349: {  	[sflag:s4] =	ssyncset.done $0x0  }
0x34a: {  	[sflag:s4] =	ssyncadd.s32 $0xFFFFC000  }
0x34b: {  	v2 =	vld.msk [tilespmem:$0xE8], $0xff;
	_ =	sdelay $0x4  }
0x34c: {  	v3 =	vshll.u32 v2, $0x4  }
0x34d: {  	v2 =	vand.u32 $0x7, v2;
	v3 =	vand.u32 $0xFFFFFF80, v3  }
0x34e: {  	v2 =	vor.u32 v2, v3  }
0x34f: {  	v2 =	vperm.xlane v2, v0;
	_ =	sdelay $0x1  }
0x350: {  	v2 =	vadd.s32 v1, v2;
	_ =	sdelay $0x4  }
0x351: {  	[tilespmem:s1], [sflag:$0x6] =	stream.indirect_vreg.gather [hbm4b:s2+s3], $0x80, v2, vm0, $0xb8;
	[tilespmem:$0x18100] =	vst v63  }
0x352: {  	s28 =	simm.s32 $0x14900  }
0x353: {  	[tilespmem:s28], [sflag:$0x6] =	stream.indirect_vreg.gather [hbm4b:s5+s3], $0x80, v2, vm0, $0xb8;
	[tilespmem:$0x18100] =	vst v63  }
0x354: {  	s28 =	simm.s32 $0x15100  }
0x355: {  	[tilespmem:s28], [sflag:$0x6] =	stream.indirect_vreg.gather [hbm4b:s6+s3], $0x80, v2, vm0, $0xb8;
	[tilespmem:$0x18100] =	vst v63  }
0x356: {  	s28 =	simm.s32 $0x15900  }
0x357: {  	[tilespmem:s28], [sflag:$0x6] =	stream.indirect_vreg.gather [hbm4b:s7+s3], $0x80, v2, vm0, $0xb8;
	[tilespmem:$0x18100] =	vst v63  }
0x358: {  	s28 =	simm.s32 $0x16100  }
0x359: {  	[tilespmem:s28], [sflag:$0x6] =	stream.indirect_vreg.gather [hbm4b:s8+s3], $0x80, v2, vm0, $0xb8;
	[tilespmem:$0x18100] =	vst v63  }
0x35a: {  	s28 =	simm.s32 $0x16900  }
0x35b: {  	[tilespmem:s28], [sflag:$0x6] =	stream.indirect_vreg.gather [hbm4b:s9+s3], $0x80, v2, vm0, $0xb8;
	[tilespmem:$0x18100] =	vst v63  }
0x35c: {  	s28 =	simm.s32 $0x17100  }
0x35d: {  	[tilespmem:s28], [sflag:$0x6] =	stream.indirect_vreg.gather [hbm4b:s10+s3], $0x80, v2, vm0, $0xb8;
	[tilespmem:$0x18100] =	vst v63  }
0x35e: {  	s28 =	simm.s32 $0x17900  }
0x35f: {  	[tilespmem:s28], [sflag:$0x6] =	stream.indirect_vreg.gather [hbm4b:s11+s3], $0x80, v2, vm0, $0xb8;
	[tilespmem:$0x18100] =	vst v63  }
0x360: {  	_ =	swait.ge [sflag:s16], $0x4000  }
0x361: {  	[sflag:s16] =	ssyncset.done $0x0  }
0x362: {  	s13 =	simm.s32 $0x4100;
	s1 =	rddreg [dreg:$0x1d];
	[sflag:s16] =	ssyncadd.s32 $0xFFFFC000  }
0x363: {  	[hbm4b:s1+s3] =	stream.linear.scatter [tilespmem:s13], [sflag:$0x8], $0x4000, $0x38;
	[tilespmem:$0x18100] =	vst v63  }
0x364: {  	_ =	swait.ge [sflag:s18], $0x4000  }
0x365: {  	[sflag:s18] =	ssyncset.done $0x0  }
0x366: {  	[sflag:s18] =	ssyncadd.s32 $0xFFFFC000  }
0x367: {  	v2 =	vld.msk [tilespmem:$0xF0], $0xff;
	_ =	sdelay $0x4  }
0x368: {  	v3 =	vshll.u32 v2, $0x4  }
0x369: {  	v2 =	vand.u32 $0x7, v2;
	v3 =	vand.u32 $0xFFFFFF80, v3  }
0x36a: {  	v2 =	vor.u32 v2, v3  }
0x36b: {  	v2 =	vperm.xlane v2, v0;
	_ =	sdelay $0x1  }
0x36c: {  	v2 =	vadd.s32 v1, v2;
	_ =	sdelay $0x4  }
0x36d: {  	[tilespmem:s14], [sflag:$0x1] =	stream.indirect_vreg.gather [hbm4b:s2+s3], $0x80, v2, vm0, $0xb8;
	[tilespmem:$0x18100] =	vst v63  }
0x36e: {  	s31 =	simm.s32 $0x900  }
0x36f: {  	[tilespmem:s31], [sflag:$0x1] =	stream.indirect_vreg.gather [hbm4b:s5+s3], $0x80, v2, vm0, $0xb8;
	[tilespmem:$0x18100] =	vst v63  }
0x370: {  	s28 =	simm.s32 $0x1100  }
0x371: {  	[tilespmem:s28], [sflag:$0x1] =	stream.indirect_vreg.gather [hbm4b:s6+s3], $0x80, v2, vm0, $0xb8;
	[tilespmem:$0x18100] =	vst v63  }
0x372: {  	s31 =	simm.s32 $0x1900  }
0x373: {  	[tilespmem:s31], [sflag:$0x1] =	stream.indirect_vreg.gather [hbm4b:s7+s3], $0x80, v2, vm0, $0xb8;
	[tilespmem:$0x18100] =	vst v63  }
0x374: {  	s28 =	simm.s32 $0x2100  }
0x375: {  	[tilespmem:s28], [sflag:$0x1] =	stream.indirect_vreg.gather [hbm4b:s8+s3], $0x80, v2, vm0, $0xb8;
	[tilespmem:$0x18100] =	vst v63  }
0x376: {  	s31 =	simm.s32 $0x2900  }
0x377: {  	[tilespmem:s31], [sflag:$0x1] =	stream.indirect_vreg.gather [hbm4b:s9+s3], $0x80, v2, vm0, $0xb8;
	[tilespmem:$0x18100] =	vst v63  }
0x378: {  	s28 =	simm.s32 $0x3100  }
0x379: {  	[tilespmem:s28], [sflag:$0x1] =	stream.indirect_vreg.gather [hbm4b:s10+s3], $0x80, v2, vm0, $0xb8;
	[tilespmem:$0x18100] =	vst v63  }
0x37a: {  	s31 =	simm.s32 $0x3900  }
0x37b: {  	[tilespmem:s31], [sflag:$0x1] =	stream.indirect_vreg.gather [hbm4b:s11+s3], $0x80, v2, vm0, $0xb8;
	[tilespmem:$0x18100] =	vst v63  }
0x37c: {  	_ =	swait.ge [sflag:s21], $0x4000  }
0x37d: {  	[sflag:s21] =	ssyncset.done $0x0  }
0x37e: {  	s12 =	simm.s32 $0x8100;
	s1 =	rddreg [dreg:$0x1e];
	[sflag:s21] =	ssyncadd.s32 $0xFFFFC000  }
0x37f: {  	[hbm4b:s1+s3] =	stream.linear.scatter [tilespmem:s12], [sflag:$0x9], $0x4000, $0x38;
	[tilespmem:$0x18100] =	vst v63  }
0x380: {  	_ =	swait.ge [sflag:s15], $0x4000  }
0x381: {  	[sflag:s15] =	ssyncset.done $0x0  }
0x382: {  	[sflag:s15] =	ssyncadd.s32 $0xFFFFC000  }
0x383: {  	v2 =	vld.msk [tilespmem:$0xF8], $0xff;
	_ =	sdelay $0x4  }
0x384: {  	v3 =	vshll.u32 v2, $0x4  }
0x385: {  	v2 =	vand.u32 $0x7, v2;
	v3 =	vand.u32 $0xFFFFFF80, v3  }
0x386: {  	v2 =	vor.u32 v2, v3  }
0x387: {  	v2 =	vperm.xlane v2, v0;
	_ =	sdelay $0x1  }
0x388: {  	v2 =	vadd.s32 v1, v2;
	_ =	sdelay $0x4  }
0x389: {  	[tilespmem:s13], [sflag:$0x2] =	stream.indirect_vreg.gather [hbm4b:s2+s3], $0x80, v2, vm0, $0xb8;
	[tilespmem:$0x18100] =	vst v63  }
0x38a: {  	s12 =	simm.s32 $0x4900  }
0x38b: {  	[tilespmem:s12], [sflag:$0x2] =	stream.indirect_vreg.gather [hbm4b:s5+s3], $0x80, v2, vm0, $0xb8;
	[tilespmem:$0x18100] =	vst v63  }
0x38c: {  	s29 =	simm.s32 $0x5100  }
0x38d: {  	[tilespmem:s29], [sflag:$0x2] =	stream.indirect_vreg.gather [hbm4b:s6+s3], $0x80, v2, vm0, $0xb8;
	[tilespmem:$0x18100] =	vst v63  }
0x38e: {  	s21 =	simm.s32 $0x5900  }
0x38f: {  	[tilespmem:s21], [sflag:$0x2] =	stream.indirect_vreg.gather [hbm4b:s7+s3], $0x80, v2, vm0, $0xb8;
	[tilespmem:$0x18100] =	vst v63  }
0x390: {  	s28 =	simm.s32 $0x6100  }
0x391: {  	[tilespmem:s28], [sflag:$0x2] =	stream.indirect_vreg.gather [hbm4b:s8+s3], $0x80, v2, vm0, $0xb8;
	[tilespmem:$0x18100] =	vst v63  }
0x392: {  	s29 =	simm.s32 $0x6900  }
0x393: {  	[tilespmem:s29], [sflag:$0x2] =	stream.indirect_vreg.gather [hbm4b:s9+s3], $0x80, v2, vm0, $0xb8;
	[tilespmem:$0x18100] =	vst v63  }
0x394: {  	s31 =	simm.s32 $0x7100  }
0x395: {  	[tilespmem:s31], [sflag:$0x2] =	stream.indirect_vreg.gather [hbm4b:s10+s3], $0x80, v2, vm0, $0xb8;
	[tilespmem:$0x18100] =	vst v63  }
0x396: {  	s12 =	simm.s32 $0x7900  }
0x397: {  	[tilespmem:s12], [sflag:$0x2] =	stream.indirect_vreg.gather [hbm4b:s11+s3], $0x80, v2, vm0, $0xb8;
	[tilespmem:$0x18100] =	vst v63  }
0x398: {  	_ =	swait.ge [sflag:s20], $0x4000  }
0x399: {  	[sflag:s20] =	ssyncset.done $0x0  }
0x39a: {  	s22 =	simm.s32 $0xC100;
	s21 =	rddreg [dreg:$0x1f];
	[sflag:s20] =	ssyncadd.s32 $0xFFFFC000  }
0x39b: {  	[hbm4b:s21+s3] =	stream.linear.scatter [tilespmem:s22], [sflag:$0xA], $0x4000, $0x38;
	[tilespmem:$0x18100] =	vst v63  }
0x39c: {  	_ =	swait.ge [sflag:s23], $0x4000  }
0x39d: {  	s22 =	sld [smem:$0x7F7]  }
0x39e: {  	[sflag:s23] =	ssyncset.done $0x0  }
0x39f: {  	s0 =	simm.s32 $0x10100;
	[sflag:s23] =	ssyncadd.s32 $0xFFFFC000  }
0x3a0: {  	[hbm4b:s22+s3] =	stream.linear.scatter [tilespmem:s0], [sflag:$0xB], $0x4000, $0x38;
	[tilespmem:$0x18100] =	vst v63  }
0x3a1: {  	_ =	swait.ge [sflag:s25], $0x4000  }
0x3a2: {  	s23 =	sld [smem:$0x7F8]  }
0x3a3: {  	[sflag:s25] =	ssyncset.done $0x0  }
0x3a4: {  	s17 =	simm.s32 $0x14100;
	[sflag:s25] =	ssyncadd.s32 $0xFFFFC000  }
0x3a5: {  	[hbm4b:s23+s3] =	stream.linear.scatter [tilespmem:s17], [sflag:$0xC], $0x4000, $0x38;
	[tilespmem:$0x18100] =	vst v63  }
0x3a6: {  	_ =	swait.ge [sflag:s19], $0x4000  }
0x3a7: {  	s25 =	sld [smem:$0x7F9]  }
0x3a8: {  	[sflag:s19] =	ssyncset.done $0x0  }
0x3a9: {  	[sflag:s19] =	ssyncadd.s32 $0xFFFFC000  }
0x3aa: {  	[hbm4b:s25+s3] =	stream.linear.scatter [tilespmem:s14], [sflag:$0x7], $0x4000, $0x38;
	[tilespmem:$0x18100] =	vst v63  }
0x3ab: {  	_ =	swait.ge [sflag:s16], $0x4000  }
0x3ac: {  	s29 =	sld [smem:$0x7FB]  }
0x3ad: {  	[sflag:s16] =	ssyncset.done $0x0  }
0x3ae: {  	[sflag:s16] =	ssyncadd.s32 $0xFFFFC000  }
0x3af: {  	[hbm4b:s29+s3] =	stream.linear.scatter [tilespmem:s13], [sflag:$0x8], $0x4000, $0x38;
	[tilespmem:$0x18100] =	vst v63  }
0x3b0: {  	s31 =	sld [smem:$0x7F6];
	_ =	swait.ge [sflag:s30], $0x4000  }
0x3b1: {  	[sflag:s30] =	ssyncset.done $0x0  }
0x3b2: {  	[sflag:s30] =	ssyncadd.s32 $0xFFFFC000  }
0x3b3: {  	_ =	swait.ge [sflag:s24], $0x4000  }
0x3b4: {  	[sflag:s24] =	ssyncset.done $0x0  }
0x3b5: {  	[sflag:s24] =	ssyncadd.s32 $0xFFFFC000  }
0x3b6: {  	_ =	swait.ge [sflag:s26], $0x4000  }
0x3b7: {  	[sflag:s26] =	ssyncset.done $0x0  }
0x3b8: {  	[sflag:s26] =	ssyncadd.s32 $0xFFFFC000  }
0x3b9: {  	_ =	swait.ge [sflag:s4], $0x4000  }
0x3ba: {  	[sflag:s4] =	ssyncset.done $0x0  }
0x3bb: {  	[sflag:s4] =	ssyncadd.s32 $0xFFFFC000  }
0x3bc: {  	p0 =	sne.s32 s31, $0x1;
	_ =	swait.ge [sflag:s18], $0x4000  }
.Ltmp0:
0x3bd: {  	[sflag:s18] =	ssyncset.done $0x0;
	(pc) =	sbr.rel @p0 .LBB2_1-.Ltmp0, $4  }
0x3be: {  	[sflag:s18] =	ssyncadd.s32 $0xFFFFC000  }
0x3bf: {  	_ =	swait.ge [sflag:s15], $0x4000  }
0x3c0: {  	[sflag:s15] =	ssyncset.done $0x0  }
0x3c1: {  	s1 =	sadd.s32 $0xFFFFFFFF, s31;
	[sflag:s15] =	ssyncadd.s32 $0xFFFFC000  }
0x3c2: {  	_ =	sfence.sel $0x180000  }
0x3c3: {  	[bflag:$0x0] =	sbarrier.arrive $0xFFFF  }
0x3c4: {  	_ =	strace $0x90000047  }
0x3c5: {  	s0 =	stileid.u32;
	[bflag:$0x2] =	sbarrier.arrive $0xFFFF  }
0x3c6: {  	p0 =	sne.s32 s0, $0x0;
	s0 =	rddreg [dreg:$0x3]  }
0x3c7: {  	s0 =	sadd.s32 @!p0 $0x100000, s0  }
0x3c8: {  	[sflag:s0] =	ssyncadd.tile.s32 @!p0 $0x1;
	_ =	shalt  }
.Lfunc_end2:
_tile_overlayer_lowered:
.L_overlay_start_2:
0x3c9: {  	(tag) =	ssettag $0x2  }
0x3ca: {  	s0 =	rddreg [dreg:$0x0];
	s2 =	stileid.u32  }
0x3cb: {  	s1 =	rddreg [dreg:$0x1];
	p0 =	sne.s32 s2, $0x0  }
0x3cc: {  	s3 =	rddreg [dreg:$0x2];
	[bflag:$0x3] =	sbarrier.arrive $0xFFFF;
	s2 =	simm.s32 @!p0 $0x1C0D  }
0x3cd: {  	[timem:s3], [sflag:s2] =	dma.local @!p0 [hbm:s0], s1  }
0x3ce: {  	s0 =	simm.s32 @!p0 $0xD  }
0x3cf: {  	_ =	swait.ge @!p0 [sflag:s0], s1  }
0x3d0: {  	s1 =	ssub.s32 @!p0 $0x0, s1;
	[sflag:s0] =	ssyncset.done @!p0 $0x0  }
0x3d1: {  	[sflag:s0] =	ssyncadd.s32 @!p0 s1  }
0x3d2: {  	[bflag:$0x3] =	sbarrier.arrive $0xFFFF  }
0x3d3: {  	_ =	shalt  }

</sc_bundles>
